<compile_context>
chip_gen: v7x
topology: tpu7x:2x2x1
jax: 0.10.2.dev20260603
libtpu: 0.0.44.dev20260713+nightly
codegen_flags: <defaults>
</compile_context>

<pallas_src>
import functools

import jax
import jax.numpy as jnp
from jax import lax
from jax.experimental import pallas as pl
from jax.experimental.pallas import tpu as pltpu
from jax.experimental.pallas import tpu_sc as plsc

_NC = 2
_NS = 16
_L = 16

_EPS = 1e-5


def _linear_body(x_ref, w_ref, b_ref, o_ref):
    o_ref[...] = (
        jnp.dot(x_ref[...], w_ref[...], preferred_element_type=jnp.float32)
        + b_ref[...]
    )


def _ln_relu_body(a_ref, g_ref, bb_ref, o_ref):
    a = a_ref[...]
    mu = jnp.mean(a, axis=-1, keepdims=True)
    d = a - mu
    var = jnp.mean(d * d, axis=-1, keepdims=True)
    y = d * lax.rsqrt(var + _EPS) * g_ref[...] + bb_ref[...]
    o_ref[...] = jnp.maximum(y, 0.0)


@functools.cache
def _sc_agg_fn(B, C, F, K, BI, outer):
    rows_per = C // _NS
    mesh = plsc.VectorSubcoreMesh(core_axis_name="c", subcore_axis_name="s")

    N = BI * outer
    Fp = F // 2

    def body(x_hbm, h_hbm, pk_hbm, out_hbm,
             acc, pk, bp0, bp1, bp2, bp3, bp4, bp5, bs0, bs1,
             gsem0, gsem1, gsem2, gsem3, gsem4, gsem5, ssem0, ssem1, stsem):
        c = lax.axis_index("c")
        s = lax.axis_index("s")
        r0 = s * rows_per
        bps = (bp0, bp1, bp2, bp3, bp4, bp5)
        gsems = (gsem0, gsem1, gsem2, gsem3, gsem4, gsem5)
        bss = (bs0, bs1)
        ssems = (ssem0, ssem1)

        def gstart(v, bp, sem):
            p = (v // BI) % 3
            pltpu.async_copy(h_hbm.at[pk.at[p, 0, v % BI]], bp, sem)

        def gwait(v, bp, sem):
            p = (v // BI) % 3
            pltpu.make_async_copy(h_hbm.at[pk.at[p, 0, v % BI]], bp, sem).wait()

        def sstart(v, bs, sem):
            p = (v // BI) % 3
            pltpu.async_copy(bs, acc.at[pk.at[p, 1, v % BI]], sem, add=True)

        def swait(v, bs, sem):
            p = (v // BI) % 3
            pltpu.make_async_copy(bs, acc.at[pk.at[p, 1, v % BI]], sem).wait()

        def stg_start(m):
            pltpu.async_copy(pk_hbm.at[c, s, m], pk.at[m % 3], stsem)

        def stg_wait(m):
            pltpu.make_async_copy(pk_hbm.at[c, s, m], pk.at[m % 3], stsem).wait()

        def scale(bp, bs, v):
            p = (v // BI) % 3
            pv = jnp.full((_L,), p, dtype=jnp.int32)
            ov = jnp.full((_L,), v % BI, dtype=jnp.int32)
            fv = jnp.full((_L,), 2, dtype=jnp.int32)

            @plsc.parallel_loop(0, K, 1, unroll=4)
            def _(r):
                rv = jnp.full((_L,), r, dtype=jnp.int32)
                wv = plsc.bitcast(plsc.load_gather(pk, [pv, fv, ov, rv]), jnp.float32)
                for g in range(F // (2 * _L)):
                    pb = plsc.bitcast(bp[r, pl.ds(g * _L, _L)], jnp.bfloat16)
                    a, b2 = plsc.unpack(
                        pb,
                        format=plsc.PackFormat.INTERLEAVED,
                        preferred_element_type=jnp.float32,
                    )
                    bs[r, pl.ds(2 * g * _L, _L)] = a * wv
                    bs[r, pl.ds((2 * g + 1) * _L, _L)] = b2 * wv

        pltpu.sync_copy(pk_hbm.at[c, s, 0], pk.at[0])
        stg_start(1)
        for j in range(6):
            gstart(j, bps[j], gsems[j])
        pltpu.sync_copy(x_hbm.at[c, pl.ds(r0, rows_per)], acc.at[pl.ds(r0, rows_per)])
        plsc.subcore_barrier()

        def step(v, bp, bs, gsem, ssem):
            off = v % BI
            blk = v // BI

            @pl.when(jnp.logical_and(off == 0, blk + 1 < outer))
            def _():
                stg_wait(blk + 1)

            @pl.when(jnp.logical_and(off == 2, blk + 2 < outer))
            def _():
                stg_start(blk + 2)

            gwait(v, bp, gsem)

            @pl.when(v >= 2)
            def _():
                swait(v - 2, bs, ssem)

            scale(bp, bs, v)

            @pl.when(v + 6 < N)
            def _():
                gstart(v + 6, bp, gsem)

            sstart(v, bs, ssem)

        def sextet(t, carry):
            for j in range(6):
                v = 6 * t + j
                step(v, bps[j], bss[j % 2], gsems[j], ssems[j % 2])
            return carry

        lax.fori_loop(0, N // 6, sextet, 0)
        swait(N - 2, bs0, ssem0)
        swait(N - 1, bs1, ssem1)
        plsc.subcore_barrier()
        pltpu.sync_copy(acc.at[pl.ds(r0, rows_per)], out_hbm.at[c, pl.ds(r0, rows_per)])

    return pl.kernel(
        body,
        out_type=jax.ShapeDtypeStruct((B, C, F), jnp.float32),
        mesh=mesh,
        compiler_params=pltpu.CompilerParams(use_tc_tiling_on_sc=False, needs_layout_passes=False),
        scratch_types=[
            pltpu.VMEM_SHARED((C, F), jnp.float32),
            pltpu.VMEM((3, 3, BI, K), jnp.int32),
            pltpu.VMEM((K, Fp), jnp.int32),
            pltpu.VMEM((K, Fp), jnp.int32),
            pltpu.VMEM((K, Fp), jnp.int32),
            pltpu.VMEM((K, Fp), jnp.int32),
            pltpu.VMEM((K, Fp), jnp.int32),
            pltpu.VMEM((K, Fp), jnp.int32),
            pltpu.VMEM((K, F), jnp.float32),
            pltpu.VMEM((K, F), jnp.float32),
            pltpu.SemaphoreType.DMA,
            pltpu.SemaphoreType.DMA,
            pltpu.SemaphoreType.DMA,
            pltpu.SemaphoreType.DMA,
            pltpu.SemaphoreType.DMA,
            pltpu.SemaphoreType.DMA,
            pltpu.SemaphoreType.DMA,
            pltpu.SemaphoreType.DMA,
            pltpu.SemaphoreType.DMA,
        ],
    )


def kernel(x, ei, ew, W, b, gamma, beta):
    B, C, F = x.shape
    E = ei.shape[1]
    BC = B * C
    x_flat = x.reshape(BC, F)

    RB = 2000
    grid = BC // RB
    h = pl.pallas_call(
        _linear_body,
        grid=(grid,),
        in_specs=[
            pl.BlockSpec((RB, F), lambda i: (i, 0)),
            pl.BlockSpec((F, F), lambda i: (0, 0)),
            pl.BlockSpec((1, F), lambda i: (0, 0)),
        ],
        out_specs=pl.BlockSpec((RB, F), lambda i: (i, 0)),
        out_shape=jax.ShapeDtypeStruct((BC, F), jnp.float32),
    )(x_flat, W.T, b.reshape(1, F))

    h_bf = h.astype(jnp.bfloat16)
    h_pairs = h_bf.reshape(BC, F // 32, 2, _L).transpose(0, 1, 3, 2)
    h_packed = lax.bitcast_convert_type(h_pairs, jnp.int32).reshape(BC, F // 2)

    e_per = E // _NS
    K = 64
    BI = 6
    N = 318
    outer = N // BI
    pad = N * K - e_per
    colp = jnp.pad(ei[1].reshape(_NS, e_per), ((0, 0), (0, pad)))
    rowp = jnp.pad(ei[0].reshape(_NS, e_per), ((0, 0), (0, pad)))
    ewp = jnp.pad(ew.reshape(_NS, e_per), ((0, 0), (0, pad)))
    col = colp.reshape(1, _NS, outer, BI, K) + (
        jnp.arange(B, dtype=ei.dtype) * C
    ).reshape(B, 1, 1, 1, 1)
    row = jnp.broadcast_to(rowp.reshape(1, _NS, outer, BI, K), col.shape)
    ewi = jnp.broadcast_to(
        lax.bitcast_convert_type(ewp, jnp.int32).reshape(1, _NS, outer, BI, K),
        col.shape,
    )
    pk = jnp.stack([col, row, ewi], axis=3)

    agg = _sc_agg_fn(B, C, F, K, BI, outer)(x, h_packed, pk)

    out = pl.pallas_call(
        _ln_relu_body,
        grid=(grid,),
        in_specs=[
            pl.BlockSpec((RB, F), lambda i: (i, 0)),
            pl.BlockSpec((1, F), lambda i: (0, 0)),
            pl.BlockSpec((1, F), lambda i: (0, 0)),
        ],
        out_specs=pl.BlockSpec((RB, F), lambda i: (i, 0)),
        out_shape=jax.ShapeDtypeStruct((BC, F), jnp.float32),
    )(agg.reshape(BC, F), gamma.reshape(1, F), beta.reshape(1, F))
    return out.reshape(B, C, F)

# --- scband reference (transcript-rebuilt; emitter-appended) ---
"""Pipeline reference for scband-gcnlayer-6416681140923 (READ-ONLY COPY).

The authoritative reference and input builder live on the scoring server;
editing this copy changes nothing except your own understanding.
"""

import jax, jax.numpy as jnp
import numpy as np

B, C, Fd = 2, 10000, 128
E = 320000
EPS = 1e-5


def setup_inputs(seed: int = 0) -> dict:
    key = jax.random.key(seed)
    ks = jax.random.split(key, 7)
    x = jax.random.normal(ks[0], (B, C, Fd), dtype=jnp.float32)
    ei = jax.random.randint(ks[1], (2, E), 0, C, dtype=jnp.int32)
    ew = jax.random.uniform(ks[2], (E,), dtype=jnp.float32)
    # Linear(in_dim=128, out_dim=128) params, PyTorch default init style
    bound = 1.0 / np.sqrt(Fd)
    W = jax.random.uniform(ks[3], (Fd, Fd), dtype=jnp.float32, minval=-bound, maxval=bound)
    b = jax.random.uniform(ks[4], (Fd,), dtype=jnp.float32, minval=-bound, maxval=bound)
    # LayerNorm params
    gamma = jnp.ones((Fd,), dtype=jnp.float32)
    beta = jnp.zeros((Fd,), dtype=jnp.float32)
    return {"x": x, "ei": ei, "ew": ew, "W": W, "b": b, "gamma": gamma, "beta": beta}


def reference(x, ei, ew, W, b, gamma, beta):
    Bv, Cv, Fv = x.shape
    # h = self.lin(x)
    h = x @ W.T + b
    row = ei[0]
    col = ei[1]
    offsets = (jnp.arange(Bv, dtype=ei.dtype) * Cv).reshape(Bv, 1)
    row_b = (row[None, :] + offsets).reshape(-1)
    col_b = (col[None, :] + offsets).reshape(-1)
    ew_b = jnp.tile(ew, Bv)
    h_flat = h.reshape(Bv * Cv, Fv)
    # gather + weight
    m = h_flat[col_b] * ew_b[:, None]
    # scatter-add (index_add_)
    out = jnp.zeros_like(h_flat).at[row_b].add(m)
    out = out.reshape(Bv, Cv, Fv)
    # residual (in_dim == out_dim)
    out = out + x
    # LayerNorm over last dim
    mu = jnp.mean(out, axis=-1, keepdims=True)
    var = jnp.mean((out - mu) ** 2, axis=-1, keepdims=True)
    out = (out - mu) / jnp.sqrt(var + EPS)
    out = out * gamma + beta
    # ReLU; dropout p=0.0 is identity
    out = jax.nn.relu(out)
    return out

if __name__ == "__main__":
    import jax
    _d = setup_inputs()
    print(jax.jit(kernel)(*tuple(_d.values())))

</pallas_src>

<mosaic_0001>
#map = affine_map<(d0, d1) -> (0, 0, 0)>
#map1 = affine_map<(d0, d1) -> (0, 0)>
#map2 = affine_map<(d0, d1) -> (0, 0, 0, 0, 0, 0)>
module attributes {stable_mosaic.version = 14 : i64} {
  func.func @body(%arg0: i32, %arg1: i32, %arg2: memref<2x10000x128xf32, #tpu.memory_space<hbm>>, %arg3: memref<20000x64xi32, #tpu.memory_space<hbm>>, %arg4: memref<2x16x53x3x6x64xi32, #tpu.memory_space<hbm>>, %arg5: memref<2x10000x128xf32, #tpu.memory_space<hbm>>, %arg6: memref<10000x128xf32, #tpu.memory_space<vmem_shared>>, %arg7: memref<3x3x6x64xi32, #tpu.memory_space<vmem>>, %arg8: memref<64x64xi32, #tpu.memory_space<vmem>>, %arg9: memref<64x64xi32, #tpu.memory_space<vmem>>, %arg10: memref<64x64xi32, #tpu.memory_space<vmem>>, %arg11: memref<64x64xi32, #tpu.memory_space<vmem>>, %arg12: memref<64x64xi32, #tpu.memory_space<vmem>>, %arg13: memref<64x64xi32, #tpu.memory_space<vmem>>, %arg14: memref<64x128xf32, #tpu.memory_space<vmem>>, %arg15: memref<64x128xf32, #tpu.memory_space<vmem>>, %arg16: memref<!tpu.dma_semaphore, #tpu.memory_space<semaphore_mem>>, %arg17: memref<!tpu.dma_semaphore, #tpu.memory_space<semaphore_mem>>, %arg18: memref<!tpu.dma_semaphore, #tpu.memory_space<semaphore_mem>>, %arg19: memref<!tpu.dma_semaphore, #tpu.memory_space<semaphore_mem>>, %arg20: memref<!tpu.dma_semaphore, #tpu.memory_space<semaphore_mem>>, %arg21: memref<!tpu.dma_semaphore, #tpu.memory_space<semaphore_mem>>, %arg22: memref<!tpu.dma_semaphore, #tpu.memory_space<semaphore_mem>>, %arg23: memref<!tpu.dma_semaphore, #tpu.memory_space<semaphore_mem>>, %arg24: memref<!tpu.dma_semaphore, #tpu.memory_space<semaphore_mem>>) attributes {dimension_semantics = [#tpu.dimension_semantics<core_parallel>, #tpu.dimension_semantics<subcore_parallel>], iteration_bounds = array<i64: 2, 16>, scalar_prefetch = 0 : i64, scratch_operands = 19 : i64, tpu.core_type = #tpu.core_type<sc_vector_subcore>, window_params = [{transform_indices = #map}, {transform_indices = #map1}, {transform_indices = #map2}, {transform_indices = #map}]} {
    %mul3A = arith.constant 625 : i32
    %mul3A_0 = arith.muli %arg1, %mul3A : i32
    %run_scoped3A = arith.constant 0 : i32
    %run_scoped3A_1 = arith.constant 0 : i32
    "tpu.region"() ({
      %run_scoped3A_100 = tpu.sem_alloc : memref<!tpu.dma_semaphore, #tpu.memory_space<semaphore_mem>>
      %dma_start3A_101 = arith.constant 0 : i32
      %dma_start3A_102 = arith.constant 0 : i32
      %dma_start3A_103 = arith.constant 0 : i32
      %dma_start3A_104 = tpu.memref_slice %arg7[%run_scoped3A_1, %dma_start3A_101, %dma_start3A_102, %dma_start3A_103] : memref<3x3x6x64xi32, #tpu.memory_space<vmem>> -> memref<1x3x6x64xi32, #tpu.memory_space<vmem>>
      %dma_start3A_105 = tpu.memref_squeeze %dma_start3A_104 : memref<1x3x6x64xi32, #tpu.memory_space<vmem>> -> memref<3x6x64xi32, #tpu.memory_space<vmem>>
      %dma_start3A_106 = arith.constant 0 : i32
      %dma_start3A_107 = arith.constant 0 : i32
      %dma_start3A_108 = arith.constant 0 : i32
      %dma_start3A_109 = tpu.memref_slice %arg4[%arg0, %arg1, %run_scoped3A, %dma_start3A_106, %dma_start3A_107, %dma_start3A_108] : memref<2x16x53x3x6x64xi32, #tpu.memory_space<hbm>> -> memref<1x1x1x3x6x64xi32, #tpu.memory_space<hbm>>
      %dma_start3A_110 = tpu.memref_squeeze %dma_start3A_109 : memref<1x1x1x3x6x64xi32, #tpu.memory_space<hbm>> -> memref<3x6x64xi32, #tpu.memory_space<hbm>>
      %dma_start3A_111 = arith.constant 0 : i32
      %dma_start3A_112 = arith.constant 0 : i32
      %dma_start3A_113 = arith.constant 0 : i32
      %dma_start3A_114 = tpu.memref_slice %arg7[%run_scoped3A_1, %dma_start3A_111, %dma_start3A_112, %dma_start3A_113] : memref<3x3x6x64xi32, #tpu.memory_space<vmem>> -> memref<1x3x6x64xi32, #tpu.memory_space<vmem>>
      %dma_start3A_115 = tpu.memref_squeeze %dma_start3A_114 : memref<1x3x6x64xi32, #tpu.memory_space<vmem>> -> memref<3x6x64xi32, #tpu.memory_space<vmem>>
      %dma_start3A_116 = arith.constant 0 : i32
      %dma_start3A_117 = arith.constant 0 : i32
      %dma_start3A_118 = arith.constant 0 : i32
      %dma_start3A_119 = tpu.memref_slice %arg4[%arg0, %arg1, %run_scoped3A, %dma_start3A_116, %dma_start3A_117, %dma_start3A_118] : memref<2x16x53x3x6x64xi32, #tpu.memory_space<hbm>> -> memref<1x1x1x3x6x64xi32, #tpu.memory_space<hbm>>
      %dma_start3A_120 = tpu.memref_squeeze %dma_start3A_119 : memref<1x1x1x3x6x64xi32, #tpu.memory_space<hbm>> -> memref<3x6x64xi32, #tpu.memory_space<hbm>>
      tpu.enqueue_dma source(%dma_start3A_120 : memref<3x6x64xi32, #tpu.memory_space<hbm>>) target(%dma_start3A_115 : memref<3x6x64xi32, #tpu.memory_space<vmem>>) target_semaphore(%run_scoped3A_100 : memref<!tpu.dma_semaphore, #tpu.memory_space<semaphore_mem>>)
      %dma_wait3A_121 = arith.constant 0 : i32
      %dma_wait3A_122 = arith.constant 0 : i32
      %dma_wait3A_123 = arith.constant 0 : i32
      %dma_wait3A_124 = tpu.memref_slice %arg7[%run_scoped3A_1, %dma_wait3A_121, %dma_wait3A_122, %dma_wait3A_123] : memref<3x3x6x64xi32, #tpu.memory_space<vmem>> -> memref<1x3x6x64xi32, #tpu.memory_space<vmem>>
      %dma_wait3A_125 = tpu.memref_squeeze %dma_wait3A_124 : memref<1x3x6x64xi32, #tpu.memory_space<vmem>> -> memref<3x6x64xi32, #tpu.memory_space<vmem>>
      %dma_wait3A_126 = arith.constant 0 : i32
      %dma_wait3A_127 = arith.constant 0 : i32
      %dma_wait3A_128 = arith.constant 0 : i32
      %dma_wait3A_129 = tpu.memref_slice %arg4[%arg0, %arg1, %run_scoped3A, %dma_wait3A_126, %dma_wait3A_127, %dma_wait3A_128] : memref<2x16x53x3x6x64xi32, #tpu.memory_space<hbm>> -> memref<1x1x1x3x6x64xi32, #tpu.memory_space<hbm>>
      %dma_wait3A_130 = tpu.memref_squeeze %dma_wait3A_129 : memref<1x1x1x3x6x64xi32, #tpu.memory_space<hbm>> -> memref<3x6x64xi32, #tpu.memory_space<hbm>>
      %dma_wait3A_131 = arith.constant 0 : i32
      %dma_wait3A_132 = arith.constant 0 : i32
      %dma_wait3A_133 = arith.constant 0 : i32
      %dma_wait3A_134 = tpu.memref_slice %arg7[%run_scoped3A_1, %dma_wait3A_131, %dma_wait3A_132, %dma_wait3A_133] : memref<3x3x6x64xi32, #tpu.memory_space<vmem>> -> memref<1x3x6x64xi32, #tpu.memory_space<vmem>>
      %dma_wait3A_135 = tpu.memref_squeeze %dma_wait3A_134 : memref<1x3x6x64xi32, #tpu.memory_space<vmem>> -> memref<3x6x64xi32, #tpu.memory_space<vmem>>
      %dma_wait3A_136 = arith.constant 0 : i32
      %dma_wait3A_137 = arith.constant 0 : i32
      %dma_wait3A_138 = arith.constant 0 : i32
      %dma_wait3A_139 = tpu.memref_slice %arg4[%arg0, %arg1, %run_scoped3A, %dma_wait3A_136, %dma_wait3A_137, %dma_wait3A_138] : memref<2x16x53x3x6x64xi32, #tpu.memory_space<hbm>> -> memref<1x1x1x3x6x64xi32, #tpu.memory_space<hbm>>
      %dma_wait3A_140 = tpu.memref_squeeze %dma_wait3A_139 : memref<1x1x1x3x6x64xi32, #tpu.memory_space<hbm>> -> memref<3x6x64xi32, #tpu.memory_space<hbm>>
      tpu.wait_dma2 semaphore(%run_scoped3A_100 : memref<!tpu.dma_semaphore, #tpu.memory_space<semaphore_mem>>) src(%dma_wait3A_140 : memref<3x6x64xi32, #tpu.memory_space<hbm>>) dst(%dma_wait3A_135 : memref<3x6x64xi32, #tpu.memory_space<vmem>>)
      tpu.yield
    }) : () -> ()
    %dma_start3A = arith.constant 1 : i32
    %dma_start3A_2 = arith.constant 1 : i32
    %dma_start3A_3 = arith.constant 0 : i32
    %dma_start3A_4 = arith.constant 0 : i32
    %dma_start3A_5 = arith.constant 0 : i32
    %dma_start3A_6 = tpu.memref_slice %arg7[%dma_start3A_2, %dma_start3A_3, %dma_start3A_4, %dma_start3A_5] : memref<3x3x6x64xi32, #tpu.memory_space<vmem>> -> memref<1x3x6x64xi32, #tpu.memory_space<vmem>>
    %dma_start3A_7 = tpu.memref_squeeze %dma_start3A_6 : memref<1x3x6x64xi32, #tpu.memory_space<vmem>> -> memref<3x6x64xi32, #tpu.memory_space<vmem>>
    %dma_start3A_8 = arith.constant 0 : i32
    %dma_start3A_9 = arith.constant 0 : i32
    %dma_start3A_10 = arith.constant 0 : i32
    %dma_start3A_11 = tpu.memref_slice %arg4[%arg0, %arg1, %dma_start3A, %dma_start3A_8, %dma_start3A_9, %dma_start3A_10] : memref<2x16x53x3x6x64xi32, #tpu.memory_space<hbm>> -> memref<1x1x1x3x6x64xi32, #tpu.memory_space<hbm>>
    %dma_start3A_12 = tpu.memref_squeeze %dma_start3A_11 : memref<1x1x1x3x6x64xi32, #tpu.memory_space<hbm>> -> memref<3x6x64xi32, #tpu.memory_space<hbm>>
    %dma_start3A_13 = arith.constant 0 : i32
    %dma_start3A_14 = arith.constant 0 : i32
    %dma_start3A_15 = arith.constant 0 : i32
    %dma_start3A_16 = tpu.memref_slice %arg7[%dma_start3A_2, %dma_start3A_13, %dma_start3A_14, %dma_start3A_15] : memref<3x3x6x64xi32, #tpu.memory_space<vmem>> -> memref<1x3x6x64xi32, #tpu.memory_space<vmem>>
    %dma_start3A_17 = tpu.memref_squeeze %dma_start3A_16 : memref<1x3x6x64xi32, #tpu.memory_space<vmem>> -> memref<3x6x64xi32, #tpu.memory_space<vmem>>
    %dma_start3A_18 = arith.constant 0 : i32
    %dma_start3A_19 = arith.constant 0 : i32
    %dma_start3A_20 = arith.constant 0 : i32
    %dma_start3A_21 = tpu.memref_slice %arg4[%arg0, %arg1, %dma_start3A, %dma_start3A_18, %dma_start3A_19, %dma_start3A_20] : memref<2x16x53x3x6x64xi32, #tpu.memory_space<hbm>> -> memref<1x1x1x3x6x64xi32, #tpu.memory_space<hbm>>
    %dma_start3A_22 = tpu.memref_squeeze %dma_start3A_21 : memref<1x1x1x3x6x64xi32, #tpu.memory_space<hbm>> -> memref<3x6x64xi32, #tpu.memory_space<hbm>>
    tpu.enqueue_dma source(%dma_start3A_22 : memref<3x6x64xi32, #tpu.memory_space<hbm>>) target(%dma_start3A_17 : memref<3x6x64xi32, #tpu.memory_space<vmem>>) target_semaphore(%arg24 : memref<!tpu.dma_semaphore, #tpu.memory_space<semaphore_mem>>)
    %dma_start3A_23 = arith.constant 0 : i32
    %dma_start3A_24 = arith.constant 0 : i32
    %dma_start3A_25 = arith.constant 0 : i32
    %dma_start3A_26 = arith.constant 0 : i32
    %dma_start3A_27 = tpu.memref_slice %arg7[%dma_start3A_23, %dma_start3A_24, %dma_start3A_25, %dma_start3A_26] : memref<3x3x6x64xi32, #tpu.memory_space<vmem>> -> memref<1x1x1x64xi32, #tpu.memory_space<vmem>>
    %dma_start3A_28 = tpu.memref_squeeze %dma_start3A_27 : memref<1x1x1x64xi32, #tpu.memory_space<vmem>> -> memref<64xi32, #tpu.memory_space<vmem>>
    %dma_start3A_29 = arith.constant 0 : i32
    %dma_start3A_30 = arith.constant 0 : i32
    %dma_start3A_31 = tpu.memref_slice %arg3[%dma_start3A_29, %dma_start3A_30] : memref<20000x64xi32, #tpu.memory_space<hbm>> -> memref<20000x64xi32, #tpu.memory_space<hbm>>
    tpu.enqueue_indirect_dma source(%dma_start3A_31 : memref<20000x64xi32, #tpu.memory_space<hbm>>) target(%arg8 : memref<64x64xi32, #tpu.memory_space<vmem>>) offsets(%dma_start3A_28 : memref<64xi32, #tpu.memory_space<vmem>>) semaphore(%arg16 : memref<!tpu.dma_semaphore, #tpu.memory_space<semaphore_mem>>)
    %dma_start3A_32 = arith.constant 0 : i32
    %dma_start3A_33 = arith.constant 0 : i32
    %dma_start3A_34 = arith.constant 1 : i32
    %dma_start3A_35 = arith.constant 0 : i32
    %dma_start3A_36 = tpu.memref_slice %arg7[%dma_start3A_32, %dma_start3A_33, %dma_start3A_34, %dma_start3A_35] : memref<3x3x6x64xi32, #tpu.memory_space<vmem>> -> memref<1x1x1x64xi32, #tpu.memory_space<vmem>>
    %dma_start3A_37 = tpu.memref_squeeze %dma_start3A_36 : memref<1x1x1x64xi32, #tpu.memory_space<vmem>> -> memref<64xi32, #tpu.memory_space<vmem>>
    %dma_start3A_38 = arith.constant 0 : i32
    %dma_start3A_39 = arith.constant 0 : i32
    %dma_start3A_40 = tpu.memref_slice %arg3[%dma_start3A_38, %dma_start3A_39] : memref<20000x64xi32, #tpu.memory_space<hbm>> -> memref<20000x64xi32, #tpu.memory_space<hbm>>
    tpu.enqueue_indirect_dma source(%dma_start3A_40 : memref<20000x64xi32, #tpu.memory_space<hbm>>) target(%arg9 : memref<64x64xi32, #tpu.memory_space<vmem>>) offsets(%dma_start3A_37 : memref<64xi32, #tpu.memory_space<vmem>>) semaphore(%arg17 : memref<!tpu.dma_semaphore, #tpu.memory_space<semaphore_mem>>)
    %dma_start3A_41 = arith.constant 0 : i32
    %dma_start3A_42 = arith.constant 0 : i32
    %dma_start3A_43 = arith.constant 2 : i32
    %dma_start3A_44 = arith.constant 0 : i32
    %dma_start3A_45 = tpu.memref_slice %arg7[%dma_start3A_41, %dma_start3A_42, %dma_start3A_43, %dma_start3A_44] : memref<3x3x6x64xi32, #tpu.memory_space<vmem>> -> memref<1x1x1x64xi32, #tpu.memory_space<vmem>>
    %dma_start3A_46 = tpu.memref_squeeze %dma_start3A_45 : memref<1x1x1x64xi32, #tpu.memory_space<vmem>> -> memref<64xi32, #tpu.memory_space<vmem>>
    %dma_start3A_47 = arith.constant 0 : i32
    %dma_start3A_48 = arith.constant 0 : i32
    %dma_start3A_49 = tpu.memref_slice %arg3[%dma_start3A_47, %dma_start3A_48] : memref<20000x64xi32, #tpu.memory_space<hbm>> -> memref<20000x64xi32, #tpu.memory_space<hbm>>
    tpu.enqueue_indirect_dma source(%dma_start3A_49 : memref<20000x64xi32, #tpu.memory_space<hbm>>) target(%arg10 : memref<64x64xi32, #tpu.memory_space<vmem>>) offsets(%dma_start3A_46 : memref<64xi32, #tpu.memory_space<vmem>>) semaphore(%arg18 : memref<!tpu.dma_semaphore, #tpu.memory_space<semaphore_mem>>)
    %dma_start3A_50 = arith.constant 0 : i32
    %dma_start3A_51 = arith.constant 0 : i32
    %dma_start3A_52 = arith.constant 3 : i32
    %dma_start3A_53 = arith.constant 0 : i32
    %dma_start3A_54 = tpu.memref_slice %arg7[%dma_start3A_50, %dma_start3A_51, %dma_start3A_52, %dma_start3A_53] : memref<3x3x6x64xi32, #tpu.memory_space<vmem>> -> memref<1x1x1x64xi32, #tpu.memory_space<vmem>>
    %dma_start3A_55 = tpu.memref_squeeze %dma_start3A_54 : memref<1x1x1x64xi32, #tpu.memory_space<vmem>> -> memref<64xi32, #tpu.memory_space<vmem>>
    %dma_start3A_56 = arith.constant 0 : i32
    %dma_start3A_57 = arith.constant 0 : i32
    %dma_start3A_58 = tpu.memref_slice %arg3[%dma_start3A_56, %dma_start3A_57] : memref<20000x64xi32, #tpu.memory_space<hbm>> -> memref<20000x64xi32, #tpu.memory_space<hbm>>
    tpu.enqueue_indirect_dma source(%dma_start3A_58 : memref<20000x64xi32, #tpu.memory_space<hbm>>) target(%arg11 : memref<64x64xi32, #tpu.memory_space<vmem>>) offsets(%dma_start3A_55 : memref<64xi32, #tpu.memory_space<vmem>>) semaphore(%arg19 : memref<!tpu.dma_semaphore, #tpu.memory_space<semaphore_mem>>)
    %dma_start3A_59 = arith.constant 0 : i32
    %dma_start3A_60 = arith.constant 0 : i32
    %dma_start3A_61 = arith.constant 4 : i32
    %dma_start3A_62 = arith.constant 0 : i32
    %dma_start3A_63 = tpu.memref_slice %arg7[%dma_start3A_59, %dma_start3A_60, %dma_start3A_61, %dma_start3A_62] : memref<3x3x6x64xi32, #tpu.memory_space<vmem>> -> memref<1x1x1x64xi32, #tpu.memory_space<vmem>>
    %dma_start3A_64 = tpu.memref_squeeze %dma_start3A_63 : memref<1x1x1x64xi32, #tpu.memory_space<vmem>> -> memref<64xi32, #tpu.memory_space<vmem>>
    %dma_start3A_65 = arith.constant 0 : i32
    %dma_start3A_66 = arith.constant 0 : i32
    %dma_start3A_67 = tpu.memref_slice %arg3[%dma_start3A_65, %dma_start3A_66] : memref<20000x64xi32, #tpu.memory_space<hbm>> -> memref<20000x64xi32, #tpu.memory_space<hbm>>
    tpu.enqueue_indirect_dma source(%dma_start3A_67 : memref<20000x64xi32, #tpu.memory_space<hbm>>) target(%arg12 : memref<64x64xi32, #tpu.memory_space<vmem>>) offsets(%dma_start3A_64 : memref<64xi32, #tpu.memory_space<vmem>>) semaphore(%arg20 : memref<!tpu.dma_semaphore, #tpu.memory_space<semaphore_mem>>)
    %dma_start3A_68 = arith.constant 0 : i32
    %dma_start3A_69 = arith.constant 0 : i32
    %dma_start3A_70 = arith.constant 5 : i32
    %dma_start3A_71 = arith.constant 0 : i32
    %dma_start3A_72 = tpu.memref_slice %arg7[%dma_start3A_68, %dma_start3A_69, %dma_start3A_70, %dma_start3A_71] : memref<3x3x6x64xi32, #tpu.memory_space<vmem>> -> memref<1x1x1x64xi32, #tpu.memory_space<vmem>>
    %dma_start3A_73 = tpu.memref_squeeze %dma_start3A_72 : memref<1x1x1x64xi32, #tpu.memory_space<vmem>> -> memref<64xi32, #tpu.memory_space<vmem>>
    %dma_start3A_74 = arith.constant 0 : i32
    %dma_start3A_75 = arith.constant 0 : i32
    %dma_start3A_76 = tpu.memref_slice %arg3[%dma_start3A_74, %dma_start3A_75] : memref<20000x64xi32, #tpu.memory_space<hbm>> -> memref<20000x64xi32, #tpu.memory_space<hbm>>
    tpu.enqueue_indirect_dma source(%dma_start3A_76 : memref<20000x64xi32, #tpu.memory_space<hbm>>) target(%arg13 : memref<64x64xi32, #tpu.memory_space<vmem>>) offsets(%dma_start3A_73 : memref<64xi32, #tpu.memory_space<vmem>>) semaphore(%arg21 : memref<!tpu.dma_semaphore, #tpu.memory_space<semaphore_mem>>)
    "tpu.region"() ({
      %run_scoped3A_100 = tpu.sem_alloc : memref<!tpu.dma_semaphore, #tpu.memory_space<semaphore_mem>>
      %dma_start3A_101 = arith.constant 0 : i32
      %dma_start3A_102 = tpu.memref_slice %arg6[%mul3A_0, %dma_start3A_101] : memref<10000x128xf32, #tpu.memory_space<vmem_shared>> -> memref<625x128xf32, #tpu.memory_space<vmem_shared>>
      %dma_start3A_103 = arith.constant 0 : i32
      %dma_start3A_104 = tpu.memref_slice %arg2[%arg0, %mul3A_0, %dma_start3A_103] : memref<2x10000x128xf32, #tpu.memory_space<hbm>> -> memref<1x625x128xf32, #tpu.memory_space<hbm>>
      %dma_start3A_105 = tpu.memref_squeeze %dma_start3A_104 : memref<1x625x128xf32, #tpu.memory_space<hbm>> -> memref<625x128xf32, #tpu.memory_space<hbm>>
      tpu.enqueue_dma source(%dma_start3A_105 : memref<625x128xf32, #tpu.memory_space<hbm>>) target(%dma_start3A_102 : memref<625x128xf32, #tpu.memory_space<vmem_shared>>) target_semaphore(%run_scoped3A_100 : memref<!tpu.dma_semaphore, #tpu.memory_space<semaphore_mem>>)
      %dma_wait3A_106 = arith.constant 0 : i32
      %dma_wait3A_107 = tpu.memref_slice %arg6[%mul3A_0, %dma_wait3A_106] : memref<10000x128xf32, #tpu.memory_space<vmem_shared>> -> memref<625x128xf32, #tpu.memory_space<vmem_shared>>
      %dma_wait3A_108 = arith.constant 0 : i32
      %dma_wait3A_109 = tpu.memref_slice %arg2[%arg0, %mul3A_0, %dma_wait3A_108] : memref<2x10000x128xf32, #tpu.memory_space<hbm>> -> memref<1x625x128xf32, #tpu.memory_space<hbm>>
      %dma_wait3A_110 = tpu.memref_squeeze %dma_wait3A_109 : memref<1x625x128xf32, #tpu.memory_space<hbm>> -> memref<625x128xf32, #tpu.memory_space<hbm>>
      tpu.wait_dma2 semaphore(%run_scoped3A_100 : memref<!tpu.dma_semaphore, #tpu.memory_space<semaphore_mem>>) src(%dma_wait3A_110 : memref<625x128xf32, #tpu.memory_space<hbm>>) dst(%dma_wait3A_107 : memref<625x128xf32, #tpu.memory_space<vmem_shared>>)
      tpu.yield
    }) : () -> ()
    %barrier3A = arith.constant 0 : index
    tpu.barrier barrier_id(%barrier3A)
    %scan3A = arith.constant 0 : i32
    %scan3A_77 = arith.constant 0 : i32
    %scan3A_78 = arith.constant 53 : i32
    %scan3A_79 = arith.addi %scan3A_77, %scan3A_78 : i32
    %scan3A_80 = arith.constant 1 : i32
    scf.for %scan3A_100 = %scan3A_77 to %scan3A_79 step %scan3A_80  : i32 {
      %mul3A_101 = arith.constant 6 : i32
      %mul3A_102 = arith.muli %mul3A_101, %scan3A_100 : i32
      %add3A = arith.constant 0 : i32
      %add3A_103 = arith.addi %mul3A_102, %add3A : i32
      %jit3A = arith.constant 6 : i32
      %eq3A = arith.constant 0 : i32
      %eq3A_104 = arith.cmpi eq, %jit3A, %eq3A : i32
      %jit3A_105 = arith.constant 1 : i32
      %select_n3A = arith.select %eq3A_104, %jit3A_105, %jit3A : i32
      %rem3A = arith.remsi %add3A_103, %select_n3A : i32
      %ne3A = arith.constant 0 : i32
      %ne3A_106 = arith.cmpi ne, %rem3A, %ne3A : i32
      %lt3A = arith.constant 0 : i32
      %lt3A_107 = arith.cmpi slt, %rem3A, %lt3A : i32
      %lt3A_108 = arith.constant 0 : i32
      %lt3A_109 = arith.cmpi slt, %select_n3A, %lt3A_108 : i32
      %ne3A_110 = arith.xori %lt3A_107, %lt3A_109 : i1
      %and3A = arith.andi %ne3A_110, %ne3A_106 : i1
      %add3A_111 = arith.addi %rem3A, %select_n3A : i32
      %select_n3A_112 = arith.select %and3A, %add3A_111, %rem3A : i32
      %jit3A_113 = arith.constant 6 : i32
      %div3A = arith.divsi %add3A_103, %jit3A_113 : i32
      %sign3A = arith.constant 0 : i32
      %sign3A_114 = arith.cmpi sgt, %add3A_103, %sign3A : i32
      %sign3A_115 = arith.extui %sign3A_114 : i1 to i32
      %sign3A_116 = arith.constant 0 : i32
      %sign3A_117 = arith.cmpi slt, %add3A_103, %sign3A_116 : i32
      %sign3A_118 = arith.extui %sign3A_117 : i1 to i32
      %sign3A_119 = arith.subi %sign3A_115, %sign3A_118 : i32
      %sign3A_120 = arith.constant 0 : i32
      %sign3A_121 = arith.cmpi sgt, %jit3A_113, %sign3A_120 : i32
      %sign3A_122 = arith.extui %sign3A_121 : i1 to i32
      %sign3A_123 = arith.constant 0 : i32
      %sign3A_124 = arith.cmpi slt, %jit3A_113, %sign3A_123 : i32
      %sign3A_125 = arith.extui %sign3A_124 : i1 to i32
      %sign3A_126 = arith.subi %sign3A_122, %sign3A_125 : i32
      %ne3A_127 = arith.cmpi ne, %sign3A_119, %sign3A_126 : i32
      %rem3A_128 = arith.remsi %add3A_103, %jit3A_113 : i32
      %ne3A_129 = arith.constant 0 : i32
      %ne3A_130 = arith.cmpi ne, %rem3A_128, %ne3A_129 : i32
      %and3A_131 = arith.andi %ne3A_127, %ne3A_130 : i1
      %sub3A = arith.constant 1 : i32
      %sub3A_132 = arith.subi %div3A, %sub3A : i32
      %select_n3A_133 = arith.select %and3A_131, %sub3A_132, %div3A : i32
      %eq3A_134 = arith.constant 0 : i32
      %eq3A_135 = arith.cmpi eq, %select_n3A_112, %eq3A_134 : i32
      %add3A_136 = arith.constant 1 : i32
      %add3A_137 = arith.addi %select_n3A_133, %add3A_136 : i32
      %lt3A_138 = arith.constant 53 : i32
      %lt3A_139 = arith.cmpi slt, %add3A_137, %lt3A_138 : i32
      %and3A_140 = arith.andi %eq3A_135, %lt3A_139 : i1
      %convert_element_type3A = arith.extui %and3A_140 : i1 to i32
      %cond3A = arith.constant 0 : i32
      %cond3A_141 = arith.cmpi ne, %convert_element_type3A, %cond3A : i32
      scf.if %cond3A_141 {
        %add3A_1675 = arith.constant 1 : i32
        %add3A_1676 = arith.addi %select_n3A_133, %add3A_1675 : i32
        %jit3A_1677 = arith.constant 3 : i32
        %eq3A_1678 = arith.constant 0 : i32
        %eq3A_1679 = arith.cmpi eq, %jit3A_1677, %eq3A_1678 : i32
        %jit3A_1680 = arith.constant 1 : i32
        %select_n3A_1681 = arith.select %eq3A_1679, %jit3A_1680, %jit3A_1677 : i32
        %rem3A_1682 = arith.remsi %add3A_1676, %select_n3A_1681 : i32
        %ne3A_1683 = arith.constant 0 : i32
        %ne3A_1684 = arith.cmpi ne, %rem3A_1682, %ne3A_1683 : i32
        %lt3A_1685 = arith.constant 0 : i32
        %lt3A_1686 = arith.cmpi slt, %rem3A_1682, %lt3A_1685 : i32
        %lt3A_1687 = arith.constant 0 : i32
        %lt3A_1688 = arith.cmpi slt, %select_n3A_1681, %lt3A_1687 : i32
        %ne3A_1689 = arith.xori %lt3A_1686, %lt3A_1688 : i1
        %and3A_1690 = arith.andi %ne3A_1689, %ne3A_1684 : i1
        %add3A_1691 = arith.addi %rem3A_1682, %select_n3A_1681 : i32
        %select_n3A_1692 = arith.select %and3A_1690, %add3A_1691, %rem3A_1682 : i32
        %dma_wait3A_1693 = arith.constant 0 : i32
        %dma_wait3A_1694 = arith.constant 0 : i32
        %dma_wait3A_1695 = arith.constant 0 : i32
        %dma_wait3A_1696 = tpu.memref_slice %arg7[%select_n3A_1692, %dma_wait3A_1693, %dma_wait3A_1694, %dma_wait3A_1695] : memref<3x3x6x64xi32, #tpu.memory_space<vmem>> -> memref<1x3x6x64xi32, #tpu.memory_space<vmem>>
        %dma_wait3A_1697 = tpu.memref_squeeze %dma_wait3A_1696 : memref<1x3x6x64xi32, #tpu.memory_space<vmem>> -> memref<3x6x64xi32, #tpu.memory_space<vmem>>
        %dma_wait3A_1698 = arith.constant 0 : i32
        %dma_wait3A_1699 = arith.constant 0 : i32
        %dma_wait3A_1700 = arith.constant 0 : i32
        %dma_wait3A_1701 = tpu.memref_slice %arg4[%arg0, %arg1, %add3A_1676, %dma_wait3A_1698, %dma_wait3A_1699, %dma_wait3A_1700] : memref<2x16x53x3x6x64xi32, #tpu.memory_space<hbm>> -> memref<1x1x1x3x6x64xi32, #tpu.memory_space<hbm>>
        %dma_wait3A_1702 = tpu.memref_squeeze %dma_wait3A_1701 : memref<1x1x1x3x6x64xi32, #tpu.memory_space<hbm>> -> memref<3x6x64xi32, #tpu.memory_space<hbm>>
        %dma_wait3A_1703 = arith.constant 0 : i32
        %dma_wait3A_1704 = arith.constant 0 : i32
        %dma_wait3A_1705 = arith.constant 0 : i32
        %dma_wait3A_1706 = tpu.memref_slice %arg7[%select_n3A_1692, %dma_wait3A_1703, %dma_wait3A_1704, %dma_wait3A_1705] : memref<3x3x6x64xi32, #tpu.memory_space<vmem>> -> memref<1x3x6x64xi32, #tpu.memory_space<vmem>>
        %dma_wait3A_1707 = tpu.memref_squeeze %dma_wait3A_1706 : memref<1x3x6x64xi32, #tpu.memory_space<vmem>> -> memref<3x6x64xi32, #tpu.memory_space<vmem>>
        %dma_wait3A_1708 = arith.constant 0 : i32
        %dma_wait3A_1709 = arith.constant 0 : i32
        %dma_wait3A_1710 = arith.constant 0 : i32
        %dma_wait3A_1711 = tpu.memref_slice %arg4[%arg0, %arg1, %add3A_1676, %dma_wait3A_1708, %dma_wait3A_1709, %dma_wait3A_1710] : memref<2x16x53x3x6x64xi32, #tpu.memory_space<hbm>> -> memref<1x1x1x3x6x64xi32, #tpu.memory_space<hbm>>
        %dma_wait3A_1712 = tpu.memref_squeeze %dma_wait3A_1711 : memref<1x1x1x3x6x64xi32, #tpu.memory_space<hbm>> -> memref<3x6x64xi32, #tpu.memory_space<hbm>>
        tpu.wait_dma2 semaphore(%arg24 : memref<!tpu.dma_semaphore, #tpu.memory_space<semaphore_mem>>) src(%dma_wait3A_1712 : memref<3x6x64xi32, #tpu.memory_space<hbm>>) dst(%dma_wait3A_1707 : memref<3x6x64xi32, #tpu.memory_space<vmem>>)
      } else {
      }
      %eq3A_142 = arith.constant 2 : i32
      %eq3A_143 = arith.cmpi eq, %select_n3A_112, %eq3A_142 : i32
      %add3A_144 = arith.constant 2 : i32
      %add3A_145 = arith.addi %select_n3A_133, %add3A_144 : i32
      %lt3A_146 = arith.constant 53 : i32
      %lt3A_147 = arith.cmpi slt, %add3A_145, %lt3A_146 : i32
      %and3A_148 = arith.andi %eq3A_143, %lt3A_147 : i1
      %convert_element_type3A_149 = arith.extui %and3A_148 : i1 to i32
      %cond3A_150 = arith.constant 0 : i32
      %cond3A_151 = arith.cmpi ne, %convert_element_type3A_149, %cond3A_150 : i32
      scf.if %cond3A_151 {
        %add3A_1675 = arith.constant 2 : i32
        %add3A_1676 = arith.addi %select_n3A_133, %add3A_1675 : i32
        %jit3A_1677 = arith.constant 3 : i32
        %eq3A_1678 = arith.constant 0 : i32
        %eq3A_1679 = arith.cmpi eq, %jit3A_1677, %eq3A_1678 : i32
        %jit3A_1680 = arith.constant 1 : i32
        %select_n3A_1681 = arith.select %eq3A_1679, %jit3A_1680, %jit3A_1677 : i32
        %rem3A_1682 = arith.remsi %add3A_1676, %select_n3A_1681 : i32
        %ne3A_1683 = arith.constant 0 : i32
        %ne3A_1684 = arith.cmpi ne, %rem3A_1682, %ne3A_1683 : i32
        %lt3A_1685 = arith.constant 0 : i32
        %lt3A_1686 = arith.cmpi slt, %rem3A_1682, %lt3A_1685 : i32
        %lt3A_1687 = arith.constant 0 : i32
        %lt3A_1688 = arith.cmpi slt, %select_n3A_1681, %lt3A_1687 : i32
        %ne3A_1689 = arith.xori %lt3A_1686, %lt3A_1688 : i1
        %and3A_1690 = arith.andi %ne3A_1689, %ne3A_1684 : i1
        %add3A_1691 = arith.addi %rem3A_1682, %select_n3A_1681 : i32
        %select_n3A_1692 = arith.select %and3A_1690, %add3A_1691, %rem3A_1682 : i32
        %dma_start3A_1693 = arith.constant 0 : i32
        %dma_start3A_1694 = arith.constant 0 : i32
        %dma_start3A_1695 = arith.constant 0 : i32
        %dma_start3A_1696 = tpu.memref_slice %arg7[%select_n3A_1692, %dma_start3A_1693, %dma_start3A_1694, %dma_start3A_1695] : memref<3x3x6x64xi32, #tpu.memory_space<vmem>> -> memref<1x3x6x64xi32, #tpu.memory_space<vmem>>
        %dma_start3A_1697 = tpu.memref_squeeze %dma_start3A_1696 : memref<1x3x6x64xi32, #tpu.memory_space<vmem>> -> memref<3x6x64xi32, #tpu.memory_space<vmem>>
        %dma_start3A_1698 = arith.constant 0 : i32
        %dma_start3A_1699 = arith.constant 0 : i32
        %dma_start3A_1700 = arith.constant 0 : i32
        %dma_start3A_1701 = tpu.memref_slice %arg4[%arg0, %arg1, %add3A_1676, %dma_start3A_1698, %dma_start3A_1699, %dma_start3A_1700] : memref<2x16x53x3x6x64xi32, #tpu.memory_space<hbm>> -> memref<1x1x1x3x6x64xi32, #tpu.memory_space<hbm>>
        %dma_start3A_1702 = tpu.memref_squeeze %dma_start3A_1701 : memref<1x1x1x3x6x64xi32, #tpu.memory_space<hbm>> -> memref<3x6x64xi32, #tpu.memory_space<hbm>>
        %dma_start3A_1703 = arith.constant 0 : i32
        %dma_start3A_1704 = arith.constant 0 : i32
        %dma_start3A_1705 = arith.constant 0 : i32
        %dma_start3A_1706 = tpu.memref_slice %arg7[%select_n3A_1692, %dma_start3A_1703, %dma_start3A_1704, %dma_start3A_1705] : memref<3x3x6x64xi32, #tpu.memory_space<vmem>> -> memref<1x3x6x64xi32, #tpu.memory_space<vmem>>
        %dma_start3A_1707 = tpu.memref_squeeze %dma_start3A_1706 : memref<1x3x6x64xi32, #tpu.memory_space<vmem>> -> memref<3x6x64xi32, #tpu.memory_space<vmem>>
        %dma_start3A_1708 = arith.constant 0 : i32
        %dma_start3A_1709 = arith.constant 0 : i32
        %dma_start3A_1710 = arith.constant 0 : i32
        %dma_start3A_1711 = tpu.memref_slice %arg4[%arg0, %arg1, %add3A_1676, %dma_start3A_1708, %dma_start3A_1709, %dma_start3A_1710] : memref<2x16x53x3x6x64xi32, #tpu.memory_space<hbm>> -> memref<1x1x1x3x6x64xi32, #tpu.memory_space<hbm>>
        %dma_start3A_1712 = tpu.memref_squeeze %dma_start3A_1711 : memref<1x1x1x3x6x64xi32, #tpu.memory_space<hbm>> -> memref<3x6x64xi32, #tpu.memory_space<hbm>>
        tpu.enqueue_dma source(%dma_start3A_1712 : memref<3x6x64xi32, #tpu.memory_space<hbm>>) target(%dma_start3A_1707 : memref<3x6x64xi32, #tpu.memory_space<vmem>>) target_semaphore(%arg24 : memref<!tpu.dma_semaphore, #tpu.memory_space<semaphore_mem>>)
      } else {
      }
      %jit3A_152 = arith.constant 6 : i32
      %div3A_153 = arith.divsi %add3A_103, %jit3A_152 : i32
      %sign3A_154 = arith.constant 0 : i32
      %sign3A_155 = arith.cmpi sgt, %add3A_103, %sign3A_154 : i32
      %sign3A_156 = arith.extui %sign3A_155 : i1 to i32
      %sign3A_157 = arith.constant 0 : i32
      %sign3A_158 = arith.cmpi slt, %add3A_103, %sign3A_157 : i32
      %sign3A_159 = arith.extui %sign3A_158 : i1 to i32
      %sign3A_160 = arith.subi %sign3A_156, %sign3A_159 : i32
      %sign3A_161 = arith.constant 0 : i32
      %sign3A_162 = arith.cmpi sgt, %jit3A_152, %sign3A_161 : i32
      %sign3A_163 = arith.extui %sign3A_162 : i1 to i32
      %sign3A_164 = arith.constant 0 : i32
      %sign3A_165 = arith.cmpi slt, %jit3A_152, %sign3A_164 : i32
      %sign3A_166 = arith.extui %sign3A_165 : i1 to i32
      %sign3A_167 = arith.subi %sign3A_163, %sign3A_166 : i32
      %ne3A_168 = arith.cmpi ne, %sign3A_160, %sign3A_167 : i32
      %rem3A_169 = arith.remsi %add3A_103, %jit3A_152 : i32
      %ne3A_170 = arith.constant 0 : i32
      %ne3A_171 = arith.cmpi ne, %rem3A_169, %ne3A_170 : i32
      %and3A_172 = arith.andi %ne3A_168, %ne3A_171 : i1
      %sub3A_173 = arith.constant 1 : i32
      %sub3A_174 = arith.subi %div3A_153, %sub3A_173 : i32
      %select_n3A_175 = arith.select %and3A_172, %sub3A_174, %div3A_153 : i32
      %jit3A_176 = arith.constant 3 : i32
      %eq3A_177 = arith.constant 0 : i32
      %eq3A_178 = arith.cmpi eq, %jit3A_176, %eq3A_177 : i32
      %jit3A_179 = arith.constant 1 : i32
      %select_n3A_180 = arith.select %eq3A_178, %jit3A_179, %jit3A_176 : i32
      %rem3A_181 = arith.remsi %select_n3A_175, %select_n3A_180 : i32
      %ne3A_182 = arith.constant 0 : i32
      %ne3A_183 = arith.cmpi ne, %rem3A_181, %ne3A_182 : i32
      %lt3A_184 = arith.constant 0 : i32
      %lt3A_185 = arith.cmpi slt, %rem3A_181, %lt3A_184 : i32
      %lt3A_186 = arith.constant 0 : i32
      %lt3A_187 = arith.cmpi slt, %select_n3A_180, %lt3A_186 : i32
      %ne3A_188 = arith.xori %lt3A_185, %lt3A_187 : i1
      %and3A_189 = arith.andi %ne3A_188, %ne3A_183 : i1
      %add3A_190 = arith.addi %rem3A_181, %select_n3A_180 : i32
      %select_n3A_191 = arith.select %and3A_189, %add3A_190, %rem3A_181 : i32
      %jit3A_192 = arith.constant 6 : i32
      %eq3A_193 = arith.constant 0 : i32
      %eq3A_194 = arith.cmpi eq, %jit3A_192, %eq3A_193 : i32
      %jit3A_195 = arith.constant 1 : i32
      %select_n3A_196 = arith.select %eq3A_194, %jit3A_195, %jit3A_192 : i32
      %rem3A_197 = arith.remsi %add3A_103, %select_n3A_196 : i32
      %ne3A_198 = arith.constant 0 : i32
      %ne3A_199 = arith.cmpi ne, %rem3A_197, %ne3A_198 : i32
      %lt3A_200 = arith.constant 0 : i32
      %lt3A_201 = arith.cmpi slt, %rem3A_197, %lt3A_200 : i32
      %lt3A_202 = arith.constant 0 : i32
      %lt3A_203 = arith.cmpi slt, %select_n3A_196, %lt3A_202 : i32
      %ne3A_204 = arith.xori %lt3A_201, %lt3A_203 : i1
      %and3A_205 = arith.andi %ne3A_204, %ne3A_199 : i1
      %add3A_206 = arith.addi %rem3A_197, %select_n3A_196 : i32
      %select_n3A_207 = arith.select %and3A_205, %add3A_206, %rem3A_197 : i32
      %dma_wait3A_208 = arith.constant 0 : i32
      %dma_wait3A_209 = arith.constant 0 : i32
      %dma_wait3A_210 = tpu.memref_slice %arg7[%select_n3A_191, %dma_wait3A_208, %select_n3A_207, %dma_wait3A_209] : memref<3x3x6x64xi32, #tpu.memory_space<vmem>> -> memref<1x1x1x64xi32, #tpu.memory_space<vmem>>
      %dma_wait3A_211 = tpu.memref_squeeze %dma_wait3A_210 : memref<1x1x1x64xi32, #tpu.memory_space<vmem>> -> memref<64xi32, #tpu.memory_space<vmem>>
      %dma_wait3A_212 = arith.constant 0 : i32
      %dma_wait3A_213 = arith.constant 0 : i32
      %dma_wait3A_214 = tpu.memref_slice %arg3[%dma_wait3A_212, %dma_wait3A_213] : memref<20000x64xi32, #tpu.memory_space<hbm>> -> memref<20000x64xi32, #tpu.memory_space<hbm>>
      tpu.wait_indirect_dma semaphore(%arg16 : memref<!tpu.dma_semaphore, #tpu.memory_space<semaphore_mem>>) src(%dma_wait3A_214 : memref<20000x64xi32, #tpu.memory_space<hbm>>) dst(%arg8 : memref<64x64xi32, #tpu.memory_space<vmem>>)
      %ge3A = arith.constant 2 : i32
      %ge3A_215 = arith.cmpi sge, %add3A_103, %ge3A : i32
      %convert_element_type3A_216 = arith.extui %ge3A_215 : i1 to i32
      %cond3A_217 = arith.constant 0 : i32
      %cond3A_218 = arith.cmpi ne, %convert_element_type3A_216, %cond3A_217 : i32
      scf.if %cond3A_218 {
        %sub3A_1675 = arith.constant 2 : i32
        %sub3A_1676 = arith.subi %add3A_103, %sub3A_1675 : i32
        %jit3A_1677 = arith.constant 6 : i32
        %div3A_1678 = arith.divsi %sub3A_1676, %jit3A_1677 : i32
        %sign3A_1679 = arith.constant 0 : i32
        %sign3A_1680 = arith.cmpi sgt, %sub3A_1676, %sign3A_1679 : i32
        %sign3A_1681 = arith.extui %sign3A_1680 : i1 to i32
        %sign3A_1682 = arith.constant 0 : i32
        %sign3A_1683 = arith.cmpi slt, %sub3A_1676, %sign3A_1682 : i32
        %sign3A_1684 = arith.extui %sign3A_1683 : i1 to i32
        %sign3A_1685 = arith.subi %sign3A_1681, %sign3A_1684 : i32
        %sign3A_1686 = arith.constant 0 : i32
        %sign3A_1687 = arith.cmpi sgt, %jit3A_1677, %sign3A_1686 : i32
        %sign3A_1688 = arith.extui %sign3A_1687 : i1 to i32
        %sign3A_1689 = arith.constant 0 : i32
        %sign3A_1690 = arith.cmpi slt, %jit3A_1677, %sign3A_1689 : i32
        %sign3A_1691 = arith.extui %sign3A_1690 : i1 to i32
        %sign3A_1692 = arith.subi %sign3A_1688, %sign3A_1691 : i32
        %ne3A_1693 = arith.cmpi ne, %sign3A_1685, %sign3A_1692 : i32
        %rem3A_1694 = arith.remsi %sub3A_1676, %jit3A_1677 : i32
        %ne3A_1695 = arith.constant 0 : i32
        %ne3A_1696 = arith.cmpi ne, %rem3A_1694, %ne3A_1695 : i32
        %and3A_1697 = arith.andi %ne3A_1693, %ne3A_1696 : i1
        %sub3A_1698 = arith.constant 1 : i32
        %sub3A_1699 = arith.subi %div3A_1678, %sub3A_1698 : i32
        %select_n3A_1700 = arith.select %and3A_1697, %sub3A_1699, %div3A_1678 : i32
        %jit3A_1701 = arith.constant 3 : i32
        %eq3A_1702 = arith.constant 0 : i32
        %eq3A_1703 = arith.cmpi eq, %jit3A_1701, %eq3A_1702 : i32
        %jit3A_1704 = arith.constant 1 : i32
        %select_n3A_1705 = arith.select %eq3A_1703, %jit3A_1704, %jit3A_1701 : i32
        %rem3A_1706 = arith.remsi %select_n3A_1700, %select_n3A_1705 : i32
        %ne3A_1707 = arith.constant 0 : i32
        %ne3A_1708 = arith.cmpi ne, %rem3A_1706, %ne3A_1707 : i32
        %lt3A_1709 = arith.constant 0 : i32
        %lt3A_1710 = arith.cmpi slt, %rem3A_1706, %lt3A_1709 : i32
        %lt3A_1711 = arith.constant 0 : i32
        %lt3A_1712 = arith.cmpi slt, %select_n3A_1705, %lt3A_1711 : i32
        %ne3A_1713 = arith.xori %lt3A_1710, %lt3A_1712 : i1
        %and3A_1714 = arith.andi %ne3A_1713, %ne3A_1708 : i1
        %add3A_1715 = arith.addi %rem3A_1706, %select_n3A_1705 : i32
        %select_n3A_1716 = arith.select %and3A_1714, %add3A_1715, %rem3A_1706 : i32
        %jit3A_1717 = arith.constant 6 : i32
        %eq3A_1718 = arith.constant 0 : i32
        %eq3A_1719 = arith.cmpi eq, %jit3A_1717, %eq3A_1718 : i32
        %jit3A_1720 = arith.constant 1 : i32
        %select_n3A_1721 = arith.select %eq3A_1719, %jit3A_1720, %jit3A_1717 : i32
        %rem3A_1722 = arith.remsi %sub3A_1676, %select_n3A_1721 : i32
        %ne3A_1723 = arith.constant 0 : i32
        %ne3A_1724 = arith.cmpi ne, %rem3A_1722, %ne3A_1723 : i32
        %lt3A_1725 = arith.constant 0 : i32
        %lt3A_1726 = arith.cmpi slt, %rem3A_1722, %lt3A_1725 : i32
        %lt3A_1727 = arith.constant 0 : i32
        %lt3A_1728 = arith.cmpi slt, %select_n3A_1721, %lt3A_1727 : i32
        %ne3A_1729 = arith.xori %lt3A_1726, %lt3A_1728 : i1
        %and3A_1730 = arith.andi %ne3A_1729, %ne3A_1724 : i1
        %add3A_1731 = arith.addi %rem3A_1722, %select_n3A_1721 : i32
        %select_n3A_1732 = arith.select %and3A_1730, %add3A_1731, %rem3A_1722 : i32
        %dma_wait3A_1733 = arith.constant 1 : i32
        %dma_wait3A_1734 = arith.constant 0 : i32
        %dma_wait3A_1735 = tpu.memref_slice %arg7[%select_n3A_1716, %dma_wait3A_1733, %select_n3A_1732, %dma_wait3A_1734] : memref<3x3x6x64xi32, #tpu.memory_space<vmem>> -> memref<1x1x1x64xi32, #tpu.memory_space<vmem>>
        %dma_wait3A_1736 = tpu.memref_squeeze %dma_wait3A_1735 : memref<1x1x1x64xi32, #tpu.memory_space<vmem>> -> memref<64xi32, #tpu.memory_space<vmem>>
        %dma_wait3A_1737 = arith.constant 0 : i32
        %dma_wait3A_1738 = arith.constant 0 : i32
        %dma_wait3A_1739 = tpu.memref_slice %arg6[%dma_wait3A_1737, %dma_wait3A_1738] : memref<10000x128xf32, #tpu.memory_space<vmem_shared>> -> memref<10000x128xf32, #tpu.memory_space<vmem_shared>>
        tpu.wait_indirect_dma semaphore(%arg22 : memref<!tpu.dma_semaphore, #tpu.memory_space<semaphore_mem>>) src(%arg14 : memref<64x128xf32, #tpu.memory_space<vmem>>) dst(%dma_wait3A_1739 : memref<10000x128xf32, #tpu.memory_space<vmem_shared>>)
      } else {
      }
      %jit3A_219 = arith.constant 6 : i32
      %div3A_220 = arith.divsi %add3A_103, %jit3A_219 : i32
      %sign3A_221 = arith.constant 0 : i32
      %sign3A_222 = arith.cmpi sgt, %add3A_103, %sign3A_221 : i32
      %sign3A_223 = arith.extui %sign3A_222 : i1 to i32
      %sign3A_224 = arith.constant 0 : i32
      %sign3A_225 = arith.cmpi slt, %add3A_103, %sign3A_224 : i32
      %sign3A_226 = arith.extui %sign3A_225 : i1 to i32
      %sign3A_227 = arith.subi %sign3A_223, %sign3A_226 : i32
      %sign3A_228 = arith.constant 0 : i32
      %sign3A_229 = arith.cmpi sgt, %jit3A_219, %sign3A_228 : i32
      %sign3A_230 = arith.extui %sign3A_229 : i1 to i32
      %sign3A_231 = arith.constant 0 : i32
      %sign3A_232 = arith.cmpi slt, %jit3A_219, %sign3A_231 : i32
      %sign3A_233 = arith.extui %sign3A_232 : i1 to i32
      %sign3A_234 = arith.subi %sign3A_230, %sign3A_233 : i32
      %ne3A_235 = arith.cmpi ne, %sign3A_227, %sign3A_234 : i32
      %rem3A_236 = arith.remsi %add3A_103, %jit3A_219 : i32
      %ne3A_237 = arith.constant 0 : i32
      %ne3A_238 = arith.cmpi ne, %rem3A_236, %ne3A_237 : i32
      %and3A_239 = arith.andi %ne3A_235, %ne3A_238 : i1
      %sub3A_240 = arith.constant 1 : i32
      %sub3A_241 = arith.subi %div3A_220, %sub3A_240 : i32
      %select_n3A_242 = arith.select %and3A_239, %sub3A_241, %div3A_220 : i32
      %jit3A_243 = arith.constant 3 : i32
      %eq3A_244 = arith.constant 0 : i32
      %eq3A_245 = arith.cmpi eq, %jit3A_243, %eq3A_244 : i32
      %jit3A_246 = arith.constant 1 : i32
      %select_n3A_247 = arith.select %eq3A_245, %jit3A_246, %jit3A_243 : i32
      %rem3A_248 = arith.remsi %select_n3A_242, %select_n3A_247 : i32
      %ne3A_249 = arith.constant 0 : i32
      %ne3A_250 = arith.cmpi ne, %rem3A_248, %ne3A_249 : i32
      %lt3A_251 = arith.constant 0 : i32
      %lt3A_252 = arith.cmpi slt, %rem3A_248, %lt3A_251 : i32
      %lt3A_253 = arith.constant 0 : i32
      %lt3A_254 = arith.cmpi slt, %select_n3A_247, %lt3A_253 : i32
      %ne3A_255 = arith.xori %lt3A_252, %lt3A_254 : i1
      %and3A_256 = arith.andi %ne3A_255, %ne3A_250 : i1
      %add3A_257 = arith.addi %rem3A_248, %select_n3A_247 : i32
      %select_n3A_258 = arith.select %and3A_256, %add3A_257, %rem3A_248 : i32
      %broadcast_in_dim3A = vector.broadcast %select_n3A_258 : i32 to vector<16xi32>
      %jit3A_259 = arith.constant 6 : i32
      %eq3A_260 = arith.constant 0 : i32
      %eq3A_261 = arith.cmpi eq, %jit3A_259, %eq3A_260 : i32
      %jit3A_262 = arith.constant 1 : i32
      %select_n3A_263 = arith.select %eq3A_261, %jit3A_262, %jit3A_259 : i32
      %rem3A_264 = arith.remsi %add3A_103, %select_n3A_263 : i32
      %ne3A_265 = arith.constant 0 : i32
      %ne3A_266 = arith.cmpi ne, %rem3A_264, %ne3A_265 : i32
      %lt3A_267 = arith.constant 0 : i32
      %lt3A_268 = arith.cmpi slt, %rem3A_264, %lt3A_267 : i32
      %lt3A_269 = arith.constant 0 : i32
      %lt3A_270 = arith.cmpi slt, %select_n3A_263, %lt3A_269 : i32
      %ne3A_271 = arith.xori %lt3A_268, %lt3A_270 : i1
      %and3A_272 = arith.andi %ne3A_271, %ne3A_266 : i1
      %add3A_273 = arith.addi %rem3A_264, %select_n3A_263 : i32
      %select_n3A_274 = arith.select %and3A_272, %add3A_273, %rem3A_264 : i32
      %broadcast_in_dim3A_275 = vector.broadcast %select_n3A_274 : i32 to vector<16xi32>
      %broadcast_in_dim3A_276 = arith.constant 2 : i32
      %broadcast_in_dim3A_277 = vector.broadcast %broadcast_in_dim3A_276 : i32 to vector<16xi32>
      %parallel_loop3A = arith.constant 0 : i32
      %parallel_loop3A_278 = arith.constant 64 : i32
      %parallel_loop3A_279 = arith.constant 1 : i32
      scf.for %parallel_loop3A_1675 = %parallel_loop3A to %parallel_loop3A_278 step %parallel_loop3A_279  : i32 {
        %parallel_loop3A_1676 = vector.broadcast %parallel_loop3A_1675 : i32 to vector<16xi32>
        %parallel_loop3A_1677 = tpu.vector_load_idx %arg7[%broadcast_in_dim3A, %broadcast_in_dim3A_277, %broadcast_in_dim3A_275, %parallel_loop3A_1676] : memref<3x3x6x64xi32, #tpu.memory_space<vmem>>[vector<16xi32>, vector<16xi32>, vector<16xi32>, vector<16xi32>], vector<16xi32>,
        %parallel_loop3A_1678 = vector.bitcast %parallel_loop3A_1677 : vector<16xi32> to vector<16xf32>
        %parallel_loop3A_1679 = arith.index_cast %parallel_loop3A_1675 : i32 to index
        %parallel_loop3A_1680 = arith.constant 0 : index
        %parallel_loop3A_1681 = tpu.vector_load %arg8[%parallel_loop3A_1679, %parallel_loop3A_1680] {strides = array<i32>} : memref<64x64xi32, #tpu.memory_space<vmem>>, vector<16xi32>,
        %parallel_loop3A_1682 = vector.bitcast %parallel_loop3A_1681 : vector<16xi32> to vector<32xbf16>
        %parallel_loop3A_1683 = tpu.unpack_subelements %parallel_loop3A_1682, 0 {pack_format = #tpu.pack_format<interleaved>} : vector<32xbf16> -> vector<16xf32>
        %parallel_loop3A_1684 = tpu.unpack_subelements %parallel_loop3A_1682, 1 {pack_format = #tpu.pack_format<interleaved>} : vector<32xbf16> -> vector<16xf32>
        %parallel_loop3A_1685 = arith.mulf %parallel_loop3A_1683, %parallel_loop3A_1678 : vector<16xf32>
        %parallel_loop3A_1686 = arith.index_cast %parallel_loop3A_1675 : i32 to index
        %parallel_loop3A_1687 = arith.constant 0 : index
        %parallel_loop3A_1688 = tpu.vector_load %arg14[%parallel_loop3A_1686, %parallel_loop3A_1687] {strides = array<i32>} : memref<64x128xf32, #tpu.memory_space<vmem>>, vector<16xf32>,
        tpu.vector_store %arg14[%parallel_loop3A_1686, %parallel_loop3A_1687], %parallel_loop3A_1685 {strides = array<i32>} : memref<64x128xf32, #tpu.memory_space<vmem>>, vector<16xf32>,
        %parallel_loop3A_1689 = arith.mulf %parallel_loop3A_1684, %parallel_loop3A_1678 : vector<16xf32>
        %parallel_loop3A_1690 = arith.index_cast %parallel_loop3A_1675 : i32 to index
        %parallel_loop3A_1691 = arith.constant 16 : index
        %parallel_loop3A_1692 = tpu.vector_load %arg14[%parallel_loop3A_1690, %parallel_loop3A_1691] {strides = array<i32>} : memref<64x128xf32, #tpu.memory_space<vmem>>, vector<16xf32>,
        tpu.vector_store %arg14[%parallel_loop3A_1690, %parallel_loop3A_1691], %parallel_loop3A_1689 {strides = array<i32>} : memref<64x128xf32, #tpu.memory_space<vmem>>, vector<16xf32>,
        %parallel_loop3A_1693 = arith.index_cast %parallel_loop3A_1675 : i32 to index
        %parallel_loop3A_1694 = arith.constant 16 : index
        %parallel_loop3A_1695 = tpu.vector_load %arg8[%parallel_loop3A_1693, %parallel_loop3A_1694] {strides = array<i32>} : memref<64x64xi32, #tpu.memory_space<vmem>>, vector<16xi32>,
        %parallel_loop3A_1696 = vector.bitcast %parallel_loop3A_1695 : vector<16xi32> to vector<32xbf16>
        %parallel_loop3A_1697 = tpu.unpack_subelements %parallel_loop3A_1696, 0 {pack_format = #tpu.pack_format<interleaved>} : vector<32xbf16> -> vector<16xf32>
        %parallel_loop3A_1698 = tpu.unpack_subelements %parallel_loop3A_1696, 1 {pack_format = #tpu.pack_format<interleaved>} : vector<32xbf16> -> vector<16xf32>
        %parallel_loop3A_1699 = arith.mulf %parallel_loop3A_1697, %parallel_loop3A_1678 : vector<16xf32>
        %parallel_loop3A_1700 = arith.index_cast %parallel_loop3A_1675 : i32 to index
        %parallel_loop3A_1701 = arith.constant 32 : index
        %parallel_loop3A_1702 = tpu.vector_load %arg14[%parallel_loop3A_1700, %parallel_loop3A_1701] {strides = array<i32>} : memref<64x128xf32, #tpu.memory_space<vmem>>, vector<16xf32>,
        tpu.vector_store %arg14[%parallel_loop3A_1700, %parallel_loop3A_1701], %parallel_loop3A_1699 {strides = array<i32>} : memref<64x128xf32, #tpu.memory_space<vmem>>, vector<16xf32>,
        %parallel_loop3A_1703 = arith.mulf %parallel_loop3A_1698, %parallel_loop3A_1678 : vector<16xf32>
        %parallel_loop3A_1704 = arith.index_cast %parallel_loop3A_1675 : i32 to index
        %parallel_loop3A_1705 = arith.constant 48 : index
        %parallel_loop3A_1706 = tpu.vector_load %arg14[%parallel_loop3A_1704, %parallel_loop3A_1705] {strides = array<i32>} : memref<64x128xf32, #tpu.memory_space<vmem>>, vector<16xf32>,
        tpu.vector_store %arg14[%parallel_loop3A_1704, %parallel_loop3A_1705], %parallel_loop3A_1703 {strides = array<i32>} : memref<64x128xf32, #tpu.memory_space<vmem>>, vector<16xf32>,
        %parallel_loop3A_1707 = arith.index_cast %parallel_loop3A_1675 : i32 to index
        %parallel_loop3A_1708 = arith.constant 32 : index
        %parallel_loop3A_1709 = tpu.vector_load %arg8[%parallel_loop3A_1707, %parallel_loop3A_1708] {strides = array<i32>} : memref<64x64xi32, #tpu.memory_space<vmem>>, vector<16xi32>,
        %parallel_loop3A_1710 = vector.bitcast %parallel_loop3A_1709 : vector<16xi32> to vector<32xbf16>
        %parallel_loop3A_1711 = tpu.unpack_subelements %parallel_loop3A_1710, 0 {pack_format = #tpu.pack_format<interleaved>} : vector<32xbf16> -> vector<16xf32>
        %parallel_loop3A_1712 = tpu.unpack_subelements %parallel_loop3A_1710, 1 {pack_format = #tpu.pack_format<interleaved>} : vector<32xbf16> -> vector<16xf32>
        %parallel_loop3A_1713 = arith.mulf %parallel_loop3A_1711, %parallel_loop3A_1678 : vector<16xf32>
        %parallel_loop3A_1714 = arith.index_cast %parallel_loop3A_1675 : i32 to index
        %parallel_loop3A_1715 = arith.constant 64 : index
        %parallel_loop3A_1716 = tpu.vector_load %arg14[%parallel_loop3A_1714, %parallel_loop3A_1715] {strides = array<i32>} : memref<64x128xf32, #tpu.memory_space<vmem>>, vector<16xf32>,
        tpu.vector_store %arg14[%parallel_loop3A_1714, %parallel_loop3A_1715], %parallel_loop3A_1713 {strides = array<i32>} : memref<64x128xf32, #tpu.memory_space<vmem>>, vector<16xf32>,
        %parallel_loop3A_1717 = arith.mulf %parallel_loop3A_1712, %parallel_loop3A_1678 : vector<16xf32>
        %parallel_loop3A_1718 = arith.index_cast %parallel_loop3A_1675 : i32 to index
        %parallel_loop3A_1719 = arith.constant 80 : index
        %parallel_loop3A_1720 = tpu.vector_load %arg14[%parallel_loop3A_1718, %parallel_loop3A_1719] {strides = array<i32>} : memref<64x128xf32, #tpu.memory_space<vmem>>, vector<16xf32>,
        tpu.vector_store %arg14[%parallel_loop3A_1718, %parallel_loop3A_1719], %parallel_loop3A_1717 {strides = array<i32>} : memref<64x128xf32, #tpu.memory_space<vmem>>, vector<16xf32>,
        %parallel_loop3A_1721 = arith.index_cast %parallel_loop3A_1675 : i32 to index
        %parallel_loop3A_1722 = arith.constant 48 : index
        %parallel_loop3A_1723 = tpu.vector_load %arg8[%parallel_loop3A_1721, %parallel_loop3A_1722] {strides = array<i32>} : memref<64x64xi32, #tpu.memory_space<vmem>>, vector<16xi32>,
        %parallel_loop3A_1724 = vector.bitcast %parallel_loop3A_1723 : vector<16xi32> to vector<32xbf16>
        %parallel_loop3A_1725 = tpu.unpack_subelements %parallel_loop3A_1724, 0 {pack_format = #tpu.pack_format<interleaved>} : vector<32xbf16> -> vector<16xf32>
        %parallel_loop3A_1726 = tpu.unpack_subelements %parallel_loop3A_1724, 1 {pack_format = #tpu.pack_format<interleaved>} : vector<32xbf16> -> vector<16xf32>
        %parallel_loop3A_1727 = arith.mulf %parallel_loop3A_1725, %parallel_loop3A_1678 : vector<16xf32>
        %parallel_loop3A_1728 = arith.index_cast %parallel_loop3A_1675 : i32 to index
        %parallel_loop3A_1729 = arith.constant 96 : index
        %parallel_loop3A_1730 = tpu.vector_load %arg14[%parallel_loop3A_1728, %parallel_loop3A_1729] {strides = array<i32>} : memref<64x128xf32, #tpu.memory_space<vmem>>, vector<16xf32>,
        tpu.vector_store %arg14[%parallel_loop3A_1728, %parallel_loop3A_1729], %parallel_loop3A_1727 {strides = array<i32>} : memref<64x128xf32, #tpu.memory_space<vmem>>, vector<16xf32>,
        %parallel_loop3A_1731 = arith.mulf %parallel_loop3A_1726, %parallel_loop3A_1678 : vector<16xf32>
        %parallel_loop3A_1732 = arith.index_cast %parallel_loop3A_1675 : i32 to index
        %parallel_loop3A_1733 = arith.constant 112 : index
        %parallel_loop3A_1734 = tpu.vector_load %arg14[%parallel_loop3A_1732, %parallel_loop3A_1733] {strides = array<i32>} : memref<64x128xf32, #tpu.memory_space<vmem>>, vector<16xf32>,
        tpu.vector_store %arg14[%parallel_loop3A_1732, %parallel_loop3A_1733], %parallel_loop3A_1731 {strides = array<i32>} : memref<64x128xf32, #tpu.memory_space<vmem>>, vector<16xf32>,
      } {sc.loop_unroll_factor = 4 : i64, sc.parallel_access}
      %add3A_280 = arith.constant 6 : i32
      %add3A_281 = arith.addi %add3A_103, %add3A_280 : i32
      %lt3A_282 = arith.constant 318 : i32
      %lt3A_283 = arith.cmpi slt, %add3A_281, %lt3A_282 : i32
      %convert_element_type3A_284 = arith.extui %lt3A_283 : i1 to i32
      %cond3A_285 = arith.constant 0 : i32
      %cond3A_286 = arith.cmpi ne, %convert_element_type3A_284, %cond3A_285 : i32
      scf.if %cond3A_286 {
        %add3A_1675 = arith.constant 6 : i32
        %add3A_1676 = arith.addi %add3A_103, %add3A_1675 : i32
        %jit3A_1677 = arith.constant 6 : i32
        %div3A_1678 = arith.divsi %add3A_1676, %jit3A_1677 : i32
        %sign3A_1679 = arith.constant 0 : i32
        %sign3A_1680 = arith.cmpi sgt, %add3A_1676, %sign3A_1679 : i32
        %sign3A_1681 = arith.extui %sign3A_1680 : i1 to i32
        %sign3A_1682 = arith.constant 0 : i32
        %sign3A_1683 = arith.cmpi slt, %add3A_1676, %sign3A_1682 : i32
        %sign3A_1684 = arith.extui %sign3A_1683 : i1 to i32
        %sign3A_1685 = arith.subi %sign3A_1681, %sign3A_1684 : i32
        %sign3A_1686 = arith.constant 0 : i32
        %sign3A_1687 = arith.cmpi sgt, %jit3A_1677, %sign3A_1686 : i32
        %sign3A_1688 = arith.extui %sign3A_1687 : i1 to i32
        %sign3A_1689 = arith.constant 0 : i32
        %sign3A_1690 = arith.cmpi slt, %jit3A_1677, %sign3A_1689 : i32
        %sign3A_1691 = arith.extui %sign3A_1690 : i1 to i32
        %sign3A_1692 = arith.subi %sign3A_1688, %sign3A_1691 : i32
        %ne3A_1693 = arith.cmpi ne, %sign3A_1685, %sign3A_1692 : i32
        %rem3A_1694 = arith.remsi %add3A_1676, %jit3A_1677 : i32
        %ne3A_1695 = arith.constant 0 : i32
        %ne3A_1696 = arith.cmpi ne, %rem3A_1694, %ne3A_1695 : i32
        %and3A_1697 = arith.andi %ne3A_1693, %ne3A_1696 : i1
        %sub3A_1698 = arith.constant 1 : i32
        %sub3A_1699 = arith.subi %div3A_1678, %sub3A_1698 : i32
        %select_n3A_1700 = arith.select %and3A_1697, %sub3A_1699, %div3A_1678 : i32
        %jit3A_1701 = arith.constant 3 : i32
        %eq3A_1702 = arith.constant 0 : i32
        %eq3A_1703 = arith.cmpi eq, %jit3A_1701, %eq3A_1702 : i32
        %jit3A_1704 = arith.constant 1 : i32
        %select_n3A_1705 = arith.select %eq3A_1703, %jit3A_1704, %jit3A_1701 : i32
        %rem3A_1706 = arith.remsi %select_n3A_1700, %select_n3A_1705 : i32
        %ne3A_1707 = arith.constant 0 : i32
        %ne3A_1708 = arith.cmpi ne, %rem3A_1706, %ne3A_1707 : i32
        %lt3A_1709 = arith.constant 0 : i32
        %lt3A_1710 = arith.cmpi slt, %rem3A_1706, %lt3A_1709 : i32
        %lt3A_1711 = arith.constant 0 : i32
        %lt3A_1712 = arith.cmpi slt, %select_n3A_1705, %lt3A_1711 : i32
        %ne3A_1713 = arith.xori %lt3A_1710, %lt3A_1712 : i1
        %and3A_1714 = arith.andi %ne3A_1713, %ne3A_1708 : i1
        %add3A_1715 = arith.addi %rem3A_1706, %select_n3A_1705 : i32
        %select_n3A_1716 = arith.select %and3A_1714, %add3A_1715, %rem3A_1706 : i32
        %jit3A_1717 = arith.constant 6 : i32
        %eq3A_1718 = arith.constant 0 : i32
        %eq3A_1719 = arith.cmpi eq, %jit3A_1717, %eq3A_1718 : i32
        %jit3A_1720 = arith.constant 1 : i32
        %select_n3A_1721 = arith.select %eq3A_1719, %jit3A_1720, %jit3A_1717 : i32
        %rem3A_1722 = arith.remsi %add3A_1676, %select_n3A_1721 : i32
        %ne3A_1723 = arith.constant 0 : i32
        %ne3A_1724 = arith.cmpi ne, %rem3A_1722, %ne3A_1723 : i32
        %lt3A_1725 = arith.constant 0 : i32
        %lt3A_1726 = arith.cmpi slt, %rem3A_1722, %lt3A_1725 : i32
        %lt3A_1727 = arith.constant 0 : i32
        %lt3A_1728 = arith.cmpi slt, %select_n3A_1721, %lt3A_1727 : i32
        %ne3A_1729 = arith.xori %lt3A_1726, %lt3A_1728 : i1
        %and3A_1730 = arith.andi %ne3A_1729, %ne3A_1724 : i1
        %add3A_1731 = arith.addi %rem3A_1722, %select_n3A_1721 : i32
        %select_n3A_1732 = arith.select %and3A_1730, %add3A_1731, %rem3A_1722 : i32
        %dma_start3A_1733 = arith.constant 0 : i32
        %dma_start3A_1734 = arith.constant 0 : i32
        %dma_start3A_1735 = tpu.memref_slice %arg7[%select_n3A_1716, %dma_start3A_1733, %select_n3A_1732, %dma_start3A_1734] : memref<3x3x6x64xi32, #tpu.memory_space<vmem>> -> memref<1x1x1x64xi32, #tpu.memory_space<vmem>>
        %dma_start3A_1736 = tpu.memref_squeeze %dma_start3A_1735 : memref<1x1x1x64xi32, #tpu.memory_space<vmem>> -> memref<64xi32, #tpu.memory_space<vmem>>
        %dma_start3A_1737 = arith.constant 0 : i32
        %dma_start3A_1738 = arith.constant 0 : i32
        %dma_start3A_1739 = tpu.memref_slice %arg3[%dma_start3A_1737, %dma_start3A_1738] : memref<20000x64xi32, #tpu.memory_space<hbm>> -> memref<20000x64xi32, #tpu.memory_space<hbm>>
        tpu.enqueue_indirect_dma source(%dma_start3A_1739 : memref<20000x64xi32, #tpu.memory_space<hbm>>) target(%arg8 : memref<64x64xi32, #tpu.memory_space<vmem>>) offsets(%dma_start3A_1736 : memref<64xi32, #tpu.memory_space<vmem>>) semaphore(%arg16 : memref<!tpu.dma_semaphore, #tpu.memory_space<semaphore_mem>>)
      } else {
      }
      %jit3A_287 = arith.constant 6 : i32
      %div3A_288 = arith.divsi %add3A_103, %jit3A_287 : i32
      %sign3A_289 = arith.constant 0 : i32
      %sign3A_290 = arith.cmpi sgt, %add3A_103, %sign3A_289 : i32
      %sign3A_291 = arith.extui %sign3A_290 : i1 to i32
      %sign3A_292 = arith.constant 0 : i32
      %sign3A_293 = arith.cmpi slt, %add3A_103, %sign3A_292 : i32
      %sign3A_294 = arith.extui %sign3A_293 : i1 to i32
      %sign3A_295 = arith.subi %sign3A_291, %sign3A_294 : i32
      %sign3A_296 = arith.constant 0 : i32
      %sign3A_297 = arith.cmpi sgt, %jit3A_287, %sign3A_296 : i32
      %sign3A_298 = arith.extui %sign3A_297 : i1 to i32
      %sign3A_299 = arith.constant 0 : i32
      %sign3A_300 = arith.cmpi slt, %jit3A_287, %sign3A_299 : i32
      %sign3A_301 = arith.extui %sign3A_300 : i1 to i32
      %sign3A_302 = arith.subi %sign3A_298, %sign3A_301 : i32
      %ne3A_303 = arith.cmpi ne, %sign3A_295, %sign3A_302 : i32
      %rem3A_304 = arith.remsi %add3A_103, %jit3A_287 : i32
      %ne3A_305 = arith.constant 0 : i32
      %ne3A_306 = arith.cmpi ne, %rem3A_304, %ne3A_305 : i32
      %and3A_307 = arith.andi %ne3A_303, %ne3A_306 : i1
      %sub3A_308 = arith.constant 1 : i32
      %sub3A_309 = arith.subi %div3A_288, %sub3A_308 : i32
      %select_n3A_310 = arith.select %and3A_307, %sub3A_309, %div3A_288 : i32
      %jit3A_311 = arith.constant 3 : i32
      %eq3A_312 = arith.constant 0 : i32
      %eq3A_313 = arith.cmpi eq, %jit3A_311, %eq3A_312 : i32
      %jit3A_314 = arith.constant 1 : i32
      %select_n3A_315 = arith.select %eq3A_313, %jit3A_314, %jit3A_311 : i32
      %rem3A_316 = arith.remsi %select_n3A_310, %select_n3A_315 : i32
      %ne3A_317 = arith.constant 0 : i32
      %ne3A_318 = arith.cmpi ne, %rem3A_316, %ne3A_317 : i32
      %lt3A_319 = arith.constant 0 : i32
      %lt3A_320 = arith.cmpi slt, %rem3A_316, %lt3A_319 : i32
      %lt3A_321 = arith.constant 0 : i32
      %lt3A_322 = arith.cmpi slt, %select_n3A_315, %lt3A_321 : i32
      %ne3A_323 = arith.xori %lt3A_320, %lt3A_322 : i1
      %and3A_324 = arith.andi %ne3A_323, %ne3A_318 : i1
      %add3A_325 = arith.addi %rem3A_316, %select_n3A_315 : i32
      %select_n3A_326 = arith.select %and3A_324, %add3A_325, %rem3A_316 : i32
      %jit3A_327 = arith.constant 6 : i32
      %eq3A_328 = arith.constant 0 : i32
      %eq3A_329 = arith.cmpi eq, %jit3A_327, %eq3A_328 : i32
      %jit3A_330 = arith.constant 1 : i32
      %select_n3A_331 = arith.select %eq3A_329, %jit3A_330, %jit3A_327 : i32
      %rem3A_332 = arith.remsi %add3A_103, %select_n3A_331 : i32
      %ne3A_333 = arith.constant 0 : i32
      %ne3A_334 = arith.cmpi ne, %rem3A_332, %ne3A_333 : i32
      %lt3A_335 = arith.constant 0 : i32
      %lt3A_336 = arith.cmpi slt, %rem3A_332, %lt3A_335 : i32
      %lt3A_337 = arith.constant 0 : i32
      %lt3A_338 = arith.cmpi slt, %select_n3A_331, %lt3A_337 : i32
      %ne3A_339 = arith.xori %lt3A_336, %lt3A_338 : i1
      %and3A_340 = arith.andi %ne3A_339, %ne3A_334 : i1
      %add3A_341 = arith.addi %rem3A_332, %select_n3A_331 : i32
      %select_n3A_342 = arith.select %and3A_340, %add3A_341, %rem3A_332 : i32
      %dma_start3A_343 = arith.constant 1 : i32
      %dma_start3A_344 = arith.constant 0 : i32
      %dma_start3A_345 = tpu.memref_slice %arg7[%select_n3A_326, %dma_start3A_343, %select_n3A_342, %dma_start3A_344] : memref<3x3x6x64xi32, #tpu.memory_space<vmem>> -> memref<1x1x1x64xi32, #tpu.memory_space<vmem>>
      %dma_start3A_346 = tpu.memref_squeeze %dma_start3A_345 : memref<1x1x1x64xi32, #tpu.memory_space<vmem>> -> memref<64xi32, #tpu.memory_space<vmem>>
      %dma_start3A_347 = arith.constant 0 : i32
      %dma_start3A_348 = arith.constant 0 : i32
      %dma_start3A_349 = tpu.memref_slice %arg6[%dma_start3A_347, %dma_start3A_348] : memref<10000x128xf32, #tpu.memory_space<vmem_shared>> -> memref<10000x128xf32, #tpu.memory_space<vmem_shared>>
      tpu.enqueue_indirect_dma source(%arg14 : memref<64x128xf32, #tpu.memory_space<vmem>>) target(%dma_start3A_349 : memref<10000x128xf32, #tpu.memory_space<vmem_shared>>) offsets(%dma_start3A_346 : memref<64xi32, #tpu.memory_space<vmem>>) semaphore(%arg22 : memref<!tpu.dma_semaphore, #tpu.memory_space<semaphore_mem>>) {add = true}
      %mul3A_350 = arith.constant 6 : i32
      %mul3A_351 = arith.muli %mul3A_350, %scan3A_100 : i32
      %add3A_352 = arith.constant 1 : i32
      %add3A_353 = arith.addi %mul3A_351, %add3A_352 : i32
      %jit3A_354 = arith.constant 6 : i32
      %eq3A_355 = arith.constant 0 : i32
      %eq3A_356 = arith.cmpi eq, %jit3A_354, %eq3A_355 : i32
      %jit3A_357 = arith.constant 1 : i32
      %select_n3A_358 = arith.select %eq3A_356, %jit3A_357, %jit3A_354 : i32
      %rem3A_359 = arith.remsi %add3A_353, %select_n3A_358 : i32
      %ne3A_360 = arith.constant 0 : i32
      %ne3A_361 = arith.cmpi ne, %rem3A_359, %ne3A_360 : i32
      %lt3A_362 = arith.constant 0 : i32
      %lt3A_363 = arith.cmpi slt, %rem3A_359, %lt3A_362 : i32
      %lt3A_364 = arith.constant 0 : i32
      %lt3A_365 = arith.cmpi slt, %select_n3A_358, %lt3A_364 : i32
      %ne3A_366 = arith.xori %lt3A_363, %lt3A_365 : i1
      %and3A_367 = arith.andi %ne3A_366, %ne3A_361 : i1
      %add3A_368 = arith.addi %rem3A_359, %select_n3A_358 : i32
      %select_n3A_369 = arith.select %and3A_367, %add3A_368, %rem3A_359 : i32
      %jit3A_370 = arith.constant 6 : i32
      %div3A_371 = arith.divsi %add3A_353, %jit3A_370 : i32
      %sign3A_372 = arith.constant 0 : i32
      %sign3A_373 = arith.cmpi sgt, %add3A_353, %sign3A_372 : i32
      %sign3A_374 = arith.extui %sign3A_373 : i1 to i32
      %sign3A_375 = arith.constant 0 : i32
      %sign3A_376 = arith.cmpi slt, %add3A_353, %sign3A_375 : i32
      %sign3A_377 = arith.extui %sign3A_376 : i1 to i32
      %sign3A_378 = arith.subi %sign3A_374, %sign3A_377 : i32
      %sign3A_379 = arith.constant 0 : i32
      %sign3A_380 = arith.cmpi sgt, %jit3A_370, %sign3A_379 : i32
      %sign3A_381 = arith.extui %sign3A_380 : i1 to i32
      %sign3A_382 = arith.constant 0 : i32
      %sign3A_383 = arith.cmpi slt, %jit3A_370, %sign3A_382 : i32
      %sign3A_384 = arith.extui %sign3A_383 : i1 to i32
      %sign3A_385 = arith.subi %sign3A_381, %sign3A_384 : i32
      %ne3A_386 = arith.cmpi ne, %sign3A_378, %sign3A_385 : i32
      %rem3A_387 = arith.remsi %add3A_353, %jit3A_370 : i32
      %ne3A_388 = arith.constant 0 : i32
      %ne3A_389 = arith.cmpi ne, %rem3A_387, %ne3A_388 : i32
      %and3A_390 = arith.andi %ne3A_386, %ne3A_389 : i1
      %sub3A_391 = arith.constant 1 : i32
      %sub3A_392 = arith.subi %div3A_371, %sub3A_391 : i32
      %select_n3A_393 = arith.select %and3A_390, %sub3A_392, %div3A_371 : i32
      %eq3A_394 = arith.constant 0 : i32
      %eq3A_395 = arith.cmpi eq, %select_n3A_369, %eq3A_394 : i32
      %add3A_396 = arith.constant 1 : i32
      %add3A_397 = arith.addi %select_n3A_393, %add3A_396 : i32
      %lt3A_398 = arith.constant 53 : i32
      %lt3A_399 = arith.cmpi slt, %add3A_397, %lt3A_398 : i32
      %and3A_400 = arith.andi %eq3A_395, %lt3A_399 : i1
      %convert_element_type3A_401 = arith.extui %and3A_400 : i1 to i32
      %cond3A_402 = arith.constant 0 : i32
      %cond3A_403 = arith.cmpi ne, %convert_element_type3A_401, %cond3A_402 : i32
      scf.if %cond3A_403 {
        %add3A_1675 = arith.constant 1 : i32
        %add3A_1676 = arith.addi %select_n3A_393, %add3A_1675 : i32
        %jit3A_1677 = arith.constant 3 : i32
        %eq3A_1678 = arith.constant 0 : i32
        %eq3A_1679 = arith.cmpi eq, %jit3A_1677, %eq3A_1678 : i32
        %jit3A_1680 = arith.constant 1 : i32
        %select_n3A_1681 = arith.select %eq3A_1679, %jit3A_1680, %jit3A_1677 : i32
        %rem3A_1682 = arith.remsi %add3A_1676, %select_n3A_1681 : i32
        %ne3A_1683 = arith.constant 0 : i32
        %ne3A_1684 = arith.cmpi ne, %rem3A_1682, %ne3A_1683 : i32
        %lt3A_1685 = arith.constant 0 : i32
        %lt3A_1686 = arith.cmpi slt, %rem3A_1682, %lt3A_1685 : i32
        %lt3A_1687 = arith.constant 0 : i32
        %lt3A_1688 = arith.cmpi slt, %select_n3A_1681, %lt3A_1687 : i32
        %ne3A_1689 = arith.xori %lt3A_1686, %lt3A_1688 : i1
        %and3A_1690 = arith.andi %ne3A_1689, %ne3A_1684 : i1
        %add3A_1691 = arith.addi %rem3A_1682, %select_n3A_1681 : i32
        %select_n3A_1692 = arith.select %and3A_1690, %add3A_1691, %rem3A_1682 : i32
        %dma_wait3A_1693 = arith.constant 0 : i32
        %dma_wait3A_1694 = arith.constant 0 : i32
        %dma_wait3A_1695 = arith.constant 0 : i32
        %dma_wait3A_1696 = tpu.memref_slice %arg7[%select_n3A_1692, %dma_wait3A_1693, %dma_wait3A_1694, %dma_wait3A_1695] : memref<3x3x6x64xi32, #tpu.memory_space<vmem>> -> memref<1x3x6x64xi32, #tpu.memory_space<vmem>>
        %dma_wait3A_1697 = tpu.memref_squeeze %dma_wait3A_1696 : memref<1x3x6x64xi32, #tpu.memory_space<vmem>> -> memref<3x6x64xi32, #tpu.memory_space<vmem>>
        %dma_wait3A_1698 = arith.constant 0 : i32
        %dma_wait3A_1699 = arith.constant 0 : i32
        %dma_wait3A_1700 = arith.constant 0 : i32
        %dma_wait3A_1701 = tpu.memref_slice %arg4[%arg0, %arg1, %add3A_1676, %dma_wait3A_1698, %dma_wait3A_1699, %dma_wait3A_1700] : memref<2x16x53x3x6x64xi32, #tpu.memory_space<hbm>> -> memref<1x1x1x3x6x64xi32, #tpu.memory_space<hbm>>
        %dma_wait3A_1702 = tpu.memref_squeeze %dma_wait3A_1701 : memref<1x1x1x3x6x64xi32, #tpu.memory_space<hbm>> -> memref<3x6x64xi32, #tpu.memory_space<hbm>>
        %dma_wait3A_1703 = arith.constant 0 : i32
        %dma_wait3A_1704 = arith.constant 0 : i32
        %dma_wait3A_1705 = arith.constant 0 : i32
        %dma_wait3A_1706 = tpu.memref_slice %arg7[%select_n3A_1692, %dma_wait3A_1703, %dma_wait3A_1704, %dma_wait3A_1705] : memref<3x3x6x64xi32, #tpu.memory_space<vmem>> -> memref<1x3x6x64xi32, #tpu.memory_space<vmem>>
        %dma_wait3A_1707 = tpu.memref_squeeze %dma_wait3A_1706 : memref<1x3x6x64xi32, #tpu.memory_space<vmem>> -> memref<3x6x64xi32, #tpu.memory_space<vmem>>
        %dma_wait3A_1708 = arith.constant 0 : i32
        %dma_wait3A_1709 = arith.constant 0 : i32
        %dma_wait3A_1710 = arith.constant 0 : i32
        %dma_wait3A_1711 = tpu.memref_slice %arg4[%arg0, %arg1, %add3A_1676, %dma_wait3A_1708, %dma_wait3A_1709, %dma_wait3A_1710] : memref<2x16x53x3x6x64xi32, #tpu.memory_space<hbm>> -> memref<1x1x1x3x6x64xi32, #tpu.memory_space<hbm>>
        %dma_wait3A_1712 = tpu.memref_squeeze %dma_wait3A_1711 : memref<1x1x1x3x6x64xi32, #tpu.memory_space<hbm>> -> memref<3x6x64xi32, #tpu.memory_space<hbm>>
        tpu.wait_dma2 semaphore(%arg24 : memref<!tpu.dma_semaphore, #tpu.memory_space<semaphore_mem>>) src(%dma_wait3A_1712 : memref<3x6x64xi32, #tpu.memory_space<hbm>>) dst(%dma_wait3A_1707 : memref<3x6x64xi32, #tpu.memory_space<vmem>>)
      } else {
      }
      %eq3A_404 = arith.constant 2 : i32
      %eq3A_405 = arith.cmpi eq, %select_n3A_369, %eq3A_404 : i32
      %add3A_406 = arith.constant 2 : i32
      %add3A_407 = arith.addi %select_n3A_393, %add3A_406 : i32
      %lt3A_408 = arith.constant 53 : i32
      %lt3A_409 = arith.cmpi slt, %add3A_407, %lt3A_408 : i32
      %and3A_410 = arith.andi %eq3A_405, %lt3A_409 : i1
      %convert_element_type3A_411 = arith.extui %and3A_410 : i1 to i32
      %cond3A_412 = arith.constant 0 : i32
      %cond3A_413 = arith.cmpi ne, %convert_element_type3A_411, %cond3A_412 : i32
      scf.if %cond3A_413 {
        %add3A_1675 = arith.constant 2 : i32
        %add3A_1676 = arith.addi %select_n3A_393, %add3A_1675 : i32
        %jit3A_1677 = arith.constant 3 : i32
        %eq3A_1678 = arith.constant 0 : i32
        %eq3A_1679 = arith.cmpi eq, %jit3A_1677, %eq3A_1678 : i32
        %jit3A_1680 = arith.constant 1 : i32
        %select_n3A_1681 = arith.select %eq3A_1679, %jit3A_1680, %jit3A_1677 : i32
        %rem3A_1682 = arith.remsi %add3A_1676, %select_n3A_1681 : i32
        %ne3A_1683 = arith.constant 0 : i32
        %ne3A_1684 = arith.cmpi ne, %rem3A_1682, %ne3A_1683 : i32
        %lt3A_1685 = arith.constant 0 : i32
        %lt3A_1686 = arith.cmpi slt, %rem3A_1682, %lt3A_1685 : i32
        %lt3A_1687 = arith.constant 0 : i32
        %lt3A_1688 = arith.cmpi slt, %select_n3A_1681, %lt3A_1687 : i32
        %ne3A_1689 = arith.xori %lt3A_1686, %lt3A_1688 : i1
        %and3A_1690 = arith.andi %ne3A_1689, %ne3A_1684 : i1
        %add3A_1691 = arith.addi %rem3A_1682, %select_n3A_1681 : i32
        %select_n3A_1692 = arith.select %and3A_1690, %add3A_1691, %rem3A_1682 : i32
        %dma_start3A_1693 = arith.constant 0 : i32
        %dma_start3A_1694 = arith.constant 0 : i32
        %dma_start3A_1695 = arith.constant 0 : i32
        %dma_start3A_1696 = tpu.memref_slice %arg7[%select_n3A_1692, %dma_start3A_1693, %dma_start3A_1694, %dma_start3A_1695] : memref<3x3x6x64xi32, #tpu.memory_space<vmem>> -> memref<1x3x6x64xi32, #tpu.memory_space<vmem>>
        %dma_start3A_1697 = tpu.memref_squeeze %dma_start3A_1696 : memref<1x3x6x64xi32, #tpu.memory_space<vmem>> -> memref<3x6x64xi32, #tpu.memory_space<vmem>>
        %dma_start3A_1698 = arith.constant 0 : i32
        %dma_start3A_1699 = arith.constant 0 : i32
        %dma_start3A_1700 = arith.constant 0 : i32
        %dma_start3A_1701 = tpu.memref_slice %arg4[%arg0, %arg1, %add3A_1676, %dma_start3A_1698, %dma_start3A_1699, %dma_start3A_1700] : memref<2x16x53x3x6x64xi32, #tpu.memory_space<hbm>> -> memref<1x1x1x3x6x64xi32, #tpu.memory_space<hbm>>
        %dma_start3A_1702 = tpu.memref_squeeze %dma_start3A_1701 : memref<1x1x1x3x6x64xi32, #tpu.memory_space<hbm>> -> memref<3x6x64xi32, #tpu.memory_space<hbm>>
        %dma_start3A_1703 = arith.constant 0 : i32
        %dma_start3A_1704 = arith.constant 0 : i32
        %dma_start3A_1705 = arith.constant 0 : i32
        %dma_start3A_1706 = tpu.memref_slice %arg7[%select_n3A_1692, %dma_start3A_1703, %dma_start3A_1704, %dma_start3A_1705] : memref<3x3x6x64xi32, #tpu.memory_space<vmem>> -> memref<1x3x6x64xi32, #tpu.memory_space<vmem>>
        %dma_start3A_1707 = tpu.memref_squeeze %dma_start3A_1706 : memref<1x3x6x64xi32, #tpu.memory_space<vmem>> -> memref<3x6x64xi32, #tpu.memory_space<vmem>>
        %dma_start3A_1708 = arith.constant 0 : i32
        %dma_start3A_1709 = arith.constant 0 : i32
        %dma_start3A_1710 = arith.constant 0 : i32
        %dma_start3A_1711 = tpu.memref_slice %arg4[%arg0, %arg1, %add3A_1676, %dma_start3A_1708, %dma_start3A_1709, %dma_start3A_1710] : memref<2x16x53x3x6x64xi32, #tpu.memory_space<hbm>> -> memref<1x1x1x3x6x64xi32, #tpu.memory_space<hbm>>
        %dma_start3A_1712 = tpu.memref_squeeze %dma_start3A_1711 : memref<1x1x1x3x6x64xi32, #tpu.memory_space<hbm>> -> memref<3x6x64xi32, #tpu.memory_space<hbm>>
        tpu.enqueue_dma source(%dma_start3A_1712 : memref<3x6x64xi32, #tpu.memory_space<hbm>>) target(%dma_start3A_1707 : memref<3x6x64xi32, #tpu.memory_space<vmem>>) target_semaphore(%arg24 : memref<!tpu.dma_semaphore, #tpu.memory_space<semaphore_mem>>)
      } else {
      }
      %jit3A_414 = arith.constant 6 : i32
      %div3A_415 = arith.divsi %add3A_353, %jit3A_414 : i32
      %sign3A_416 = arith.constant 0 : i32
      %sign3A_417 = arith.cmpi sgt, %add3A_353, %sign3A_416 : i32
      %sign3A_418 = arith.extui %sign3A_417 : i1 to i32
      %sign3A_419 = arith.constant 0 : i32
      %sign3A_420 = arith.cmpi slt, %add3A_353, %sign3A_419 : i32
      %sign3A_421 = arith.extui %sign3A_420 : i1 to i32
      %sign3A_422 = arith.subi %sign3A_418, %sign3A_421 : i32
      %sign3A_423 = arith.constant 0 : i32
      %sign3A_424 = arith.cmpi sgt, %jit3A_414, %sign3A_423 : i32
      %sign3A_425 = arith.extui %sign3A_424 : i1 to i32
      %sign3A_426 = arith.constant 0 : i32
      %sign3A_427 = arith.cmpi slt, %jit3A_414, %sign3A_426 : i32
      %sign3A_428 = arith.extui %sign3A_427 : i1 to i32
      %sign3A_429 = arith.subi %sign3A_425, %sign3A_428 : i32
      %ne3A_430 = arith.cmpi ne, %sign3A_422, %sign3A_429 : i32
      %rem3A_431 = arith.remsi %add3A_353, %jit3A_414 : i32
      %ne3A_432 = arith.constant 0 : i32
      %ne3A_433 = arith.cmpi ne, %rem3A_431, %ne3A_432 : i32
      %and3A_434 = arith.andi %ne3A_430, %ne3A_433 : i1
      %sub3A_435 = arith.constant 1 : i32
      %sub3A_436 = arith.subi %div3A_415, %sub3A_435 : i32
      %select_n3A_437 = arith.select %and3A_434, %sub3A_436, %div3A_415 : i32
      %jit3A_438 = arith.constant 3 : i32
      %eq3A_439 = arith.constant 0 : i32
      %eq3A_440 = arith.cmpi eq, %jit3A_438, %eq3A_439 : i32
      %jit3A_441 = arith.constant 1 : i32
      %select_n3A_442 = arith.select %eq3A_440, %jit3A_441, %jit3A_438 : i32
      %rem3A_443 = arith.remsi %select_n3A_437, %select_n3A_442 : i32
      %ne3A_444 = arith.constant 0 : i32
      %ne3A_445 = arith.cmpi ne, %rem3A_443, %ne3A_444 : i32
      %lt3A_446 = arith.constant 0 : i32
      %lt3A_447 = arith.cmpi slt, %rem3A_443, %lt3A_446 : i32
      %lt3A_448 = arith.constant 0 : i32
      %lt3A_449 = arith.cmpi slt, %select_n3A_442, %lt3A_448 : i32
      %ne3A_450 = arith.xori %lt3A_447, %lt3A_449 : i1
      %and3A_451 = arith.andi %ne3A_450, %ne3A_445 : i1
      %add3A_452 = arith.addi %rem3A_443, %select_n3A_442 : i32
      %select_n3A_453 = arith.select %and3A_451, %add3A_452, %rem3A_443 : i32
      %jit3A_454 = arith.constant 6 : i32
      %eq3A_455 = arith.constant 0 : i32
      %eq3A_456 = arith.cmpi eq, %jit3A_454, %eq3A_455 : i32
      %jit3A_457 = arith.constant 1 : i32
      %select_n3A_458 = arith.select %eq3A_456, %jit3A_457, %jit3A_454 : i32
      %rem3A_459 = arith.remsi %add3A_353, %select_n3A_458 : i32
      %ne3A_460 = arith.constant 0 : i32
      %ne3A_461 = arith.cmpi ne, %rem3A_459, %ne3A_460 : i32
      %lt3A_462 = arith.constant 0 : i32
      %lt3A_463 = arith.cmpi slt, %rem3A_459, %lt3A_462 : i32
      %lt3A_464 = arith.constant 0 : i32
      %lt3A_465 = arith.cmpi slt, %select_n3A_458, %lt3A_464 : i32
      %ne3A_466 = arith.xori %lt3A_463, %lt3A_465 : i1
      %and3A_467 = arith.andi %ne3A_466, %ne3A_461 : i1
      %add3A_468 = arith.addi %rem3A_459, %select_n3A_458 : i32
      %select_n3A_469 = arith.select %and3A_467, %add3A_468, %rem3A_459 : i32
      %dma_wait3A_470 = arith.constant 0 : i32
      %dma_wait3A_471 = arith.constant 0 : i32
      %dma_wait3A_472 = tpu.memref_slice %arg7[%select_n3A_453, %dma_wait3A_470, %select_n3A_469, %dma_wait3A_471] : memref<3x3x6x64xi32, #tpu.memory_space<vmem>> -> memref<1x1x1x64xi32, #tpu.memory_space<vmem>>
      %dma_wait3A_473 = tpu.memref_squeeze %dma_wait3A_472 : memref<1x1x1x64xi32, #tpu.memory_space<vmem>> -> memref<64xi32, #tpu.memory_space<vmem>>
      %dma_wait3A_474 = arith.constant 0 : i32
      %dma_wait3A_475 = arith.constant 0 : i32
      %dma_wait3A_476 = tpu.memref_slice %arg3[%dma_wait3A_474, %dma_wait3A_475] : memref<20000x64xi32, #tpu.memory_space<hbm>> -> memref<20000x64xi32, #tpu.memory_space<hbm>>
      tpu.wait_indirect_dma semaphore(%arg17 : memref<!tpu.dma_semaphore, #tpu.memory_space<semaphore_mem>>) src(%dma_wait3A_476 : memref<20000x64xi32, #tpu.memory_space<hbm>>) dst(%arg9 : memref<64x64xi32, #tpu.memory_space<vmem>>)
      %ge3A_477 = arith.constant 2 : i32
      %ge3A_478 = arith.cmpi sge, %add3A_353, %ge3A_477 : i32
      %convert_element_type3A_479 = arith.extui %ge3A_478 : i1 to i32
      %cond3A_480 = arith.constant 0 : i32
      %cond3A_481 = arith.cmpi ne, %convert_element_type3A_479, %cond3A_480 : i32
      scf.if %cond3A_481 {
        %sub3A_1675 = arith.constant 2 : i32
        %sub3A_1676 = arith.subi %add3A_353, %sub3A_1675 : i32
        %jit3A_1677 = arith.constant 6 : i32
        %div3A_1678 = arith.divsi %sub3A_1676, %jit3A_1677 : i32
        %sign3A_1679 = arith.constant 0 : i32
        %sign3A_1680 = arith.cmpi sgt, %sub3A_1676, %sign3A_1679 : i32
        %sign3A_1681 = arith.extui %sign3A_1680 : i1 to i32
        %sign3A_1682 = arith.constant 0 : i32
        %sign3A_1683 = arith.cmpi slt, %sub3A_1676, %sign3A_1682 : i32
        %sign3A_1684 = arith.extui %sign3A_1683 : i1 to i32
        %sign3A_1685 = arith.subi %sign3A_1681, %sign3A_1684 : i32
        %sign3A_1686 = arith.constant 0 : i32
        %sign3A_1687 = arith.cmpi sgt, %jit3A_1677, %sign3A_1686 : i32
        %sign3A_1688 = arith.extui %sign3A_1687 : i1 to i32
        %sign3A_1689 = arith.constant 0 : i32
        %sign3A_1690 = arith.cmpi slt, %jit3A_1677, %sign3A_1689 : i32
        %sign3A_1691 = arith.extui %sign3A_1690 : i1 to i32
        %sign3A_1692 = arith.subi %sign3A_1688, %sign3A_1691 : i32
        %ne3A_1693 = arith.cmpi ne, %sign3A_1685, %sign3A_1692 : i32
        %rem3A_1694 = arith.remsi %sub3A_1676, %jit3A_1677 : i32
        %ne3A_1695 = arith.constant 0 : i32
        %ne3A_1696 = arith.cmpi ne, %rem3A_1694, %ne3A_1695 : i32
        %and3A_1697 = arith.andi %ne3A_1693, %ne3A_1696 : i1
        %sub3A_1698 = arith.constant 1 : i32
        %sub3A_1699 = arith.subi %div3A_1678, %sub3A_1698 : i32
        %select_n3A_1700 = arith.select %and3A_1697, %sub3A_1699, %div3A_1678 : i32
        %jit3A_1701 = arith.constant 3 : i32
        %eq3A_1702 = arith.constant 0 : i32
        %eq3A_1703 = arith.cmpi eq, %jit3A_1701, %eq3A_1702 : i32
        %jit3A_1704 = arith.constant 1 : i32
        %select_n3A_1705 = arith.select %eq3A_1703, %jit3A_1704, %jit3A_1701 : i32
        %rem3A_1706 = arith.remsi %select_n3A_1700, %select_n3A_1705 : i32
        %ne3A_1707 = arith.constant 0 : i32
        %ne3A_1708 = arith.cmpi ne, %rem3A_1706, %ne3A_1707 : i32
        %lt3A_1709 = arith.constant 0 : i32
        %lt3A_1710 = arith.cmpi slt, %rem3A_1706, %lt3A_1709 : i32
        %lt3A_1711 = arith.constant 0 : i32
        %lt3A_1712 = arith.cmpi slt, %select_n3A_1705, %lt3A_1711 : i32
        %ne3A_1713 = arith.xori %lt3A_1710, %lt3A_1712 : i1
        %and3A_1714 = arith.andi %ne3A_1713, %ne3A_1708 : i1
        %add3A_1715 = arith.addi %rem3A_1706, %select_n3A_1705 : i32
        %select_n3A_1716 = arith.select %and3A_1714, %add3A_1715, %rem3A_1706 : i32
        %jit3A_1717 = arith.constant 6 : i32
        %eq3A_1718 = arith.constant 0 : i32
        %eq3A_1719 = arith.cmpi eq, %jit3A_1717, %eq3A_1718 : i32
        %jit3A_1720 = arith.constant 1 : i32
        %select_n3A_1721 = arith.select %eq3A_1719, %jit3A_1720, %jit3A_1717 : i32
        %rem3A_1722 = arith.remsi %sub3A_1676, %select_n3A_1721 : i32
        %ne3A_1723 = arith.constant 0 : i32
        %ne3A_1724 = arith.cmpi ne, %rem3A_1722, %ne3A_1723 : i32
        %lt3A_1725 = arith.constant 0 : i32
        %lt3A_1726 = arith.cmpi slt, %rem3A_1722, %lt3A_1725 : i32
        %lt3A_1727 = arith.constant 0 : i32
        %lt3A_1728 = arith.cmpi slt, %select_n3A_1721, %lt3A_1727 : i32
        %ne3A_1729 = arith.xori %lt3A_1726, %lt3A_1728 : i1
        %and3A_1730 = arith.andi %ne3A_1729, %ne3A_1724 : i1
        %add3A_1731 = arith.addi %rem3A_1722, %select_n3A_1721 : i32
        %select_n3A_1732 = arith.select %and3A_1730, %add3A_1731, %rem3A_1722 : i32
        %dma_wait3A_1733 = arith.constant 1 : i32
        %dma_wait3A_1734 = arith.constant 0 : i32
        %dma_wait3A_1735 = tpu.memref_slice %arg7[%select_n3A_1716, %dma_wait3A_1733, %select_n3A_1732, %dma_wait3A_1734] : memref<3x3x6x64xi32, #tpu.memory_space<vmem>> -> memref<1x1x1x64xi32, #tpu.memory_space<vmem>>
        %dma_wait3A_1736 = tpu.memref_squeeze %dma_wait3A_1735 : memref<1x1x1x64xi32, #tpu.memory_space<vmem>> -> memref<64xi32, #tpu.memory_space<vmem>>
        %dma_wait3A_1737 = arith.constant 0 : i32
        %dma_wait3A_1738 = arith.constant 0 : i32
        %dma_wait3A_1739 = tpu.memref_slice %arg6[%dma_wait3A_1737, %dma_wait3A_1738] : memref<10000x128xf32, #tpu.memory_space<vmem_shared>> -> memref<10000x128xf32, #tpu.memory_space<vmem_shared>>
        tpu.wait_indirect_dma semaphore(%arg23 : memref<!tpu.dma_semaphore, #tpu.memory_space<semaphore_mem>>) src(%arg15 : memref<64x128xf32, #tpu.memory_space<vmem>>) dst(%dma_wait3A_1739 : memref<10000x128xf32, #tpu.memory_space<vmem_shared>>)
      } else {
      }
      %jit3A_482 = arith.constant 6 : i32
      %div3A_483 = arith.divsi %add3A_353, %jit3A_482 : i32
      %sign3A_484 = arith.constant 0 : i32
      %sign3A_485 = arith.cmpi sgt, %add3A_353, %sign3A_484 : i32
      %sign3A_486 = arith.extui %sign3A_485 : i1 to i32
      %sign3A_487 = arith.constant 0 : i32
      %sign3A_488 = arith.cmpi slt, %add3A_353, %sign3A_487 : i32
      %sign3A_489 = arith.extui %sign3A_488 : i1 to i32
      %sign3A_490 = arith.subi %sign3A_486, %sign3A_489 : i32
      %sign3A_491 = arith.constant 0 : i32
      %sign3A_492 = arith.cmpi sgt, %jit3A_482, %sign3A_491 : i32
      %sign3A_493 = arith.extui %sign3A_492 : i1 to i32
      %sign3A_494 = arith.constant 0 : i32
      %sign3A_495 = arith.cmpi slt, %jit3A_482, %sign3A_494 : i32
      %sign3A_496 = arith.extui %sign3A_495 : i1 to i32
      %sign3A_497 = arith.subi %sign3A_493, %sign3A_496 : i32
      %ne3A_498 = arith.cmpi ne, %sign3A_490, %sign3A_497 : i32
      %rem3A_499 = arith.remsi %add3A_353, %jit3A_482 : i32
      %ne3A_500 = arith.constant 0 : i32
      %ne3A_501 = arith.cmpi ne, %rem3A_499, %ne3A_500 : i32
      %and3A_502 = arith.andi %ne3A_498, %ne3A_501 : i1
      %sub3A_503 = arith.constant 1 : i32
      %sub3A_504 = arith.subi %div3A_483, %sub3A_503 : i32
      %select_n3A_505 = arith.select %and3A_502, %sub3A_504, %div3A_483 : i32
      %jit3A_506 = arith.constant 3 : i32
      %eq3A_507 = arith.constant 0 : i32
      %eq3A_508 = arith.cmpi eq, %jit3A_506, %eq3A_507 : i32
      %jit3A_509 = arith.constant 1 : i32
      %select_n3A_510 = arith.select %eq3A_508, %jit3A_509, %jit3A_506 : i32
      %rem3A_511 = arith.remsi %select_n3A_505, %select_n3A_510 : i32
      %ne3A_512 = arith.constant 0 : i32
      %ne3A_513 = arith.cmpi ne, %rem3A_511, %ne3A_512 : i32
      %lt3A_514 = arith.constant 0 : i32
      %lt3A_515 = arith.cmpi slt, %rem3A_511, %lt3A_514 : i32
      %lt3A_516 = arith.constant 0 : i32
      %lt3A_517 = arith.cmpi slt, %select_n3A_510, %lt3A_516 : i32
      %ne3A_518 = arith.xori %lt3A_515, %lt3A_517 : i1
      %and3A_519 = arith.andi %ne3A_518, %ne3A_513 : i1
      %add3A_520 = arith.addi %rem3A_511, %select_n3A_510 : i32
      %select_n3A_521 = arith.select %and3A_519, %add3A_520, %rem3A_511 : i32
      %broadcast_in_dim3A_522 = vector.broadcast %select_n3A_521 : i32 to vector<16xi32>
      %jit3A_523 = arith.constant 6 : i32
      %eq3A_524 = arith.constant 0 : i32
      %eq3A_525 = arith.cmpi eq, %jit3A_523, %eq3A_524 : i32
      %jit3A_526 = arith.constant 1 : i32
      %select_n3A_527 = arith.select %eq3A_525, %jit3A_526, %jit3A_523 : i32
      %rem3A_528 = arith.remsi %add3A_353, %select_n3A_527 : i32
      %ne3A_529 = arith.constant 0 : i32
      %ne3A_530 = arith.cmpi ne, %rem3A_528, %ne3A_529 : i32
      %lt3A_531 = arith.constant 0 : i32
      %lt3A_532 = arith.cmpi slt, %rem3A_528, %lt3A_531 : i32
      %lt3A_533 = arith.constant 0 : i32
      %lt3A_534 = arith.cmpi slt, %select_n3A_527, %lt3A_533 : i32
      %ne3A_535 = arith.xori %lt3A_532, %lt3A_534 : i1
      %and3A_536 = arith.andi %ne3A_535, %ne3A_530 : i1
      %add3A_537 = arith.addi %rem3A_528, %select_n3A_527 : i32
      %select_n3A_538 = arith.select %and3A_536, %add3A_537, %rem3A_528 : i32
      %broadcast_in_dim3A_539 = vector.broadcast %select_n3A_538 : i32 to vector<16xi32>
      %broadcast_in_dim3A_540 = arith.constant 2 : i32
      %broadcast_in_dim3A_541 = vector.broadcast %broadcast_in_dim3A_540 : i32 to vector<16xi32>
      %parallel_loop3A_542 = arith.constant 0 : i32
      %parallel_loop3A_543 = arith.constant 64 : i32
      %parallel_loop3A_544 = arith.constant 1 : i32
      scf.for %parallel_loop3A_1675 = %parallel_loop3A_542 to %parallel_loop3A_543 step %parallel_loop3A_544  : i32 {
        %parallel_loop3A_1676 = vector.broadcast %parallel_loop3A_1675 : i32 to vector<16xi32>
        %parallel_loop3A_1677 = tpu.vector_load_idx %arg7[%broadcast_in_dim3A_522, %broadcast_in_dim3A_541, %broadcast_in_dim3A_539, %parallel_loop3A_1676] : memref<3x3x6x64xi32, #tpu.memory_space<vmem>>[vector<16xi32>, vector<16xi32>, vector<16xi32>, vector<16xi32>], vector<16xi32>,
        %parallel_loop3A_1678 = vector.bitcast %parallel_loop3A_1677 : vector<16xi32> to vector<16xf32>
        %parallel_loop3A_1679 = arith.index_cast %parallel_loop3A_1675 : i32 to index
        %parallel_loop3A_1680 = arith.constant 0 : index
        %parallel_loop3A_1681 = tpu.vector_load %arg9[%parallel_loop3A_1679, %parallel_loop3A_1680] {strides = array<i32>} : memref<64x64xi32, #tpu.memory_space<vmem>>, vector<16xi32>,
        %parallel_loop3A_1682 = vector.bitcast %parallel_loop3A_1681 : vector<16xi32> to vector<32xbf16>
        %parallel_loop3A_1683 = tpu.unpack_subelements %parallel_loop3A_1682, 0 {pack_format = #tpu.pack_format<interleaved>} : vector<32xbf16> -> vector<16xf32>
        %parallel_loop3A_1684 = tpu.unpack_subelements %parallel_loop3A_1682, 1 {pack_format = #tpu.pack_format<interleaved>} : vector<32xbf16> -> vector<16xf32>
        %parallel_loop3A_1685 = arith.mulf %parallel_loop3A_1683, %parallel_loop3A_1678 : vector<16xf32>
        %parallel_loop3A_1686 = arith.index_cast %parallel_loop3A_1675 : i32 to index
        %parallel_loop3A_1687 = arith.constant 0 : index
        %parallel_loop3A_1688 = tpu.vector_load %arg15[%parallel_loop3A_1686, %parallel_loop3A_1687] {strides = array<i32>} : memref<64x128xf32, #tpu.memory_space<vmem>>, vector<16xf32>,
        tpu.vector_store %arg15[%parallel_loop3A_1686, %parallel_loop3A_1687], %parallel_loop3A_1685 {strides = array<i32>} : memref<64x128xf32, #tpu.memory_space<vmem>>, vector<16xf32>,
        %parallel_loop3A_1689 = arith.mulf %parallel_loop3A_1684, %parallel_loop3A_1678 : vector<16xf32>
        %parallel_loop3A_1690 = arith.index_cast %parallel_loop3A_1675 : i32 to index
        %parallel_loop3A_1691 = arith.constant 16 : index
        %parallel_loop3A_1692 = tpu.vector_load %arg15[%parallel_loop3A_1690, %parallel_loop3A_1691] {strides = array<i32>} : memref<64x128xf32, #tpu.memory_space<vmem>>, vector<16xf32>,
        tpu.vector_store %arg15[%parallel_loop3A_1690, %parallel_loop3A_1691], %parallel_loop3A_1689 {strides = array<i32>} : memref<64x128xf32, #tpu.memory_space<vmem>>, vector<16xf32>,
        %parallel_loop3A_1693 = arith.index_cast %parallel_loop3A_1675 : i32 to index
        %parallel_loop3A_1694 = arith.constant 16 : index
        %parallel_loop3A_1695 = tpu.vector_load %arg9[%parallel_loop3A_1693, %parallel_loop3A_1694] {strides = array<i32>} : memref<64x64xi32, #tpu.memory_space<vmem>>, vector<16xi32>,
        %parallel_loop3A_1696 = vector.bitcast %parallel_loop3A_1695 : vector<16xi32> to vector<32xbf16>
        %parallel_loop3A_1697 = tpu.unpack_subelements %parallel_loop3A_1696, 0 {pack_format = #tpu.pack_format<interleaved>} : vector<32xbf16> -> vector<16xf32>
        %parallel_loop3A_1698 = tpu.unpack_subelements %parallel_loop3A_1696, 1 {pack_format = #tpu.pack_format<interleaved>} : vector<32xbf16> -> vector<16xf32>
        %parallel_loop3A_1699 = arith.mulf %parallel_loop3A_1697, %parallel_loop3A_1678 : vector<16xf32>
        %parallel_loop3A_1700 = arith.index_cast %parallel_loop3A_1675 : i32 to index
        %parallel_loop3A_1701 = arith.constant 32 : index
        %parallel_loop3A_1702 = tpu.vector_load %arg15[%parallel_loop3A_1700, %parallel_loop3A_1701] {strides = array<i32>} : memref<64x128xf32, #tpu.memory_space<vmem>>, vector<16xf32>,
        tpu.vector_store %arg15[%parallel_loop3A_1700, %parallel_loop3A_1701], %parallel_loop3A_1699 {strides = array<i32>} : memref<64x128xf32, #tpu.memory_space<vmem>>, vector<16xf32>,
        %parallel_loop3A_1703 = arith.mulf %parallel_loop3A_1698, %parallel_loop3A_1678 : vector<16xf32>
        %parallel_loop3A_1704 = arith.index_cast %parallel_loop3A_1675 : i32 to index
        %parallel_loop3A_1705 = arith.constant 48 : index
        %parallel_loop3A_1706 = tpu.vector_load %arg15[%parallel_loop3A_1704, %parallel_loop3A_1705] {strides = array<i32>} : memref<64x128xf32, #tpu.memory_space<vmem>>, vector<16xf32>,
        tpu.vector_store %arg15[%parallel_loop3A_1704, %parallel_loop3A_1705], %parallel_loop3A_1703 {strides = array<i32>} : memref<64x128xf32, #tpu.memory_space<vmem>>, vector<16xf32>,
        %parallel_loop3A_1707 = arith.index_cast %parallel_loop3A_1675 : i32 to index
        %parallel_loop3A_1708 = arith.constant 32 : index
        %parallel_loop3A_1709 = tpu.vector_load %arg9[%parallel_loop3A_1707, %parallel_loop3A_1708] {strides = array<i32>} : memref<64x64xi32, #tpu.memory_space<vmem>>, vector<16xi32>,
        %parallel_loop3A_1710 = vector.bitcast %parallel_loop3A_1709 : vector<16xi32> to vector<32xbf16>
        %parallel_loop3A_1711 = tpu.unpack_subelements %parallel_loop3A_1710, 0 {pack_format = #tpu.pack_format<interleaved>} : vector<32xbf16> -> vector<16xf32>
        %parallel_loop3A_1712 = tpu.unpack_subelements %parallel_loop3A_1710, 1 {pack_format = #tpu.pack_format<interleaved>} : vector<32xbf16> -> vector<16xf32>
        %parallel_loop3A_1713 = arith.mulf %parallel_loop3A_1711, %parallel_loop3A_1678 : vector<16xf32>
        %parallel_loop3A_1714 = arith.index_cast %parallel_loop3A_1675 : i32 to index
        %parallel_loop3A_1715 = arith.constant 64 : index
        %parallel_loop3A_1716 = tpu.vector_load %arg15[%parallel_loop3A_1714, %parallel_loop3A_1715] {strides = array<i32>} : memref<64x128xf32, #tpu.memory_space<vmem>>, vector<16xf32>,
        tpu.vector_store %arg15[%parallel_loop3A_1714, %parallel_loop3A_1715], %parallel_loop3A_1713 {strides = array<i32>} : memref<64x128xf32, #tpu.memory_space<vmem>>, vector<16xf32>,
        %parallel_loop3A_1717 = arith.mulf %parallel_loop3A_1712, %parallel_loop3A_1678 : vector<16xf32>
        %parallel_loop3A_1718 = arith.index_cast %parallel_loop3A_1675 : i32 to index
        %parallel_loop3A_1719 = arith.constant 80 : index
        %parallel_loop3A_1720 = tpu.vector_load %arg15[%parallel_loop3A_1718, %parallel_loop3A_1719] {strides = array<i32>} : memref<64x128xf32, #tpu.memory_space<vmem>>, vector<16xf32>,
        tpu.vector_store %arg15[%parallel_loop3A_1718, %parallel_loop3A_1719], %parallel_loop3A_1717 {strides = array<i32>} : memref<64x128xf32, #tpu.memory_space<vmem>>, vector<16xf32>,
        %parallel_loop3A_1721 = arith.index_cast %parallel_loop3A_1675 : i32 to index
        %parallel_loop3A_1722 = arith.constant 48 : index
        %parallel_loop3A_1723 = tpu.vector_load %arg9[%parallel_loop3A_1721, %parallel_loop3A_1722] {strides = array<i32>} : memref<64x64xi32, #tpu.memory_space<vmem>>, vector<16xi32>,
        %parallel_loop3A_1724 = vector.bitcast %parallel_loop3A_1723 : vector<16xi32> to vector<32xbf16>
        %parallel_loop3A_1725 = tpu.unpack_subelements %parallel_loop3A_1724, 0 {pack_format = #tpu.pack_format<interleaved>} : vector<32xbf16> -> vector<16xf32>
        %parallel_loop3A_1726 = tpu.unpack_subelements %parallel_loop3A_1724, 1 {pack_format = #tpu.pack_format<interleaved>} : vector<32xbf16> -> vector<16xf32>
        %parallel_loop3A_1727 = arith.mulf %parallel_loop3A_1725, %parallel_loop3A_1678 : vector<16xf32>
        %parallel_loop3A_1728 = arith.index_cast %parallel_loop3A_1675 : i32 to index
        %parallel_loop3A_1729 = arith.constant 96 : index
        %parallel_loop3A_1730 = tpu.vector_load %arg15[%parallel_loop3A_1728, %parallel_loop3A_1729] {strides = array<i32>} : memref<64x128xf32, #tpu.memory_space<vmem>>, vector<16xf32>,
        tpu.vector_store %arg15[%parallel_loop3A_1728, %parallel_loop3A_1729], %parallel_loop3A_1727 {strides = array<i32>} : memref<64x128xf32, #tpu.memory_space<vmem>>, vector<16xf32>,
        %parallel_loop3A_1731 = arith.mulf %parallel_loop3A_1726, %parallel_loop3A_1678 : vector<16xf32>
        %parallel_loop3A_1732 = arith.index_cast %parallel_loop3A_1675 : i32 to index
        %parallel_loop3A_1733 = arith.constant 112 : index
        %parallel_loop3A_1734 = tpu.vector_load %arg15[%parallel_loop3A_1732, %parallel_loop3A_1733] {strides = array<i32>} : memref<64x128xf32, #tpu.memory_space<vmem>>, vector<16xf32>,
        tpu.vector_store %arg15[%parallel_loop3A_1732, %parallel_loop3A_1733], %parallel_loop3A_1731 {strides = array<i32>} : memref<64x128xf32, #tpu.memory_space<vmem>>, vector<16xf32>,
      } {sc.loop_unroll_factor = 4 : i64, sc.parallel_access}
      %add3A_545 = arith.constant 6 : i32
      %add3A_546 = arith.addi %add3A_353, %add3A_545 : i32
      %lt3A_547 = arith.constant 318 : i32
      %lt3A_548 = arith.cmpi slt, %add3A_546, %lt3A_547 : i32
      %convert_element_type3A_549 = arith.extui %lt3A_548 : i1 to i32
      %cond3A_550 = arith.constant 0 : i32
      %cond3A_551 = arith.cmpi ne, %convert_element_type3A_549, %cond3A_550 : i32
      scf.if %cond3A_551 {
        %add3A_1675 = arith.constant 6 : i32
        %add3A_1676 = arith.addi %add3A_353, %add3A_1675 : i32
        %jit3A_1677 = arith.constant 6 : i32
        %div3A_1678 = arith.divsi %add3A_1676, %jit3A_1677 : i32
        %sign3A_1679 = arith.constant 0 : i32
        %sign3A_1680 = arith.cmpi sgt, %add3A_1676, %sign3A_1679 : i32
        %sign3A_1681 = arith.extui %sign3A_1680 : i1 to i32
        %sign3A_1682 = arith.constant 0 : i32
        %sign3A_1683 = arith.cmpi slt, %add3A_1676, %sign3A_1682 : i32
        %sign3A_1684 = arith.extui %sign3A_1683 : i1 to i32
        %sign3A_1685 = arith.subi %sign3A_1681, %sign3A_1684 : i32
        %sign3A_1686 = arith.constant 0 : i32
        %sign3A_1687 = arith.cmpi sgt, %jit3A_1677, %sign3A_1686 : i32
        %sign3A_1688 = arith.extui %sign3A_1687 : i1 to i32
        %sign3A_1689 = arith.constant 0 : i32
        %sign3A_1690 = arith.cmpi slt, %jit3A_1677, %sign3A_1689 : i32
        %sign3A_1691 = arith.extui %sign3A_1690 : i1 to i32
        %sign3A_1692 = arith.subi %sign3A_1688, %sign3A_1691 : i32
        %ne3A_1693 = arith.cmpi ne, %sign3A_1685, %sign3A_1692 : i32
        %rem3A_1694 = arith.remsi %add3A_1676, %jit3A_1677 : i32
        %ne3A_1695 = arith.constant 0 : i32
        %ne3A_1696 = arith.cmpi ne, %rem3A_1694, %ne3A_1695 : i32
        %and3A_1697 = arith.andi %ne3A_1693, %ne3A_1696 : i1
        %sub3A_1698 = arith.constant 1 : i32
        %sub3A_1699 = arith.subi %div3A_1678, %sub3A_1698 : i32
        %select_n3A_1700 = arith.select %and3A_1697, %sub3A_1699, %div3A_1678 : i32
        %jit3A_1701 = arith.constant 3 : i32
        %eq3A_1702 = arith.constant 0 : i32
        %eq3A_1703 = arith.cmpi eq, %jit3A_1701, %eq3A_1702 : i32
        %jit3A_1704 = arith.constant 1 : i32
        %select_n3A_1705 = arith.select %eq3A_1703, %jit3A_1704, %jit3A_1701 : i32
        %rem3A_1706 = arith.remsi %select_n3A_1700, %select_n3A_1705 : i32
        %ne3A_1707 = arith.constant 0 : i32
        %ne3A_1708 = arith.cmpi ne, %rem3A_1706, %ne3A_1707 : i32
        %lt3A_1709 = arith.constant 0 : i32
        %lt3A_1710 = arith.cmpi slt, %rem3A_1706, %lt3A_1709 : i32
        %lt3A_1711 = arith.constant 0 : i32
        %lt3A_1712 = arith.cmpi slt, %select_n3A_1705, %lt3A_1711 : i32
        %ne3A_1713 = arith.xori %lt3A_1710, %lt3A_1712 : i1
        %and3A_1714 = arith.andi %ne3A_1713, %ne3A_1708 : i1
        %add3A_1715 = arith.addi %rem3A_1706, %select_n3A_1705 : i32
        %select_n3A_1716 = arith.select %and3A_1714, %add3A_1715, %rem3A_1706 : i32
        %jit3A_1717 = arith.constant 6 : i32
        %eq3A_1718 = arith.constant 0 : i32
        %eq3A_1719 = arith.cmpi eq, %jit3A_1717, %eq3A_1718 : i32
        %jit3A_1720 = arith.constant 1 : i32
        %select_n3A_1721 = arith.select %eq3A_1719, %jit3A_1720, %jit3A_1717 : i32
        %rem3A_1722 = arith.remsi %add3A_1676, %select_n3A_1721 : i32
        %ne3A_1723 = arith.constant 0 : i32
        %ne3A_1724 = arith.cmpi ne, %rem3A_1722, %ne3A_1723 : i32
        %lt3A_1725 = arith.constant 0 : i32
        %lt3A_1726 = arith.cmpi slt, %rem3A_1722, %lt3A_1725 : i32
        %lt3A_1727 = arith.constant 0 : i32
        %lt3A_1728 = arith.cmpi slt, %select_n3A_1721, %lt3A_1727 : i32
        %ne3A_1729 = arith.xori %lt3A_1726, %lt3A_1728 : i1
        %and3A_1730 = arith.andi %ne3A_1729, %ne3A_1724 : i1
        %add3A_1731 = arith.addi %rem3A_1722, %select_n3A_1721 : i32
        %select_n3A_1732 = arith.select %and3A_1730, %add3A_1731, %rem3A_1722 : i32
        %dma_start3A_1733 = arith.constant 0 : i32
        %dma_start3A_1734 = arith.constant 0 : i32
        %dma_start3A_1735 = tpu.memref_slice %arg7[%select_n3A_1716, %dma_start3A_1733, %select_n3A_1732, %dma_start3A_1734] : memref<3x3x6x64xi32, #tpu.memory_space<vmem>> -> memref<1x1x1x64xi32, #tpu.memory_space<vmem>>
        %dma_start3A_1736 = tpu.memref_squeeze %dma_start3A_1735 : memref<1x1x1x64xi32, #tpu.memory_space<vmem>> -> memref<64xi32, #tpu.memory_space<vmem>>
        %dma_start3A_1737 = arith.constant 0 : i32
        %dma_start3A_1738 = arith.constant 0 : i32
        %dma_start3A_1739 = tpu.memref_slice %arg3[%dma_start3A_1737, %dma_start3A_1738] : memref<20000x64xi32, #tpu.memory_space<hbm>> -> memref<20000x64xi32, #tpu.memory_space<hbm>>
        tpu.enqueue_indirect_dma source(%dma_start3A_1739 : memref<20000x64xi32, #tpu.memory_space<hbm>>) target(%arg9 : memref<64x64xi32, #tpu.memory_space<vmem>>) offsets(%dma_start3A_1736 : memref<64xi32, #tpu.memory_space<vmem>>) semaphore(%arg17 : memref<!tpu.dma_semaphore, #tpu.memory_space<semaphore_mem>>)
      } else {
      }
      %jit3A_552 = arith.constant 6 : i32
      %div3A_553 = arith.divsi %add3A_353, %jit3A_552 : i32
      %sign3A_554 = arith.constant 0 : i32
      %sign3A_555 = arith.cmpi sgt, %add3A_353, %sign3A_554 : i32
      %sign3A_556 = arith.extui %sign3A_555 : i1 to i32
      %sign3A_557 = arith.constant 0 : i32
      %sign3A_558 = arith.cmpi slt, %add3A_353, %sign3A_557 : i32
      %sign3A_559 = arith.extui %sign3A_558 : i1 to i32
      %sign3A_560 = arith.subi %sign3A_556, %sign3A_559 : i32
      %sign3A_561 = arith.constant 0 : i32
      %sign3A_562 = arith.cmpi sgt, %jit3A_552, %sign3A_561 : i32
      %sign3A_563 = arith.extui %sign3A_562 : i1 to i32
      %sign3A_564 = arith.constant 0 : i32
      %sign3A_565 = arith.cmpi slt, %jit3A_552, %sign3A_564 : i32
      %sign3A_566 = arith.extui %sign3A_565 : i1 to i32
      %sign3A_567 = arith.subi %sign3A_563, %sign3A_566 : i32
      %ne3A_568 = arith.cmpi ne, %sign3A_560, %sign3A_567 : i32
      %rem3A_569 = arith.remsi %add3A_353, %jit3A_552 : i32
      %ne3A_570 = arith.constant 0 : i32
      %ne3A_571 = arith.cmpi ne, %rem3A_569, %ne3A_570 : i32
      %and3A_572 = arith.andi %ne3A_568, %ne3A_571 : i1
      %sub3A_573 = arith.constant 1 : i32
      %sub3A_574 = arith.subi %div3A_553, %sub3A_573 : i32
      %select_n3A_575 = arith.select %and3A_572, %sub3A_574, %div3A_553 : i32
      %jit3A_576 = arith.constant 3 : i32
      %eq3A_577 = arith.constant 0 : i32
      %eq3A_578 = arith.cmpi eq, %jit3A_576, %eq3A_577 : i32
      %jit3A_579 = arith.constant 1 : i32
      %select_n3A_580 = arith.select %eq3A_578, %jit3A_579, %jit3A_576 : i32
      %rem3A_581 = arith.remsi %select_n3A_575, %select_n3A_580 : i32
      %ne3A_582 = arith.constant 0 : i32
      %ne3A_583 = arith.cmpi ne, %rem3A_581, %ne3A_582 : i32
      %lt3A_584 = arith.constant 0 : i32
      %lt3A_585 = arith.cmpi slt, %rem3A_581, %lt3A_584 : i32
      %lt3A_586 = arith.constant 0 : i32
      %lt3A_587 = arith.cmpi slt, %select_n3A_580, %lt3A_586 : i32
      %ne3A_588 = arith.xori %lt3A_585, %lt3A_587 : i1
      %and3A_589 = arith.andi %ne3A_588, %ne3A_583 : i1
      %add3A_590 = arith.addi %rem3A_581, %select_n3A_580 : i32
      %select_n3A_591 = arith.select %and3A_589, %add3A_590, %rem3A_581 : i32
      %jit3A_592 = arith.constant 6 : i32
      %eq3A_593 = arith.constant 0 : i32
      %eq3A_594 = arith.cmpi eq, %jit3A_592, %eq3A_593 : i32
      %jit3A_595 = arith.constant 1 : i32
      %select_n3A_596 = arith.select %eq3A_594, %jit3A_595, %jit3A_592 : i32
      %rem3A_597 = arith.remsi %add3A_353, %select_n3A_596 : i32
      %ne3A_598 = arith.constant 0 : i32
      %ne3A_599 = arith.cmpi ne, %rem3A_597, %ne3A_598 : i32
      %lt3A_600 = arith.constant 0 : i32
      %lt3A_601 = arith.cmpi slt, %rem3A_597, %lt3A_600 : i32
      %lt3A_602 = arith.constant 0 : i32
      %lt3A_603 = arith.cmpi slt, %select_n3A_596, %lt3A_602 : i32
      %ne3A_604 = arith.xori %lt3A_601, %lt3A_603 : i1
      %and3A_605 = arith.andi %ne3A_604, %ne3A_599 : i1
      %add3A_606 = arith.addi %rem3A_597, %select_n3A_596 : i32
      %select_n3A_607 = arith.select %and3A_605, %add3A_606, %rem3A_597 : i32
      %dma_start3A_608 = arith.constant 1 : i32
      %dma_start3A_609 = arith.constant 0 : i32
      %dma_start3A_610 = tpu.memref_slice %arg7[%select_n3A_591, %dma_start3A_608, %select_n3A_607, %dma_start3A_609] : memref<3x3x6x64xi32, #tpu.memory_space<vmem>> -> memref<1x1x1x64xi32, #tpu.memory_space<vmem>>
      %dma_start3A_611 = tpu.memref_squeeze %dma_start3A_610 : memref<1x1x1x64xi32, #tpu.memory_space<vmem>> -> memref<64xi32, #tpu.memory_space<vmem>>
      %dma_start3A_612 = arith.constant 0 : i32
      %dma_start3A_613 = arith.constant 0 : i32
      %dma_start3A_614 = tpu.memref_slice %arg6[%dma_start3A_612, %dma_start3A_613] : memref<10000x128xf32, #tpu.memory_space<vmem_shared>> -> memref<10000x128xf32, #tpu.memory_space<vmem_shared>>
      tpu.enqueue_indirect_dma source(%arg15 : memref<64x128xf32, #tpu.memory_space<vmem>>) target(%dma_start3A_614 : memref<10000x128xf32, #tpu.memory_space<vmem_shared>>) offsets(%dma_start3A_611 : memref<64xi32, #tpu.memory_space<vmem>>) semaphore(%arg23 : memref<!tpu.dma_semaphore, #tpu.memory_space<semaphore_mem>>) {add = true}
      %mul3A_615 = arith.constant 6 : i32
      %mul3A_616 = arith.muli %mul3A_615, %scan3A_100 : i32
      %add3A_617 = arith.constant 2 : i32
      %add3A_618 = arith.addi %mul3A_616, %add3A_617 : i32
      %jit3A_619 = arith.constant 6 : i32
      %eq3A_620 = arith.constant 0 : i32
      %eq3A_621 = arith.cmpi eq, %jit3A_619, %eq3A_620 : i32
      %jit3A_622 = arith.constant 1 : i32
      %select_n3A_623 = arith.select %eq3A_621, %jit3A_622, %jit3A_619 : i32
      %rem3A_624 = arith.remsi %add3A_618, %select_n3A_623 : i32
      %ne3A_625 = arith.constant 0 : i32
      %ne3A_626 = arith.cmpi ne, %rem3A_624, %ne3A_625 : i32
      %lt3A_627 = arith.constant 0 : i32
      %lt3A_628 = arith.cmpi slt, %rem3A_624, %lt3A_627 : i32
      %lt3A_629 = arith.constant 0 : i32
      %lt3A_630 = arith.cmpi slt, %select_n3A_623, %lt3A_629 : i32
      %ne3A_631 = arith.xori %lt3A_628, %lt3A_630 : i1
      %and3A_632 = arith.andi %ne3A_631, %ne3A_626 : i1
      %add3A_633 = arith.addi %rem3A_624, %select_n3A_623 : i32
      %select_n3A_634 = arith.select %and3A_632, %add3A_633, %rem3A_624 : i32
      %jit3A_635 = arith.constant 6 : i32
      %div3A_636 = arith.divsi %add3A_618, %jit3A_635 : i32
      %sign3A_637 = arith.constant 0 : i32
      %sign3A_638 = arith.cmpi sgt, %add3A_618, %sign3A_637 : i32
      %sign3A_639 = arith.extui %sign3A_638 : i1 to i32
      %sign3A_640 = arith.constant 0 : i32
      %sign3A_641 = arith.cmpi slt, %add3A_618, %sign3A_640 : i32
      %sign3A_642 = arith.extui %sign3A_641 : i1 to i32
      %sign3A_643 = arith.subi %sign3A_639, %sign3A_642 : i32
      %sign3A_644 = arith.constant 0 : i32
      %sign3A_645 = arith.cmpi sgt, %jit3A_635, %sign3A_644 : i32
      %sign3A_646 = arith.extui %sign3A_645 : i1 to i32
      %sign3A_647 = arith.constant 0 : i32
      %sign3A_648 = arith.cmpi slt, %jit3A_635, %sign3A_647 : i32
      %sign3A_649 = arith.extui %sign3A_648 : i1 to i32
      %sign3A_650 = arith.subi %sign3A_646, %sign3A_649 : i32
      %ne3A_651 = arith.cmpi ne, %sign3A_643, %sign3A_650 : i32
      %rem3A_652 = arith.remsi %add3A_618, %jit3A_635 : i32
      %ne3A_653 = arith.constant 0 : i32
      %ne3A_654 = arith.cmpi ne, %rem3A_652, %ne3A_653 : i32
      %and3A_655 = arith.andi %ne3A_651, %ne3A_654 : i1
      %sub3A_656 = arith.constant 1 : i32
      %sub3A_657 = arith.subi %div3A_636, %sub3A_656 : i32
      %select_n3A_658 = arith.select %and3A_655, %sub3A_657, %div3A_636 : i32
      %eq3A_659 = arith.constant 0 : i32
      %eq3A_660 = arith.cmpi eq, %select_n3A_634, %eq3A_659 : i32
      %add3A_661 = arith.constant 1 : i32
      %add3A_662 = arith.addi %select_n3A_658, %add3A_661 : i32
      %lt3A_663 = arith.constant 53 : i32
      %lt3A_664 = arith.cmpi slt, %add3A_662, %lt3A_663 : i32
      %and3A_665 = arith.andi %eq3A_660, %lt3A_664 : i1
      %convert_element_type3A_666 = arith.extui %and3A_665 : i1 to i32
      %cond3A_667 = arith.constant 0 : i32
      %cond3A_668 = arith.cmpi ne, %convert_element_type3A_666, %cond3A_667 : i32
      scf.if %cond3A_668 {
        %add3A_1675 = arith.constant 1 : i32
        %add3A_1676 = arith.addi %select_n3A_658, %add3A_1675 : i32
        %jit3A_1677 = arith.constant 3 : i32
        %eq3A_1678 = arith.constant 0 : i32
        %eq3A_1679 = arith.cmpi eq, %jit3A_1677, %eq3A_1678 : i32
        %jit3A_1680 = arith.constant 1 : i32
        %select_n3A_1681 = arith.select %eq3A_1679, %jit3A_1680, %jit3A_1677 : i32
        %rem3A_1682 = arith.remsi %add3A_1676, %select_n3A_1681 : i32
        %ne3A_1683 = arith.constant 0 : i32
        %ne3A_1684 = arith.cmpi ne, %rem3A_1682, %ne3A_1683 : i32
        %lt3A_1685 = arith.constant 0 : i32
        %lt3A_1686 = arith.cmpi slt, %rem3A_1682, %lt3A_1685 : i32
        %lt3A_1687 = arith.constant 0 : i32
        %lt3A_1688 = arith.cmpi slt, %select_n3A_1681, %lt3A_1687 : i32
        %ne3A_1689 = arith.xori %lt3A_1686, %lt3A_1688 : i1
        %and3A_1690 = arith.andi %ne3A_1689, %ne3A_1684 : i1
        %add3A_1691 = arith.addi %rem3A_1682, %select_n3A_1681 : i32
        %select_n3A_1692 = arith.select %and3A_1690, %add3A_1691, %rem3A_1682 : i32
        %dma_wait3A_1693 = arith.constant 0 : i32
        %dma_wait3A_1694 = arith.constant 0 : i32
        %dma_wait3A_1695 = arith.constant 0 : i32
        %dma_wait3A_1696 = tpu.memref_slice %arg7[%select_n3A_1692, %dma_wait3A_1693, %dma_wait3A_1694, %dma_wait3A_1695] : memref<3x3x6x64xi32, #tpu.memory_space<vmem>> -> memref<1x3x6x64xi32, #tpu.memory_space<vmem>>
        %dma_wait3A_1697 = tpu.memref_squeeze %dma_wait3A_1696 : memref<1x3x6x64xi32, #tpu.memory_space<vmem>> -> memref<3x6x64xi32, #tpu.memory_space<vmem>>
        %dma_wait3A_1698 = arith.constant 0 : i32
        %dma_wait3A_1699 = arith.constant 0 : i32
        %dma_wait3A_1700 = arith.constant 0 : i32
        %dma_wait3A_1701 = tpu.memref_slice %arg4[%arg0, %arg1, %add3A_1676, %dma_wait3A_1698, %dma_wait3A_1699, %dma_wait3A_1700] : memref<2x16x53x3x6x64xi32, #tpu.memory_space<hbm>> -> memref<1x1x1x3x6x64xi32, #tpu.memory_space<hbm>>
        %dma_wait3A_1702 = tpu.memref_squeeze %dma_wait3A_1701 : memref<1x1x1x3x6x64xi32, #tpu.memory_space<hbm>> -> memref<3x6x64xi32, #tpu.memory_space<hbm>>
        %dma_wait3A_1703 = arith.constant 0 : i32
        %dma_wait3A_1704 = arith.constant 0 : i32
        %dma_wait3A_1705 = arith.constant 0 : i32
        %dma_wait3A_1706 = tpu.memref_slice %arg7[%select_n3A_1692, %dma_wait3A_1703, %dma_wait3A_1704, %dma_wait3A_1705] : memref<3x3x6x64xi32, #tpu.memory_space<vmem>> -> memref<1x3x6x64xi32, #tpu.memory_space<vmem>>
        %dma_wait3A_1707 = tpu.memref_squeeze %dma_wait3A_1706 : memref<1x3x6x64xi32, #tpu.memory_space<vmem>> -> memref<3x6x64xi32, #tpu.memory_space<vmem>>
        %dma_wait3A_1708 = arith.constant 0 : i32
        %dma_wait3A_1709 = arith.constant 0 : i32
        %dma_wait3A_1710 = arith.constant 0 : i32
        %dma_wait3A_1711 = tpu.memref_slice %arg4[%arg0, %arg1, %add3A_1676, %dma_wait3A_1708, %dma_wait3A_1709, %dma_wait3A_1710] : memref<2x16x53x3x6x64xi32, #tpu.memory_space<hbm>> -> memref<1x1x1x3x6x64xi32, #tpu.memory_space<hbm>>
        %dma_wait3A_1712 = tpu.memref_squeeze %dma_wait3A_1711 : memref<1x1x1x3x6x64xi32, #tpu.memory_space<hbm>> -> memref<3x6x64xi32, #tpu.memory_space<hbm>>
        tpu.wait_dma2 semaphore(%arg24 : memref<!tpu.dma_semaphore, #tpu.memory_space<semaphore_mem>>) src(%dma_wait3A_1712 : memref<3x6x64xi32, #tpu.memory_space<hbm>>) dst(%dma_wait3A_1707 : memref<3x6x64xi32, #tpu.memory_space<vmem>>)
      } else {
      }
      %eq3A_669 = arith.constant 2 : i32
      %eq3A_670 = arith.cmpi eq, %select_n3A_634, %eq3A_669 : i32
      %add3A_671 = arith.constant 2 : i32
      %add3A_672 = arith.addi %select_n3A_658, %add3A_671 : i32
      %lt3A_673 = arith.constant 53 : i32
      %lt3A_674 = arith.cmpi slt, %add3A_672, %lt3A_673 : i32
      %and3A_675 = arith.andi %eq3A_670, %lt3A_674 : i1
      %convert_element_type3A_676 = arith.extui %and3A_675 : i1 to i32
      %cond3A_677 = arith.constant 0 : i32
      %cond3A_678 = arith.cmpi ne, %convert_element_type3A_676, %cond3A_677 : i32
      scf.if %cond3A_678 {
        %add3A_1675 = arith.constant 2 : i32
        %add3A_1676 = arith.addi %select_n3A_658, %add3A_1675 : i32
        %jit3A_1677 = arith.constant 3 : i32
        %eq3A_1678 = arith.constant 0 : i32
        %eq3A_1679 = arith.cmpi eq, %jit3A_1677, %eq3A_1678 : i32
        %jit3A_1680 = arith.constant 1 : i32
        %select_n3A_1681 = arith.select %eq3A_1679, %jit3A_1680, %jit3A_1677 : i32
        %rem3A_1682 = arith.remsi %add3A_1676, %select_n3A_1681 : i32
        %ne3A_1683 = arith.constant 0 : i32
        %ne3A_1684 = arith.cmpi ne, %rem3A_1682, %ne3A_1683 : i32
        %lt3A_1685 = arith.constant 0 : i32
        %lt3A_1686 = arith.cmpi slt, %rem3A_1682, %lt3A_1685 : i32
        %lt3A_1687 = arith.constant 0 : i32
        %lt3A_1688 = arith.cmpi slt, %select_n3A_1681, %lt3A_1687 : i32
        %ne3A_1689 = arith.xori %lt3A_1686, %lt3A_1688 : i1
        %and3A_1690 = arith.andi %ne3A_1689, %ne3A_1684 : i1
        %add3A_1691 = arith.addi %rem3A_1682, %select_n3A_1681 : i32
        %select_n3A_1692 = arith.select %and3A_1690, %add3A_1691, %rem3A_1682 : i32
        %dma_start3A_1693 = arith.constant 0 : i32
        %dma_start3A_1694 = arith.constant 0 : i32
        %dma_start3A_1695 = arith.constant 0 : i32
        %dma_start3A_1696 = tpu.memref_slice %arg7[%select_n3A_1692, %dma_start3A_1693, %dma_start3A_1694, %dma_start3A_1695] : memref<3x3x6x64xi32, #tpu.memory_space<vmem>> -> memref<1x3x6x64xi32, #tpu.memory_space<vmem>>
        %dma_start3A_1697 = tpu.memref_squeeze %dma_start3A_1696 : memref<1x3x6x64xi32, #tpu.memory_space<vmem>> -> memref<3x6x64xi32, #tpu.memory_space<vmem>>
        %dma_start3A_1698 = arith.constant 0 : i32
        %dma_start3A_1699 = arith.constant 0 : i32
        %dma_start3A_1700 = arith.constant 0 : i32
        %dma_start3A_1701 = tpu.memref_slice %arg4[%arg0, %arg1, %add3A_1676, %dma_start3A_1698, %dma_start3A_1699, %dma_start3A_1700] : memref<2x16x53x3x6x64xi32, #tpu.memory_space<hbm>> -> memref<1x1x1x3x6x64xi32, #tpu.memory_space<hbm>>
        %dma_start3A_1702 = tpu.memref_squeeze %dma_start3A_1701 : memref<1x1x1x3x6x64xi32, #tpu.memory_space<hbm>> -> memref<3x6x64xi32, #tpu.memory_space<hbm>>
        %dma_start3A_1703 = arith.constant 0 : i32
        %dma_start3A_1704 = arith.constant 0 : i32
        %dma_start3A_1705 = arith.constant 0 : i32
        %dma_start3A_1706 = tpu.memref_slice %arg7[%select_n3A_1692, %dma_start3A_1703, %dma_start3A_1704, %dma_start3A_1705] : memref<3x3x6x64xi32, #tpu.memory_space<vmem>> -> memref<1x3x6x64xi32, #tpu.memory_space<vmem>>
        %dma_start3A_1707 = tpu.memref_squeeze %dma_start3A_1706 : memref<1x3x6x64xi32, #tpu.memory_space<vmem>> -> memref<3x6x64xi32, #tpu.memory_space<vmem>>
        %dma_start3A_1708 = arith.constant 0 : i32
        %dma_start3A_1709 = arith.constant 0 : i32
        %dma_start3A_1710 = arith.constant 0 : i32
        %dma_start3A_1711 = tpu.memref_slice %arg4[%arg0, %arg1, %add3A_1676, %dma_start3A_1708, %dma_start3A_1709, %dma_start3A_1710] : memref<2x16x53x3x6x64xi32, #tpu.memory_space<hbm>> -> memref<1x1x1x3x6x64xi32, #tpu.memory_space<hbm>>
        %dma_start3A_1712 = tpu.memref_squeeze %dma_start3A_1711 : memref<1x1x1x3x6x64xi32, #tpu.memory_space<hbm>> -> memref<3x6x64xi32, #tpu.memory_space<hbm>>
        tpu.enqueue_dma source(%dma_start3A_1712 : memref<3x6x64xi32, #tpu.memory_space<hbm>>) target(%dma_start3A_1707 : memref<3x6x64xi32, #tpu.memory_space<vmem>>) target_semaphore(%arg24 : memref<!tpu.dma_semaphore, #tpu.memory_space<semaphore_mem>>)
      } else {
      }
      %jit3A_679 = arith.constant 6 : i32
      %div3A_680 = arith.divsi %add3A_618, %jit3A_679 : i32
      %sign3A_681 = arith.constant 0 : i32
      %sign3A_682 = arith.cmpi sgt, %add3A_618, %sign3A_681 : i32
      %sign3A_683 = arith.extui %sign3A_682 : i1 to i32
      %sign3A_684 = arith.constant 0 : i32
      %sign3A_685 = arith.cmpi slt, %add3A_618, %sign3A_684 : i32
      %sign3A_686 = arith.extui %sign3A_685 : i1 to i32
      %sign3A_687 = arith.subi %sign3A_683, %sign3A_686 : i32
      %sign3A_688 = arith.constant 0 : i32
      %sign3A_689 = arith.cmpi sgt, %jit3A_679, %sign3A_688 : i32
      %sign3A_690 = arith.extui %sign3A_689 : i1 to i32
      %sign3A_691 = arith.constant 0 : i32
      %sign3A_692 = arith.cmpi slt, %jit3A_679, %sign3A_691 : i32
      %sign3A_693 = arith.extui %sign3A_692 : i1 to i32
      %sign3A_694 = arith.subi %sign3A_690, %sign3A_693 : i32
      %ne3A_695 = arith.cmpi ne, %sign3A_687, %sign3A_694 : i32
      %rem3A_696 = arith.remsi %add3A_618, %jit3A_679 : i32
      %ne3A_697 = arith.constant 0 : i32
      %ne3A_698 = arith.cmpi ne, %rem3A_696, %ne3A_697 : i32
      %and3A_699 = arith.andi %ne3A_695, %ne3A_698 : i1
      %sub3A_700 = arith.constant 1 : i32
      %sub3A_701 = arith.subi %div3A_680, %sub3A_700 : i32
      %select_n3A_702 = arith.select %and3A_699, %sub3A_701, %div3A_680 : i32
      %jit3A_703 = arith.constant 3 : i32
      %eq3A_704 = arith.constant 0 : i32
      %eq3A_705 = arith.cmpi eq, %jit3A_703, %eq3A_704 : i32
      %jit3A_706 = arith.constant 1 : i32
      %select_n3A_707 = arith.select %eq3A_705, %jit3A_706, %jit3A_703 : i32
      %rem3A_708 = arith.remsi %select_n3A_702, %select_n3A_707 : i32
      %ne3A_709 = arith.constant 0 : i32
      %ne3A_710 = arith.cmpi ne, %rem3A_708, %ne3A_709 : i32
      %lt3A_711 = arith.constant 0 : i32
      %lt3A_712 = arith.cmpi slt, %rem3A_708, %lt3A_711 : i32
      %lt3A_713 = arith.constant 0 : i32
      %lt3A_714 = arith.cmpi slt, %select_n3A_707, %lt3A_713 : i32
      %ne3A_715 = arith.xori %lt3A_712, %lt3A_714 : i1
      %and3A_716 = arith.andi %ne3A_715, %ne3A_710 : i1
      %add3A_717 = arith.addi %rem3A_708, %select_n3A_707 : i32
      %select_n3A_718 = arith.select %and3A_716, %add3A_717, %rem3A_708 : i32
      %jit3A_719 = arith.constant 6 : i32
      %eq3A_720 = arith.constant 0 : i32
      %eq3A_721 = arith.cmpi eq, %jit3A_719, %eq3A_720 : i32
      %jit3A_722 = arith.constant 1 : i32
      %select_n3A_723 = arith.select %eq3A_721, %jit3A_722, %jit3A_719 : i32
      %rem3A_724 = arith.remsi %add3A_618, %select_n3A_723 : i32
      %ne3A_725 = arith.constant 0 : i32
      %ne3A_726 = arith.cmpi ne, %rem3A_724, %ne3A_725 : i32
      %lt3A_727 = arith.constant 0 : i32
      %lt3A_728 = arith.cmpi slt, %rem3A_724, %lt3A_727 : i32
      %lt3A_729 = arith.constant 0 : i32
      %lt3A_730 = arith.cmpi slt, %select_n3A_723, %lt3A_729 : i32
      %ne3A_731 = arith.xori %lt3A_728, %lt3A_730 : i1
      %and3A_732 = arith.andi %ne3A_731, %ne3A_726 : i1
      %add3A_733 = arith.addi %rem3A_724, %select_n3A_723 : i32
      %select_n3A_734 = arith.select %and3A_732, %add3A_733, %rem3A_724 : i32
      %dma_wait3A_735 = arith.constant 0 : i32
      %dma_wait3A_736 = arith.constant 0 : i32
      %dma_wait3A_737 = tpu.memref_slice %arg7[%select_n3A_718, %dma_wait3A_735, %select_n3A_734, %dma_wait3A_736] : memref<3x3x6x64xi32, #tpu.memory_space<vmem>> -> memref<1x1x1x64xi32, #tpu.memory_space<vmem>>
      %dma_wait3A_738 = tpu.memref_squeeze %dma_wait3A_737 : memref<1x1x1x64xi32, #tpu.memory_space<vmem>> -> memref<64xi32, #tpu.memory_space<vmem>>
      %dma_wait3A_739 = arith.constant 0 : i32
      %dma_wait3A_740 = arith.constant 0 : i32
      %dma_wait3A_741 = tpu.memref_slice %arg3[%dma_wait3A_739, %dma_wait3A_740] : memref<20000x64xi32, #tpu.memory_space<hbm>> -> memref<20000x64xi32, #tpu.memory_space<hbm>>
      tpu.wait_indirect_dma semaphore(%arg18 : memref<!tpu.dma_semaphore, #tpu.memory_space<semaphore_mem>>) src(%dma_wait3A_741 : memref<20000x64xi32, #tpu.memory_space<hbm>>) dst(%arg10 : memref<64x64xi32, #tpu.memory_space<vmem>>)
      %ge3A_742 = arith.constant 2 : i32
      %ge3A_743 = arith.cmpi sge, %add3A_618, %ge3A_742 : i32
      %convert_element_type3A_744 = arith.extui %ge3A_743 : i1 to i32
      %cond3A_745 = arith.constant 0 : i32
      %cond3A_746 = arith.cmpi ne, %convert_element_type3A_744, %cond3A_745 : i32
      scf.if %cond3A_746 {
        %sub3A_1675 = arith.constant 2 : i32
        %sub3A_1676 = arith.subi %add3A_618, %sub3A_1675 : i32
        %jit3A_1677 = arith.constant 6 : i32
        %div3A_1678 = arith.divsi %sub3A_1676, %jit3A_1677 : i32
        %sign3A_1679 = arith.constant 0 : i32
        %sign3A_1680 = arith.cmpi sgt, %sub3A_1676, %sign3A_1679 : i32
        %sign3A_1681 = arith.extui %sign3A_1680 : i1 to i32
        %sign3A_1682 = arith.constant 0 : i32
        %sign3A_1683 = arith.cmpi slt, %sub3A_1676, %sign3A_1682 : i32
        %sign3A_1684 = arith.extui %sign3A_1683 : i1 to i32
        %sign3A_1685 = arith.subi %sign3A_1681, %sign3A_1684 : i32
        %sign3A_1686 = arith.constant 0 : i32
        %sign3A_1687 = arith.cmpi sgt, %jit3A_1677, %sign3A_1686 : i32
        %sign3A_1688 = arith.extui %sign3A_1687 : i1 to i32
        %sign3A_1689 = arith.constant 0 : i32
        %sign3A_1690 = arith.cmpi slt, %jit3A_1677, %sign3A_1689 : i32
        %sign3A_1691 = arith.extui %sign3A_1690 : i1 to i32
        %sign3A_1692 = arith.subi %sign3A_1688, %sign3A_1691 : i32
        %ne3A_1693 = arith.cmpi ne, %sign3A_1685, %sign3A_1692 : i32
        %rem3A_1694 = arith.remsi %sub3A_1676, %jit3A_1677 : i32
        %ne3A_1695 = arith.constant 0 : i32
        %ne3A_1696 = arith.cmpi ne, %rem3A_1694, %ne3A_1695 : i32
        %and3A_1697 = arith.andi %ne3A_1693, %ne3A_1696 : i1
        %sub3A_1698 = arith.constant 1 : i32
        %sub3A_1699 = arith.subi %div3A_1678, %sub3A_1698 : i32
        %select_n3A_1700 = arith.select %and3A_1697, %sub3A_1699, %div3A_1678 : i32
        %jit3A_1701 = arith.constant 3 : i32
        %eq3A_1702 = arith.constant 0 : i32
        %eq3A_1703 = arith.cmpi eq, %jit3A_1701, %eq3A_1702 : i32
        %jit3A_1704 = arith.constant 1 : i32
        %select_n3A_1705 = arith.select %eq3A_1703, %jit3A_1704, %jit3A_1701 : i32
        %rem3A_1706 = arith.remsi %select_n3A_1700, %select_n3A_1705 : i32
        %ne3A_1707 = arith.constant 0 : i32
        %ne3A_1708 = arith.cmpi ne, %rem3A_1706, %ne3A_1707 : i32
        %lt3A_1709 = arith.constant 0 : i32
        %lt3A_1710 = arith.cmpi slt, %rem3A_1706, %lt3A_1709 : i32
        %lt3A_1711 = arith.constant 0 : i32
        %lt3A_1712 = arith.cmpi slt, %select_n3A_1705, %lt3A_1711 : i32
        %ne3A_1713 = arith.xori %lt3A_1710, %lt3A_1712 : i1
        %and3A_1714 = arith.andi %ne3A_1713, %ne3A_1708 : i1
        %add3A_1715 = arith.addi %rem3A_1706, %select_n3A_1705 : i32
        %select_n3A_1716 = arith.select %and3A_1714, %add3A_1715, %rem3A_1706 : i32
        %jit3A_1717 = arith.constant 6 : i32
        %eq3A_1718 = arith.constant 0 : i32
        %eq3A_1719 = arith.cmpi eq, %jit3A_1717, %eq3A_1718 : i32
        %jit3A_1720 = arith.constant 1 : i32
        %select_n3A_1721 = arith.select %eq3A_1719, %jit3A_1720, %jit3A_1717 : i32
        %rem3A_1722 = arith.remsi %sub3A_1676, %select_n3A_1721 : i32
        %ne3A_1723 = arith.constant 0 : i32
        %ne3A_1724 = arith.cmpi ne, %rem3A_1722, %ne3A_1723 : i32
        %lt3A_1725 = arith.constant 0 : i32
        %lt3A_1726 = arith.cmpi slt, %rem3A_1722, %lt3A_1725 : i32
        %lt3A_1727 = arith.constant 0 : i32
        %lt3A_1728 = arith.cmpi slt, %select_n3A_1721, %lt3A_1727 : i32
        %ne3A_1729 = arith.xori %lt3A_1726, %lt3A_1728 : i1
        %and3A_1730 = arith.andi %ne3A_1729, %ne3A_1724 : i1
        %add3A_1731 = arith.addi %rem3A_1722, %select_n3A_1721 : i32
        %select_n3A_1732 = arith.select %and3A_1730, %add3A_1731, %rem3A_1722 : i32
        %dma_wait3A_1733 = arith.constant 1 : i32
        %dma_wait3A_1734 = arith.constant 0 : i32
        %dma_wait3A_1735 = tpu.memref_slice %arg7[%select_n3A_1716, %dma_wait3A_1733, %select_n3A_1732, %dma_wait3A_1734] : memref<3x3x6x64xi32, #tpu.memory_space<vmem>> -> memref<1x1x1x64xi32, #tpu.memory_space<vmem>>
        %dma_wait3A_1736 = tpu.memref_squeeze %dma_wait3A_1735 : memref<1x1x1x64xi32, #tpu.memory_space<vmem>> -> memref<64xi32, #tpu.memory_space<vmem>>
        %dma_wait3A_1737 = arith.constant 0 : i32
        %dma_wait3A_1738 = arith.constant 0 : i32
        %dma_wait3A_1739 = tpu.memref_slice %arg6[%dma_wait3A_1737, %dma_wait3A_1738] : memref<10000x128xf32, #tpu.memory_space<vmem_shared>> -> memref<10000x128xf32, #tpu.memory_space<vmem_shared>>
        tpu.wait_indirect_dma semaphore(%arg22 : memref<!tpu.dma_semaphore, #tpu.memory_space<semaphore_mem>>) src(%arg14 : memref<64x128xf32, #tpu.memory_space<vmem>>) dst(%dma_wait3A_1739 : memref<10000x128xf32, #tpu.memory_space<vmem_shared>>)
      } else {
      }
      %jit3A_747 = arith.constant 6 : i32
      %div3A_748 = arith.divsi %add3A_618, %jit3A_747 : i32
      %sign3A_749 = arith.constant 0 : i32
      %sign3A_750 = arith.cmpi sgt, %add3A_618, %sign3A_749 : i32
      %sign3A_751 = arith.extui %sign3A_750 : i1 to i32
      %sign3A_752 = arith.constant 0 : i32
      %sign3A_753 = arith.cmpi slt, %add3A_618, %sign3A_752 : i32
      %sign3A_754 = arith.extui %sign3A_753 : i1 to i32
      %sign3A_755 = arith.subi %sign3A_751, %sign3A_754 : i32
      %sign3A_756 = arith.constant 0 : i32
      %sign3A_757 = arith.cmpi sgt, %jit3A_747, %sign3A_756 : i32
      %sign3A_758 = arith.extui %sign3A_757 : i1 to i32
      %sign3A_759 = arith.constant 0 : i32
      %sign3A_760 = arith.cmpi slt, %jit3A_747, %sign3A_759 : i32
      %sign3A_761 = arith.extui %sign3A_760 : i1 to i32
      %sign3A_762 = arith.subi %sign3A_758, %sign3A_761 : i32
      %ne3A_763 = arith.cmpi ne, %sign3A_755, %sign3A_762 : i32
      %rem3A_764 = arith.remsi %add3A_618, %jit3A_747 : i32
      %ne3A_765 = arith.constant 0 : i32
      %ne3A_766 = arith.cmpi ne, %rem3A_764, %ne3A_765 : i32
      %and3A_767 = arith.andi %ne3A_763, %ne3A_766 : i1
      %sub3A_768 = arith.constant 1 : i32
      %sub3A_769 = arith.subi %div3A_748, %sub3A_768 : i32
      %select_n3A_770 = arith.select %and3A_767, %sub3A_769, %div3A_748 : i32
      %jit3A_771 = arith.constant 3 : i32
      %eq3A_772 = arith.constant 0 : i32
      %eq3A_773 = arith.cmpi eq, %jit3A_771, %eq3A_772 : i32
      %jit3A_774 = arith.constant 1 : i32
      %select_n3A_775 = arith.select %eq3A_773, %jit3A_774, %jit3A_771 : i32
      %rem3A_776 = arith.remsi %select_n3A_770, %select_n3A_775 : i32
      %ne3A_777 = arith.constant 0 : i32
      %ne3A_778 = arith.cmpi ne, %rem3A_776, %ne3A_777 : i32
      %lt3A_779 = arith.constant 0 : i32
      %lt3A_780 = arith.cmpi slt, %rem3A_776, %lt3A_779 : i32
      %lt3A_781 = arith.constant 0 : i32
      %lt3A_782 = arith.cmpi slt, %select_n3A_775, %lt3A_781 : i32
      %ne3A_783 = arith.xori %lt3A_780, %lt3A_782 : i1
      %and3A_784 = arith.andi %ne3A_783, %ne3A_778 : i1
      %add3A_785 = arith.addi %rem3A_776, %select_n3A_775 : i32
      %select_n3A_786 = arith.select %and3A_784, %add3A_785, %rem3A_776 : i32
      %broadcast_in_dim3A_787 = vector.broadcast %select_n3A_786 : i32 to vector<16xi32>
      %jit3A_788 = arith.constant 6 : i32
      %eq3A_789 = arith.constant 0 : i32
      %eq3A_790 = arith.cmpi eq, %jit3A_788, %eq3A_789 : i32
      %jit3A_791 = arith.constant 1 : i32
      %select_n3A_792 = arith.select %eq3A_790, %jit3A_791, %jit3A_788 : i32
      %rem3A_793 = arith.remsi %add3A_618, %select_n3A_792 : i32
      %ne3A_794 = arith.constant 0 : i32
      %ne3A_795 = arith.cmpi ne, %rem3A_793, %ne3A_794 : i32
      %lt3A_796 = arith.constant 0 : i32
      %lt3A_797 = arith.cmpi slt, %rem3A_793, %lt3A_796 : i32
      %lt3A_798 = arith.constant 0 : i32
      %lt3A_799 = arith.cmpi slt, %select_n3A_792, %lt3A_798 : i32
      %ne3A_800 = arith.xori %lt3A_797, %lt3A_799 : i1
      %and3A_801 = arith.andi %ne3A_800, %ne3A_795 : i1
      %add3A_802 = arith.addi %rem3A_793, %select_n3A_792 : i32
      %select_n3A_803 = arith.select %and3A_801, %add3A_802, %rem3A_793 : i32
      %broadcast_in_dim3A_804 = vector.broadcast %select_n3A_803 : i32 to vector<16xi32>
      %broadcast_in_dim3A_805 = arith.constant 2 : i32
      %broadcast_in_dim3A_806 = vector.broadcast %broadcast_in_dim3A_805 : i32 to vector<16xi32>
      %parallel_loop3A_807 = arith.constant 0 : i32
      %parallel_loop3A_808 = arith.constant 64 : i32
      %parallel_loop3A_809 = arith.constant 1 : i32
      scf.for %parallel_loop3A_1675 = %parallel_loop3A_807 to %parallel_loop3A_808 step %parallel_loop3A_809  : i32 {
        %parallel_loop3A_1676 = vector.broadcast %parallel_loop3A_1675 : i32 to vector<16xi32>
        %parallel_loop3A_1677 = tpu.vector_load_idx %arg7[%broadcast_in_dim3A_787, %broadcast_in_dim3A_806, %broadcast_in_dim3A_804, %parallel_loop3A_1676] : memref<3x3x6x64xi32, #tpu.memory_space<vmem>>[vector<16xi32>, vector<16xi32>, vector<16xi32>, vector<16xi32>], vector<16xi32>,
        %parallel_loop3A_1678 = vector.bitcast %parallel_loop3A_1677 : vector<16xi32> to vector<16xf32>
        %parallel_loop3A_1679 = arith.index_cast %parallel_loop3A_1675 : i32 to index
        %parallel_loop3A_1680 = arith.constant 0 : index
        %parallel_loop3A_1681 = tpu.vector_load %arg10[%parallel_loop3A_1679, %parallel_loop3A_1680] {strides = array<i32>} : memref<64x64xi32, #tpu.memory_space<vmem>>, vector<16xi32>,
        %parallel_loop3A_1682 = vector.bitcast %parallel_loop3A_1681 : vector<16xi32> to vector<32xbf16>
        %parallel_loop3A_1683 = tpu.unpack_subelements %parallel_loop3A_1682, 0 {pack_format = #tpu.pack_format<interleaved>} : vector<32xbf16> -> vector<16xf32>
        %parallel_loop3A_1684 = tpu.unpack_subelements %parallel_loop3A_1682, 1 {pack_format = #tpu.pack_format<interleaved>} : vector<32xbf16> -> vector<16xf32>
        %parallel_loop3A_1685 = arith.mulf %parallel_loop3A_1683, %parallel_loop3A_1678 : vector<16xf32>
        %parallel_loop3A_1686 = arith.index_cast %parallel_loop3A_1675 : i32 to index
        %parallel_loop3A_1687 = arith.constant 0 : index
        %parallel_loop3A_1688 = tpu.vector_load %arg14[%parallel_loop3A_1686, %parallel_loop3A_1687] {strides = array<i32>} : memref<64x128xf32, #tpu.memory_space<vmem>>, vector<16xf32>,
        tpu.vector_store %arg14[%parallel_loop3A_1686, %parallel_loop3A_1687], %parallel_loop3A_1685 {strides = array<i32>} : memref<64x128xf32, #tpu.memory_space<vmem>>, vector<16xf32>,
        %parallel_loop3A_1689 = arith.mulf %parallel_loop3A_1684, %parallel_loop3A_1678 : vector<16xf32>
        %parallel_loop3A_1690 = arith.index_cast %parallel_loop3A_1675 : i32 to index
        %parallel_loop3A_1691 = arith.constant 16 : index
        %parallel_loop3A_1692 = tpu.vector_load %arg14[%parallel_loop3A_1690, %parallel_loop3A_1691] {strides = array<i32>} : memref<64x128xf32, #tpu.memory_space<vmem>>, vector<16xf32>,
        tpu.vector_store %arg14[%parallel_loop3A_1690, %parallel_loop3A_1691], %parallel_loop3A_1689 {strides = array<i32>} : memref<64x128xf32, #tpu.memory_space<vmem>>, vector<16xf32>,
        %parallel_loop3A_1693 = arith.index_cast %parallel_loop3A_1675 : i32 to index
        %parallel_loop3A_1694 = arith.constant 16 : index
        %parallel_loop3A_1695 = tpu.vector_load %arg10[%parallel_loop3A_1693, %parallel_loop3A_1694] {strides = array<i32>} : memref<64x64xi32, #tpu.memory_space<vmem>>, vector<16xi32>,
        %parallel_loop3A_1696 = vector.bitcast %parallel_loop3A_1695 : vector<16xi32> to vector<32xbf16>
        %parallel_loop3A_1697 = tpu.unpack_subelements %parallel_loop3A_1696, 0 {pack_format = #tpu.pack_format<interleaved>} : vector<32xbf16> -> vector<16xf32>
        %parallel_loop3A_1698 = tpu.unpack_subelements %parallel_loop3A_1696, 1 {pack_format = #tpu.pack_format<interleaved>} : vector<32xbf16> -> vector<16xf32>
        %parallel_loop3A_1699 = arith.mulf %parallel_loop3A_1697, %parallel_loop3A_1678 : vector<16xf32>
        %parallel_loop3A_1700 = arith.index_cast %parallel_loop3A_1675 : i32 to index
        %parallel_loop3A_1701 = arith.constant 32 : index
        %parallel_loop3A_1702 = tpu.vector_load %arg14[%parallel_loop3A_1700, %parallel_loop3A_1701] {strides = array<i32>} : memref<64x128xf32, #tpu.memory_space<vmem>>, vector<16xf32>,
        tpu.vector_store %arg14[%parallel_loop3A_1700, %parallel_loop3A_1701], %parallel_loop3A_1699 {strides = array<i32>} : memref<64x128xf32, #tpu.memory_space<vmem>>, vector<16xf32>,
        %parallel_loop3A_1703 = arith.mulf %parallel_loop3A_1698, %parallel_loop3A_1678 : vector<16xf32>
        %parallel_loop3A_1704 = arith.index_cast %parallel_loop3A_1675 : i32 to index
        %parallel_loop3A_1705 = arith.constant 48 : index
        %parallel_loop3A_1706 = tpu.vector_load %arg14[%parallel_loop3A_1704, %parallel_loop3A_1705] {strides = array<i32>} : memref<64x128xf32, #tpu.memory_space<vmem>>, vector<16xf32>,
        tpu.vector_store %arg14[%parallel_loop3A_1704, %parallel_loop3A_1705], %parallel_loop3A_1703 {strides = array<i32>} : memref<64x128xf32, #tpu.memory_space<vmem>>, vector<16xf32>,
        %parallel_loop3A_1707 = arith.index_cast %parallel_loop3A_1675 : i32 to index
        %parallel_loop3A_1708 = arith.constant 32 : index
        %parallel_loop3A_1709 = tpu.vector_load %arg10[%parallel_loop3A_1707, %parallel_loop3A_1708] {strides = array<i32>} : memref<64x64xi32, #tpu.memory_space<vmem>>, vector<16xi32>,
        %parallel_loop3A_1710 = vector.bitcast %parallel_loop3A_1709 : vector<16xi32> to vector<32xbf16>
        %parallel_loop3A_1711 = tpu.unpack_subelements %parallel_loop3A_1710, 0 {pack_format = #tpu.pack_format<interleaved>} : vector<32xbf16> -> vector<16xf32>
        %parallel_loop3A_1712 = tpu.unpack_subelements %parallel_loop3A_1710, 1 {pack_format = #tpu.pack_format<interleaved>} : vector<32xbf16> -> vector<16xf32>
        %parallel_loop3A_1713 = arith.mulf %parallel_loop3A_1711, %parallel_loop3A_1678 : vector<16xf32>
        %parallel_loop3A_1714 = arith.index_cast %parallel_loop3A_1675 : i32 to index
        %parallel_loop3A_1715 = arith.constant 64 : index
        %parallel_loop3A_1716 = tpu.vector_load %arg14[%parallel_loop3A_1714, %parallel_loop3A_1715] {strides = array<i32>} : memref<64x128xf32, #tpu.memory_space<vmem>>, vector<16xf32>,
        tpu.vector_store %arg14[%parallel_loop3A_1714, %parallel_loop3A_1715], %parallel_loop3A_1713 {strides = array<i32>} : memref<64x128xf32, #tpu.memory_space<vmem>>, vector<16xf32>,
        %parallel_loop3A_1717 = arith.mulf %parallel_loop3A_1712, %parallel_loop3A_1678 : vector<16xf32>
        %parallel_loop3A_1718 = arith.index_cast %parallel_loop3A_1675 : i32 to index
        %parallel_loop3A_1719 = arith.constant 80 : index
        %parallel_loop3A_1720 = tpu.vector_load %arg14[%parallel_loop3A_1718, %parallel_loop3A_1719] {strides = array<i32>} : memref<64x128xf32, #tpu.memory_space<vmem>>, vector<16xf32>,
        tpu.vector_store %arg14[%parallel_loop3A_1718, %parallel_loop3A_1719], %parallel_loop3A_1717 {strides = array<i32>} : memref<64x128xf32, #tpu.memory_space<vmem>>, vector<16xf32>,
        %parallel_loop3A_1721 = arith.index_cast %parallel_loop3A_1675 : i32 to index
        %parallel_loop3A_1722 = arith.constant 48 : index
        %parallel_loop3A_1723 = tpu.vector_load %arg10[%parallel_loop3A_1721, %parallel_loop3A_1722] {strides = array<i32>} : memref<64x64xi32, #tpu.memory_space<vmem>>, vector<16xi32>,
        %parallel_loop3A_1724 = vector.bitcast %parallel_loop3A_1723 : vector<16xi32> to vector<32xbf16>
        %parallel_loop3A_1725 = tpu.unpack_subelements %parallel_loop3A_1724, 0 {pack_format = #tpu.pack_format<interleaved>} : vector<32xbf16> -> vector<16xf32>
        %parallel_loop3A_1726 = tpu.unpack_subelements %parallel_loop3A_1724, 1 {pack_format = #tpu.pack_format<interleaved>} : vector<32xbf16> -> vector<16xf32>
        %parallel_loop3A_1727 = arith.mulf %parallel_loop3A_1725, %parallel_loop3A_1678 : vector<16xf32>
        %parallel_loop3A_1728 = arith.index_cast %parallel_loop3A_1675 : i32 to index
        %parallel_loop3A_1729 = arith.constant 96 : index
        %parallel_loop3A_1730 = tpu.vector_load %arg14[%parallel_loop3A_1728, %parallel_loop3A_1729] {strides = array<i32>} : memref<64x128xf32, #tpu.memory_space<vmem>>, vector<16xf32>,
        tpu.vector_store %arg14[%parallel_loop3A_1728, %parallel_loop3A_1729], %parallel_loop3A_1727 {strides = array<i32>} : memref<64x128xf32, #tpu.memory_space<vmem>>, vector<16xf32>,
        %parallel_loop3A_1731 = arith.mulf %parallel_loop3A_1726, %parallel_loop3A_1678 : vector<16xf32>
        %parallel_loop3A_1732 = arith.index_cast %parallel_loop3A_1675 : i32 to index
        %parallel_loop3A_1733 = arith.constant 112 : index
        %parallel_loop3A_1734 = tpu.vector_load %arg14[%parallel_loop3A_1732, %parallel_loop3A_1733] {strides = array<i32>} : memref<64x128xf32, #tpu.memory_space<vmem>>, vector<16xf32>,
        tpu.vector_store %arg14[%parallel_loop3A_1732, %parallel_loop3A_1733], %parallel_loop3A_1731 {strides = array<i32>} : memref<64x128xf32, #tpu.memory_space<vmem>>, vector<16xf32>,
      } {sc.loop_unroll_factor = 4 : i64, sc.parallel_access}
      %add3A_810 = arith.constant 6 : i32
      %add3A_811 = arith.addi %add3A_618, %add3A_810 : i32
      %lt3A_812 = arith.constant 318 : i32
      %lt3A_813 = arith.cmpi slt, %add3A_811, %lt3A_812 : i32
      %convert_element_type3A_814 = arith.extui %lt3A_813 : i1 to i32
      %cond3A_815 = arith.constant 0 : i32
      %cond3A_816 = arith.cmpi ne, %convert_element_type3A_814, %cond3A_815 : i32
      scf.if %cond3A_816 {
        %add3A_1675 = arith.constant 6 : i32
        %add3A_1676 = arith.addi %add3A_618, %add3A_1675 : i32
        %jit3A_1677 = arith.constant 6 : i32
        %div3A_1678 = arith.divsi %add3A_1676, %jit3A_1677 : i32
        %sign3A_1679 = arith.constant 0 : i32
        %sign3A_1680 = arith.cmpi sgt, %add3A_1676, %sign3A_1679 : i32
        %sign3A_1681 = arith.extui %sign3A_1680 : i1 to i32
        %sign3A_1682 = arith.constant 0 : i32
        %sign3A_1683 = arith.cmpi slt, %add3A_1676, %sign3A_1682 : i32
        %sign3A_1684 = arith.extui %sign3A_1683 : i1 to i32
        %sign3A_1685 = arith.subi %sign3A_1681, %sign3A_1684 : i32
        %sign3A_1686 = arith.constant 0 : i32
        %sign3A_1687 = arith.cmpi sgt, %jit3A_1677, %sign3A_1686 : i32
        %sign3A_1688 = arith.extui %sign3A_1687 : i1 to i32
        %sign3A_1689 = arith.constant 0 : i32
        %sign3A_1690 = arith.cmpi slt, %jit3A_1677, %sign3A_1689 : i32
        %sign3A_1691 = arith.extui %sign3A_1690 : i1 to i32
        %sign3A_1692 = arith.subi %sign3A_1688, %sign3A_1691 : i32
        %ne3A_1693 = arith.cmpi ne, %sign3A_1685, %sign3A_1692 : i32
        %rem3A_1694 = arith.remsi %add3A_1676, %jit3A_1677 : i32
        %ne3A_1695 = arith.constant 0 : i32
        %ne3A_1696 = arith.cmpi ne, %rem3A_1694, %ne3A_1695 : i32
        %and3A_1697 = arith.andi %ne3A_1693, %ne3A_1696 : i1
        %sub3A_1698 = arith.constant 1 : i32
        %sub3A_1699 = arith.subi %div3A_1678, %sub3A_1698 : i32
        %select_n3A_1700 = arith.select %and3A_1697, %sub3A_1699, %div3A_1678 : i32
        %jit3A_1701 = arith.constant 3 : i32
        %eq3A_1702 = arith.constant 0 : i32
        %eq3A_1703 = arith.cmpi eq, %jit3A_1701, %eq3A_1702 : i32
        %jit3A_1704 = arith.constant 1 : i32
        %select_n3A_1705 = arith.select %eq3A_1703, %jit3A_1704, %jit3A_1701 : i32
        %rem3A_1706 = arith.remsi %select_n3A_1700, %select_n3A_1705 : i32
        %ne3A_1707 = arith.constant 0 : i32
        %ne3A_1708 = arith.cmpi ne, %rem3A_1706, %ne3A_1707 : i32
        %lt3A_1709 = arith.constant 0 : i32
        %lt3A_1710 = arith.cmpi slt, %rem3A_1706, %lt3A_1709 : i32
        %lt3A_1711 = arith.constant 0 : i32
        %lt3A_1712 = arith.cmpi slt, %select_n3A_1705, %lt3A_1711 : i32
        %ne3A_1713 = arith.xori %lt3A_1710, %lt3A_1712 : i1
        %and3A_1714 = arith.andi %ne3A_1713, %ne3A_1708 : i1
        %add3A_1715 = arith.addi %rem3A_1706, %select_n3A_1705 : i32
        %select_n3A_1716 = arith.select %and3A_1714, %add3A_1715, %rem3A_1706 : i32
        %jit3A_1717 = arith.constant 6 : i32
        %eq3A_1718 = arith.constant 0 : i32
        %eq3A_1719 = arith.cmpi eq, %jit3A_1717, %eq3A_1718 : i32
        %jit3A_1720 = arith.constant 1 : i32
        %select_n3A_1721 = arith.select %eq3A_1719, %jit3A_1720, %jit3A_1717 : i32
        %rem3A_1722 = arith.remsi %add3A_1676, %select_n3A_1721 : i32
        %ne3A_1723 = arith.constant 0 : i32
        %ne3A_1724 = arith.cmpi ne, %rem3A_1722, %ne3A_1723 : i32
        %lt3A_1725 = arith.constant 0 : i32
        %lt3A_1726 = arith.cmpi slt, %rem3A_1722, %lt3A_1725 : i32
        %lt3A_1727 = arith.constant 0 : i32
        %lt3A_1728 = arith.cmpi slt, %select_n3A_1721, %lt3A_1727 : i32
        %ne3A_1729 = arith.xori %lt3A_1726, %lt3A_1728 : i1
        %and3A_1730 = arith.andi %ne3A_1729, %ne3A_1724 : i1
        %add3A_1731 = arith.addi %rem3A_1722, %select_n3A_1721 : i32
        %select_n3A_1732 = arith.select %and3A_1730, %add3A_1731, %rem3A_1722 : i32
        %dma_start3A_1733 = arith.constant 0 : i32
        %dma_start3A_1734 = arith.constant 0 : i32
        %dma_start3A_1735 = tpu.memref_slice %arg7[%select_n3A_1716, %dma_start3A_1733, %select_n3A_1732, %dma_start3A_1734] : memref<3x3x6x64xi32, #tpu.memory_space<vmem>> -> memref<1x1x1x64xi32, #tpu.memory_space<vmem>>
        %dma_start3A_1736 = tpu.memref_squeeze %dma_start3A_1735 : memref<1x1x1x64xi32, #tpu.memory_space<vmem>> -> memref<64xi32, #tpu.memory_space<vmem>>
        %dma_start3A_1737 = arith.constant 0 : i32
        %dma_start3A_1738 = arith.constant 0 : i32
        %dma_start3A_1739 = tpu.memref_slice %arg3[%dma_start3A_1737, %dma_start3A_1738] : memref<20000x64xi32, #tpu.memory_space<hbm>> -> memref<20000x64xi32, #tpu.memory_space<hbm>>
        tpu.enqueue_indirect_dma source(%dma_start3A_1739 : memref<20000x64xi32, #tpu.memory_space<hbm>>) target(%arg10 : memref<64x64xi32, #tpu.memory_space<vmem>>) offsets(%dma_start3A_1736 : memref<64xi32, #tpu.memory_space<vmem>>) semaphore(%arg18 : memref<!tpu.dma_semaphore, #tpu.memory_space<semaphore_mem>>)
      } else {
      }
      %jit3A_817 = arith.constant 6 : i32
      %div3A_818 = arith.divsi %add3A_618, %jit3A_817 : i32
      %sign3A_819 = arith.constant 0 : i32
      %sign3A_820 = arith.cmpi sgt, %add3A_618, %sign3A_819 : i32
      %sign3A_821 = arith.extui %sign3A_820 : i1 to i32
      %sign3A_822 = arith.constant 0 : i32
      %sign3A_823 = arith.cmpi slt, %add3A_618, %sign3A_822 : i32
      %sign3A_824 = arith.extui %sign3A_823 : i1 to i32
      %sign3A_825 = arith.subi %sign3A_821, %sign3A_824 : i32
      %sign3A_826 = arith.constant 0 : i32
      %sign3A_827 = arith.cmpi sgt, %jit3A_817, %sign3A_826 : i32
      %sign3A_828 = arith.extui %sign3A_827 : i1 to i32
      %sign3A_829 = arith.constant 0 : i32
      %sign3A_830 = arith.cmpi slt, %jit3A_817, %sign3A_829 : i32
      %sign3A_831 = arith.extui %sign3A_830 : i1 to i32
      %sign3A_832 = arith.subi %sign3A_828, %sign3A_831 : i32
      %ne3A_833 = arith.cmpi ne, %sign3A_825, %sign3A_832 : i32
      %rem3A_834 = arith.remsi %add3A_618, %jit3A_817 : i32
      %ne3A_835 = arith.constant 0 : i32
      %ne3A_836 = arith.cmpi ne, %rem3A_834, %ne3A_835 : i32
      %and3A_837 = arith.andi %ne3A_833, %ne3A_836 : i1
      %sub3A_838 = arith.constant 1 : i32
      %sub3A_839 = arith.subi %div3A_818, %sub3A_838 : i32
      %select_n3A_840 = arith.select %and3A_837, %sub3A_839, %div3A_818 : i32
      %jit3A_841 = arith.constant 3 : i32
      %eq3A_842 = arith.constant 0 : i32
      %eq3A_843 = arith.cmpi eq, %jit3A_841, %eq3A_842 : i32
      %jit3A_844 = arith.constant 1 : i32
      %select_n3A_845 = arith.select %eq3A_843, %jit3A_844, %jit3A_841 : i32
      %rem3A_846 = arith.remsi %select_n3A_840, %select_n3A_845 : i32
      %ne3A_847 = arith.constant 0 : i32
      %ne3A_848 = arith.cmpi ne, %rem3A_846, %ne3A_847 : i32
      %lt3A_849 = arith.constant 0 : i32
      %lt3A_850 = arith.cmpi slt, %rem3A_846, %lt3A_849 : i32
      %lt3A_851 = arith.constant 0 : i32
      %lt3A_852 = arith.cmpi slt, %select_n3A_845, %lt3A_851 : i32
      %ne3A_853 = arith.xori %lt3A_850, %lt3A_852 : i1
      %and3A_854 = arith.andi %ne3A_853, %ne3A_848 : i1
      %add3A_855 = arith.addi %rem3A_846, %select_n3A_845 : i32
      %select_n3A_856 = arith.select %and3A_854, %add3A_855, %rem3A_846 : i32
      %jit3A_857 = arith.constant 6 : i32
      %eq3A_858 = arith.constant 0 : i32
      %eq3A_859 = arith.cmpi eq, %jit3A_857, %eq3A_858 : i32
      %jit3A_860 = arith.constant 1 : i32
      %select_n3A_861 = arith.select %eq3A_859, %jit3A_860, %jit3A_857 : i32
      %rem3A_862 = arith.remsi %add3A_618, %select_n3A_861 : i32
      %ne3A_863 = arith.constant 0 : i32
      %ne3A_864 = arith.cmpi ne, %rem3A_862, %ne3A_863 : i32
      %lt3A_865 = arith.constant 0 : i32
      %lt3A_866 = arith.cmpi slt, %rem3A_862, %lt3A_865 : i32
      %lt3A_867 = arith.constant 0 : i32
      %lt3A_868 = arith.cmpi slt, %select_n3A_861, %lt3A_867 : i32
      %ne3A_869 = arith.xori %lt3A_866, %lt3A_868 : i1
      %and3A_870 = arith.andi %ne3A_869, %ne3A_864 : i1
      %add3A_871 = arith.addi %rem3A_862, %select_n3A_861 : i32
      %select_n3A_872 = arith.select %and3A_870, %add3A_871, %rem3A_862 : i32
      %dma_start3A_873 = arith.constant 1 : i32
      %dma_start3A_874 = arith.constant 0 : i32
      %dma_start3A_875 = tpu.memref_slice %arg7[%select_n3A_856, %dma_start3A_873, %select_n3A_872, %dma_start3A_874] : memref<3x3x6x64xi32, #tpu.memory_space<vmem>> -> memref<1x1x1x64xi32, #tpu.memory_space<vmem>>
      %dma_start3A_876 = tpu.memref_squeeze %dma_start3A_875 : memref<1x1x1x64xi32, #tpu.memory_space<vmem>> -> memref<64xi32, #tpu.memory_space<vmem>>
      %dma_start3A_877 = arith.constant 0 : i32
      %dma_start3A_878 = arith.constant 0 : i32
      %dma_start3A_879 = tpu.memref_slice %arg6[%dma_start3A_877, %dma_start3A_878] : memref<10000x128xf32, #tpu.memory_space<vmem_shared>> -> memref<10000x128xf32, #tpu.memory_space<vmem_shared>>
      tpu.enqueue_indirect_dma source(%arg14 : memref<64x128xf32, #tpu.memory_space<vmem>>) target(%dma_start3A_879 : memref<10000x128xf32, #tpu.memory_space<vmem_shared>>) offsets(%dma_start3A_876 : memref<64xi32, #tpu.memory_space<vmem>>) semaphore(%arg22 : memref<!tpu.dma_semaphore, #tpu.memory_space<semaphore_mem>>) {add = true}
      %mul3A_880 = arith.constant 6 : i32
      %mul3A_881 = arith.muli %mul3A_880, %scan3A_100 : i32
      %add3A_882 = arith.constant 3 : i32
      %add3A_883 = arith.addi %mul3A_881, %add3A_882 : i32
      %jit3A_884 = arith.constant 6 : i32
      %eq3A_885 = arith.constant 0 : i32
      %eq3A_886 = arith.cmpi eq, %jit3A_884, %eq3A_885 : i32
      %jit3A_887 = arith.constant 1 : i32
      %select_n3A_888 = arith.select %eq3A_886, %jit3A_887, %jit3A_884 : i32
      %rem3A_889 = arith.remsi %add3A_883, %select_n3A_888 : i32
      %ne3A_890 = arith.constant 0 : i32
      %ne3A_891 = arith.cmpi ne, %rem3A_889, %ne3A_890 : i32
      %lt3A_892 = arith.constant 0 : i32
      %lt3A_893 = arith.cmpi slt, %rem3A_889, %lt3A_892 : i32
      %lt3A_894 = arith.constant 0 : i32
      %lt3A_895 = arith.cmpi slt, %select_n3A_888, %lt3A_894 : i32
      %ne3A_896 = arith.xori %lt3A_893, %lt3A_895 : i1
      %and3A_897 = arith.andi %ne3A_896, %ne3A_891 : i1
      %add3A_898 = arith.addi %rem3A_889, %select_n3A_888 : i32
      %select_n3A_899 = arith.select %and3A_897, %add3A_898, %rem3A_889 : i32
      %jit3A_900 = arith.constant 6 : i32
      %div3A_901 = arith.divsi %add3A_883, %jit3A_900 : i32
      %sign3A_902 = arith.constant 0 : i32
      %sign3A_903 = arith.cmpi sgt, %add3A_883, %sign3A_902 : i32
      %sign3A_904 = arith.extui %sign3A_903 : i1 to i32
      %sign3A_905 = arith.constant 0 : i32
      %sign3A_906 = arith.cmpi slt, %add3A_883, %sign3A_905 : i32
      %sign3A_907 = arith.extui %sign3A_906 : i1 to i32
      %sign3A_908 = arith.subi %sign3A_904, %sign3A_907 : i32
      %sign3A_909 = arith.constant 0 : i32
      %sign3A_910 = arith.cmpi sgt, %jit3A_900, %sign3A_909 : i32
      %sign3A_911 = arith.extui %sign3A_910 : i1 to i32
      %sign3A_912 = arith.constant 0 : i32
      %sign3A_913 = arith.cmpi slt, %jit3A_900, %sign3A_912 : i32
      %sign3A_914 = arith.extui %sign3A_913 : i1 to i32
      %sign3A_915 = arith.subi %sign3A_911, %sign3A_914 : i32
      %ne3A_916 = arith.cmpi ne, %sign3A_908, %sign3A_915 : i32
      %rem3A_917 = arith.remsi %add3A_883, %jit3A_900 : i32
      %ne3A_918 = arith.constant 0 : i32
      %ne3A_919 = arith.cmpi ne, %rem3A_917, %ne3A_918 : i32
      %and3A_920 = arith.andi %ne3A_916, %ne3A_919 : i1
      %sub3A_921 = arith.constant 1 : i32
      %sub3A_922 = arith.subi %div3A_901, %sub3A_921 : i32
      %select_n3A_923 = arith.select %and3A_920, %sub3A_922, %div3A_901 : i32
      %eq3A_924 = arith.constant 0 : i32
      %eq3A_925 = arith.cmpi eq, %select_n3A_899, %eq3A_924 : i32
      %add3A_926 = arith.constant 1 : i32
      %add3A_927 = arith.addi %select_n3A_923, %add3A_926 : i32
      %lt3A_928 = arith.constant 53 : i32
      %lt3A_929 = arith.cmpi slt, %add3A_927, %lt3A_928 : i32
      %and3A_930 = arith.andi %eq3A_925, %lt3A_929 : i1
      %convert_element_type3A_931 = arith.extui %and3A_930 : i1 to i32
      %cond3A_932 = arith.constant 0 : i32
      %cond3A_933 = arith.cmpi ne, %convert_element_type3A_931, %cond3A_932 : i32
      scf.if %cond3A_933 {
        %add3A_1675 = arith.constant 1 : i32
        %add3A_1676 = arith.addi %select_n3A_923, %add3A_1675 : i32
        %jit3A_1677 = arith.constant 3 : i32
        %eq3A_1678 = arith.constant 0 : i32
        %eq3A_1679 = arith.cmpi eq, %jit3A_1677, %eq3A_1678 : i32
        %jit3A_1680 = arith.constant 1 : i32
        %select_n3A_1681 = arith.select %eq3A_1679, %jit3A_1680, %jit3A_1677 : i32
        %rem3A_1682 = arith.remsi %add3A_1676, %select_n3A_1681 : i32
        %ne3A_1683 = arith.constant 0 : i32
        %ne3A_1684 = arith.cmpi ne, %rem3A_1682, %ne3A_1683 : i32
        %lt3A_1685 = arith.constant 0 : i32
        %lt3A_1686 = arith.cmpi slt, %rem3A_1682, %lt3A_1685 : i32
        %lt3A_1687 = arith.constant 0 : i32
        %lt3A_1688 = arith.cmpi slt, %select_n3A_1681, %lt3A_1687 : i32
        %ne3A_1689 = arith.xori %lt3A_1686, %lt3A_1688 : i1
        %and3A_1690 = arith.andi %ne3A_1689, %ne3A_1684 : i1
        %add3A_1691 = arith.addi %rem3A_1682, %select_n3A_1681 : i32
        %select_n3A_1692 = arith.select %and3A_1690, %add3A_1691, %rem3A_1682 : i32
        %dma_wait3A_1693 = arith.constant 0 : i32
        %dma_wait3A_1694 = arith.constant 0 : i32
        %dma_wait3A_1695 = arith.constant 0 : i32
        %dma_wait3A_1696 = tpu.memref_slice %arg7[%select_n3A_1692, %dma_wait3A_1693, %dma_wait3A_1694, %dma_wait3A_1695] : memref<3x3x6x64xi32, #tpu.memory_space<vmem>> -> memref<1x3x6x64xi32, #tpu.memory_space<vmem>>
        %dma_wait3A_1697 = tpu.memref_squeeze %dma_wait3A_1696 : memref<1x3x6x64xi32, #tpu.memory_space<vmem>> -> memref<3x6x64xi32, #tpu.memory_space<vmem>>
        %dma_wait3A_1698 = arith.constant 0 : i32
        %dma_wait3A_1699 = arith.constant 0 : i32
        %dma_wait3A_1700 = arith.constant 0 : i32
        %dma_wait3A_1701 = tpu.memref_slice %arg4[%arg0, %arg1, %add3A_1676, %dma_wait3A_1698, %dma_wait3A_1699, %dma_wait3A_1700] : memref<2x16x53x3x6x64xi32, #tpu.memory_space<hbm>> -> memref<1x1x1x3x6x64xi32, #tpu.memory_space<hbm>>
        %dma_wait3A_1702 = tpu.memref_squeeze %dma_wait3A_1701 : memref<1x1x1x3x6x64xi32, #tpu.memory_space<hbm>> -> memref<3x6x64xi32, #tpu.memory_space<hbm>>
        %dma_wait3A_1703 = arith.constant 0 : i32
        %dma_wait3A_1704 = arith.constant 0 : i32
        %dma_wait3A_1705 = arith.constant 0 : i32
        %dma_wait3A_1706 = tpu.memref_slice %arg7[%select_n3A_1692, %dma_wait3A_1703, %dma_wait3A_1704, %dma_wait3A_1705] : memref<3x3x6x64xi32, #tpu.memory_space<vmem>> -> memref<1x3x6x64xi32, #tpu.memory_space<vmem>>
        %dma_wait3A_1707 = tpu.memref_squeeze %dma_wait3A_1706 : memref<1x3x6x64xi32, #tpu.memory_space<vmem>> -> memref<3x6x64xi32, #tpu.memory_space<vmem>>
        %dma_wait3A_1708 = arith.constant 0 : i32
        %dma_wait3A_1709 = arith.constant 0 : i32
        %dma_wait3A_1710 = arith.constant 0 : i32
        %dma_wait3A_1711 = tpu.memref_slice %arg4[%arg0, %arg1, %add3A_1676, %dma_wait3A_1708, %dma_wait3A_1709, %dma_wait3A_1710] : memref<2x16x53x3x6x64xi32, #tpu.memory_space<hbm>> -> memref<1x1x1x3x6x64xi32, #tpu.memory_space<hbm>>
        %dma_wait3A_1712 = tpu.memref_squeeze %dma_wait3A_1711 : memref<1x1x1x3x6x64xi32, #tpu.memory_space<hbm>> -> memref<3x6x64xi32, #tpu.memory_space<hbm>>
        tpu.wait_dma2 semaphore(%arg24 : memref<!tpu.dma_semaphore, #tpu.memory_space<semaphore_mem>>) src(%dma_wait3A_1712 : memref<3x6x64xi32, #tpu.memory_space<hbm>>) dst(%dma_wait3A_1707 : memref<3x6x64xi32, #tpu.memory_space<vmem>>)
      } else {
      }
      %eq3A_934 = arith.constant 2 : i32
      %eq3A_935 = arith.cmpi eq, %select_n3A_899, %eq3A_934 : i32
      %add3A_936 = arith.constant 2 : i32
      %add3A_937 = arith.addi %select_n3A_923, %add3A_936 : i32
      %lt3A_938 = arith.constant 53 : i32
      %lt3A_939 = arith.cmpi slt, %add3A_937, %lt3A_938 : i32
      %and3A_940 = arith.andi %eq3A_935, %lt3A_939 : i1
      %convert_element_type3A_941 = arith.extui %and3A_940 : i1 to i32
      %cond3A_942 = arith.constant 0 : i32
      %cond3A_943 = arith.cmpi ne, %convert_element_type3A_941, %cond3A_942 : i32
      scf.if %cond3A_943 {
        %add3A_1675 = arith.constant 2 : i32
        %add3A_1676 = arith.addi %select_n3A_923, %add3A_1675 : i32
        %jit3A_1677 = arith.constant 3 : i32
        %eq3A_1678 = arith.constant 0 : i32
        %eq3A_1679 = arith.cmpi eq, %jit3A_1677, %eq3A_1678 : i32
        %jit3A_1680 = arith.constant 1 : i32
        %select_n3A_1681 = arith.select %eq3A_1679, %jit3A_1680, %jit3A_1677 : i32
        %rem3A_1682 = arith.remsi %add3A_1676, %select_n3A_1681 : i32
        %ne3A_1683 = arith.constant 0 : i32
        %ne3A_1684 = arith.cmpi ne, %rem3A_1682, %ne3A_1683 : i32
        %lt3A_1685 = arith.constant 0 : i32
        %lt3A_1686 = arith.cmpi slt, %rem3A_1682, %lt3A_1685 : i32
        %lt3A_1687 = arith.constant 0 : i32
        %lt3A_1688 = arith.cmpi slt, %select_n3A_1681, %lt3A_1687 : i32
        %ne3A_1689 = arith.xori %lt3A_1686, %lt3A_1688 : i1
        %and3A_1690 = arith.andi %ne3A_1689, %ne3A_1684 : i1
        %add3A_1691 = arith.addi %rem3A_1682, %select_n3A_1681 : i32
        %select_n3A_1692 = arith.select %and3A_1690, %add3A_1691, %rem3A_1682 : i32
        %dma_start3A_1693 = arith.constant 0 : i32
        %dma_start3A_1694 = arith.constant 0 : i32
        %dma_start3A_1695 = arith.constant 0 : i32
        %dma_start3A_1696 = tpu.memref_slice %arg7[%select_n3A_1692, %dma_start3A_1693, %dma_start3A_1694, %dma_start3A_1695] : memref<3x3x6x64xi32, #tpu.memory_space<vmem>> -> memref<1x3x6x64xi32, #tpu.memory_space<vmem>>
        %dma_start3A_1697 = tpu.memref_squeeze %dma_start3A_1696 : memref<1x3x6x64xi32, #tpu.memory_space<vmem>> -> memref<3x6x64xi32, #tpu.memory_space<vmem>>
        %dma_start3A_1698 = arith.constant 0 : i32
        %dma_start3A_1699 = arith.constant 0 : i32
        %dma_start3A_1700 = arith.constant 0 : i32
        %dma_start3A_1701 = tpu.memref_slice %arg4[%arg0, %arg1, %add3A_1676, %dma_start3A_1698, %dma_start3A_1699, %dma_start3A_1700] : memref<2x16x53x3x6x64xi32, #tpu.memory_space<hbm>> -> memref<1x1x1x3x6x64xi32, #tpu.memory_space<hbm>>
        %dma_start3A_1702 = tpu.memref_squeeze %dma_start3A_1701 : memref<1x1x1x3x6x64xi32, #tpu.memory_space<hbm>> -> memref<3x6x64xi32, #tpu.memory_space<hbm>>
        %dma_start3A_1703 = arith.constant 0 : i32
        %dma_start3A_1704 = arith.constant 0 : i32
        %dma_start3A_1705 = arith.constant 0 : i32
        %dma_start3A_1706 = tpu.memref_slice %arg7[%select_n3A_1692, %dma_start3A_1703, %dma_start3A_1704, %dma_start3A_1705] : memref<3x3x6x64xi32, #tpu.memory_space<vmem>> -> memref<1x3x6x64xi32, #tpu.memory_space<vmem>>
        %dma_start3A_1707 = tpu.memref_squeeze %dma_start3A_1706 : memref<1x3x6x64xi32, #tpu.memory_space<vmem>> -> memref<3x6x64xi32, #tpu.memory_space<vmem>>
        %dma_start3A_1708 = arith.constant 0 : i32
        %dma_start3A_1709 = arith.constant 0 : i32
        %dma_start3A_1710 = arith.constant 0 : i32
        %dma_start3A_1711 = tpu.memref_slice %arg4[%arg0, %arg1, %add3A_1676, %dma_start3A_1708, %dma_start3A_1709, %dma_start3A_1710] : memref<2x16x53x3x6x64xi32, #tpu.memory_space<hbm>> -> memref<1x1x1x3x6x64xi32, #tpu.memory_space<hbm>>
        %dma_start3A_1712 = tpu.memref_squeeze %dma_start3A_1711 : memref<1x1x1x3x6x64xi32, #tpu.memory_space<hbm>> -> memref<3x6x64xi32, #tpu.memory_space<hbm>>
        tpu.enqueue_dma source(%dma_start3A_1712 : memref<3x6x64xi32, #tpu.memory_space<hbm>>) target(%dma_start3A_1707 : memref<3x6x64xi32, #tpu.memory_space<vmem>>) target_semaphore(%arg24 : memref<!tpu.dma_semaphore, #tpu.memory_space<semaphore_mem>>)
      } else {
      }
      %jit3A_944 = arith.constant 6 : i32
      %div3A_945 = arith.divsi %add3A_883, %jit3A_944 : i32
      %sign3A_946 = arith.constant 0 : i32
      %sign3A_947 = arith.cmpi sgt, %add3A_883, %sign3A_946 : i32
      %sign3A_948 = arith.extui %sign3A_947 : i1 to i32
      %sign3A_949 = arith.constant 0 : i32
      %sign3A_950 = arith.cmpi slt, %add3A_883, %sign3A_949 : i32
      %sign3A_951 = arith.extui %sign3A_950 : i1 to i32
      %sign3A_952 = arith.subi %sign3A_948, %sign3A_951 : i32
      %sign3A_953 = arith.constant 0 : i32
      %sign3A_954 = arith.cmpi sgt, %jit3A_944, %sign3A_953 : i32
      %sign3A_955 = arith.extui %sign3A_954 : i1 to i32
      %sign3A_956 = arith.constant 0 : i32
      %sign3A_957 = arith.cmpi slt, %jit3A_944, %sign3A_956 : i32
      %sign3A_958 = arith.extui %sign3A_957 : i1 to i32
      %sign3A_959 = arith.subi %sign3A_955, %sign3A_958 : i32
      %ne3A_960 = arith.cmpi ne, %sign3A_952, %sign3A_959 : i32
      %rem3A_961 = arith.remsi %add3A_883, %jit3A_944 : i32
      %ne3A_962 = arith.constant 0 : i32
      %ne3A_963 = arith.cmpi ne, %rem3A_961, %ne3A_962 : i32
      %and3A_964 = arith.andi %ne3A_960, %ne3A_963 : i1
      %sub3A_965 = arith.constant 1 : i32
      %sub3A_966 = arith.subi %div3A_945, %sub3A_965 : i32
      %select_n3A_967 = arith.select %and3A_964, %sub3A_966, %div3A_945 : i32
      %jit3A_968 = arith.constant 3 : i32
      %eq3A_969 = arith.constant 0 : i32
      %eq3A_970 = arith.cmpi eq, %jit3A_968, %eq3A_969 : i32
      %jit3A_971 = arith.constant 1 : i32
      %select_n3A_972 = arith.select %eq3A_970, %jit3A_971, %jit3A_968 : i32
      %rem3A_973 = arith.remsi %select_n3A_967, %select_n3A_972 : i32
      %ne3A_974 = arith.constant 0 : i32
      %ne3A_975 = arith.cmpi ne, %rem3A_973, %ne3A_974 : i32
      %lt3A_976 = arith.constant 0 : i32
      %lt3A_977 = arith.cmpi slt, %rem3A_973, %lt3A_976 : i32
      %lt3A_978 = arith.constant 0 : i32
      %lt3A_979 = arith.cmpi slt, %select_n3A_972, %lt3A_978 : i32
      %ne3A_980 = arith.xori %lt3A_977, %lt3A_979 : i1
      %and3A_981 = arith.andi %ne3A_980, %ne3A_975 : i1
      %add3A_982 = arith.addi %rem3A_973, %select_n3A_972 : i32
      %select_n3A_983 = arith.select %and3A_981, %add3A_982, %rem3A_973 : i32
      %jit3A_984 = arith.constant 6 : i32
      %eq3A_985 = arith.constant 0 : i32
      %eq3A_986 = arith.cmpi eq, %jit3A_984, %eq3A_985 : i32
      %jit3A_987 = arith.constant 1 : i32
      %select_n3A_988 = arith.select %eq3A_986, %jit3A_987, %jit3A_984 : i32
      %rem3A_989 = arith.remsi %add3A_883, %select_n3A_988 : i32
      %ne3A_990 = arith.constant 0 : i32
      %ne3A_991 = arith.cmpi ne, %rem3A_989, %ne3A_990 : i32
      %lt3A_992 = arith.constant 0 : i32
      %lt3A_993 = arith.cmpi slt, %rem3A_989, %lt3A_992 : i32
      %lt3A_994 = arith.constant 0 : i32
      %lt3A_995 = arith.cmpi slt, %select_n3A_988, %lt3A_994 : i32
      %ne3A_996 = arith.xori %lt3A_993, %lt3A_995 : i1
      %and3A_997 = arith.andi %ne3A_996, %ne3A_991 : i1
      %add3A_998 = arith.addi %rem3A_989, %select_n3A_988 : i32
      %select_n3A_999 = arith.select %and3A_997, %add3A_998, %rem3A_989 : i32
      %dma_wait3A_1000 = arith.constant 0 : i32
      %dma_wait3A_1001 = arith.constant 0 : i32
      %dma_wait3A_1002 = tpu.memref_slice %arg7[%select_n3A_983, %dma_wait3A_1000, %select_n3A_999, %dma_wait3A_1001] : memref<3x3x6x64xi32, #tpu.memory_space<vmem>> -> memref<1x1x1x64xi32, #tpu.memory_space<vmem>>
      %dma_wait3A_1003 = tpu.memref_squeeze %dma_wait3A_1002 : memref<1x1x1x64xi32, #tpu.memory_space<vmem>> -> memref<64xi32, #tpu.memory_space<vmem>>
      %dma_wait3A_1004 = arith.constant 0 : i32
      %dma_wait3A_1005 = arith.constant 0 : i32
      %dma_wait3A_1006 = tpu.memref_slice %arg3[%dma_wait3A_1004, %dma_wait3A_1005] : memref<20000x64xi32, #tpu.memory_space<hbm>> -> memref<20000x64xi32, #tpu.memory_space<hbm>>
      tpu.wait_indirect_dma semaphore(%arg19 : memref<!tpu.dma_semaphore, #tpu.memory_space<semaphore_mem>>) src(%dma_wait3A_1006 : memref<20000x64xi32, #tpu.memory_space<hbm>>) dst(%arg11 : memref<64x64xi32, #tpu.memory_space<vmem>>)
      %ge3A_1007 = arith.constant 2 : i32
      %ge3A_1008 = arith.cmpi sge, %add3A_883, %ge3A_1007 : i32
      %convert_element_type3A_1009 = arith.extui %ge3A_1008 : i1 to i32
      %cond3A_1010 = arith.constant 0 : i32
      %cond3A_1011 = arith.cmpi ne, %convert_element_type3A_1009, %cond3A_1010 : i32
      scf.if %cond3A_1011 {
        %sub3A_1675 = arith.constant 2 : i32
        %sub3A_1676 = arith.subi %add3A_883, %sub3A_1675 : i32
        %jit3A_1677 = arith.constant 6 : i32
        %div3A_1678 = arith.divsi %sub3A_1676, %jit3A_1677 : i32
        %sign3A_1679 = arith.constant 0 : i32
        %sign3A_1680 = arith.cmpi sgt, %sub3A_1676, %sign3A_1679 : i32
        %sign3A_1681 = arith.extui %sign3A_1680 : i1 to i32
        %sign3A_1682 = arith.constant 0 : i32
        %sign3A_1683 = arith.cmpi slt, %sub3A_1676, %sign3A_1682 : i32
        %sign3A_1684 = arith.extui %sign3A_1683 : i1 to i32
        %sign3A_1685 = arith.subi %sign3A_1681, %sign3A_1684 : i32
        %sign3A_1686 = arith.constant 0 : i32
        %sign3A_1687 = arith.cmpi sgt, %jit3A_1677, %sign3A_1686 : i32
        %sign3A_1688 = arith.extui %sign3A_1687 : i1 to i32
        %sign3A_1689 = arith.constant 0 : i32
        %sign3A_1690 = arith.cmpi slt, %jit3A_1677, %sign3A_1689 : i32
        %sign3A_1691 = arith.extui %sign3A_1690 : i1 to i32
        %sign3A_1692 = arith.subi %sign3A_1688, %sign3A_1691 : i32
        %ne3A_1693 = arith.cmpi ne, %sign3A_1685, %sign3A_1692 : i32
        %rem3A_1694 = arith.remsi %sub3A_1676, %jit3A_1677 : i32
        %ne3A_1695 = arith.constant 0 : i32
        %ne3A_1696 = arith.cmpi ne, %rem3A_1694, %ne3A_1695 : i32
        %and3A_1697 = arith.andi %ne3A_1693, %ne3A_1696 : i1
        %sub3A_1698 = arith.constant 1 : i32
        %sub3A_1699 = arith.subi %div3A_1678, %sub3A_1698 : i32
        %select_n3A_1700 = arith.select %and3A_1697, %sub3A_1699, %div3A_1678 : i32
        %jit3A_1701 = arith.constant 3 : i32
        %eq3A_1702 = arith.constant 0 : i32
        %eq3A_1703 = arith.cmpi eq, %jit3A_1701, %eq3A_1702 : i32
        %jit3A_1704 = arith.constant 1 : i32
        %select_n3A_1705 = arith.select %eq3A_1703, %jit3A_1704, %jit3A_1701 : i32
        %rem3A_1706 = arith.remsi %select_n3A_1700, %select_n3A_1705 : i32
        %ne3A_1707 = arith.constant 0 : i32
        %ne3A_1708 = arith.cmpi ne, %rem3A_1706, %ne3A_1707 : i32
        %lt3A_1709 = arith.constant 0 : i32
        %lt3A_1710 = arith.cmpi slt, %rem3A_1706, %lt3A_1709 : i32
        %lt3A_1711 = arith.constant 0 : i32
        %lt3A_1712 = arith.cmpi slt, %select_n3A_1705, %lt3A_1711 : i32
        %ne3A_1713 = arith.xori %lt3A_1710, %lt3A_1712 : i1
        %and3A_1714 = arith.andi %ne3A_1713, %ne3A_1708 : i1
        %add3A_1715 = arith.addi %rem3A_1706, %select_n3A_1705 : i32
        %select_n3A_1716 = arith.select %and3A_1714, %add3A_1715, %rem3A_1706 : i32
        %jit3A_1717 = arith.constant 6 : i32
        %eq3A_1718 = arith.constant 0 : i32
        %eq3A_1719 = arith.cmpi eq, %jit3A_1717, %eq3A_1718 : i32
        %jit3A_1720 = arith.constant 1 : i32
        %select_n3A_1721 = arith.select %eq3A_1719, %jit3A_1720, %jit3A_1717 : i32
        %rem3A_1722 = arith.remsi %sub3A_1676, %select_n3A_1721 : i32
        %ne3A_1723 = arith.constant 0 : i32
        %ne3A_1724 = arith.cmpi ne, %rem3A_1722, %ne3A_1723 : i32
        %lt3A_1725 = arith.constant 0 : i32
        %lt3A_1726 = arith.cmpi slt, %rem3A_1722, %lt3A_1725 : i32
        %lt3A_1727 = arith.constant 0 : i32
        %lt3A_1728 = arith.cmpi slt, %select_n3A_1721, %lt3A_1727 : i32
        %ne3A_1729 = arith.xori %lt3A_1726, %lt3A_1728 : i1
        %and3A_1730 = arith.andi %ne3A_1729, %ne3A_1724 : i1
        %add3A_1731 = arith.addi %rem3A_1722, %select_n3A_1721 : i32
        %select_n3A_1732 = arith.select %and3A_1730, %add3A_1731, %rem3A_1722 : i32
        %dma_wait3A_1733 = arith.constant 1 : i32
        %dma_wait3A_1734 = arith.constant 0 : i32
        %dma_wait3A_1735 = tpu.memref_slice %arg7[%select_n3A_1716, %dma_wait3A_1733, %select_n3A_1732, %dma_wait3A_1734] : memref<3x3x6x64xi32, #tpu.memory_space<vmem>> -> memref<1x1x1x64xi32, #tpu.memory_space<vmem>>
        %dma_wait3A_1736 = tpu.memref_squeeze %dma_wait3A_1735 : memref<1x1x1x64xi32, #tpu.memory_space<vmem>> -> memref<64xi32, #tpu.memory_space<vmem>>
        %dma_wait3A_1737 = arith.constant 0 : i32
        %dma_wait3A_1738 = arith.constant 0 : i32
        %dma_wait3A_1739 = tpu.memref_slice %arg6[%dma_wait3A_1737, %dma_wait3A_1738] : memref<10000x128xf32, #tpu.memory_space<vmem_shared>> -> memref<10000x128xf32, #tpu.memory_space<vmem_shared>>
        tpu.wait_indirect_dma semaphore(%arg23 : memref<!tpu.dma_semaphore, #tpu.memory_space<semaphore_mem>>) src(%arg15 : memref<64x128xf32, #tpu.memory_space<vmem>>) dst(%dma_wait3A_1739 : memref<10000x128xf32, #tpu.memory_space<vmem_shared>>)
      } else {
      }
      %jit3A_1012 = arith.constant 6 : i32
      %div3A_1013 = arith.divsi %add3A_883, %jit3A_1012 : i32
      %sign3A_1014 = arith.constant 0 : i32
      %sign3A_1015 = arith.cmpi sgt, %add3A_883, %sign3A_1014 : i32
      %sign3A_1016 = arith.extui %sign3A_1015 : i1 to i32
      %sign3A_1017 = arith.constant 0 : i32
      %sign3A_1018 = arith.cmpi slt, %add3A_883, %sign3A_1017 : i32
      %sign3A_1019 = arith.extui %sign3A_1018 : i1 to i32
      %sign3A_1020 = arith.subi %sign3A_1016, %sign3A_1019 : i32
      %sign3A_1021 = arith.constant 0 : i32
      %sign3A_1022 = arith.cmpi sgt, %jit3A_1012, %sign3A_1021 : i32
      %sign3A_1023 = arith.extui %sign3A_1022 : i1 to i32
      %sign3A_1024 = arith.constant 0 : i32
      %sign3A_1025 = arith.cmpi slt, %jit3A_1012, %sign3A_1024 : i32
      %sign3A_1026 = arith.extui %sign3A_1025 : i1 to i32
      %sign3A_1027 = arith.subi %sign3A_1023, %sign3A_1026 : i32
      %ne3A_1028 = arith.cmpi ne, %sign3A_1020, %sign3A_1027 : i32
      %rem3A_1029 = arith.remsi %add3A_883, %jit3A_1012 : i32
      %ne3A_1030 = arith.constant 0 : i32
      %ne3A_1031 = arith.cmpi ne, %rem3A_1029, %ne3A_1030 : i32
      %and3A_1032 = arith.andi %ne3A_1028, %ne3A_1031 : i1
      %sub3A_1033 = arith.constant 1 : i32
      %sub3A_1034 = arith.subi %div3A_1013, %sub3A_1033 : i32
      %select_n3A_1035 = arith.select %and3A_1032, %sub3A_1034, %div3A_1013 : i32
      %jit3A_1036 = arith.constant 3 : i32
      %eq3A_1037 = arith.constant 0 : i32
      %eq3A_1038 = arith.cmpi eq, %jit3A_1036, %eq3A_1037 : i32
      %jit3A_1039 = arith.constant 1 : i32
      %select_n3A_1040 = arith.select %eq3A_1038, %jit3A_1039, %jit3A_1036 : i32
      %rem3A_1041 = arith.remsi %select_n3A_1035, %select_n3A_1040 : i32
      %ne3A_1042 = arith.constant 0 : i32
      %ne3A_1043 = arith.cmpi ne, %rem3A_1041, %ne3A_1042 : i32
      %lt3A_1044 = arith.constant 0 : i32
      %lt3A_1045 = arith.cmpi slt, %rem3A_1041, %lt3A_1044 : i32
      %lt3A_1046 = arith.constant 0 : i32
      %lt3A_1047 = arith.cmpi slt, %select_n3A_1040, %lt3A_1046 : i32
      %ne3A_1048 = arith.xori %lt3A_1045, %lt3A_1047 : i1
      %and3A_1049 = arith.andi %ne3A_1048, %ne3A_1043 : i1
      %add3A_1050 = arith.addi %rem3A_1041, %select_n3A_1040 : i32
      %select_n3A_1051 = arith.select %and3A_1049, %add3A_1050, %rem3A_1041 : i32
      %broadcast_in_dim3A_1052 = vector.broadcast %select_n3A_1051 : i32 to vector<16xi32>
      %jit3A_1053 = arith.constant 6 : i32
      %eq3A_1054 = arith.constant 0 : i32
      %eq3A_1055 = arith.cmpi eq, %jit3A_1053, %eq3A_1054 : i32
      %jit3A_1056 = arith.constant 1 : i32
      %select_n3A_1057 = arith.select %eq3A_1055, %jit3A_1056, %jit3A_1053 : i32
      %rem3A_1058 = arith.remsi %add3A_883, %select_n3A_1057 : i32
      %ne3A_1059 = arith.constant 0 : i32
      %ne3A_1060 = arith.cmpi ne, %rem3A_1058, %ne3A_1059 : i32
      %lt3A_1061 = arith.constant 0 : i32
      %lt3A_1062 = arith.cmpi slt, %rem3A_1058, %lt3A_1061 : i32
      %lt3A_1063 = arith.constant 0 : i32
      %lt3A_1064 = arith.cmpi slt, %select_n3A_1057, %lt3A_1063 : i32
      %ne3A_1065 = arith.xori %lt3A_1062, %lt3A_1064 : i1
      %and3A_1066 = arith.andi %ne3A_1065, %ne3A_1060 : i1
      %add3A_1067 = arith.addi %rem3A_1058, %select_n3A_1057 : i32
      %select_n3A_1068 = arith.select %and3A_1066, %add3A_1067, %rem3A_1058 : i32
      %broadcast_in_dim3A_1069 = vector.broadcast %select_n3A_1068 : i32 to vector<16xi32>
      %broadcast_in_dim3A_1070 = arith.constant 2 : i32
      %broadcast_in_dim3A_1071 = vector.broadcast %broadcast_in_dim3A_1070 : i32 to vector<16xi32>
      %parallel_loop3A_1072 = arith.constant 0 : i32
      %parallel_loop3A_1073 = arith.constant 64 : i32
      %parallel_loop3A_1074 = arith.constant 1 : i32
      scf.for %parallel_loop3A_1675 = %parallel_loop3A_1072 to %parallel_loop3A_1073 step %parallel_loop3A_1074  : i32 {
        %parallel_loop3A_1676 = vector.broadcast %parallel_loop3A_1675 : i32 to vector<16xi32>
        %parallel_loop3A_1677 = tpu.vector_load_idx %arg7[%broadcast_in_dim3A_1052, %broadcast_in_dim3A_1071, %broadcast_in_dim3A_1069, %parallel_loop3A_1676] : memref<3x3x6x64xi32, #tpu.memory_space<vmem>>[vector<16xi32>, vector<16xi32>, vector<16xi32>, vector<16xi32>], vector<16xi32>,
        %parallel_loop3A_1678 = vector.bitcast %parallel_loop3A_1677 : vector<16xi32> to vector<16xf32>
        %parallel_loop3A_1679 = arith.index_cast %parallel_loop3A_1675 : i32 to index
        %parallel_loop3A_1680 = arith.constant 0 : index
        %parallel_loop3A_1681 = tpu.vector_load %arg11[%parallel_loop3A_1679, %parallel_loop3A_1680] {strides = array<i32>} : memref<64x64xi32, #tpu.memory_space<vmem>>, vector<16xi32>,
        %parallel_loop3A_1682 = vector.bitcast %parallel_loop3A_1681 : vector<16xi32> to vector<32xbf16>
        %parallel_loop3A_1683 = tpu.unpack_subelements %parallel_loop3A_1682, 0 {pack_format = #tpu.pack_format<interleaved>} : vector<32xbf16> -> vector<16xf32>
        %parallel_loop3A_1684 = tpu.unpack_subelements %parallel_loop3A_1682, 1 {pack_format = #tpu.pack_format<interleaved>} : vector<32xbf16> -> vector<16xf32>
        %parallel_loop3A_1685 = arith.mulf %parallel_loop3A_1683, %parallel_loop3A_1678 : vector<16xf32>
        %parallel_loop3A_1686 = arith.index_cast %parallel_loop3A_1675 : i32 to index
        %parallel_loop3A_1687 = arith.constant 0 : index
        %parallel_loop3A_1688 = tpu.vector_load %arg15[%parallel_loop3A_1686, %parallel_loop3A_1687] {strides = array<i32>} : memref<64x128xf32, #tpu.memory_space<vmem>>, vector<16xf32>,
        tpu.vector_store %arg15[%parallel_loop3A_1686, %parallel_loop3A_1687], %parallel_loop3A_1685 {strides = array<i32>} : memref<64x128xf32, #tpu.memory_space<vmem>>, vector<16xf32>,
        %parallel_loop3A_1689 = arith.mulf %parallel_loop3A_1684, %parallel_loop3A_1678 : vector<16xf32>
        %parallel_loop3A_1690 = arith.index_cast %parallel_loop3A_1675 : i32 to index
        %parallel_loop3A_1691 = arith.constant 16 : index
        %parallel_loop3A_1692 = tpu.vector_load %arg15[%parallel_loop3A_1690, %parallel_loop3A_1691] {strides = array<i32>} : memref<64x128xf32, #tpu.memory_space<vmem>>, vector<16xf32>,
        tpu.vector_store %arg15[%parallel_loop3A_1690, %parallel_loop3A_1691], %parallel_loop3A_1689 {strides = array<i32>} : memref<64x128xf32, #tpu.memory_space<vmem>>, vector<16xf32>,
        %parallel_loop3A_1693 = arith.index_cast %parallel_loop3A_1675 : i32 to index
        %parallel_loop3A_1694 = arith.constant 16 : index
        %parallel_loop3A_1695 = tpu.vector_load %arg11[%parallel_loop3A_1693, %parallel_loop3A_1694] {strides = array<i32>} : memref<64x64xi32, #tpu.memory_space<vmem>>, vector<16xi32>,
        %parallel_loop3A_1696 = vector.bitcast %parallel_loop3A_1695 : vector<16xi32> to vector<32xbf16>
        %parallel_loop3A_1697 = tpu.unpack_subelements %parallel_loop3A_1696, 0 {pack_format = #tpu.pack_format<interleaved>} : vector<32xbf16> -> vector<16xf32>
        %parallel_loop3A_1698 = tpu.unpack_subelements %parallel_loop3A_1696, 1 {pack_format = #tpu.pack_format<interleaved>} : vector<32xbf16> -> vector<16xf32>
        %parallel_loop3A_1699 = arith.mulf %parallel_loop3A_1697, %parallel_loop3A_1678 : vector<16xf32>
        %parallel_loop3A_1700 = arith.index_cast %parallel_loop3A_1675 : i32 to index
        %parallel_loop3A_1701 = arith.constant 32 : index
        %parallel_loop3A_1702 = tpu.vector_load %arg15[%parallel_loop3A_1700, %parallel_loop3A_1701] {strides = array<i32>} : memref<64x128xf32, #tpu.memory_space<vmem>>, vector<16xf32>,
        tpu.vector_store %arg15[%parallel_loop3A_1700, %parallel_loop3A_1701], %parallel_loop3A_1699 {strides = array<i32>} : memref<64x128xf32, #tpu.memory_space<vmem>>, vector<16xf32>,
        %parallel_loop3A_1703 = arith.mulf %parallel_loop3A_1698, %parallel_loop3A_1678 : vector<16xf32>
        %parallel_loop3A_1704 = arith.index_cast %parallel_loop3A_1675 : i32 to index
        %parallel_loop3A_1705 = arith.constant 48 : index
        %parallel_loop3A_1706 = tpu.vector_load %arg15[%parallel_loop3A_1704, %parallel_loop3A_1705] {strides = array<i32>} : memref<64x128xf32, #tpu.memory_space<vmem>>, vector<16xf32>,
        tpu.vector_store %arg15[%parallel_loop3A_1704, %parallel_loop3A_1705], %parallel_loop3A_1703 {strides = array<i32>} : memref<64x128xf32, #tpu.memory_space<vmem>>, vector<16xf32>,
        %parallel_loop3A_1707 = arith.index_cast %parallel_loop3A_1675 : i32 to index
        %parallel_loop3A_1708 = arith.constant 32 : index
        %parallel_loop3A_1709 = tpu.vector_load %arg11[%parallel_loop3A_1707, %parallel_loop3A_1708] {strides = array<i32>} : memref<64x64xi32, #tpu.memory_space<vmem>>, vector<16xi32>,
        %parallel_loop3A_1710 = vector.bitcast %parallel_loop3A_1709 : vector<16xi32> to vector<32xbf16>
        %parallel_loop3A_1711 = tpu.unpack_subelements %parallel_loop3A_1710, 0 {pack_format = #tpu.pack_format<interleaved>} : vector<32xbf16> -> vector<16xf32>
        %parallel_loop3A_1712 = tpu.unpack_subelements %parallel_loop3A_1710, 1 {pack_format = #tpu.pack_format<interleaved>} : vector<32xbf16> -> vector<16xf32>
        %parallel_loop3A_1713 = arith.mulf %parallel_loop3A_1711, %parallel_loop3A_1678 : vector<16xf32>
        %parallel_loop3A_1714 = arith.index_cast %parallel_loop3A_1675 : i32 to index
        %parallel_loop3A_1715 = arith.constant 64 : index
        %parallel_loop3A_1716 = tpu.vector_load %arg15[%parallel_loop3A_1714, %parallel_loop3A_1715] {strides = array<i32>} : memref<64x128xf32, #tpu.memory_space<vmem>>, vector<16xf32>,
        tpu.vector_store %arg15[%parallel_loop3A_1714, %parallel_loop3A_1715], %parallel_loop3A_1713 {strides = array<i32>} : memref<64x128xf32, #tpu.memory_space<vmem>>, vector<16xf32>,
        %parallel_loop3A_1717 = arith.mulf %parallel_loop3A_1712, %parallel_loop3A_1678 : vector<16xf32>
        %parallel_loop3A_1718 = arith.index_cast %parallel_loop3A_1675 : i32 to index
        %parallel_loop3A_1719 = arith.constant 80 : index
        %parallel_loop3A_1720 = tpu.vector_load %arg15[%parallel_loop3A_1718, %parallel_loop3A_1719] {strides = array<i32>} : memref<64x128xf32, #tpu.memory_space<vmem>>, vector<16xf32>,
        tpu.vector_store %arg15[%parallel_loop3A_1718, %parallel_loop3A_1719], %parallel_loop3A_1717 {strides = array<i32>} : memref<64x128xf32, #tpu.memory_space<vmem>>, vector<16xf32>,
        %parallel_loop3A_1721 = arith.index_cast %parallel_loop3A_1675 : i32 to index
        %parallel_loop3A_1722 = arith.constant 48 : index
        %parallel_loop3A_1723 = tpu.vector_load %arg11[%parallel_loop3A_1721, %parallel_loop3A_1722] {strides = array<i32>} : memref<64x64xi32, #tpu.memory_space<vmem>>, vector<16xi32>,
        %parallel_loop3A_1724 = vector.bitcast %parallel_loop3A_1723 : vector<16xi32> to vector<32xbf16>
        %parallel_loop3A_1725 = tpu.unpack_subelements %parallel_loop3A_1724, 0 {pack_format = #tpu.pack_format<interleaved>} : vector<32xbf16> -> vector<16xf32>
        %parallel_loop3A_1726 = tpu.unpack_subelements %parallel_loop3A_1724, 1 {pack_format = #tpu.pack_format<interleaved>} : vector<32xbf16> -> vector<16xf32>
        %parallel_loop3A_1727 = arith.mulf %parallel_loop3A_1725, %parallel_loop3A_1678 : vector<16xf32>
        %parallel_loop3A_1728 = arith.index_cast %parallel_loop3A_1675 : i32 to index
        %parallel_loop3A_1729 = arith.constant 96 : index
        %parallel_loop3A_1730 = tpu.vector_load %arg15[%parallel_loop3A_1728, %parallel_loop3A_1729] {strides = array<i32>} : memref<64x128xf32, #tpu.memory_space<vmem>>, vector<16xf32>,
        tpu.vector_store %arg15[%parallel_loop3A_1728, %parallel_loop3A_1729], %parallel_loop3A_1727 {strides = array<i32>} : memref<64x128xf32, #tpu.memory_space<vmem>>, vector<16xf32>,
        %parallel_loop3A_1731 = arith.mulf %parallel_loop3A_1726, %parallel_loop3A_1678 : vector<16xf32>
        %parallel_loop3A_1732 = arith.index_cast %parallel_loop3A_1675 : i32 to index
        %parallel_loop3A_1733 = arith.constant 112 : index
        %parallel_loop3A_1734 = tpu.vector_load %arg15[%parallel_loop3A_1732, %parallel_loop3A_1733] {strides = array<i32>} : memref<64x128xf32, #tpu.memory_space<vmem>>, vector<16xf32>,
        tpu.vector_store %arg15[%parallel_loop3A_1732, %parallel_loop3A_1733], %parallel_loop3A_1731 {strides = array<i32>} : memref<64x128xf32, #tpu.memory_space<vmem>>, vector<16xf32>,
      } {sc.loop_unroll_factor = 4 : i64, sc.parallel_access}
      %add3A_1075 = arith.constant 6 : i32
      %add3A_1076 = arith.addi %add3A_883, %add3A_1075 : i32
      %lt3A_1077 = arith.constant 318 : i32
      %lt3A_1078 = arith.cmpi slt, %add3A_1076, %lt3A_1077 : i32
      %convert_element_type3A_1079 = arith.extui %lt3A_1078 : i1 to i32
      %cond3A_1080 = arith.constant 0 : i32
      %cond3A_1081 = arith.cmpi ne, %convert_element_type3A_1079, %cond3A_1080 : i32
      scf.if %cond3A_1081 {
        %add3A_1675 = arith.constant 6 : i32
        %add3A_1676 = arith.addi %add3A_883, %add3A_1675 : i32
        %jit3A_1677 = arith.constant 6 : i32
        %div3A_1678 = arith.divsi %add3A_1676, %jit3A_1677 : i32
        %sign3A_1679 = arith.constant 0 : i32
        %sign3A_1680 = arith.cmpi sgt, %add3A_1676, %sign3A_1679 : i32
        %sign3A_1681 = arith.extui %sign3A_1680 : i1 to i32
        %sign3A_1682 = arith.constant 0 : i32
        %sign3A_1683 = arith.cmpi slt, %add3A_1676, %sign3A_1682 : i32
        %sign3A_1684 = arith.extui %sign3A_1683 : i1 to i32
        %sign3A_1685 = arith.subi %sign3A_1681, %sign3A_1684 : i32
        %sign3A_1686 = arith.constant 0 : i32
        %sign3A_1687 = arith.cmpi sgt, %jit3A_1677, %sign3A_1686 : i32
        %sign3A_1688 = arith.extui %sign3A_1687 : i1 to i32
        %sign3A_1689 = arith.constant 0 : i32
        %sign3A_1690 = arith.cmpi slt, %jit3A_1677, %sign3A_1689 : i32
        %sign3A_1691 = arith.extui %sign3A_1690 : i1 to i32
        %sign3A_1692 = arith.subi %sign3A_1688, %sign3A_1691 : i32
        %ne3A_1693 = arith.cmpi ne, %sign3A_1685, %sign3A_1692 : i32
        %rem3A_1694 = arith.remsi %add3A_1676, %jit3A_1677 : i32
        %ne3A_1695 = arith.constant 0 : i32
        %ne3A_1696 = arith.cmpi ne, %rem3A_1694, %ne3A_1695 : i32
        %and3A_1697 = arith.andi %ne3A_1693, %ne3A_1696 : i1
        %sub3A_1698 = arith.constant 1 : i32
        %sub3A_1699 = arith.subi %div3A_1678, %sub3A_1698 : i32
        %select_n3A_1700 = arith.select %and3A_1697, %sub3A_1699, %div3A_1678 : i32
        %jit3A_1701 = arith.constant 3 : i32
        %eq3A_1702 = arith.constant 0 : i32
        %eq3A_1703 = arith.cmpi eq, %jit3A_1701, %eq3A_1702 : i32
        %jit3A_1704 = arith.constant 1 : i32
        %select_n3A_1705 = arith.select %eq3A_1703, %jit3A_1704, %jit3A_1701 : i32
        %rem3A_1706 = arith.remsi %select_n3A_1700, %select_n3A_1705 : i32
        %ne3A_1707 = arith.constant 0 : i32
        %ne3A_1708 = arith.cmpi ne, %rem3A_1706, %ne3A_1707 : i32
        %lt3A_1709 = arith.constant 0 : i32
        %lt3A_1710 = arith.cmpi slt, %rem3A_1706, %lt3A_1709 : i32
        %lt3A_1711 = arith.constant 0 : i32
        %lt3A_1712 = arith.cmpi slt, %select_n3A_1705, %lt3A_1711 : i32
        %ne3A_1713 = arith.xori %lt3A_1710, %lt3A_1712 : i1
        %and3A_1714 = arith.andi %ne3A_1713, %ne3A_1708 : i1
        %add3A_1715 = arith.addi %rem3A_1706, %select_n3A_1705 : i32
        %select_n3A_1716 = arith.select %and3A_1714, %add3A_1715, %rem3A_1706 : i32
        %jit3A_1717 = arith.constant 6 : i32
        %eq3A_1718 = arith.constant 0 : i32
        %eq3A_1719 = arith.cmpi eq, %jit3A_1717, %eq3A_1718 : i32
        %jit3A_1720 = arith.constant 1 : i32
        %select_n3A_1721 = arith.select %eq3A_1719, %jit3A_1720, %jit3A_1717 : i32
        %rem3A_1722 = arith.remsi %add3A_1676, %select_n3A_1721 : i32
        %ne3A_1723 = arith.constant 0 : i32
        %ne3A_1724 = arith.cmpi ne, %rem3A_1722, %ne3A_1723 : i32
        %lt3A_1725 = arith.constant 0 : i32
        %lt3A_1726 = arith.cmpi slt, %rem3A_1722, %lt3A_1725 : i32
        %lt3A_1727 = arith.constant 0 : i32
        %lt3A_1728 = arith.cmpi slt, %select_n3A_1721, %lt3A_1727 : i32
        %ne3A_1729 = arith.xori %lt3A_1726, %lt3A_1728 : i1
        %and3A_1730 = arith.andi %ne3A_1729, %ne3A_1724 : i1
        %add3A_1731 = arith.addi %rem3A_1722, %select_n3A_1721 : i32
        %select_n3A_1732 = arith.select %and3A_1730, %add3A_1731, %rem3A_1722 : i32
        %dma_start3A_1733 = arith.constant 0 : i32
        %dma_start3A_1734 = arith.constant 0 : i32
        %dma_start3A_1735 = tpu.memref_slice %arg7[%select_n3A_1716, %dma_start3A_1733, %select_n3A_1732, %dma_start3A_1734] : memref<3x3x6x64xi32, #tpu.memory_space<vmem>> -> memref<1x1x1x64xi32, #tpu.memory_space<vmem>>
        %dma_start3A_1736 = tpu.memref_squeeze %dma_start3A_1735 : memref<1x1x1x64xi32, #tpu.memory_space<vmem>> -> memref<64xi32, #tpu.memory_space<vmem>>
        %dma_start3A_1737 = arith.constant 0 : i32
        %dma_start3A_1738 = arith.constant 0 : i32
        %dma_start3A_1739 = tpu.memref_slice %arg3[%dma_start3A_1737, %dma_start3A_1738] : memref<20000x64xi32, #tpu.memory_space<hbm>> -> memref<20000x64xi32, #tpu.memory_space<hbm>>
        tpu.enqueue_indirect_dma source(%dma_start3A_1739 : memref<20000x64xi32, #tpu.memory_space<hbm>>) target(%arg11 : memref<64x64xi32, #tpu.memory_space<vmem>>) offsets(%dma_start3A_1736 : memref<64xi32, #tpu.memory_space<vmem>>) semaphore(%arg19 : memref<!tpu.dma_semaphore, #tpu.memory_space<semaphore_mem>>)
      } else {
      }
      %jit3A_1082 = arith.constant 6 : i32
      %div3A_1083 = arith.divsi %add3A_883, %jit3A_1082 : i32
      %sign3A_1084 = arith.constant 0 : i32
      %sign3A_1085 = arith.cmpi sgt, %add3A_883, %sign3A_1084 : i32
      %sign3A_1086 = arith.extui %sign3A_1085 : i1 to i32
      %sign3A_1087 = arith.constant 0 : i32
      %sign3A_1088 = arith.cmpi slt, %add3A_883, %sign3A_1087 : i32
      %sign3A_1089 = arith.extui %sign3A_1088 : i1 to i32
      %sign3A_1090 = arith.subi %sign3A_1086, %sign3A_1089 : i32
      %sign3A_1091 = arith.constant 0 : i32
      %sign3A_1092 = arith.cmpi sgt, %jit3A_1082, %sign3A_1091 : i32
      %sign3A_1093 = arith.extui %sign3A_1092 : i1 to i32
      %sign3A_1094 = arith.constant 0 : i32
      %sign3A_1095 = arith.cmpi slt, %jit3A_1082, %sign3A_1094 : i32
      %sign3A_1096 = arith.extui %sign3A_1095 : i1 to i32
      %sign3A_1097 = arith.subi %sign3A_1093, %sign3A_1096 : i32
      %ne3A_1098 = arith.cmpi ne, %sign3A_1090, %sign3A_1097 : i32
      %rem3A_1099 = arith.remsi %add3A_883, %jit3A_1082 : i32
      %ne3A_1100 = arith.constant 0 : i32
      %ne3A_1101 = arith.cmpi ne, %rem3A_1099, %ne3A_1100 : i32
      %and3A_1102 = arith.andi %ne3A_1098, %ne3A_1101 : i1
      %sub3A_1103 = arith.constant 1 : i32
      %sub3A_1104 = arith.subi %div3A_1083, %sub3A_1103 : i32
      %select_n3A_1105 = arith.select %and3A_1102, %sub3A_1104, %div3A_1083 : i32
      %jit3A_1106 = arith.constant 3 : i32
      %eq3A_1107 = arith.constant 0 : i32
      %eq3A_1108 = arith.cmpi eq, %jit3A_1106, %eq3A_1107 : i32
      %jit3A_1109 = arith.constant 1 : i32
      %select_n3A_1110 = arith.select %eq3A_1108, %jit3A_1109, %jit3A_1106 : i32
      %rem3A_1111 = arith.remsi %select_n3A_1105, %select_n3A_1110 : i32
      %ne3A_1112 = arith.constant 0 : i32
      %ne3A_1113 = arith.cmpi ne, %rem3A_1111, %ne3A_1112 : i32
      %lt3A_1114 = arith.constant 0 : i32
      %lt3A_1115 = arith.cmpi slt, %rem3A_1111, %lt3A_1114 : i32
      %lt3A_1116 = arith.constant 0 : i32
      %lt3A_1117 = arith.cmpi slt, %select_n3A_1110, %lt3A_1116 : i32
      %ne3A_1118 = arith.xori %lt3A_1115, %lt3A_1117 : i1
      %and3A_1119 = arith.andi %ne3A_1118, %ne3A_1113 : i1
      %add3A_1120 = arith.addi %rem3A_1111, %select_n3A_1110 : i32
      %select_n3A_1121 = arith.select %and3A_1119, %add3A_1120, %rem3A_1111 : i32
      %jit3A_1122 = arith.constant 6 : i32
      %eq3A_1123 = arith.constant 0 : i32
      %eq3A_1124 = arith.cmpi eq, %jit3A_1122, %eq3A_1123 : i32
      %jit3A_1125 = arith.constant 1 : i32
      %select_n3A_1126 = arith.select %eq3A_1124, %jit3A_1125, %jit3A_1122 : i32
      %rem3A_1127 = arith.remsi %add3A_883, %select_n3A_1126 : i32
      %ne3A_1128 = arith.constant 0 : i32
      %ne3A_1129 = arith.cmpi ne, %rem3A_1127, %ne3A_1128 : i32
      %lt3A_1130 = arith.constant 0 : i32
      %lt3A_1131 = arith.cmpi slt, %rem3A_1127, %lt3A_1130 : i32
      %lt3A_1132 = arith.constant 0 : i32
      %lt3A_1133 = arith.cmpi slt, %select_n3A_1126, %lt3A_1132 : i32
      %ne3A_1134 = arith.xori %lt3A_1131, %lt3A_1133 : i1
      %and3A_1135 = arith.andi %ne3A_1134, %ne3A_1129 : i1
      %add3A_1136 = arith.addi %rem3A_1127, %select_n3A_1126 : i32
      %select_n3A_1137 = arith.select %and3A_1135, %add3A_1136, %rem3A_1127 : i32
      %dma_start3A_1138 = arith.constant 1 : i32
      %dma_start3A_1139 = arith.constant 0 : i32
      %dma_start3A_1140 = tpu.memref_slice %arg7[%select_n3A_1121, %dma_start3A_1138, %select_n3A_1137, %dma_start3A_1139] : memref<3x3x6x64xi32, #tpu.memory_space<vmem>> -> memref<1x1x1x64xi32, #tpu.memory_space<vmem>>
      %dma_start3A_1141 = tpu.memref_squeeze %dma_start3A_1140 : memref<1x1x1x64xi32, #tpu.memory_space<vmem>> -> memref<64xi32, #tpu.memory_space<vmem>>
      %dma_start3A_1142 = arith.constant 0 : i32
      %dma_start3A_1143 = arith.constant 0 : i32
      %dma_start3A_1144 = tpu.memref_slice %arg6[%dma_start3A_1142, %dma_start3A_1143] : memref<10000x128xf32, #tpu.memory_space<vmem_shared>> -> memref<10000x128xf32, #tpu.memory_space<vmem_shared>>
      tpu.enqueue_indirect_dma source(%arg15 : memref<64x128xf32, #tpu.memory_space<vmem>>) target(%dma_start3A_1144 : memref<10000x128xf32, #tpu.memory_space<vmem_shared>>) offsets(%dma_start3A_1141 : memref<64xi32, #tpu.memory_space<vmem>>) semaphore(%arg23 : memref<!tpu.dma_semaphore, #tpu.memory_space<semaphore_mem>>) {add = true}
      %mul3A_1145 = arith.constant 6 : i32
      %mul3A_1146 = arith.muli %mul3A_1145, %scan3A_100 : i32
      %add3A_1147 = arith.constant 4 : i32
      %add3A_1148 = arith.addi %mul3A_1146, %add3A_1147 : i32
      %jit3A_1149 = arith.constant 6 : i32
      %eq3A_1150 = arith.constant 0 : i32
      %eq3A_1151 = arith.cmpi eq, %jit3A_1149, %eq3A_1150 : i32
      %jit3A_1152 = arith.constant 1 : i32
      %select_n3A_1153 = arith.select %eq3A_1151, %jit3A_1152, %jit3A_1149 : i32
      %rem3A_1154 = arith.remsi %add3A_1148, %select_n3A_1153 : i32
      %ne3A_1155 = arith.constant 0 : i32
      %ne3A_1156 = arith.cmpi ne, %rem3A_1154, %ne3A_1155 : i32
      %lt3A_1157 = arith.constant 0 : i32
      %lt3A_1158 = arith.cmpi slt, %rem3A_1154, %lt3A_1157 : i32
      %lt3A_1159 = arith.constant 0 : i32
      %lt3A_1160 = arith.cmpi slt, %select_n3A_1153, %lt3A_1159 : i32
      %ne3A_1161 = arith.xori %lt3A_1158, %lt3A_1160 : i1
      %and3A_1162 = arith.andi %ne3A_1161, %ne3A_1156 : i1
      %add3A_1163 = arith.addi %rem3A_1154, %select_n3A_1153 : i32
      %select_n3A_1164 = arith.select %and3A_1162, %add3A_1163, %rem3A_1154 : i32
      %jit3A_1165 = arith.constant 6 : i32
      %div3A_1166 = arith.divsi %add3A_1148, %jit3A_1165 : i32
      %sign3A_1167 = arith.constant 0 : i32
      %sign3A_1168 = arith.cmpi sgt, %add3A_1148, %sign3A_1167 : i32
      %sign3A_1169 = arith.extui %sign3A_1168 : i1 to i32
      %sign3A_1170 = arith.constant 0 : i32
      %sign3A_1171 = arith.cmpi slt, %add3A_1148, %sign3A_1170 : i32
      %sign3A_1172 = arith.extui %sign3A_1171 : i1 to i32
      %sign3A_1173 = arith.subi %sign3A_1169, %sign3A_1172 : i32
      %sign3A_1174 = arith.constant 0 : i32
      %sign3A_1175 = arith.cmpi sgt, %jit3A_1165, %sign3A_1174 : i32
      %sign3A_1176 = arith.extui %sign3A_1175 : i1 to i32
      %sign3A_1177 = arith.constant 0 : i32
      %sign3A_1178 = arith.cmpi slt, %jit3A_1165, %sign3A_1177 : i32
      %sign3A_1179 = arith.extui %sign3A_1178 : i1 to i32
      %sign3A_1180 = arith.subi %sign3A_1176, %sign3A_1179 : i32
      %ne3A_1181 = arith.cmpi ne, %sign3A_1173, %sign3A_1180 : i32
      %rem3A_1182 = arith.remsi %add3A_1148, %jit3A_1165 : i32
      %ne3A_1183 = arith.constant 0 : i32
      %ne3A_1184 = arith.cmpi ne, %rem3A_1182, %ne3A_1183 : i32
      %and3A_1185 = arith.andi %ne3A_1181, %ne3A_1184 : i1
      %sub3A_1186 = arith.constant 1 : i32
      %sub3A_1187 = arith.subi %div3A_1166, %sub3A_1186 : i32
      %select_n3A_1188 = arith.select %and3A_1185, %sub3A_1187, %div3A_1166 : i32
      %eq3A_1189 = arith.constant 0 : i32
      %eq3A_1190 = arith.cmpi eq, %select_n3A_1164, %eq3A_1189 : i32
      %add3A_1191 = arith.constant 1 : i32
      %add3A_1192 = arith.addi %select_n3A_1188, %add3A_1191 : i32
      %lt3A_1193 = arith.constant 53 : i32
      %lt3A_1194 = arith.cmpi slt, %add3A_1192, %lt3A_1193 : i32
      %and3A_1195 = arith.andi %eq3A_1190, %lt3A_1194 : i1
      %convert_element_type3A_1196 = arith.extui %and3A_1195 : i1 to i32
      %cond3A_1197 = arith.constant 0 : i32
      %cond3A_1198 = arith.cmpi ne, %convert_element_type3A_1196, %cond3A_1197 : i32
      scf.if %cond3A_1198 {
        %add3A_1675 = arith.constant 1 : i32
        %add3A_1676 = arith.addi %select_n3A_1188, %add3A_1675 : i32
        %jit3A_1677 = arith.constant 3 : i32
        %eq3A_1678 = arith.constant 0 : i32
        %eq3A_1679 = arith.cmpi eq, %jit3A_1677, %eq3A_1678 : i32
        %jit3A_1680 = arith.constant 1 : i32
        %select_n3A_1681 = arith.select %eq3A_1679, %jit3A_1680, %jit3A_1677 : i32
        %rem3A_1682 = arith.remsi %add3A_1676, %select_n3A_1681 : i32
        %ne3A_1683 = arith.constant 0 : i32
        %ne3A_1684 = arith.cmpi ne, %rem3A_1682, %ne3A_1683 : i32
        %lt3A_1685 = arith.constant 0 : i32
        %lt3A_1686 = arith.cmpi slt, %rem3A_1682, %lt3A_1685 : i32
        %lt3A_1687 = arith.constant 0 : i32
        %lt3A_1688 = arith.cmpi slt, %select_n3A_1681, %lt3A_1687 : i32
        %ne3A_1689 = arith.xori %lt3A_1686, %lt3A_1688 : i1
        %and3A_1690 = arith.andi %ne3A_1689, %ne3A_1684 : i1
        %add3A_1691 = arith.addi %rem3A_1682, %select_n3A_1681 : i32
        %select_n3A_1692 = arith.select %and3A_1690, %add3A_1691, %rem3A_1682 : i32
        %dma_wait3A_1693 = arith.constant 0 : i32
        %dma_wait3A_1694 = arith.constant 0 : i32
        %dma_wait3A_1695 = arith.constant 0 : i32
        %dma_wait3A_1696 = tpu.memref_slice %arg7[%select_n3A_1692, %dma_wait3A_1693, %dma_wait3A_1694, %dma_wait3A_1695] : memref<3x3x6x64xi32, #tpu.memory_space<vmem>> -> memref<1x3x6x64xi32, #tpu.memory_space<vmem>>
        %dma_wait3A_1697 = tpu.memref_squeeze %dma_wait3A_1696 : memref<1x3x6x64xi32, #tpu.memory_space<vmem>> -> memref<3x6x64xi32, #tpu.memory_space<vmem>>
        %dma_wait3A_1698 = arith.constant 0 : i32
        %dma_wait3A_1699 = arith.constant 0 : i32
        %dma_wait3A_1700 = arith.constant 0 : i32
        %dma_wait3A_1701 = tpu.memref_slice %arg4[%arg0, %arg1, %add3A_1676, %dma_wait3A_1698, %dma_wait3A_1699, %dma_wait3A_1700] : memref<2x16x53x3x6x64xi32, #tpu.memory_space<hbm>> -> memref<1x1x1x3x6x64xi32, #tpu.memory_space<hbm>>
        %dma_wait3A_1702 = tpu.memref_squeeze %dma_wait3A_1701 : memref<1x1x1x3x6x64xi32, #tpu.memory_space<hbm>> -> memref<3x6x64xi32, #tpu.memory_space<hbm>>
        %dma_wait3A_1703 = arith.constant 0 : i32
        %dma_wait3A_1704 = arith.constant 0 : i32
        %dma_wait3A_1705 = arith.constant 0 : i32
        %dma_wait3A_1706 = tpu.memref_slice %arg7[%select_n3A_1692, %dma_wait3A_1703, %dma_wait3A_1704, %dma_wait3A_1705] : memref<3x3x6x64xi32, #tpu.memory_space<vmem>> -> memref<1x3x6x64xi32, #tpu.memory_space<vmem>>
        %dma_wait3A_1707 = tpu.memref_squeeze %dma_wait3A_1706 : memref<1x3x6x64xi32, #tpu.memory_space<vmem>> -> memref<3x6x64xi32, #tpu.memory_space<vmem>>
        %dma_wait3A_1708 = arith.constant 0 : i32
        %dma_wait3A_1709 = arith.constant 0 : i32
        %dma_wait3A_1710 = arith.constant 0 : i32
        %dma_wait3A_1711 = tpu.memref_slice %arg4[%arg0, %arg1, %add3A_1676, %dma_wait3A_1708, %dma_wait3A_1709, %dma_wait3A_1710] : memref<2x16x53x3x6x64xi32, #tpu.memory_space<hbm>> -> memref<1x1x1x3x6x64xi32, #tpu.memory_space<hbm>>
        %dma_wait3A_1712 = tpu.memref_squeeze %dma_wait3A_1711 : memref<1x1x1x3x6x64xi32, #tpu.memory_space<hbm>> -> memref<3x6x64xi32, #tpu.memory_space<hbm>>
        tpu.wait_dma2 semaphore(%arg24 : memref<!tpu.dma_semaphore, #tpu.memory_space<semaphore_mem>>) src(%dma_wait3A_1712 : memref<3x6x64xi32, #tpu.memory_space<hbm>>) dst(%dma_wait3A_1707 : memref<3x6x64xi32, #tpu.memory_space<vmem>>)
      } else {
      }
      %eq3A_1199 = arith.constant 2 : i32
      %eq3A_1200 = arith.cmpi eq, %select_n3A_1164, %eq3A_1199 : i32
      %add3A_1201 = arith.constant 2 : i32
      %add3A_1202 = arith.addi %select_n3A_1188, %add3A_1201 : i32
      %lt3A_1203 = arith.constant 53 : i32
      %lt3A_1204 = arith.cmpi slt, %add3A_1202, %lt3A_1203 : i32
      %and3A_1205 = arith.andi %eq3A_1200, %lt3A_1204 : i1
      %convert_element_type3A_1206 = arith.extui %and3A_1205 : i1 to i32
      %cond3A_1207 = arith.constant 0 : i32
      %cond3A_1208 = arith.cmpi ne, %convert_element_type3A_1206, %cond3A_1207 : i32
      scf.if %cond3A_1208 {
        %add3A_1675 = arith.constant 2 : i32
        %add3A_1676 = arith.addi %select_n3A_1188, %add3A_1675 : i32
        %jit3A_1677 = arith.constant 3 : i32
        %eq3A_1678 = arith.constant 0 : i32
        %eq3A_1679 = arith.cmpi eq, %jit3A_1677, %eq3A_1678 : i32
        %jit3A_1680 = arith.constant 1 : i32
        %select_n3A_1681 = arith.select %eq3A_1679, %jit3A_1680, %jit3A_1677 : i32
        %rem3A_1682 = arith.remsi %add3A_1676, %select_n3A_1681 : i32
        %ne3A_1683 = arith.constant 0 : i32
        %ne3A_1684 = arith.cmpi ne, %rem3A_1682, %ne3A_1683 : i32
        %lt3A_1685 = arith.constant 0 : i32
        %lt3A_1686 = arith.cmpi slt, %rem3A_1682, %lt3A_1685 : i32
        %lt3A_1687 = arith.constant 0 : i32
        %lt3A_1688 = arith.cmpi slt, %select_n3A_1681, %lt3A_1687 : i32
        %ne3A_1689 = arith.xori %lt3A_1686, %lt3A_1688 : i1
        %and3A_1690 = arith.andi %ne3A_1689, %ne3A_1684 : i1
        %add3A_1691 = arith.addi %rem3A_1682, %select_n3A_1681 : i32
        %select_n3A_1692 = arith.select %and3A_1690, %add3A_1691, %rem3A_1682 : i32
        %dma_start3A_1693 = arith.constant 0 : i32
        %dma_start3A_1694 = arith.constant 0 : i32
        %dma_start3A_1695 = arith.constant 0 : i32
        %dma_start3A_1696 = tpu.memref_slice %arg7[%select_n3A_1692, %dma_start3A_1693, %dma_start3A_1694, %dma_start3A_1695] : memref<3x3x6x64xi32, #tpu.memory_space<vmem>> -> memref<1x3x6x64xi32, #tpu.memory_space<vmem>>
        %dma_start3A_1697 = tpu.memref_squeeze %dma_start3A_1696 : memref<1x3x6x64xi32, #tpu.memory_space<vmem>> -> memref<3x6x64xi32, #tpu.memory_space<vmem>>
        %dma_start3A_1698 = arith.constant 0 : i32
        %dma_start3A_1699 = arith.constant 0 : i32
        %dma_start3A_1700 = arith.constant 0 : i32
        %dma_start3A_1701 = tpu.memref_slice %arg4[%arg0, %arg1, %add3A_1676, %dma_start3A_1698, %dma_start3A_1699, %dma_start3A_1700] : memref<2x16x53x3x6x64xi32, #tpu.memory_space<hbm>> -> memref<1x1x1x3x6x64xi32, #tpu.memory_space<hbm>>
        %dma_start3A_1702 = tpu.memref_squeeze %dma_start3A_1701 : memref<1x1x1x3x6x64xi32, #tpu.memory_space<hbm>> -> memref<3x6x64xi32, #tpu.memory_space<hbm>>
        %dma_start3A_1703 = arith.constant 0 : i32
        %dma_start3A_1704 = arith.constant 0 : i32
        %dma_start3A_1705 = arith.constant 0 : i32
        %dma_start3A_1706 = tpu.memref_slice %arg7[%select_n3A_1692, %dma_start3A_1703, %dma_start3A_1704, %dma_start3A_1705] : memref<3x3x6x64xi32, #tpu.memory_space<vmem>> -> memref<1x3x6x64xi32, #tpu.memory_space<vmem>>
        %dma_start3A_1707 = tpu.memref_squeeze %dma_start3A_1706 : memref<1x3x6x64xi32, #tpu.memory_space<vmem>> -> memref<3x6x64xi32, #tpu.memory_space<vmem>>
        %dma_start3A_1708 = arith.constant 0 : i32
        %dma_start3A_1709 = arith.constant 0 : i32
        %dma_start3A_1710 = arith.constant 0 : i32
        %dma_start3A_1711 = tpu.memref_slice %arg4[%arg0, %arg1, %add3A_1676, %dma_start3A_1708, %dma_start3A_1709, %dma_start3A_1710] : memref<2x16x53x3x6x64xi32, #tpu.memory_space<hbm>> -> memref<1x1x1x3x6x64xi32, #tpu.memory_space<hbm>>
        %dma_start3A_1712 = tpu.memref_squeeze %dma_start3A_1711 : memref<1x1x1x3x6x64xi32, #tpu.memory_space<hbm>> -> memref<3x6x64xi32, #tpu.memory_space<hbm>>
        tpu.enqueue_dma source(%dma_start3A_1712 : memref<3x6x64xi32, #tpu.memory_space<hbm>>) target(%dma_start3A_1707 : memref<3x6x64xi32, #tpu.memory_space<vmem>>) target_semaphore(%arg24 : memref<!tpu.dma_semaphore, #tpu.memory_space<semaphore_mem>>)
      } else {
      }
      %jit3A_1209 = arith.constant 6 : i32
      %div3A_1210 = arith.divsi %add3A_1148, %jit3A_1209 : i32
      %sign3A_1211 = arith.constant 0 : i32
      %sign3A_1212 = arith.cmpi sgt, %add3A_1148, %sign3A_1211 : i32
      %sign3A_1213 = arith.extui %sign3A_1212 : i1 to i32
      %sign3A_1214 = arith.constant 0 : i32
      %sign3A_1215 = arith.cmpi slt, %add3A_1148, %sign3A_1214 : i32
      %sign3A_1216 = arith.extui %sign3A_1215 : i1 to i32
      %sign3A_1217 = arith.subi %sign3A_1213, %sign3A_1216 : i32
      %sign3A_1218 = arith.constant 0 : i32
      %sign3A_1219 = arith.cmpi sgt, %jit3A_1209, %sign3A_1218 : i32
      %sign3A_1220 = arith.extui %sign3A_1219 : i1 to i32
      %sign3A_1221 = arith.constant 0 : i32
      %sign3A_1222 = arith.cmpi slt, %jit3A_1209, %sign3A_1221 : i32
      %sign3A_1223 = arith.extui %sign3A_1222 : i1 to i32
      %sign3A_1224 = arith.subi %sign3A_1220, %sign3A_1223 : i32
      %ne3A_1225 = arith.cmpi ne, %sign3A_1217, %sign3A_1224 : i32
      %rem3A_1226 = arith.remsi %add3A_1148, %jit3A_1209 : i32
      %ne3A_1227 = arith.constant 0 : i32
      %ne3A_1228 = arith.cmpi ne, %rem3A_1226, %ne3A_1227 : i32
      %and3A_1229 = arith.andi %ne3A_1225, %ne3A_1228 : i1
      %sub3A_1230 = arith.constant 1 : i32
      %sub3A_1231 = arith.subi %div3A_1210, %sub3A_1230 : i32
      %select_n3A_1232 = arith.select %and3A_1229, %sub3A_1231, %div3A_1210 : i32
      %jit3A_1233 = arith.constant 3 : i32
      %eq3A_1234 = arith.constant 0 : i32
      %eq3A_1235 = arith.cmpi eq, %jit3A_1233, %eq3A_1234 : i32
      %jit3A_1236 = arith.constant 1 : i32
      %select_n3A_1237 = arith.select %eq3A_1235, %jit3A_1236, %jit3A_1233 : i32
      %rem3A_1238 = arith.remsi %select_n3A_1232, %select_n3A_1237 : i32
      %ne3A_1239 = arith.constant 0 : i32
      %ne3A_1240 = arith.cmpi ne, %rem3A_1238, %ne3A_1239 : i32
      %lt3A_1241 = arith.constant 0 : i32
      %lt3A_1242 = arith.cmpi slt, %rem3A_1238, %lt3A_1241 : i32
      %lt3A_1243 = arith.constant 0 : i32
      %lt3A_1244 = arith.cmpi slt, %select_n3A_1237, %lt3A_1243 : i32
      %ne3A_1245 = arith.xori %lt3A_1242, %lt3A_1244 : i1
      %and3A_1246 = arith.andi %ne3A_1245, %ne3A_1240 : i1
      %add3A_1247 = arith.addi %rem3A_1238, %select_n3A_1237 : i32
      %select_n3A_1248 = arith.select %and3A_1246, %add3A_1247, %rem3A_1238 : i32
      %jit3A_1249 = arith.constant 6 : i32
      %eq3A_1250 = arith.constant 0 : i32
      %eq3A_1251 = arith.cmpi eq, %jit3A_1249, %eq3A_1250 : i32
      %jit3A_1252 = arith.constant 1 : i32
      %select_n3A_1253 = arith.select %eq3A_1251, %jit3A_1252, %jit3A_1249 : i32
      %rem3A_1254 = arith.remsi %add3A_1148, %select_n3A_1253 : i32
      %ne3A_1255 = arith.constant 0 : i32
      %ne3A_1256 = arith.cmpi ne, %rem3A_1254, %ne3A_1255 : i32
      %lt3A_1257 = arith.constant 0 : i32
      %lt3A_1258 = arith.cmpi slt, %rem3A_1254, %lt3A_1257 : i32
      %lt3A_1259 = arith.constant 0 : i32
      %lt3A_1260 = arith.cmpi slt, %select_n3A_1253, %lt3A_1259 : i32
      %ne3A_1261 = arith.xori %lt3A_1258, %lt3A_1260 : i1
      %and3A_1262 = arith.andi %ne3A_1261, %ne3A_1256 : i1
      %add3A_1263 = arith.addi %rem3A_1254, %select_n3A_1253 : i32
      %select_n3A_1264 = arith.select %and3A_1262, %add3A_1263, %rem3A_1254 : i32
      %dma_wait3A_1265 = arith.constant 0 : i32
      %dma_wait3A_1266 = arith.constant 0 : i32
      %dma_wait3A_1267 = tpu.memref_slice %arg7[%select_n3A_1248, %dma_wait3A_1265, %select_n3A_1264, %dma_wait3A_1266] : memref<3x3x6x64xi32, #tpu.memory_space<vmem>> -> memref<1x1x1x64xi32, #tpu.memory_space<vmem>>
      %dma_wait3A_1268 = tpu.memref_squeeze %dma_wait3A_1267 : memref<1x1x1x64xi32, #tpu.memory_space<vmem>> -> memref<64xi32, #tpu.memory_space<vmem>>
      %dma_wait3A_1269 = arith.constant 0 : i32
      %dma_wait3A_1270 = arith.constant 0 : i32
      %dma_wait3A_1271 = tpu.memref_slice %arg3[%dma_wait3A_1269, %dma_wait3A_1270] : memref<20000x64xi32, #tpu.memory_space<hbm>> -> memref<20000x64xi32, #tpu.memory_space<hbm>>
      tpu.wait_indirect_dma semaphore(%arg20 : memref<!tpu.dma_semaphore, #tpu.memory_space<semaphore_mem>>) src(%dma_wait3A_1271 : memref<20000x64xi32, #tpu.memory_space<hbm>>) dst(%arg12 : memref<64x64xi32, #tpu.memory_space<vmem>>)
      %ge3A_1272 = arith.constant 2 : i32
      %ge3A_1273 = arith.cmpi sge, %add3A_1148, %ge3A_1272 : i32
      %convert_element_type3A_1274 = arith.extui %ge3A_1273 : i1 to i32
      %cond3A_1275 = arith.constant 0 : i32
      %cond3A_1276 = arith.cmpi ne, %convert_element_type3A_1274, %cond3A_1275 : i32
      scf.if %cond3A_1276 {
        %sub3A_1675 = arith.constant 2 : i32
        %sub3A_1676 = arith.subi %add3A_1148, %sub3A_1675 : i32
        %jit3A_1677 = arith.constant 6 : i32
        %div3A_1678 = arith.divsi %sub3A_1676, %jit3A_1677 : i32
        %sign3A_1679 = arith.constant 0 : i32
        %sign3A_1680 = arith.cmpi sgt, %sub3A_1676, %sign3A_1679 : i32
        %sign3A_1681 = arith.extui %sign3A_1680 : i1 to i32
        %sign3A_1682 = arith.constant 0 : i32
        %sign3A_1683 = arith.cmpi slt, %sub3A_1676, %sign3A_1682 : i32
        %sign3A_1684 = arith.extui %sign3A_1683 : i1 to i32
        %sign3A_1685 = arith.subi %sign3A_1681, %sign3A_1684 : i32
        %sign3A_1686 = arith.constant 0 : i32
        %sign3A_1687 = arith.cmpi sgt, %jit3A_1677, %sign3A_1686 : i32
        %sign3A_1688 = arith.extui %sign3A_1687 : i1 to i32
        %sign3A_1689 = arith.constant 0 : i32
        %sign3A_1690 = arith.cmpi slt, %jit3A_1677, %sign3A_1689 : i32
        %sign3A_1691 = arith.extui %sign3A_1690 : i1 to i32
        %sign3A_1692 = arith.subi %sign3A_1688, %sign3A_1691 : i32
        %ne3A_1693 = arith.cmpi ne, %sign3A_1685, %sign3A_1692 : i32
        %rem3A_1694 = arith.remsi %sub3A_1676, %jit3A_1677 : i32
        %ne3A_1695 = arith.constant 0 : i32
        %ne3A_1696 = arith.cmpi ne, %rem3A_1694, %ne3A_1695 : i32
        %and3A_1697 = arith.andi %ne3A_1693, %ne3A_1696 : i1
        %sub3A_1698 = arith.constant 1 : i32
        %sub3A_1699 = arith.subi %div3A_1678, %sub3A_1698 : i32
        %select_n3A_1700 = arith.select %and3A_1697, %sub3A_1699, %div3A_1678 : i32
        %jit3A_1701 = arith.constant 3 : i32
        %eq3A_1702 = arith.constant 0 : i32
        %eq3A_1703 = arith.cmpi eq, %jit3A_1701, %eq3A_1702 : i32
        %jit3A_1704 = arith.constant 1 : i32
        %select_n3A_1705 = arith.select %eq3A_1703, %jit3A_1704, %jit3A_1701 : i32
        %rem3A_1706 = arith.remsi %select_n3A_1700, %select_n3A_1705 : i32
        %ne3A_1707 = arith.constant 0 : i32
        %ne3A_1708 = arith.cmpi ne, %rem3A_1706, %ne3A_1707 : i32
        %lt3A_1709 = arith.constant 0 : i32
        %lt3A_1710 = arith.cmpi slt, %rem3A_1706, %lt3A_1709 : i32
        %lt3A_1711 = arith.constant 0 : i32
        %lt3A_1712 = arith.cmpi slt, %select_n3A_1705, %lt3A_1711 : i32
        %ne3A_1713 = arith.xori %lt3A_1710, %lt3A_1712 : i1
        %and3A_1714 = arith.andi %ne3A_1713, %ne3A_1708 : i1
        %add3A_1715 = arith.addi %rem3A_1706, %select_n3A_1705 : i32
        %select_n3A_1716 = arith.select %and3A_1714, %add3A_1715, %rem3A_1706 : i32
        %jit3A_1717 = arith.constant 6 : i32
        %eq3A_1718 = arith.constant 0 : i32
        %eq3A_1719 = arith.cmpi eq, %jit3A_1717, %eq3A_1718 : i32
        %jit3A_1720 = arith.constant 1 : i32
        %select_n3A_1721 = arith.select %eq3A_1719, %jit3A_1720, %jit3A_1717 : i32
        %rem3A_1722 = arith.remsi %sub3A_1676, %select_n3A_1721 : i32
        %ne3A_1723 = arith.constant 0 : i32
        %ne3A_1724 = arith.cmpi ne, %rem3A_1722, %ne3A_1723 : i32
        %lt3A_1725 = arith.constant 0 : i32
        %lt3A_1726 = arith.cmpi slt, %rem3A_1722, %lt3A_1725 : i32
        %lt3A_1727 = arith.constant 0 : i32
        %lt3A_1728 = arith.cmpi slt, %select_n3A_1721, %lt3A_1727 : i32
        %ne3A_1729 = arith.xori %lt3A_1726, %lt3A_1728 : i1
        %and3A_1730 = arith.andi %ne3A_1729, %ne3A_1724 : i1
        %add3A_1731 = arith.addi %rem3A_1722, %select_n3A_1721 : i32
        %select_n3A_1732 = arith.select %and3A_1730, %add3A_1731, %rem3A_1722 : i32
        %dma_wait3A_1733 = arith.constant 1 : i32
        %dma_wait3A_1734 = arith.constant 0 : i32
        %dma_wait3A_1735 = tpu.memref_slice %arg7[%select_n3A_1716, %dma_wait3A_1733, %select_n3A_1732, %dma_wait3A_1734] : memref<3x3x6x64xi32, #tpu.memory_space<vmem>> -> memref<1x1x1x64xi32, #tpu.memory_space<vmem>>
        %dma_wait3A_1736 = tpu.memref_squeeze %dma_wait3A_1735 : memref<1x1x1x64xi32, #tpu.memory_space<vmem>> -> memref<64xi32, #tpu.memory_space<vmem>>
        %dma_wait3A_1737 = arith.constant 0 : i32
        %dma_wait3A_1738 = arith.constant 0 : i32
        %dma_wait3A_1739 = tpu.memref_slice %arg6[%dma_wait3A_1737, %dma_wait3A_1738] : memref<10000x128xf32, #tpu.memory_space<vmem_shared>> -> memref<10000x128xf32, #tpu.memory_space<vmem_shared>>
        tpu.wait_indirect_dma semaphore(%arg22 : memref<!tpu.dma_semaphore, #tpu.memory_space<semaphore_mem>>) src(%arg14 : memref<64x128xf32, #tpu.memory_space<vmem>>) dst(%dma_wait3A_1739 : memref<10000x128xf32, #tpu.memory_space<vmem_shared>>)
      } else {
      }
      %jit3A_1277 = arith.constant 6 : i32
      %div3A_1278 = arith.divsi %add3A_1148, %jit3A_1277 : i32
      %sign3A_1279 = arith.constant 0 : i32
      %sign3A_1280 = arith.cmpi sgt, %add3A_1148, %sign3A_1279 : i32
      %sign3A_1281 = arith.extui %sign3A_1280 : i1 to i32
      %sign3A_1282 = arith.constant 0 : i32
      %sign3A_1283 = arith.cmpi slt, %add3A_1148, %sign3A_1282 : i32
      %sign3A_1284 = arith.extui %sign3A_1283 : i1 to i32
      %sign3A_1285 = arith.subi %sign3A_1281, %sign3A_1284 : i32
      %sign3A_1286 = arith.constant 0 : i32
      %sign3A_1287 = arith.cmpi sgt, %jit3A_1277, %sign3A_1286 : i32
      %sign3A_1288 = arith.extui %sign3A_1287 : i1 to i32
      %sign3A_1289 = arith.constant 0 : i32
      %sign3A_1290 = arith.cmpi slt, %jit3A_1277, %sign3A_1289 : i32
      %sign3A_1291 = arith.extui %sign3A_1290 : i1 to i32
      %sign3A_1292 = arith.subi %sign3A_1288, %sign3A_1291 : i32
      %ne3A_1293 = arith.cmpi ne, %sign3A_1285, %sign3A_1292 : i32
      %rem3A_1294 = arith.remsi %add3A_1148, %jit3A_1277 : i32
      %ne3A_1295 = arith.constant 0 : i32
      %ne3A_1296 = arith.cmpi ne, %rem3A_1294, %ne3A_1295 : i32
      %and3A_1297 = arith.andi %ne3A_1293, %ne3A_1296 : i1
      %sub3A_1298 = arith.constant 1 : i32
      %sub3A_1299 = arith.subi %div3A_1278, %sub3A_1298 : i32
      %select_n3A_1300 = arith.select %and3A_1297, %sub3A_1299, %div3A_1278 : i32
      %jit3A_1301 = arith.constant 3 : i32
      %eq3A_1302 = arith.constant 0 : i32
      %eq3A_1303 = arith.cmpi eq, %jit3A_1301, %eq3A_1302 : i32
      %jit3A_1304 = arith.constant 1 : i32
      %select_n3A_1305 = arith.select %eq3A_1303, %jit3A_1304, %jit3A_1301 : i32
      %rem3A_1306 = arith.remsi %select_n3A_1300, %select_n3A_1305 : i32
      %ne3A_1307 = arith.constant 0 : i32
      %ne3A_1308 = arith.cmpi ne, %rem3A_1306, %ne3A_1307 : i32
      %lt3A_1309 = arith.constant 0 : i32
      %lt3A_1310 = arith.cmpi slt, %rem3A_1306, %lt3A_1309 : i32
      %lt3A_1311 = arith.constant 0 : i32
      %lt3A_1312 = arith.cmpi slt, %select_n3A_1305, %lt3A_1311 : i32
      %ne3A_1313 = arith.xori %lt3A_1310, %lt3A_1312 : i1
      %and3A_1314 = arith.andi %ne3A_1313, %ne3A_1308 : i1
      %add3A_1315 = arith.addi %rem3A_1306, %select_n3A_1305 : i32
      %select_n3A_1316 = arith.select %and3A_1314, %add3A_1315, %rem3A_1306 : i32
      %broadcast_in_dim3A_1317 = vector.broadcast %select_n3A_1316 : i32 to vector<16xi32>
      %jit3A_1318 = arith.constant 6 : i32
      %eq3A_1319 = arith.constant 0 : i32
      %eq3A_1320 = arith.cmpi eq, %jit3A_1318, %eq3A_1319 : i32
      %jit3A_1321 = arith.constant 1 : i32
      %select_n3A_1322 = arith.select %eq3A_1320, %jit3A_1321, %jit3A_1318 : i32
      %rem3A_1323 = arith.remsi %add3A_1148, %select_n3A_1322 : i32
      %ne3A_1324 = arith.constant 0 : i32
      %ne3A_1325 = arith.cmpi ne, %rem3A_1323, %ne3A_1324 : i32
      %lt3A_1326 = arith.constant 0 : i32
      %lt3A_1327 = arith.cmpi slt, %rem3A_1323, %lt3A_1326 : i32
      %lt3A_1328 = arith.constant 0 : i32
      %lt3A_1329 = arith.cmpi slt, %select_n3A_1322, %lt3A_1328 : i32
      %ne3A_1330 = arith.xori %lt3A_1327, %lt3A_1329 : i1
      %and3A_1331 = arith.andi %ne3A_1330, %ne3A_1325 : i1
      %add3A_1332 = arith.addi %rem3A_1323, %select_n3A_1322 : i32
      %select_n3A_1333 = arith.select %and3A_1331, %add3A_1332, %rem3A_1323 : i32
      %broadcast_in_dim3A_1334 = vector.broadcast %select_n3A_1333 : i32 to vector<16xi32>
      %broadcast_in_dim3A_1335 = arith.constant 2 : i32
      %broadcast_in_dim3A_1336 = vector.broadcast %broadcast_in_dim3A_1335 : i32 to vector<16xi32>
      %parallel_loop3A_1337 = arith.constant 0 : i32
      %parallel_loop3A_1338 = arith.constant 64 : i32
      %parallel_loop3A_1339 = arith.constant 1 : i32
      scf.for %parallel_loop3A_1675 = %parallel_loop3A_1337 to %parallel_loop3A_1338 step %parallel_loop3A_1339  : i32 {
        %parallel_loop3A_1676 = vector.broadcast %parallel_loop3A_1675 : i32 to vector<16xi32>
        %parallel_loop3A_1677 = tpu.vector_load_idx %arg7[%broadcast_in_dim3A_1317, %broadcast_in_dim3A_1336, %broadcast_in_dim3A_1334, %parallel_loop3A_1676] : memref<3x3x6x64xi32, #tpu.memory_space<vmem>>[vector<16xi32>, vector<16xi32>, vector<16xi32>, vector<16xi32>], vector<16xi32>,
        %parallel_loop3A_1678 = vector.bitcast %parallel_loop3A_1677 : vector<16xi32> to vector<16xf32>
        %parallel_loop3A_1679 = arith.index_cast %parallel_loop3A_1675 : i32 to index
        %parallel_loop3A_1680 = arith.constant 0 : index
        %parallel_loop3A_1681 = tpu.vector_load %arg12[%parallel_loop3A_1679, %parallel_loop3A_1680] {strides = array<i32>} : memref<64x64xi32, #tpu.memory_space<vmem>>, vector<16xi32>,
        %parallel_loop3A_1682 = vector.bitcast %parallel_loop3A_1681 : vector<16xi32> to vector<32xbf16>
        %parallel_loop3A_1683 = tpu.unpack_subelements %parallel_loop3A_1682, 0 {pack_format = #tpu.pack_format<interleaved>} : vector<32xbf16> -> vector<16xf32>
        %parallel_loop3A_1684 = tpu.unpack_subelements %parallel_loop3A_1682, 1 {pack_format = #tpu.pack_format<interleaved>} : vector<32xbf16> -> vector<16xf32>
        %parallel_loop3A_1685 = arith.mulf %parallel_loop3A_1683, %parallel_loop3A_1678 : vector<16xf32>
        %parallel_loop3A_1686 = arith.index_cast %parallel_loop3A_1675 : i32 to index
        %parallel_loop3A_1687 = arith.constant 0 : index
        %parallel_loop3A_1688 = tpu.vector_load %arg14[%parallel_loop3A_1686, %parallel_loop3A_1687] {strides = array<i32>} : memref<64x128xf32, #tpu.memory_space<vmem>>, vector<16xf32>,
        tpu.vector_store %arg14[%parallel_loop3A_1686, %parallel_loop3A_1687], %parallel_loop3A_1685 {strides = array<i32>} : memref<64x128xf32, #tpu.memory_space<vmem>>, vector<16xf32>,
        %parallel_loop3A_1689 = arith.mulf %parallel_loop3A_1684, %parallel_loop3A_1678 : vector<16xf32>
        %parallel_loop3A_1690 = arith.index_cast %parallel_loop3A_1675 : i32 to index
        %parallel_loop3A_1691 = arith.constant 16 : index
        %parallel_loop3A_1692 = tpu.vector_load %arg14[%parallel_loop3A_1690, %parallel_loop3A_1691] {strides = array<i32>} : memref<64x128xf32, #tpu.memory_space<vmem>>, vector<16xf32>,
        tpu.vector_store %arg14[%parallel_loop3A_1690, %parallel_loop3A_1691], %parallel_loop3A_1689 {strides = array<i32>} : memref<64x128xf32, #tpu.memory_space<vmem>>, vector<16xf32>,
        %parallel_loop3A_1693 = arith.index_cast %parallel_loop3A_1675 : i32 to index
        %parallel_loop3A_1694 = arith.constant 16 : index
        %parallel_loop3A_1695 = tpu.vector_load %arg12[%parallel_loop3A_1693, %parallel_loop3A_1694] {strides = array<i32>} : memref<64x64xi32, #tpu.memory_space<vmem>>, vector<16xi32>,
        %parallel_loop3A_1696 = vector.bitcast %parallel_loop3A_1695 : vector<16xi32> to vector<32xbf16>
        %parallel_loop3A_1697 = tpu.unpack_subelements %parallel_loop3A_1696, 0 {pack_format = #tpu.pack_format<interleaved>} : vector<32xbf16> -> vector<16xf32>
        %parallel_loop3A_1698 = tpu.unpack_subelements %parallel_loop3A_1696, 1 {pack_format = #tpu.pack_format<interleaved>} : vector<32xbf16> -> vector<16xf32>
        %parallel_loop3A_1699 = arith.mulf %parallel_loop3A_1697, %parallel_loop3A_1678 : vector<16xf32>
        %parallel_loop3A_1700 = arith.index_cast %parallel_loop3A_1675 : i32 to index
        %parallel_loop3A_1701 = arith.constant 32 : index
        %parallel_loop3A_1702 = tpu.vector_load %arg14[%parallel_loop3A_1700, %parallel_loop3A_1701] {strides = array<i32>} : memref<64x128xf32, #tpu.memory_space<vmem>>, vector<16xf32>,
        tpu.vector_store %arg14[%parallel_loop3A_1700, %parallel_loop3A_1701], %parallel_loop3A_1699 {strides = array<i32>} : memref<64x128xf32, #tpu.memory_space<vmem>>, vector<16xf32>,
        %parallel_loop3A_1703 = arith.mulf %parallel_loop3A_1698, %parallel_loop3A_1678 : vector<16xf32>
        %parallel_loop3A_1704 = arith.index_cast %parallel_loop3A_1675 : i32 to index
        %parallel_loop3A_1705 = arith.constant 48 : index
        %parallel_loop3A_1706 = tpu.vector_load %arg14[%parallel_loop3A_1704, %parallel_loop3A_1705] {strides = array<i32>} : memref<64x128xf32, #tpu.memory_space<vmem>>, vector<16xf32>,
        tpu.vector_store %arg14[%parallel_loop3A_1704, %parallel_loop3A_1705], %parallel_loop3A_1703 {strides = array<i32>} : memref<64x128xf32, #tpu.memory_space<vmem>>, vector<16xf32>,
        %parallel_loop3A_1707 = arith.index_cast %parallel_loop3A_1675 : i32 to index
        %parallel_loop3A_1708 = arith.constant 32 : index
        %parallel_loop3A_1709 = tpu.vector_load %arg12[%parallel_loop3A_1707, %parallel_loop3A_1708] {strides = array<i32>} : memref<64x64xi32, #tpu.memory_space<vmem>>, vector<16xi32>,
        %parallel_loop3A_1710 = vector.bitcast %parallel_loop3A_1709 : vector<16xi32> to vector<32xbf16>
        %parallel_loop3A_1711 = tpu.unpack_subelements %parallel_loop3A_1710, 0 {pack_format = #tpu.pack_format<interleaved>} : vector<32xbf16> -> vector<16xf32>
        %parallel_loop3A_1712 = tpu.unpack_subelements %parallel_loop3A_1710, 1 {pack_format = #tpu.pack_format<interleaved>} : vector<32xbf16> -> vector<16xf32>
        %parallel_loop3A_1713 = arith.mulf %parallel_loop3A_1711, %parallel_loop3A_1678 : vector<16xf32>
        %parallel_loop3A_1714 = arith.index_cast %parallel_loop3A_1675 : i32 to index
        %parallel_loop3A_1715 = arith.constant 64 : index
        %parallel_loop3A_1716 = tpu.vector_load %arg14[%parallel_loop3A_1714, %parallel_loop3A_1715] {strides = array<i32>} : memref<64x128xf32, #tpu.memory_space<vmem>>, vector<16xf32>,
        tpu.vector_store %arg14[%parallel_loop3A_1714, %parallel_loop3A_1715], %parallel_loop3A_1713 {strides = array<i32>} : memref<64x128xf32, #tpu.memory_space<vmem>>, vector<16xf32>,
        %parallel_loop3A_1717 = arith.mulf %parallel_loop3A_1712, %parallel_loop3A_1678 : vector<16xf32>
        %parallel_loop3A_1718 = arith.index_cast %parallel_loop3A_1675 : i32 to index
        %parallel_loop3A_1719 = arith.constant 80 : index
        %parallel_loop3A_1720 = tpu.vector_load %arg14[%parallel_loop3A_1718, %parallel_loop3A_1719] {strides = array<i32>} : memref<64x128xf32, #tpu.memory_space<vmem>>, vector<16xf32>,
        tpu.vector_store %arg14[%parallel_loop3A_1718, %parallel_loop3A_1719], %parallel_loop3A_1717 {strides = array<i32>} : memref<64x128xf32, #tpu.memory_space<vmem>>, vector<16xf32>,
        %parallel_loop3A_1721 = arith.index_cast %parallel_loop3A_1675 : i32 to index
        %parallel_loop3A_1722 = arith.constant 48 : index
        %parallel_loop3A_1723 = tpu.vector_load %arg12[%parallel_loop3A_1721, %parallel_loop3A_1722] {strides = array<i32>} : memref<64x64xi32, #tpu.memory_space<vmem>>, vector<16xi32>,
        %parallel_loop3A_1724 = vector.bitcast %parallel_loop3A_1723 : vector<16xi32> to vector<32xbf16>
        %parallel_loop3A_1725 = tpu.unpack_subelements %parallel_loop3A_1724, 0 {pack_format = #tpu.pack_format<interleaved>} : vector<32xbf16> -> vector<16xf32>
        %parallel_loop3A_1726 = tpu.unpack_subelements %parallel_loop3A_1724, 1 {pack_format = #tpu.pack_format<interleaved>} : vector<32xbf16> -> vector<16xf32>
        %parallel_loop3A_1727 = arith.mulf %parallel_loop3A_1725, %parallel_loop3A_1678 : vector<16xf32>
        %parallel_loop3A_1728 = arith.index_cast %parallel_loop3A_1675 : i32 to index
        %parallel_loop3A_1729 = arith.constant 96 : index
        %parallel_loop3A_1730 = tpu.vector_load %arg14[%parallel_loop3A_1728, %parallel_loop3A_1729] {strides = array<i32>} : memref<64x128xf32, #tpu.memory_space<vmem>>, vector<16xf32>,
        tpu.vector_store %arg14[%parallel_loop3A_1728, %parallel_loop3A_1729], %parallel_loop3A_1727 {strides = array<i32>} : memref<64x128xf32, #tpu.memory_space<vmem>>, vector<16xf32>,
        %parallel_loop3A_1731 = arith.mulf %parallel_loop3A_1726, %parallel_loop3A_1678 : vector<16xf32>
        %parallel_loop3A_1732 = arith.index_cast %parallel_loop3A_1675 : i32 to index
        %parallel_loop3A_1733 = arith.constant 112 : index
        %parallel_loop3A_1734 = tpu.vector_load %arg14[%parallel_loop3A_1732, %parallel_loop3A_1733] {strides = array<i32>} : memref<64x128xf32, #tpu.memory_space<vmem>>, vector<16xf32>,
        tpu.vector_store %arg14[%parallel_loop3A_1732, %parallel_loop3A_1733], %parallel_loop3A_1731 {strides = array<i32>} : memref<64x128xf32, #tpu.memory_space<vmem>>, vector<16xf32>,
      } {sc.loop_unroll_factor = 4 : i64, sc.parallel_access}
      %add3A_1340 = arith.constant 6 : i32
      %add3A_1341 = arith.addi %add3A_1148, %add3A_1340 : i32
      %lt3A_1342 = arith.constant 318 : i32
      %lt3A_1343 = arith.cmpi slt, %add3A_1341, %lt3A_1342 : i32
      %convert_element_type3A_1344 = arith.extui %lt3A_1343 : i1 to i32
      %cond3A_1345 = arith.constant 0 : i32
      %cond3A_1346 = arith.cmpi ne, %convert_element_type3A_1344, %cond3A_1345 : i32
      scf.if %cond3A_1346 {
        %add3A_1675 = arith.constant 6 : i32
        %add3A_1676 = arith.addi %add3A_1148, %add3A_1675 : i32
        %jit3A_1677 = arith.constant 6 : i32
        %div3A_1678 = arith.divsi %add3A_1676, %jit3A_1677 : i32
        %sign3A_1679 = arith.constant 0 : i32
        %sign3A_1680 = arith.cmpi sgt, %add3A_1676, %sign3A_1679 : i32
        %sign3A_1681 = arith.extui %sign3A_1680 : i1 to i32
        %sign3A_1682 = arith.constant 0 : i32
        %sign3A_1683 = arith.cmpi slt, %add3A_1676, %sign3A_1682 : i32
        %sign3A_1684 = arith.extui %sign3A_1683 : i1 to i32
        %sign3A_1685 = arith.subi %sign3A_1681, %sign3A_1684 : i32
        %sign3A_1686 = arith.constant 0 : i32
        %sign3A_1687 = arith.cmpi sgt, %jit3A_1677, %sign3A_1686 : i32
        %sign3A_1688 = arith.extui %sign3A_1687 : i1 to i32
        %sign3A_1689 = arith.constant 0 : i32
        %sign3A_1690 = arith.cmpi slt, %jit3A_1677, %sign3A_1689 : i32
        %sign3A_1691 = arith.extui %sign3A_1690 : i1 to i32
        %sign3A_1692 = arith.subi %sign3A_1688, %sign3A_1691 : i32
        %ne3A_1693 = arith.cmpi ne, %sign3A_1685, %sign3A_1692 : i32
        %rem3A_1694 = arith.remsi %add3A_1676, %jit3A_1677 : i32
        %ne3A_1695 = arith.constant 0 : i32
        %ne3A_1696 = arith.cmpi ne, %rem3A_1694, %ne3A_1695 : i32
        %and3A_1697 = arith.andi %ne3A_1693, %ne3A_1696 : i1
        %sub3A_1698 = arith.constant 1 : i32
        %sub3A_1699 = arith.subi %div3A_1678, %sub3A_1698 : i32
        %select_n3A_1700 = arith.select %and3A_1697, %sub3A_1699, %div3A_1678 : i32
        %jit3A_1701 = arith.constant 3 : i32
        %eq3A_1702 = arith.constant 0 : i32
        %eq3A_1703 = arith.cmpi eq, %jit3A_1701, %eq3A_1702 : i32
        %jit3A_1704 = arith.constant 1 : i32
        %select_n3A_1705 = arith.select %eq3A_1703, %jit3A_1704, %jit3A_1701 : i32
        %rem3A_1706 = arith.remsi %select_n3A_1700, %select_n3A_1705 : i32
        %ne3A_1707 = arith.constant 0 : i32
        %ne3A_1708 = arith.cmpi ne, %rem3A_1706, %ne3A_1707 : i32
        %lt3A_1709 = arith.constant 0 : i32
        %lt3A_1710 = arith.cmpi slt, %rem3A_1706, %lt3A_1709 : i32
        %lt3A_1711 = arith.constant 0 : i32
        %lt3A_1712 = arith.cmpi slt, %select_n3A_1705, %lt3A_1711 : i32
        %ne3A_1713 = arith.xori %lt3A_1710, %lt3A_1712 : i1
        %and3A_1714 = arith.andi %ne3A_1713, %ne3A_1708 : i1
        %add3A_1715 = arith.addi %rem3A_1706, %select_n3A_1705 : i32
        %select_n3A_1716 = arith.select %and3A_1714, %add3A_1715, %rem3A_1706 : i32
        %jit3A_1717 = arith.constant 6 : i32
        %eq3A_1718 = arith.constant 0 : i32
        %eq3A_1719 = arith.cmpi eq, %jit3A_1717, %eq3A_1718 : i32
        %jit3A_1720 = arith.constant 1 : i32
        %select_n3A_1721 = arith.select %eq3A_1719, %jit3A_1720, %jit3A_1717 : i32
        %rem3A_1722 = arith.remsi %add3A_1676, %select_n3A_1721 : i32
        %ne3A_1723 = arith.constant 0 : i32
        %ne3A_1724 = arith.cmpi ne, %rem3A_1722, %ne3A_1723 : i32
        %lt3A_1725 = arith.constant 0 : i32
        %lt3A_1726 = arith.cmpi slt, %rem3A_1722, %lt3A_1725 : i32
        %lt3A_1727 = arith.constant 0 : i32
        %lt3A_1728 = arith.cmpi slt, %select_n3A_1721, %lt3A_1727 : i32
        %ne3A_1729 = arith.xori %lt3A_1726, %lt3A_1728 : i1
        %and3A_1730 = arith.andi %ne3A_1729, %ne3A_1724 : i1
        %add3A_1731 = arith.addi %rem3A_1722, %select_n3A_1721 : i32
        %select_n3A_1732 = arith.select %and3A_1730, %add3A_1731, %rem3A_1722 : i32
        %dma_start3A_1733 = arith.constant 0 : i32
        %dma_start3A_1734 = arith.constant 0 : i32
        %dma_start3A_1735 = tpu.memref_slice %arg7[%select_n3A_1716, %dma_start3A_1733, %select_n3A_1732, %dma_start3A_1734] : memref<3x3x6x64xi32, #tpu.memory_space<vmem>> -> memref<1x1x1x64xi32, #tpu.memory_space<vmem>>
        %dma_start3A_1736 = tpu.memref_squeeze %dma_start3A_1735 : memref<1x1x1x64xi32, #tpu.memory_space<vmem>> -> memref<64xi32, #tpu.memory_space<vmem>>
        %dma_start3A_1737 = arith.constant 0 : i32
        %dma_start3A_1738 = arith.constant 0 : i32
        %dma_start3A_1739 = tpu.memref_slice %arg3[%dma_start3A_1737, %dma_start3A_1738] : memref<20000x64xi32, #tpu.memory_space<hbm>> -> memref<20000x64xi32, #tpu.memory_space<hbm>>
        tpu.enqueue_indirect_dma source(%dma_start3A_1739 : memref<20000x64xi32, #tpu.memory_space<hbm>>) target(%arg12 : memref<64x64xi32, #tpu.memory_space<vmem>>) offsets(%dma_start3A_1736 : memref<64xi32, #tpu.memory_space<vmem>>) semaphore(%arg20 : memref<!tpu.dma_semaphore, #tpu.memory_space<semaphore_mem>>)
      } else {
      }
      %jit3A_1347 = arith.constant 6 : i32
      %div3A_1348 = arith.divsi %add3A_1148, %jit3A_1347 : i32
      %sign3A_1349 = arith.constant 0 : i32
      %sign3A_1350 = arith.cmpi sgt, %add3A_1148, %sign3A_1349 : i32
      %sign3A_1351 = arith.extui %sign3A_1350 : i1 to i32
      %sign3A_1352 = arith.constant 0 : i32
      %sign3A_1353 = arith.cmpi slt, %add3A_1148, %sign3A_1352 : i32
      %sign3A_1354 = arith.extui %sign3A_1353 : i1 to i32
      %sign3A_1355 = arith.subi %sign3A_1351, %sign3A_1354 : i32
      %sign3A_1356 = arith.constant 0 : i32
      %sign3A_1357 = arith.cmpi sgt, %jit3A_1347, %sign3A_1356 : i32
      %sign3A_1358 = arith.extui %sign3A_1357 : i1 to i32
      %sign3A_1359 = arith.constant 0 : i32
      %sign3A_1360 = arith.cmpi slt, %jit3A_1347, %sign3A_1359 : i32
      %sign3A_1361 = arith.extui %sign3A_1360 : i1 to i32
      %sign3A_1362 = arith.subi %sign3A_1358, %sign3A_1361 : i32
      %ne3A_1363 = arith.cmpi ne, %sign3A_1355, %sign3A_1362 : i32
      %rem3A_1364 = arith.remsi %add3A_1148, %jit3A_1347 : i32
      %ne3A_1365 = arith.constant 0 : i32
      %ne3A_1366 = arith.cmpi ne, %rem3A_1364, %ne3A_1365 : i32
      %and3A_1367 = arith.andi %ne3A_1363, %ne3A_1366 : i1
      %sub3A_1368 = arith.constant 1 : i32
      %sub3A_1369 = arith.subi %div3A_1348, %sub3A_1368 : i32
      %select_n3A_1370 = arith.select %and3A_1367, %sub3A_1369, %div3A_1348 : i32
      %jit3A_1371 = arith.constant 3 : i32
      %eq3A_1372 = arith.constant 0 : i32
      %eq3A_1373 = arith.cmpi eq, %jit3A_1371, %eq3A_1372 : i32
      %jit3A_1374 = arith.constant 1 : i32
      %select_n3A_1375 = arith.select %eq3A_1373, %jit3A_1374, %jit3A_1371 : i32
      %rem3A_1376 = arith.remsi %select_n3A_1370, %select_n3A_1375 : i32
      %ne3A_1377 = arith.constant 0 : i32
      %ne3A_1378 = arith.cmpi ne, %rem3A_1376, %ne3A_1377 : i32
      %lt3A_1379 = arith.constant 0 : i32
      %lt3A_1380 = arith.cmpi slt, %rem3A_1376, %lt3A_1379 : i32
      %lt3A_1381 = arith.constant 0 : i32
      %lt3A_1382 = arith.cmpi slt, %select_n3A_1375, %lt3A_1381 : i32
      %ne3A_1383 = arith.xori %lt3A_1380, %lt3A_1382 : i1
      %and3A_1384 = arith.andi %ne3A_1383, %ne3A_1378 : i1
      %add3A_1385 = arith.addi %rem3A_1376, %select_n3A_1375 : i32
      %select_n3A_1386 = arith.select %and3A_1384, %add3A_1385, %rem3A_1376 : i32
      %jit3A_1387 = arith.constant 6 : i32
      %eq3A_1388 = arith.constant 0 : i32
      %eq3A_1389 = arith.cmpi eq, %jit3A_1387, %eq3A_1388 : i32
      %jit3A_1390 = arith.constant 1 : i32
      %select_n3A_1391 = arith.select %eq3A_1389, %jit3A_1390, %jit3A_1387 : i32
      %rem3A_1392 = arith.remsi %add3A_1148, %select_n3A_1391 : i32
      %ne3A_1393 = arith.constant 0 : i32
      %ne3A_1394 = arith.cmpi ne, %rem3A_1392, %ne3A_1393 : i32
      %lt3A_1395 = arith.constant 0 : i32
      %lt3A_1396 = arith.cmpi slt, %rem3A_1392, %lt3A_1395 : i32
      %lt3A_1397 = arith.constant 0 : i32
      %lt3A_1398 = arith.cmpi slt, %select_n3A_1391, %lt3A_1397 : i32
      %ne3A_1399 = arith.xori %lt3A_1396, %lt3A_1398 : i1
      %and3A_1400 = arith.andi %ne3A_1399, %ne3A_1394 : i1
      %add3A_1401 = arith.addi %rem3A_1392, %select_n3A_1391 : i32
      %select_n3A_1402 = arith.select %and3A_1400, %add3A_1401, %rem3A_1392 : i32
      %dma_start3A_1403 = arith.constant 1 : i32
      %dma_start3A_1404 = arith.constant 0 : i32
      %dma_start3A_1405 = tpu.memref_slice %arg7[%select_n3A_1386, %dma_start3A_1403, %select_n3A_1402, %dma_start3A_1404] : memref<3x3x6x64xi32, #tpu.memory_space<vmem>> -> memref<1x1x1x64xi32, #tpu.memory_space<vmem>>
      %dma_start3A_1406 = tpu.memref_squeeze %dma_start3A_1405 : memref<1x1x1x64xi32, #tpu.memory_space<vmem>> -> memref<64xi32, #tpu.memory_space<vmem>>
      %dma_start3A_1407 = arith.constant 0 : i32
      %dma_start3A_1408 = arith.constant 0 : i32
      %dma_start3A_1409 = tpu.memref_slice %arg6[%dma_start3A_1407, %dma_start3A_1408] : memref<10000x128xf32, #tpu.memory_space<vmem_shared>> -> memref<10000x128xf32, #tpu.memory_space<vmem_shared>>
      tpu.enqueue_indirect_dma source(%arg14 : memref<64x128xf32, #tpu.memory_space<vmem>>) target(%dma_start3A_1409 : memref<10000x128xf32, #tpu.memory_space<vmem_shared>>) offsets(%dma_start3A_1406 : memref<64xi32, #tpu.memory_space<vmem>>) semaphore(%arg22 : memref<!tpu.dma_semaphore, #tpu.memory_space<semaphore_mem>>) {add = true}
      %mul3A_1410 = arith.constant 6 : i32
      %mul3A_1411 = arith.muli %mul3A_1410, %scan3A_100 : i32
      %add3A_1412 = arith.constant 5 : i32
      %add3A_1413 = arith.addi %mul3A_1411, %add3A_1412 : i32
      %jit3A_1414 = arith.constant 6 : i32
      %eq3A_1415 = arith.constant 0 : i32
      %eq3A_1416 = arith.cmpi eq, %jit3A_1414, %eq3A_1415 : i32
      %jit3A_1417 = arith.constant 1 : i32
      %select_n3A_1418 = arith.select %eq3A_1416, %jit3A_1417, %jit3A_1414 : i32
      %rem3A_1419 = arith.remsi %add3A_1413, %select_n3A_1418 : i32
      %ne3A_1420 = arith.constant 0 : i32
      %ne3A_1421 = arith.cmpi ne, %rem3A_1419, %ne3A_1420 : i32
      %lt3A_1422 = arith.constant 0 : i32
      %lt3A_1423 = arith.cmpi slt, %rem3A_1419, %lt3A_1422 : i32
      %lt3A_1424 = arith.constant 0 : i32
      %lt3A_1425 = arith.cmpi slt, %select_n3A_1418, %lt3A_1424 : i32
      %ne3A_1426 = arith.xori %lt3A_1423, %lt3A_1425 : i1
      %and3A_1427 = arith.andi %ne3A_1426, %ne3A_1421 : i1
      %add3A_1428 = arith.addi %rem3A_1419, %select_n3A_1418 : i32
      %select_n3A_1429 = arith.select %and3A_1427, %add3A_1428, %rem3A_1419 : i32
      %jit3A_1430 = arith.constant 6 : i32
      %div3A_1431 = arith.divsi %add3A_1413, %jit3A_1430 : i32
      %sign3A_1432 = arith.constant 0 : i32
      %sign3A_1433 = arith.cmpi sgt, %add3A_1413, %sign3A_1432 : i32
      %sign3A_1434 = arith.extui %sign3A_1433 : i1 to i32
      %sign3A_1435 = arith.constant 0 : i32
      %sign3A_1436 = arith.cmpi slt, %add3A_1413, %sign3A_1435 : i32
      %sign3A_1437 = arith.extui %sign3A_1436 : i1 to i32
      %sign3A_1438 = arith.subi %sign3A_1434, %sign3A_1437 : i32
      %sign3A_1439 = arith.constant 0 : i32
      %sign3A_1440 = arith.cmpi sgt, %jit3A_1430, %sign3A_1439 : i32
      %sign3A_1441 = arith.extui %sign3A_1440 : i1 to i32
      %sign3A_1442 = arith.constant 0 : i32
      %sign3A_1443 = arith.cmpi slt, %jit3A_1430, %sign3A_1442 : i32
      %sign3A_1444 = arith.extui %sign3A_1443 : i1 to i32
      %sign3A_1445 = arith.subi %sign3A_1441, %sign3A_1444 : i32
      %ne3A_1446 = arith.cmpi ne, %sign3A_1438, %sign3A_1445 : i32
      %rem3A_1447 = arith.remsi %add3A_1413, %jit3A_1430 : i32
      %ne3A_1448 = arith.constant 0 : i32
      %ne3A_1449 = arith.cmpi ne, %rem3A_1447, %ne3A_1448 : i32
      %and3A_1450 = arith.andi %ne3A_1446, %ne3A_1449 : i1
      %sub3A_1451 = arith.constant 1 : i32
      %sub3A_1452 = arith.subi %div3A_1431, %sub3A_1451 : i32
      %select_n3A_1453 = arith.select %and3A_1450, %sub3A_1452, %div3A_1431 : i32
      %eq3A_1454 = arith.constant 0 : i32
      %eq3A_1455 = arith.cmpi eq, %select_n3A_1429, %eq3A_1454 : i32
      %add3A_1456 = arith.constant 1 : i32
      %add3A_1457 = arith.addi %select_n3A_1453, %add3A_1456 : i32
      %lt3A_1458 = arith.constant 53 : i32
      %lt3A_1459 = arith.cmpi slt, %add3A_1457, %lt3A_1458 : i32
      %and3A_1460 = arith.andi %eq3A_1455, %lt3A_1459 : i1
      %convert_element_type3A_1461 = arith.extui %and3A_1460 : i1 to i32
      %cond3A_1462 = arith.constant 0 : i32
      %cond3A_1463 = arith.cmpi ne, %convert_element_type3A_1461, %cond3A_1462 : i32
      scf.if %cond3A_1463 {
        %add3A_1675 = arith.constant 1 : i32
        %add3A_1676 = arith.addi %select_n3A_1453, %add3A_1675 : i32
        %jit3A_1677 = arith.constant 3 : i32
        %eq3A_1678 = arith.constant 0 : i32
        %eq3A_1679 = arith.cmpi eq, %jit3A_1677, %eq3A_1678 : i32
        %jit3A_1680 = arith.constant 1 : i32
        %select_n3A_1681 = arith.select %eq3A_1679, %jit3A_1680, %jit3A_1677 : i32
        %rem3A_1682 = arith.remsi %add3A_1676, %select_n3A_1681 : i32
        %ne3A_1683 = arith.constant 0 : i32
        %ne3A_1684 = arith.cmpi ne, %rem3A_1682, %ne3A_1683 : i32
        %lt3A_1685 = arith.constant 0 : i32
        %lt3A_1686 = arith.cmpi slt, %rem3A_1682, %lt3A_1685 : i32
        %lt3A_1687 = arith.constant 0 : i32
        %lt3A_1688 = arith.cmpi slt, %select_n3A_1681, %lt3A_1687 : i32
        %ne3A_1689 = arith.xori %lt3A_1686, %lt3A_1688 : i1
        %and3A_1690 = arith.andi %ne3A_1689, %ne3A_1684 : i1
        %add3A_1691 = arith.addi %rem3A_1682, %select_n3A_1681 : i32
        %select_n3A_1692 = arith.select %and3A_1690, %add3A_1691, %rem3A_1682 : i32
        %dma_wait3A_1693 = arith.constant 0 : i32
        %dma_wait3A_1694 = arith.constant 0 : i32
        %dma_wait3A_1695 = arith.constant 0 : i32
        %dma_wait3A_1696 = tpu.memref_slice %arg7[%select_n3A_1692, %dma_wait3A_1693, %dma_wait3A_1694, %dma_wait3A_1695] : memref<3x3x6x64xi32, #tpu.memory_space<vmem>> -> memref<1x3x6x64xi32, #tpu.memory_space<vmem>>
        %dma_wait3A_1697 = tpu.memref_squeeze %dma_wait3A_1696 : memref<1x3x6x64xi32, #tpu.memory_space<vmem>> -> memref<3x6x64xi32, #tpu.memory_space<vmem>>
        %dma_wait3A_1698 = arith.constant 0 : i32
        %dma_wait3A_1699 = arith.constant 0 : i32
        %dma_wait3A_1700 = arith.constant 0 : i32
        %dma_wait3A_1701 = tpu.memref_slice %arg4[%arg0, %arg1, %add3A_1676, %dma_wait3A_1698, %dma_wait3A_1699, %dma_wait3A_1700] : memref<2x16x53x3x6x64xi32, #tpu.memory_space<hbm>> -> memref<1x1x1x3x6x64xi32, #tpu.memory_space<hbm>>
        %dma_wait3A_1702 = tpu.memref_squeeze %dma_wait3A_1701 : memref<1x1x1x3x6x64xi32, #tpu.memory_space<hbm>> -> memref<3x6x64xi32, #tpu.memory_space<hbm>>
        %dma_wait3A_1703 = arith.constant 0 : i32
        %dma_wait3A_1704 = arith.constant 0 : i32
        %dma_wait3A_1705 = arith.constant 0 : i32
        %dma_wait3A_1706 = tpu.memref_slice %arg7[%select_n3A_1692, %dma_wait3A_1703, %dma_wait3A_1704, %dma_wait3A_1705] : memref<3x3x6x64xi32, #tpu.memory_space<vmem>> -> memref<1x3x6x64xi32, #tpu.memory_space<vmem>>
        %dma_wait3A_1707 = tpu.memref_squeeze %dma_wait3A_1706 : memref<1x3x6x64xi32, #tpu.memory_space<vmem>> -> memref<3x6x64xi32, #tpu.memory_space<vmem>>
        %dma_wait3A_1708 = arith.constant 0 : i32
        %dma_wait3A_1709 = arith.constant 0 : i32
        %dma_wait3A_1710 = arith.constant 0 : i32
        %dma_wait3A_1711 = tpu.memref_slice %arg4[%arg0, %arg1, %add3A_1676, %dma_wait3A_1708, %dma_wait3A_1709, %dma_wait3A_1710] : memref<2x16x53x3x6x64xi32, #tpu.memory_space<hbm>> -> memref<1x1x1x3x6x64xi32, #tpu.memory_space<hbm>>
        %dma_wait3A_1712 = tpu.memref_squeeze %dma_wait3A_1711 : memref<1x1x1x3x6x64xi32, #tpu.memory_space<hbm>> -> memref<3x6x64xi32, #tpu.memory_space<hbm>>
        tpu.wait_dma2 semaphore(%arg24 : memref<!tpu.dma_semaphore, #tpu.memory_space<semaphore_mem>>) src(%dma_wait3A_1712 : memref<3x6x64xi32, #tpu.memory_space<hbm>>) dst(%dma_wait3A_1707 : memref<3x6x64xi32, #tpu.memory_space<vmem>>)
      } else {
      }
      %eq3A_1464 = arith.constant 2 : i32
      %eq3A_1465 = arith.cmpi eq, %select_n3A_1429, %eq3A_1464 : i32
      %add3A_1466 = arith.constant 2 : i32
      %add3A_1467 = arith.addi %select_n3A_1453, %add3A_1466 : i32
      %lt3A_1468 = arith.constant 53 : i32
      %lt3A_1469 = arith.cmpi slt, %add3A_1467, %lt3A_1468 : i32
      %and3A_1470 = arith.andi %eq3A_1465, %lt3A_1469 : i1
      %convert_element_type3A_1471 = arith.extui %and3A_1470 : i1 to i32
      %cond3A_1472 = arith.constant 0 : i32
      %cond3A_1473 = arith.cmpi ne, %convert_element_type3A_1471, %cond3A_1472 : i32
      scf.if %cond3A_1473 {
        %add3A_1675 = arith.constant 2 : i32
        %add3A_1676 = arith.addi %select_n3A_1453, %add3A_1675 : i32
        %jit3A_1677 = arith.constant 3 : i32
        %eq3A_1678 = arith.constant 0 : i32
        %eq3A_1679 = arith.cmpi eq, %jit3A_1677, %eq3A_1678 : i32
        %jit3A_1680 = arith.constant 1 : i32
        %select_n3A_1681 = arith.select %eq3A_1679, %jit3A_1680, %jit3A_1677 : i32
        %rem3A_1682 = arith.remsi %add3A_1676, %select_n3A_1681 : i32
        %ne3A_1683 = arith.constant 0 : i32
        %ne3A_1684 = arith.cmpi ne, %rem3A_1682, %ne3A_1683 : i32
        %lt3A_1685 = arith.constant 0 : i32
        %lt3A_1686 = arith.cmpi slt, %rem3A_1682, %lt3A_1685 : i32
        %lt3A_1687 = arith.constant 0 : i32
        %lt3A_1688 = arith.cmpi slt, %select_n3A_1681, %lt3A_1687 : i32
        %ne3A_1689 = arith.xori %lt3A_1686, %lt3A_1688 : i1
        %and3A_1690 = arith.andi %ne3A_1689, %ne3A_1684 : i1
        %add3A_1691 = arith.addi %rem3A_1682, %select_n3A_1681 : i32
        %select_n3A_1692 = arith.select %and3A_1690, %add3A_1691, %rem3A_1682 : i32
        %dma_start3A_1693 = arith.constant 0 : i32
        %dma_start3A_1694 = arith.constant 0 : i32
        %dma_start3A_1695 = arith.constant 0 : i32
        %dma_start3A_1696 = tpu.memref_slice %arg7[%select_n3A_1692, %dma_start3A_1693, %dma_start3A_1694, %dma_start3A_1695] : memref<3x3x6x64xi32, #tpu.memory_space<vmem>> -> memref<1x3x6x64xi32, #tpu.memory_space<vmem>>
        %dma_start3A_1697 = tpu.memref_squeeze %dma_start3A_1696 : memref<1x3x6x64xi32, #tpu.memory_space<vmem>> -> memref<3x6x64xi32, #tpu.memory_space<vmem>>
        %dma_start3A_1698 = arith.constant 0 : i32
        %dma_start3A_1699 = arith.constant 0 : i32
        %dma_start3A_1700 = arith.constant 0 : i32
        %dma_start3A_1701 = tpu.memref_slice %arg4[%arg0, %arg1, %add3A_1676, %dma_start3A_1698, %dma_start3A_1699, %dma_start3A_1700] : memref<2x16x53x3x6x64xi32, #tpu.memory_space<hbm>> -> memref<1x1x1x3x6x64xi32, #tpu.memory_space<hbm>>
        %dma_start3A_1702 = tpu.memref_squeeze %dma_start3A_1701 : memref<1x1x1x3x6x64xi32, #tpu.memory_space<hbm>> -> memref<3x6x64xi32, #tpu.memory_space<hbm>>
        %dma_start3A_1703 = arith.constant 0 : i32
        %dma_start3A_1704 = arith.constant 0 : i32
        %dma_start3A_1705 = arith.constant 0 : i32
        %dma_start3A_1706 = tpu.memref_slice %arg7[%select_n3A_1692, %dma_start3A_1703, %dma_start3A_1704, %dma_start3A_1705] : memref<3x3x6x64xi32, #tpu.memory_space<vmem>> -> memref<1x3x6x64xi32, #tpu.memory_space<vmem>>
        %dma_start3A_1707 = tpu.memref_squeeze %dma_start3A_1706 : memref<1x3x6x64xi32, #tpu.memory_space<vmem>> -> memref<3x6x64xi32, #tpu.memory_space<vmem>>
        %dma_start3A_1708 = arith.constant 0 : i32
        %dma_start3A_1709 = arith.constant 0 : i32
        %dma_start3A_1710 = arith.constant 0 : i32
        %dma_start3A_1711 = tpu.memref_slice %arg4[%arg0, %arg1, %add3A_1676, %dma_start3A_1708, %dma_start3A_1709, %dma_start3A_1710] : memref<2x16x53x3x6x64xi32, #tpu.memory_space<hbm>> -> memref<1x1x1x3x6x64xi32, #tpu.memory_space<hbm>>
        %dma_start3A_1712 = tpu.memref_squeeze %dma_start3A_1711 : memref<1x1x1x3x6x64xi32, #tpu.memory_space<hbm>> -> memref<3x6x64xi32, #tpu.memory_space<hbm>>
        tpu.enqueue_dma source(%dma_start3A_1712 : memref<3x6x64xi32, #tpu.memory_space<hbm>>) target(%dma_start3A_1707 : memref<3x6x64xi32, #tpu.memory_space<vmem>>) target_semaphore(%arg24 : memref<!tpu.dma_semaphore, #tpu.memory_space<semaphore_mem>>)
      } else {
      }
      %jit3A_1474 = arith.constant 6 : i32
      %div3A_1475 = arith.divsi %add3A_1413, %jit3A_1474 : i32
      %sign3A_1476 = arith.constant 0 : i32
      %sign3A_1477 = arith.cmpi sgt, %add3A_1413, %sign3A_1476 : i32
      %sign3A_1478 = arith.extui %sign3A_1477 : i1 to i32
      %sign3A_1479 = arith.constant 0 : i32
      %sign3A_1480 = arith.cmpi slt, %add3A_1413, %sign3A_1479 : i32
      %sign3A_1481 = arith.extui %sign3A_1480 : i1 to i32
      %sign3A_1482 = arith.subi %sign3A_1478, %sign3A_1481 : i32
      %sign3A_1483 = arith.constant 0 : i32
      %sign3A_1484 = arith.cmpi sgt, %jit3A_1474, %sign3A_1483 : i32
      %sign3A_1485 = arith.extui %sign3A_1484 : i1 to i32
      %sign3A_1486 = arith.constant 0 : i32
      %sign3A_1487 = arith.cmpi slt, %jit3A_1474, %sign3A_1486 : i32
      %sign3A_1488 = arith.extui %sign3A_1487 : i1 to i32
      %sign3A_1489 = arith.subi %sign3A_1485, %sign3A_1488 : i32
      %ne3A_1490 = arith.cmpi ne, %sign3A_1482, %sign3A_1489 : i32
      %rem3A_1491 = arith.remsi %add3A_1413, %jit3A_1474 : i32
      %ne3A_1492 = arith.constant 0 : i32
      %ne3A_1493 = arith.cmpi ne, %rem3A_1491, %ne3A_1492 : i32
      %and3A_1494 = arith.andi %ne3A_1490, %ne3A_1493 : i1
      %sub3A_1495 = arith.constant 1 : i32
      %sub3A_1496 = arith.subi %div3A_1475, %sub3A_1495 : i32
      %select_n3A_1497 = arith.select %and3A_1494, %sub3A_1496, %div3A_1475 : i32
      %jit3A_1498 = arith.constant 3 : i32
      %eq3A_1499 = arith.constant 0 : i32
      %eq3A_1500 = arith.cmpi eq, %jit3A_1498, %eq3A_1499 : i32
      %jit3A_1501 = arith.constant 1 : i32
      %select_n3A_1502 = arith.select %eq3A_1500, %jit3A_1501, %jit3A_1498 : i32
      %rem3A_1503 = arith.remsi %select_n3A_1497, %select_n3A_1502 : i32
      %ne3A_1504 = arith.constant 0 : i32
      %ne3A_1505 = arith.cmpi ne, %rem3A_1503, %ne3A_1504 : i32
      %lt3A_1506 = arith.constant 0 : i32
      %lt3A_1507 = arith.cmpi slt, %rem3A_1503, %lt3A_1506 : i32
      %lt3A_1508 = arith.constant 0 : i32
      %lt3A_1509 = arith.cmpi slt, %select_n3A_1502, %lt3A_1508 : i32
      %ne3A_1510 = arith.xori %lt3A_1507, %lt3A_1509 : i1
      %and3A_1511 = arith.andi %ne3A_1510, %ne3A_1505 : i1
      %add3A_1512 = arith.addi %rem3A_1503, %select_n3A_1502 : i32
      %select_n3A_1513 = arith.select %and3A_1511, %add3A_1512, %rem3A_1503 : i32
      %jit3A_1514 = arith.constant 6 : i32
      %eq3A_1515 = arith.constant 0 : i32
      %eq3A_1516 = arith.cmpi eq, %jit3A_1514, %eq3A_1515 : i32
      %jit3A_1517 = arith.constant 1 : i32
      %select_n3A_1518 = arith.select %eq3A_1516, %jit3A_1517, %jit3A_1514 : i32
      %rem3A_1519 = arith.remsi %add3A_1413, %select_n3A_1518 : i32
      %ne3A_1520 = arith.constant 0 : i32
      %ne3A_1521 = arith.cmpi ne, %rem3A_1519, %ne3A_1520 : i32
      %lt3A_1522 = arith.constant 0 : i32
      %lt3A_1523 = arith.cmpi slt, %rem3A_1519, %lt3A_1522 : i32
      %lt3A_1524 = arith.constant 0 : i32
      %lt3A_1525 = arith.cmpi slt, %select_n3A_1518, %lt3A_1524 : i32
      %ne3A_1526 = arith.xori %lt3A_1523, %lt3A_1525 : i1
      %and3A_1527 = arith.andi %ne3A_1526, %ne3A_1521 : i1
      %add3A_1528 = arith.addi %rem3A_1519, %select_n3A_1518 : i32
      %select_n3A_1529 = arith.select %and3A_1527, %add3A_1528, %rem3A_1519 : i32
      %dma_wait3A_1530 = arith.constant 0 : i32
      %dma_wait3A_1531 = arith.constant 0 : i32
      %dma_wait3A_1532 = tpu.memref_slice %arg7[%select_n3A_1513, %dma_wait3A_1530, %select_n3A_1529, %dma_wait3A_1531] : memref<3x3x6x64xi32, #tpu.memory_space<vmem>> -> memref<1x1x1x64xi32, #tpu.memory_space<vmem>>
      %dma_wait3A_1533 = tpu.memref_squeeze %dma_wait3A_1532 : memref<1x1x1x64xi32, #tpu.memory_space<vmem>> -> memref<64xi32, #tpu.memory_space<vmem>>
      %dma_wait3A_1534 = arith.constant 0 : i32
      %dma_wait3A_1535 = arith.constant 0 : i32
      %dma_wait3A_1536 = tpu.memref_slice %arg3[%dma_wait3A_1534, %dma_wait3A_1535] : memref<20000x64xi32, #tpu.memory_space<hbm>> -> memref<20000x64xi32, #tpu.memory_space<hbm>>
      tpu.wait_indirect_dma semaphore(%arg21 : memref<!tpu.dma_semaphore, #tpu.memory_space<semaphore_mem>>) src(%dma_wait3A_1536 : memref<20000x64xi32, #tpu.memory_space<hbm>>) dst(%arg13 : memref<64x64xi32, #tpu.memory_space<vmem>>)
      %ge3A_1537 = arith.constant 2 : i32
      %ge3A_1538 = arith.cmpi sge, %add3A_1413, %ge3A_1537 : i32
      %convert_element_type3A_1539 = arith.extui %ge3A_1538 : i1 to i32
      %cond3A_1540 = arith.constant 0 : i32
      %cond3A_1541 = arith.cmpi ne, %convert_element_type3A_1539, %cond3A_1540 : i32
      scf.if %cond3A_1541 {
        %sub3A_1675 = arith.constant 2 : i32
        %sub3A_1676 = arith.subi %add3A_1413, %sub3A_1675 : i32
        %jit3A_1677 = arith.constant 6 : i32
        %div3A_1678 = arith.divsi %sub3A_1676, %jit3A_1677 : i32
        %sign3A_1679 = arith.constant 0 : i32
        %sign3A_1680 = arith.cmpi sgt, %sub3A_1676, %sign3A_1679 : i32
        %sign3A_1681 = arith.extui %sign3A_1680 : i1 to i32
        %sign3A_1682 = arith.constant 0 : i32
        %sign3A_1683 = arith.cmpi slt, %sub3A_1676, %sign3A_1682 : i32
        %sign3A_1684 = arith.extui %sign3A_1683 : i1 to i32
        %sign3A_1685 = arith.subi %sign3A_1681, %sign3A_1684 : i32
        %sign3A_1686 = arith.constant 0 : i32
        %sign3A_1687 = arith.cmpi sgt, %jit3A_1677, %sign3A_1686 : i32
        %sign3A_1688 = arith.extui %sign3A_1687 : i1 to i32
        %sign3A_1689 = arith.constant 0 : i32
        %sign3A_1690 = arith.cmpi slt, %jit3A_1677, %sign3A_1689 : i32
        %sign3A_1691 = arith.extui %sign3A_1690 : i1 to i32
        %sign3A_1692 = arith.subi %sign3A_1688, %sign3A_1691 : i32
        %ne3A_1693 = arith.cmpi ne, %sign3A_1685, %sign3A_1692 : i32
        %rem3A_1694 = arith.remsi %sub3A_1676, %jit3A_1677 : i32
        %ne3A_1695 = arith.constant 0 : i32
        %ne3A_1696 = arith.cmpi ne, %rem3A_1694, %ne3A_1695 : i32
        %and3A_1697 = arith.andi %ne3A_1693, %ne3A_1696 : i1
        %sub3A_1698 = arith.constant 1 : i32
        %sub3A_1699 = arith.subi %div3A_1678, %sub3A_1698 : i32
        %select_n3A_1700 = arith.select %and3A_1697, %sub3A_1699, %div3A_1678 : i32
        %jit3A_1701 = arith.constant 3 : i32
        %eq3A_1702 = arith.constant 0 : i32
        %eq3A_1703 = arith.cmpi eq, %jit3A_1701, %eq3A_1702 : i32
        %jit3A_1704 = arith.constant 1 : i32
        %select_n3A_1705 = arith.select %eq3A_1703, %jit3A_1704, %jit3A_1701 : i32
        %rem3A_1706 = arith.remsi %select_n3A_1700, %select_n3A_1705 : i32
        %ne3A_1707 = arith.constant 0 : i32
        %ne3A_1708 = arith.cmpi ne, %rem3A_1706, %ne3A_1707 : i32
        %lt3A_1709 = arith.constant 0 : i32
        %lt3A_1710 = arith.cmpi slt, %rem3A_1706, %lt3A_1709 : i32
        %lt3A_1711 = arith.constant 0 : i32
        %lt3A_1712 = arith.cmpi slt, %select_n3A_1705, %lt3A_1711 : i32
        %ne3A_1713 = arith.xori %lt3A_1710, %lt3A_1712 : i1
        %and3A_1714 = arith.andi %ne3A_1713, %ne3A_1708 : i1
        %add3A_1715 = arith.addi %rem3A_1706, %select_n3A_1705 : i32
        %select_n3A_1716 = arith.select %and3A_1714, %add3A_1715, %rem3A_1706 : i32
        %jit3A_1717 = arith.constant 6 : i32
        %eq3A_1718 = arith.constant 0 : i32
        %eq3A_1719 = arith.cmpi eq, %jit3A_1717, %eq3A_1718 : i32
        %jit3A_1720 = arith.constant 1 : i32
        %select_n3A_1721 = arith.select %eq3A_1719, %jit3A_1720, %jit3A_1717 : i32
        %rem3A_1722 = arith.remsi %sub3A_1676, %select_n3A_1721 : i32
        %ne3A_1723 = arith.constant 0 : i32
        %ne3A_1724 = arith.cmpi ne, %rem3A_1722, %ne3A_1723 : i32
        %lt3A_1725 = arith.constant 0 : i32
        %lt3A_1726 = arith.cmpi slt, %rem3A_1722, %lt3A_1725 : i32
        %lt3A_1727 = arith.constant 0 : i32
        %lt3A_1728 = arith.cmpi slt, %select_n3A_1721, %lt3A_1727 : i32
        %ne3A_1729 = arith.xori %lt3A_1726, %lt3A_1728 : i1
        %and3A_1730 = arith.andi %ne3A_1729, %ne3A_1724 : i1
        %add3A_1731 = arith.addi %rem3A_1722, %select_n3A_1721 : i32
        %select_n3A_1732 = arith.select %and3A_1730, %add3A_1731, %rem3A_1722 : i32
        %dma_wait3A_1733 = arith.constant 1 : i32
        %dma_wait3A_1734 = arith.constant 0 : i32
        %dma_wait3A_1735 = tpu.memref_slice %arg7[%select_n3A_1716, %dma_wait3A_1733, %select_n3A_1732, %dma_wait3A_1734] : memref<3x3x6x64xi32, #tpu.memory_space<vmem>> -> memref<1x1x1x64xi32, #tpu.memory_space<vmem>>
        %dma_wait3A_1736 = tpu.memref_squeeze %dma_wait3A_1735 : memref<1x1x1x64xi32, #tpu.memory_space<vmem>> -> memref<64xi32, #tpu.memory_space<vmem>>
        %dma_wait3A_1737 = arith.constant 0 : i32
        %dma_wait3A_1738 = arith.constant 0 : i32
        %dma_wait3A_1739 = tpu.memref_slice %arg6[%dma_wait3A_1737, %dma_wait3A_1738] : memref<10000x128xf32, #tpu.memory_space<vmem_shared>> -> memref<10000x128xf32, #tpu.memory_space<vmem_shared>>
        tpu.wait_indirect_dma semaphore(%arg23 : memref<!tpu.dma_semaphore, #tpu.memory_space<semaphore_mem>>) src(%arg15 : memref<64x128xf32, #tpu.memory_space<vmem>>) dst(%dma_wait3A_1739 : memref<10000x128xf32, #tpu.memory_space<vmem_shared>>)
      } else {
      }
      %jit3A_1542 = arith.constant 6 : i32
      %div3A_1543 = arith.divsi %add3A_1413, %jit3A_1542 : i32
      %sign3A_1544 = arith.constant 0 : i32
      %sign3A_1545 = arith.cmpi sgt, %add3A_1413, %sign3A_1544 : i32
      %sign3A_1546 = arith.extui %sign3A_1545 : i1 to i32
      %sign3A_1547 = arith.constant 0 : i32
      %sign3A_1548 = arith.cmpi slt, %add3A_1413, %sign3A_1547 : i32
      %sign3A_1549 = arith.extui %sign3A_1548 : i1 to i32
      %sign3A_1550 = arith.subi %sign3A_1546, %sign3A_1549 : i32
      %sign3A_1551 = arith.constant 0 : i32
      %sign3A_1552 = arith.cmpi sgt, %jit3A_1542, %sign3A_1551 : i32
      %sign3A_1553 = arith.extui %sign3A_1552 : i1 to i32
      %sign3A_1554 = arith.constant 0 : i32
      %sign3A_1555 = arith.cmpi slt, %jit3A_1542, %sign3A_1554 : i32
      %sign3A_1556 = arith.extui %sign3A_1555 : i1 to i32
      %sign3A_1557 = arith.subi %sign3A_1553, %sign3A_1556 : i32
      %ne3A_1558 = arith.cmpi ne, %sign3A_1550, %sign3A_1557 : i32
      %rem3A_1559 = arith.remsi %add3A_1413, %jit3A_1542 : i32
      %ne3A_1560 = arith.constant 0 : i32
      %ne3A_1561 = arith.cmpi ne, %rem3A_1559, %ne3A_1560 : i32
      %and3A_1562 = arith.andi %ne3A_1558, %ne3A_1561 : i1
      %sub3A_1563 = arith.constant 1 : i32
      %sub3A_1564 = arith.subi %div3A_1543, %sub3A_1563 : i32
      %select_n3A_1565 = arith.select %and3A_1562, %sub3A_1564, %div3A_1543 : i32
      %jit3A_1566 = arith.constant 3 : i32
      %eq3A_1567 = arith.constant 0 : i32
      %eq3A_1568 = arith.cmpi eq, %jit3A_1566, %eq3A_1567 : i32
      %jit3A_1569 = arith.constant 1 : i32
      %select_n3A_1570 = arith.select %eq3A_1568, %jit3A_1569, %jit3A_1566 : i32
      %rem3A_1571 = arith.remsi %select_n3A_1565, %select_n3A_1570 : i32
      %ne3A_1572 = arith.constant 0 : i32
      %ne3A_1573 = arith.cmpi ne, %rem3A_1571, %ne3A_1572 : i32
      %lt3A_1574 = arith.constant 0 : i32
      %lt3A_1575 = arith.cmpi slt, %rem3A_1571, %lt3A_1574 : i32
      %lt3A_1576 = arith.constant 0 : i32
      %lt3A_1577 = arith.cmpi slt, %select_n3A_1570, %lt3A_1576 : i32
      %ne3A_1578 = arith.xori %lt3A_1575, %lt3A_1577 : i1
      %and3A_1579 = arith.andi %ne3A_1578, %ne3A_1573 : i1
      %add3A_1580 = arith.addi %rem3A_1571, %select_n3A_1570 : i32
      %select_n3A_1581 = arith.select %and3A_1579, %add3A_1580, %rem3A_1571 : i32
      %broadcast_in_dim3A_1582 = vector.broadcast %select_n3A_1581 : i32 to vector<16xi32>
      %jit3A_1583 = arith.constant 6 : i32
      %eq3A_1584 = arith.constant 0 : i32
      %eq3A_1585 = arith.cmpi eq, %jit3A_1583, %eq3A_1584 : i32
      %jit3A_1586 = arith.constant 1 : i32
      %select_n3A_1587 = arith.select %eq3A_1585, %jit3A_1586, %jit3A_1583 : i32
      %rem3A_1588 = arith.remsi %add3A_1413, %select_n3A_1587 : i32
      %ne3A_1589 = arith.constant 0 : i32
      %ne3A_1590 = arith.cmpi ne, %rem3A_1588, %ne3A_1589 : i32
      %lt3A_1591 = arith.constant 0 : i32
      %lt3A_1592 = arith.cmpi slt, %rem3A_1588, %lt3A_1591 : i32
      %lt3A_1593 = arith.constant 0 : i32
      %lt3A_1594 = arith.cmpi slt, %select_n3A_1587, %lt3A_1593 : i32
      %ne3A_1595 = arith.xori %lt3A_1592, %lt3A_1594 : i1
      %and3A_1596 = arith.andi %ne3A_1595, %ne3A_1590 : i1
      %add3A_1597 = arith.addi %rem3A_1588, %select_n3A_1587 : i32
      %select_n3A_1598 = arith.select %and3A_1596, %add3A_1597, %rem3A_1588 : i32
      %broadcast_in_dim3A_1599 = vector.broadcast %select_n3A_1598 : i32 to vector<16xi32>
      %broadcast_in_dim3A_1600 = arith.constant 2 : i32
      %broadcast_in_dim3A_1601 = vector.broadcast %broadcast_in_dim3A_1600 : i32 to vector<16xi32>
      %parallel_loop3A_1602 = arith.constant 0 : i32
      %parallel_loop3A_1603 = arith.constant 64 : i32
      %parallel_loop3A_1604 = arith.constant 1 : i32
      scf.for %parallel_loop3A_1675 = %parallel_loop3A_1602 to %parallel_loop3A_1603 step %parallel_loop3A_1604  : i32 {
        %parallel_loop3A_1676 = vector.broadcast %parallel_loop3A_1675 : i32 to vector<16xi32>
        %parallel_loop3A_1677 = tpu.vector_load_idx %arg7[%broadcast_in_dim3A_1582, %broadcast_in_dim3A_1601, %broadcast_in_dim3A_1599, %parallel_loop3A_1676] : memref<3x3x6x64xi32, #tpu.memory_space<vmem>>[vector<16xi32>, vector<16xi32>, vector<16xi32>, vector<16xi32>], vector<16xi32>,
        %parallel_loop3A_1678 = vector.bitcast %parallel_loop3A_1677 : vector<16xi32> to vector<16xf32>
        %parallel_loop3A_1679 = arith.index_cast %parallel_loop3A_1675 : i32 to index
        %parallel_loop3A_1680 = arith.constant 0 : index
        %parallel_loop3A_1681 = tpu.vector_load %arg13[%parallel_loop3A_1679, %parallel_loop3A_1680] {strides = array<i32>} : memref<64x64xi32, #tpu.memory_space<vmem>>, vector<16xi32>,
        %parallel_loop3A_1682 = vector.bitcast %parallel_loop3A_1681 : vector<16xi32> to vector<32xbf16>
        %parallel_loop3A_1683 = tpu.unpack_subelements %parallel_loop3A_1682, 0 {pack_format = #tpu.pack_format<interleaved>} : vector<32xbf16> -> vector<16xf32>
        %parallel_loop3A_1684 = tpu.unpack_subelements %parallel_loop3A_1682, 1 {pack_format = #tpu.pack_format<interleaved>} : vector<32xbf16> -> vector<16xf32>
        %parallel_loop3A_1685 = arith.mulf %parallel_loop3A_1683, %parallel_loop3A_1678 : vector<16xf32>
        %parallel_loop3A_1686 = arith.index_cast %parallel_loop3A_1675 : i32 to index
        %parallel_loop3A_1687 = arith.constant 0 : index
        %parallel_loop3A_1688 = tpu.vector_load %arg15[%parallel_loop3A_1686, %parallel_loop3A_1687] {strides = array<i32>} : memref<64x128xf32, #tpu.memory_space<vmem>>, vector<16xf32>,
        tpu.vector_store %arg15[%parallel_loop3A_1686, %parallel_loop3A_1687], %parallel_loop3A_1685 {strides = array<i32>} : memref<64x128xf32, #tpu.memory_space<vmem>>, vector<16xf32>,
        %parallel_loop3A_1689 = arith.mulf %parallel_loop3A_1684, %parallel_loop3A_1678 : vector<16xf32>
        %parallel_loop3A_1690 = arith.index_cast %parallel_loop3A_1675 : i32 to index
        %parallel_loop3A_1691 = arith.constant 16 : index
        %parallel_loop3A_1692 = tpu.vector_load %arg15[%parallel_loop3A_1690, %parallel_loop3A_1691] {strides = array<i32>} : memref<64x128xf32, #tpu.memory_space<vmem>>, vector<16xf32>,
        tpu.vector_store %arg15[%parallel_loop3A_1690, %parallel_loop3A_1691], %parallel_loop3A_1689 {strides = array<i32>} : memref<64x128xf32, #tpu.memory_space<vmem>>, vector<16xf32>,
        %parallel_loop3A_1693 = arith.index_cast %parallel_loop3A_1675 : i32 to index
        %parallel_loop3A_1694 = arith.constant 16 : index
        %parallel_loop3A_1695 = tpu.vector_load %arg13[%parallel_loop3A_1693, %parallel_loop3A_1694] {strides = array<i32>} : memref<64x64xi32, #tpu.memory_space<vmem>>, vector<16xi32>,
        %parallel_loop3A_1696 = vector.bitcast %parallel_loop3A_1695 : vector<16xi32> to vector<32xbf16>
        %parallel_loop3A_1697 = tpu.unpack_subelements %parallel_loop3A_1696, 0 {pack_format = #tpu.pack_format<interleaved>} : vector<32xbf16> -> vector<16xf32>
        %parallel_loop3A_1698 = tpu.unpack_subelements %parallel_loop3A_1696, 1 {pack_format = #tpu.pack_format<interleaved>} : vector<32xbf16> -> vector<16xf32>
        %parallel_loop3A_1699 = arith.mulf %parallel_loop3A_1697, %parallel_loop3A_1678 : vector<16xf32>
        %parallel_loop3A_1700 = arith.index_cast %parallel_loop3A_1675 : i32 to index
        %parallel_loop3A_1701 = arith.constant 32 : index
        %parallel_loop3A_1702 = tpu.vector_load %arg15[%parallel_loop3A_1700, %parallel_loop3A_1701] {strides = array<i32>} : memref<64x128xf32, #tpu.memory_space<vmem>>, vector<16xf32>,
        tpu.vector_store %arg15[%parallel_loop3A_1700, %parallel_loop3A_1701], %parallel_loop3A_1699 {strides = array<i32>} : memref<64x128xf32, #tpu.memory_space<vmem>>, vector<16xf32>,
        %parallel_loop3A_1703 = arith.mulf %parallel_loop3A_1698, %parallel_loop3A_1678 : vector<16xf32>
        %parallel_loop3A_1704 = arith.index_cast %parallel_loop3A_1675 : i32 to index
        %parallel_loop3A_1705 = arith.constant 48 : index
        %parallel_loop3A_1706 = tpu.vector_load %arg15[%parallel_loop3A_1704, %parallel_loop3A_1705] {strides = array<i32>} : memref<64x128xf32, #tpu.memory_space<vmem>>, vector<16xf32>,
        tpu.vector_store %arg15[%parallel_loop3A_1704, %parallel_loop3A_1705], %parallel_loop3A_1703 {strides = array<i32>} : memref<64x128xf32, #tpu.memory_space<vmem>>, vector<16xf32>,
        %parallel_loop3A_1707 = arith.index_cast %parallel_loop3A_1675 : i32 to index
        %parallel_loop3A_1708 = arith.constant 32 : index
        %parallel_loop3A_1709 = tpu.vector_load %arg13[%parallel_loop3A_1707, %parallel_loop3A_1708] {strides = array<i32>} : memref<64x64xi32, #tpu.memory_space<vmem>>, vector<16xi32>,
        %parallel_loop3A_1710 = vector.bitcast %parallel_loop3A_1709 : vector<16xi32> to vector<32xbf16>
        %parallel_loop3A_1711 = tpu.unpack_subelements %parallel_loop3A_1710, 0 {pack_format = #tpu.pack_format<interleaved>} : vector<32xbf16> -> vector<16xf32>
        %parallel_loop3A_1712 = tpu.unpack_subelements %parallel_loop3A_1710, 1 {pack_format = #tpu.pack_format<interleaved>} : vector<32xbf16> -> vector<16xf32>
        %parallel_loop3A_1713 = arith.mulf %parallel_loop3A_1711, %parallel_loop3A_1678 : vector<16xf32>
        %parallel_loop3A_1714 = arith.index_cast %parallel_loop3A_1675 : i32 to index
        %parallel_loop3A_1715 = arith.constant 64 : index
        %parallel_loop3A_1716 = tpu.vector_load %arg15[%parallel_loop3A_1714, %parallel_loop3A_1715] {strides = array<i32>} : memref<64x128xf32, #tpu.memory_space<vmem>>, vector<16xf32>,
        tpu.vector_store %arg15[%parallel_loop3A_1714, %parallel_loop3A_1715], %parallel_loop3A_1713 {strides = array<i32>} : memref<64x128xf32, #tpu.memory_space<vmem>>, vector<16xf32>,
        %parallel_loop3A_1717 = arith.mulf %parallel_loop3A_1712, %parallel_loop3A_1678 : vector<16xf32>
        %parallel_loop3A_1718 = arith.index_cast %parallel_loop3A_1675 : i32 to index
        %parallel_loop3A_1719 = arith.constant 80 : index
        %parallel_loop3A_1720 = tpu.vector_load %arg15[%parallel_loop3A_1718, %parallel_loop3A_1719] {strides = array<i32>} : memref<64x128xf32, #tpu.memory_space<vmem>>, vector<16xf32>,
        tpu.vector_store %arg15[%parallel_loop3A_1718, %parallel_loop3A_1719], %parallel_loop3A_1717 {strides = array<i32>} : memref<64x128xf32, #tpu.memory_space<vmem>>, vector<16xf32>,
        %parallel_loop3A_1721 = arith.index_cast %parallel_loop3A_1675 : i32 to index
        %parallel_loop3A_1722 = arith.constant 48 : index
        %parallel_loop3A_1723 = tpu.vector_load %arg13[%parallel_loop3A_1721, %parallel_loop3A_1722] {strides = array<i32>} : memref<64x64xi32, #tpu.memory_space<vmem>>, vector<16xi32>,
        %parallel_loop3A_1724 = vector.bitcast %parallel_loop3A_1723 : vector<16xi32> to vector<32xbf16>
        %parallel_loop3A_1725 = tpu.unpack_subelements %parallel_loop3A_1724, 0 {pack_format = #tpu.pack_format<interleaved>} : vector<32xbf16> -> vector<16xf32>
        %parallel_loop3A_1726 = tpu.unpack_subelements %parallel_loop3A_1724, 1 {pack_format = #tpu.pack_format<interleaved>} : vector<32xbf16> -> vector<16xf32>
        %parallel_loop3A_1727 = arith.mulf %parallel_loop3A_1725, %parallel_loop3A_1678 : vector<16xf32>
        %parallel_loop3A_1728 = arith.index_cast %parallel_loop3A_1675 : i32 to index
        %parallel_loop3A_1729 = arith.constant 96 : index
        %parallel_loop3A_1730 = tpu.vector_load %arg15[%parallel_loop3A_1728, %parallel_loop3A_1729] {strides = array<i32>} : memref<64x128xf32, #tpu.memory_space<vmem>>, vector<16xf32>,
        tpu.vector_store %arg15[%parallel_loop3A_1728, %parallel_loop3A_1729], %parallel_loop3A_1727 {strides = array<i32>} : memref<64x128xf32, #tpu.memory_space<vmem>>, vector<16xf32>,
        %parallel_loop3A_1731 = arith.mulf %parallel_loop3A_1726, %parallel_loop3A_1678 : vector<16xf32>
        %parallel_loop3A_1732 = arith.index_cast %parallel_loop3A_1675 : i32 to index
        %parallel_loop3A_1733 = arith.constant 112 : index
        %parallel_loop3A_1734 = tpu.vector_load %arg15[%parallel_loop3A_1732, %parallel_loop3A_1733] {strides = array<i32>} : memref<64x128xf32, #tpu.memory_space<vmem>>, vector<16xf32>,
        tpu.vector_store %arg15[%parallel_loop3A_1732, %parallel_loop3A_1733], %parallel_loop3A_1731 {strides = array<i32>} : memref<64x128xf32, #tpu.memory_space<vmem>>, vector<16xf32>,
      } {sc.loop_unroll_factor = 4 : i64, sc.parallel_access}
      %add3A_1605 = arith.constant 6 : i32
      %add3A_1606 = arith.addi %add3A_1413, %add3A_1605 : i32
      %lt3A_1607 = arith.constant 318 : i32
      %lt3A_1608 = arith.cmpi slt, %add3A_1606, %lt3A_1607 : i32
      %convert_element_type3A_1609 = arith.extui %lt3A_1608 : i1 to i32
      %cond3A_1610 = arith.constant 0 : i32
      %cond3A_1611 = arith.cmpi ne, %convert_element_type3A_1609, %cond3A_1610 : i32
      scf.if %cond3A_1611 {
        %add3A_1675 = arith.constant 6 : i32
        %add3A_1676 = arith.addi %add3A_1413, %add3A_1675 : i32
        %jit3A_1677 = arith.constant 6 : i32
        %div3A_1678 = arith.divsi %add3A_1676, %jit3A_1677 : i32
        %sign3A_1679 = arith.constant 0 : i32
        %sign3A_1680 = arith.cmpi sgt, %add3A_1676, %sign3A_1679 : i32
        %sign3A_1681 = arith.extui %sign3A_1680 : i1 to i32
        %sign3A_1682 = arith.constant 0 : i32
        %sign3A_1683 = arith.cmpi slt, %add3A_1676, %sign3A_1682 : i32
        %sign3A_1684 = arith.extui %sign3A_1683 : i1 to i32
        %sign3A_1685 = arith.subi %sign3A_1681, %sign3A_1684 : i32
        %sign3A_1686 = arith.constant 0 : i32
        %sign3A_1687 = arith.cmpi sgt, %jit3A_1677, %sign3A_1686 : i32
        %sign3A_1688 = arith.extui %sign3A_1687 : i1 to i32
        %sign3A_1689 = arith.constant 0 : i32
        %sign3A_1690 = arith.cmpi slt, %jit3A_1677, %sign3A_1689 : i32
        %sign3A_1691 = arith.extui %sign3A_1690 : i1 to i32
        %sign3A_1692 = arith.subi %sign3A_1688, %sign3A_1691 : i32
        %ne3A_1693 = arith.cmpi ne, %sign3A_1685, %sign3A_1692 : i32
        %rem3A_1694 = arith.remsi %add3A_1676, %jit3A_1677 : i32
        %ne3A_1695 = arith.constant 0 : i32
        %ne3A_1696 = arith.cmpi ne, %rem3A_1694, %ne3A_1695 : i32
        %and3A_1697 = arith.andi %ne3A_1693, %ne3A_1696 : i1
        %sub3A_1698 = arith.constant 1 : i32
        %sub3A_1699 = arith.subi %div3A_1678, %sub3A_1698 : i32
        %select_n3A_1700 = arith.select %and3A_1697, %sub3A_1699, %div3A_1678 : i32
        %jit3A_1701 = arith.constant 3 : i32
        %eq3A_1702 = arith.constant 0 : i32
        %eq3A_1703 = arith.cmpi eq, %jit3A_1701, %eq3A_1702 : i32
        %jit3A_1704 = arith.constant 1 : i32
        %select_n3A_1705 = arith.select %eq3A_1703, %jit3A_1704, %jit3A_1701 : i32
        %rem3A_1706 = arith.remsi %select_n3A_1700, %select_n3A_1705 : i32
        %ne3A_1707 = arith.constant 0 : i32
        %ne3A_1708 = arith.cmpi ne, %rem3A_1706, %ne3A_1707 : i32
        %lt3A_1709 = arith.constant 0 : i32
        %lt3A_1710 = arith.cmpi slt, %rem3A_1706, %lt3A_1709 : i32
        %lt3A_1711 = arith.constant 0 : i32
        %lt3A_1712 = arith.cmpi slt, %select_n3A_1705, %lt3A_1711 : i32
        %ne3A_1713 = arith.xori %lt3A_1710, %lt3A_1712 : i1
        %and3A_1714 = arith.andi %ne3A_1713, %ne3A_1708 : i1
        %add3A_1715 = arith.addi %rem3A_1706, %select_n3A_1705 : i32
        %select_n3A_1716 = arith.select %and3A_1714, %add3A_1715, %rem3A_1706 : i32
        %jit3A_1717 = arith.constant 6 : i32
        %eq3A_1718 = arith.constant 0 : i32
        %eq3A_1719 = arith.cmpi eq, %jit3A_1717, %eq3A_1718 : i32
        %jit3A_1720 = arith.constant 1 : i32
        %select_n3A_1721 = arith.select %eq3A_1719, %jit3A_1720, %jit3A_1717 : i32
        %rem3A_1722 = arith.remsi %add3A_1676, %select_n3A_1721 : i32
        %ne3A_1723 = arith.constant 0 : i32
        %ne3A_1724 = arith.cmpi ne, %rem3A_1722, %ne3A_1723 : i32
        %lt3A_1725 = arith.constant 0 : i32
        %lt3A_1726 = arith.cmpi slt, %rem3A_1722, %lt3A_1725 : i32
        %lt3A_1727 = arith.constant 0 : i32
        %lt3A_1728 = arith.cmpi slt, %select_n3A_1721, %lt3A_1727 : i32
        %ne3A_1729 = arith.xori %lt3A_1726, %lt3A_1728 : i1
        %and3A_1730 = arith.andi %ne3A_1729, %ne3A_1724 : i1
        %add3A_1731 = arith.addi %rem3A_1722, %select_n3A_1721 : i32
        %select_n3A_1732 = arith.select %and3A_1730, %add3A_1731, %rem3A_1722 : i32
        %dma_start3A_1733 = arith.constant 0 : i32
        %dma_start3A_1734 = arith.constant 0 : i32
        %dma_start3A_1735 = tpu.memref_slice %arg7[%select_n3A_1716, %dma_start3A_1733, %select_n3A_1732, %dma_start3A_1734] : memref<3x3x6x64xi32, #tpu.memory_space<vmem>> -> memref<1x1x1x64xi32, #tpu.memory_space<vmem>>
        %dma_start3A_1736 = tpu.memref_squeeze %dma_start3A_1735 : memref<1x1x1x64xi32, #tpu.memory_space<vmem>> -> memref<64xi32, #tpu.memory_space<vmem>>
        %dma_start3A_1737 = arith.constant 0 : i32
        %dma_start3A_1738 = arith.constant 0 : i32
        %dma_start3A_1739 = tpu.memref_slice %arg3[%dma_start3A_1737, %dma_start3A_1738] : memref<20000x64xi32, #tpu.memory_space<hbm>> -> memref<20000x64xi32, #tpu.memory_space<hbm>>
        tpu.enqueue_indirect_dma source(%dma_start3A_1739 : memref<20000x64xi32, #tpu.memory_space<hbm>>) target(%arg13 : memref<64x64xi32, #tpu.memory_space<vmem>>) offsets(%dma_start3A_1736 : memref<64xi32, #tpu.memory_space<vmem>>) semaphore(%arg21 : memref<!tpu.dma_semaphore, #tpu.memory_space<semaphore_mem>>)
      } else {
      }
      %jit3A_1612 = arith.constant 6 : i32
      %div3A_1613 = arith.divsi %add3A_1413, %jit3A_1612 : i32
      %sign3A_1614 = arith.constant 0 : i32
      %sign3A_1615 = arith.cmpi sgt, %add3A_1413, %sign3A_1614 : i32
      %sign3A_1616 = arith.extui %sign3A_1615 : i1 to i32
      %sign3A_1617 = arith.constant 0 : i32
      %sign3A_1618 = arith.cmpi slt, %add3A_1413, %sign3A_1617 : i32
      %sign3A_1619 = arith.extui %sign3A_1618 : i1 to i32
      %sign3A_1620 = arith.subi %sign3A_1616, %sign3A_1619 : i32
      %sign3A_1621 = arith.constant 0 : i32
      %sign3A_1622 = arith.cmpi sgt, %jit3A_1612, %sign3A_1621 : i32
      %sign3A_1623 = arith.extui %sign3A_1622 : i1 to i32
      %sign3A_1624 = arith.constant 0 : i32
      %sign3A_1625 = arith.cmpi slt, %jit3A_1612, %sign3A_1624 : i32
      %sign3A_1626 = arith.extui %sign3A_1625 : i1 to i32
      %sign3A_1627 = arith.subi %sign3A_1623, %sign3A_1626 : i32
      %ne3A_1628 = arith.cmpi ne, %sign3A_1620, %sign3A_1627 : i32
      %rem3A_1629 = arith.remsi %add3A_1413, %jit3A_1612 : i32
      %ne3A_1630 = arith.constant 0 : i32
      %ne3A_1631 = arith.cmpi ne, %rem3A_1629, %ne3A_1630 : i32
      %and3A_1632 = arith.andi %ne3A_1628, %ne3A_1631 : i1
      %sub3A_1633 = arith.constant 1 : i32
      %sub3A_1634 = arith.subi %div3A_1613, %sub3A_1633 : i32
      %select_n3A_1635 = arith.select %and3A_1632, %sub3A_1634, %div3A_1613 : i32
      %jit3A_1636 = arith.constant 3 : i32
      %eq3A_1637 = arith.constant 0 : i32
      %eq3A_1638 = arith.cmpi eq, %jit3A_1636, %eq3A_1637 : i32
      %jit3A_1639 = arith.constant 1 : i32
      %select_n3A_1640 = arith.select %eq3A_1638, %jit3A_1639, %jit3A_1636 : i32
      %rem3A_1641 = arith.remsi %select_n3A_1635, %select_n3A_1640 : i32
      %ne3A_1642 = arith.constant 0 : i32
      %ne3A_1643 = arith.cmpi ne, %rem3A_1641, %ne3A_1642 : i32
      %lt3A_1644 = arith.constant 0 : i32
      %lt3A_1645 = arith.cmpi slt, %rem3A_1641, %lt3A_1644 : i32
      %lt3A_1646 = arith.constant 0 : i32
      %lt3A_1647 = arith.cmpi slt, %select_n3A_1640, %lt3A_1646 : i32
      %ne3A_1648 = arith.xori %lt3A_1645, %lt3A_1647 : i1
      %and3A_1649 = arith.andi %ne3A_1648, %ne3A_1643 : i1
      %add3A_1650 = arith.addi %rem3A_1641, %select_n3A_1640 : i32
      %select_n3A_1651 = arith.select %and3A_1649, %add3A_1650, %rem3A_1641 : i32
      %jit3A_1652 = arith.constant 6 : i32
      %eq3A_1653 = arith.constant 0 : i32
      %eq3A_1654 = arith.cmpi eq, %jit3A_1652, %eq3A_1653 : i32
      %jit3A_1655 = arith.constant 1 : i32
      %select_n3A_1656 = arith.select %eq3A_1654, %jit3A_1655, %jit3A_1652 : i32
      %rem3A_1657 = arith.remsi %add3A_1413, %select_n3A_1656 : i32
      %ne3A_1658 = arith.constant 0 : i32
      %ne3A_1659 = arith.cmpi ne, %rem3A_1657, %ne3A_1658 : i32
      %lt3A_1660 = arith.constant 0 : i32
      %lt3A_1661 = arith.cmpi slt, %rem3A_1657, %lt3A_1660 : i32
      %lt3A_1662 = arith.constant 0 : i32
      %lt3A_1663 = arith.cmpi slt, %select_n3A_1656, %lt3A_1662 : i32
      %ne3A_1664 = arith.xori %lt3A_1661, %lt3A_1663 : i1
      %and3A_1665 = arith.andi %ne3A_1664, %ne3A_1659 : i1
      %add3A_1666 = arith.addi %rem3A_1657, %select_n3A_1656 : i32
      %select_n3A_1667 = arith.select %and3A_1665, %add3A_1666, %rem3A_1657 : i32
      %dma_start3A_1668 = arith.constant 1 : i32
      %dma_start3A_1669 = arith.constant 0 : i32
      %dma_start3A_1670 = tpu.memref_slice %arg7[%select_n3A_1651, %dma_start3A_1668, %select_n3A_1667, %dma_start3A_1669] : memref<3x3x6x64xi32, #tpu.memory_space<vmem>> -> memref<1x1x1x64xi32, #tpu.memory_space<vmem>>
      %dma_start3A_1671 = tpu.memref_squeeze %dma_start3A_1670 : memref<1x1x1x64xi32, #tpu.memory_space<vmem>> -> memref<64xi32, #tpu.memory_space<vmem>>
      %dma_start3A_1672 = arith.constant 0 : i32
      %dma_start3A_1673 = arith.constant 0 : i32
      %dma_start3A_1674 = tpu.memref_slice %arg6[%dma_start3A_1672, %dma_start3A_1673] : memref<10000x128xf32, #tpu.memory_space<vmem_shared>> -> memref<10000x128xf32, #tpu.memory_space<vmem_shared>>
      tpu.enqueue_indirect_dma source(%arg15 : memref<64x128xf32, #tpu.memory_space<vmem>>) target(%dma_start3A_1674 : memref<10000x128xf32, #tpu.memory_space<vmem_shared>>) offsets(%dma_start3A_1671 : memref<64xi32, #tpu.memory_space<vmem>>) semaphore(%arg23 : memref<!tpu.dma_semaphore, #tpu.memory_space<semaphore_mem>>) {add = true}
    }
    %scan3A_81 = arith.constant 53 : i32
    %dma_wait3A = arith.constant 1 : i32
    %dma_wait3A_82 = arith.constant 1 : i32
    %dma_wait3A_83 = arith.constant 4 : i32
    %dma_wait3A_84 = arith.constant 0 : i32
    %dma_wait3A_85 = tpu.memref_slice %arg7[%dma_wait3A, %dma_wait3A_82, %dma_wait3A_83, %dma_wait3A_84] : memref<3x3x6x64xi32, #tpu.memory_space<vmem>> -> memref<1x1x1x64xi32, #tpu.memory_space<vmem>>
    %dma_wait3A_86 = tpu.memref_squeeze %dma_wait3A_85 : memref<1x1x1x64xi32, #tpu.memory_space<vmem>> -> memref<64xi32, #tpu.memory_space<vmem>>
    %dma_wait3A_87 = arith.constant 0 : i32
    %dma_wait3A_88 = arith.constant 0 : i32
    %dma_wait3A_89 = tpu.memref_slice %arg6[%dma_wait3A_87, %dma_wait3A_88] : memref<10000x128xf32, #tpu.memory_space<vmem_shared>> -> memref<10000x128xf32, #tpu.memory_space<vmem_shared>>
    tpu.wait_indirect_dma semaphore(%arg22 : memref<!tpu.dma_semaphore, #tpu.memory_space<semaphore_mem>>) src(%arg14 : memref<64x128xf32, #tpu.memory_space<vmem>>) dst(%dma_wait3A_89 : memref<10000x128xf32, #tpu.memory_space<vmem_shared>>)
    %dma_wait3A_90 = arith.constant 1 : i32
    %dma_wait3A_91 = arith.constant 1 : i32
    %dma_wait3A_92 = arith.constant 5 : i32
    %dma_wait3A_93 = arith.constant 0 : i32
    %dma_wait3A_94 = tpu.memref_slice %arg7[%dma_wait3A_90, %dma_wait3A_91, %dma_wait3A_92, %dma_wait3A_93] : memref<3x3x6x64xi32, #tpu.memory_space<vmem>> -> memref<1x1x1x64xi32, #tpu.memory_space<vmem>>
    %dma_wait3A_95 = tpu.memref_squeeze %dma_wait3A_94 : memref<1x1x1x64xi32, #tpu.memory_space<vmem>> -> memref<64xi32, #tpu.memory_space<vmem>>
    %dma_wait3A_96 = arith.constant 0 : i32
    %dma_wait3A_97 = arith.constant 0 : i32
    %dma_wait3A_98 = tpu.memref_slice %arg6[%dma_wait3A_96, %dma_wait3A_97] : memref<10000x128xf32, #tpu.memory_space<vmem_shared>> -> memref<10000x128xf32, #tpu.memory_space<vmem_shared>>
    tpu.wait_indirect_dma semaphore(%arg23 : memref<!tpu.dma_semaphore, #tpu.memory_space<semaphore_mem>>) src(%arg15 : memref<64x128xf32, #tpu.memory_space<vmem>>) dst(%dma_wait3A_98 : memref<10000x128xf32, #tpu.memory_space<vmem_shared>>)
    %barrier3A_99 = arith.constant 0 : index
    tpu.barrier barrier_id(%barrier3A_99)
    "tpu.region"() ({
      %run_scoped3A_100 = tpu.sem_alloc : memref<!tpu.dma_semaphore, #tpu.memory_space<semaphore_mem>>
      %dma_start3A_101 = arith.constant 0 : i32
      %dma_start3A_102 = tpu.memref_slice %arg5[%arg0, %mul3A_0, %dma_start3A_101] : memref<2x10000x128xf32, #tpu.memory_space<hbm>> -> memref<1x625x128xf32, #tpu.memory_space<hbm>>
      %dma_start3A_103 = tpu.memref_squeeze %dma_start3A_102 : memref<1x625x128xf32, #tpu.memory_space<hbm>> -> memref<625x128xf32, #tpu.memory_space<hbm>>
      %dma_start3A_104 = arith.constant 0 : i32
      %dma_start3A_105 = tpu.memref_slice %arg6[%mul3A_0, %dma_start3A_104] : memref<10000x128xf32, #tpu.memory_space<vmem_shared>> -> memref<625x128xf32, #tpu.memory_space<vmem_shared>>
      tpu.enqueue_dma source(%dma_start3A_105 : memref<625x128xf32, #tpu.memory_space<vmem_shared>>) target(%dma_start3A_103 : memref<625x128xf32, #tpu.memory_space<hbm>>) target_semaphore(%run_scoped3A_100 : memref<!tpu.dma_semaphore, #tpu.memory_space<semaphore_mem>>)
      %dma_wait3A_106 = arith.constant 0 : i32
      %dma_wait3A_107 = tpu.memref_slice %arg5[%arg0, %mul3A_0, %dma_wait3A_106] : memref<2x10000x128xf32, #tpu.memory_space<hbm>> -> memref<1x625x128xf32, #tpu.memory_space<hbm>>
      %dma_wait3A_108 = tpu.memref_squeeze %dma_wait3A_107 : memref<1x625x128xf32, #tpu.memory_space<hbm>> -> memref<625x128xf32, #tpu.memory_space<hbm>>
      %dma_wait3A_109 = arith.constant 0 : i32
      %dma_wait3A_110 = tpu.memref_slice %arg6[%mul3A_0, %dma_wait3A_109] : memref<10000x128xf32, #tpu.memory_space<vmem_shared>> -> memref<625x128xf32, #tpu.memory_space<vmem_shared>>
      tpu.wait_dma2 semaphore(%run_scoped3A_100 : memref<!tpu.dma_semaphore, #tpu.memory_space<semaphore_mem>>) src(%dma_wait3A_110 : memref<625x128xf32, #tpu.memory_space<vmem_shared>>) dst(%dma_wait3A_108 : memref<625x128xf32, #tpu.memory_space<hbm>>)
      tpu.yield
    }) : () -> ()
    return
  }
}

module attributes {stable_mosaic.version = 14 : i64} {
  func.func @_linear_body(%arg0: i32, %arg1: memref<2000x128xf32, #tpu.memory_space<vmem>>, %arg2: memref<128x128xf32, #tpu.memory_space<vmem>>, %arg3: memref<1x128xf32, #tpu.memory_space<vmem>>, %arg4: memref<2000x128xf32, #tpu.memory_space<vmem>>) attributes {dimension_semantics = [#tpu.dimension_semantics<arbitrary>], iteration_bounds = array<i64: 10>, scalar_prefetch = 0 : i64, scratch_operands = 0 : i64, tpu.core_type = #tpu.core_type<tc>, window_params = [{transform_indices = @transform_0, window_bounds = array<i64: 2000, 128>}, {pipeline_mode = #tpu.pipeline_mode<synchronous>, transform_indices = @transform_1, window_bounds = array<i64: 128, 128>}, {pipeline_mode = #tpu.pipeline_mode<synchronous>, transform_indices = @transform_2, window_bounds = array<i64: 1, 128>}, {transform_indices = @transform_3, window_bounds = array<i64: 2000, 128>}]} {
    %get3A = arith.constant 0 : index
    %get3A_0 = arith.constant 0 : index
    %get3A_1 = vector.load %arg1[%get3A, %get3A_0] : memref<2000x128xf32, #tpu.memory_space<vmem>>, vector<2000x128xf32>
    %get3A_2 = arith.constant 0 : index
    %get3A_3 = arith.constant 0 : index
    %get3A_4 = vector.load %arg2[%get3A_2, %get3A_3] : memref<128x128xf32, #tpu.memory_space<vmem>>, vector<128x128xf32>
    %dot_general3A = arith.constant dense<0.000000e+00> : vector<2000x128xf32>
    %dot_general3A_5 = tpu.matmul %get3A_1, %get3A_4, %dot_general3A {dimension_numbers = #tpu.dot_dimension_numbers<[1], [0], [0], [1], [0, 0, 1, 1], [], []>, transpose_lhs_hint = false} : vector<2000x128xf32>, vector<128x128xf32>, vector<2000x128xf32> -> vector<2000x128xf32>
    %get3A_6 = arith.constant 0 : index
    %get3A_7 = arith.constant 0 : index
    %get3A_8 = vector.load %arg3[%get3A_6, %get3A_7] : memref<1x128xf32, #tpu.memory_space<vmem>>, vector<1x128xf32>
    %add3A = vector.broadcast %get3A_8 : vector<1x128xf32> to vector<2000x128xf32>
    %add3A_9 = arith.addf %dot_general3A_5, %add3A : vector<2000x128xf32>
    %swap3A = arith.constant 0 : index
    %swap3A_10 = arith.constant 0 : index
    %swap3A_11 = vector.load %arg4[%swap3A, %swap3A_10] : memref<2000x128xf32, #tpu.memory_space<vmem>>, vector<2000x128xf32>
    tpu.vector_store %arg4[%swap3A, %swap3A_10], %add3A_9 {strides = array<i32>} : memref<2000x128xf32, #tpu.memory_space<vmem>>, vector<2000x128xf32>,
    return
  }
  func.func @transform_0(%arg0: i32) -> (i32, i32) {
    %c0_i32 = arith.constant 0 : i32
    %c0_i32_0 = arith.constant 0 : i32
    return %arg0, %c0_i32 : i32, i32
  }
  func.func @transform_1(%arg0: i32) -> (i32, i32) {
    %c0_i32 = arith.constant 0 : i32
    %c0_i32_0 = arith.constant 0 : i32
    %c0_i32_1 = arith.constant 0 : i32
    return %c0_i32, %c0_i32_0 : i32, i32
  }
  func.func @transform_2(%arg0: i32) -> (i32, i32) {
    %c0_i32 = arith.constant 0 : i32
    %c0_i32_0 = arith.constant 0 : i32
    %c0_i32_1 = arith.constant 0 : i32
    return %c0_i32, %c0_i32_0 : i32, i32
  }
  func.func @transform_3(%arg0: i32) -> (i32, i32) {
    %c0_i32 = arith.constant 0 : i32
    %c0_i32_0 = arith.constant 0 : i32
    return %arg0, %c0_i32 : i32, i32
  }
}

module attributes {stable_mosaic.version = 14 : i64} {
  func.func @_ln_relu_body(%arg0: i32, %arg1: memref<2000x128xf32, #tpu.memory_space<vmem>>, %arg2: memref<1x128xf32, #tpu.memory_space<vmem>>, %arg3: memref<1x128xf32, #tpu.memory_space<vmem>>, %arg4: memref<2000x128xf32, #tpu.memory_space<vmem>>) attributes {dimension_semantics = [#tpu.dimension_semantics<arbitrary>], iteration_bounds = array<i64: 10>, scalar_prefetch = 0 : i64, scratch_operands = 0 : i64, tpu.core_type = #tpu.core_type<tc>, window_params = [{transform_indices = @transform_0, window_bounds = array<i64: 2000, 128>}, {pipeline_mode = #tpu.pipeline_mode<synchronous>, transform_indices = @transform_1, window_bounds = array<i64: 1, 128>}, {pipeline_mode = #tpu.pipeline_mode<synchronous>, transform_indices = @transform_2, window_bounds = array<i64: 1, 128>}, {transform_indices = @transform_3, window_bounds = array<i64: 2000, 128>}]} {
    %get3A = arith.constant 0 : index
    %get3A_0 = arith.constant 0 : index
    %get3A_1 = vector.load %arg1[%get3A, %get3A_0] : memref<2000x128xf32, #tpu.memory_space<vmem>>, vector<2000x128xf32>
    %reduce_sum3A = arith.constant dense<0.000000e+00> : vector<2000xf32>
    %reduce_sum3A_2 = vector.multi_reduction <add>, %get3A_1, %reduce_sum3A [1] : vector<2000x128xf32> to vector<2000xf32>
    %broadcast_in_dim3A = vector.shape_cast %reduce_sum3A_2 : vector<2000xf32> to vector<2000x1xf32>
    %div3A = arith.constant 1.280000e+02 : f32
    %div3A_3 = vector.broadcast %div3A : f32 to vector<2000x1xf32>
    %div3A_4 = arith.divf %broadcast_in_dim3A, %div3A_3 : vector<2000x1xf32>
    %sub3A = vector.broadcast %div3A_4 : vector<2000x1xf32> to vector<2000x128xf32>
    %sub3A_5 = arith.subf %get3A_1, %sub3A : vector<2000x128xf32>
    %mul3A = arith.mulf %sub3A_5, %sub3A_5 : vector<2000x128xf32>
    %reduce_sum3A_6 = arith.constant dense<0.000000e+00> : vector<2000xf32>
    %reduce_sum3A_7 = vector.multi_reduction <add>, %mul3A, %reduce_sum3A_6 [1] : vector<2000x128xf32> to vector<2000xf32>
    %broadcast_in_dim3A_8 = vector.shape_cast %reduce_sum3A_7 : vector<2000xf32> to vector<2000x1xf32>
    %div3A_9 = arith.constant 1.280000e+02 : f32
    %div3A_10 = vector.broadcast %div3A_9 : f32 to vector<2000x1xf32>
    %div3A_11 = arith.divf %broadcast_in_dim3A_8, %div3A_10 : vector<2000x1xf32>
    %add3A = arith.constant 9.99999974E-6 : f32
    %add3A_12 = vector.broadcast %add3A : f32 to vector<2000x1xf32>
    %add3A_13 = arith.addf %div3A_11, %add3A_12 : vector<2000x1xf32>
    %rsqrt3A = math.rsqrt %add3A_13 : vector<2000x1xf32>
    %mul3A_14 = vector.broadcast %rsqrt3A : vector<2000x1xf32> to vector<2000x128xf32>
    %mul3A_15 = arith.mulf %sub3A_5, %mul3A_14 : vector<2000x128xf32>
    %get3A_16 = arith.constant 0 : index
    %get3A_17 = arith.constant 0 : index
    %get3A_18 = vector.load %arg2[%get3A_16, %get3A_17] : memref<1x128xf32, #tpu.memory_space<vmem>>, vector<1x128xf32>
    %mul3A_19 = vector.broadcast %get3A_18 : vector<1x128xf32> to vector<2000x128xf32>
    %mul3A_20 = arith.mulf %mul3A_15, %mul3A_19 : vector<2000x128xf32>
    %get3A_21 = arith.constant 0 : index
    %get3A_22 = arith.constant 0 : index
    %get3A_23 = vector.load %arg3[%get3A_21, %get3A_22] : memref<1x128xf32, #tpu.memory_space<vmem>>, vector<1x128xf32>
    %add3A_24 = vector.broadcast %get3A_23 : vector<1x128xf32> to vector<2000x128xf32>
    %add3A_25 = arith.addf %mul3A_20, %add3A_24 : vector<2000x128xf32>
    %max3A = arith.constant 0.000000e+00 : f32
    %max3A_26 = vector.broadcast %max3A : f32 to vector<2000x128xf32>
    %max3A_27 = arith.maximumf %add3A_25, %max3A_26 : vector<2000x128xf32>
    %swap3A = arith.constant 0 : index
    %swap3A_28 = arith.constant 0 : index
    %swap3A_29 = vector.load %arg4[%swap3A, %swap3A_28] : memref<2000x128xf32, #tpu.memory_space<vmem>>, vector<2000x128xf32>
    tpu.vector_store %arg4[%swap3A, %swap3A_28], %max3A_27 {strides = array<i32>} : memref<2000x128xf32, #tpu.memory_space<vmem>>, vector<2000x128xf32>,
    return
  }
  func.func @transform_0(%arg0: i32) -> (i32, i32) {
    %c0_i32 = arith.constant 0 : i32
    %c0_i32_0 = arith.constant 0 : i32
    return %arg0, %c0_i32 : i32, i32
  }
  func.func @transform_1(%arg0: i32) -> (i32, i32) {
    %c0_i32 = arith.constant 0 : i32
    %c0_i32_0 = arith.constant 0 : i32
    %c0_i32_1 = arith.constant 0 : i32
    return %c0_i32, %c0_i32_0 : i32, i32
  }
  func.func @transform_2(%arg0: i32) -> (i32, i32) {
    %c0_i32 = arith.constant 0 : i32
    %c0_i32_0 = arith.constant 0 : i32
    %c0_i32_1 = arith.constant 0 : i32
    return %c0_i32, %c0_i32_0 : i32, i32
  }
  func.func @transform_3(%arg0: i32) -> (i32, i32) {
    %c0_i32 = arith.constant 0 : i32
    %c0_i32_0 = arith.constant 0 : i32
    return %arg0, %c0_i32 : i32, i32
  }
}

</mosaic_0001>

<sc_bundles>
// kernel: kernel.5.cloned.1.call-start
scs
__scs_entry_jumppad:
0x0: {  	(pc) =	sbr.rel $0x88, $3  }
0x1: {  	(tag) =	ssettag $0x0;
	lr =	simm.s32 $0x1  }
0x2: {  	[smem:$0x3F9A] =	sst lr;
	_ =	strace $0xD0000000  }
0x3: {  	_ = 	snop  }
0x4: {  	_ = 	snop  }
0x5: {  	_ = 	snop  }
0x6: {  	_ = 	snop  }
0x7: {  	_ = 	snop  }
__scs_overlays_trampoline_lowered:
0x8: {  	[smem:$0x3FA9] =	sst s0  }
0x9: {  	[smem:$0x3FAA] =	sst s1  }
0xa: {  	[smem:$0x3FAB] =	sst s2  }
0xb: {  	[smem:$0x3FAC] =	sst s3  }
0xc: {  	[smem:$0x3FAD] =	sst s4  }
0xd: {  	[smem:$0x3FAE] =	sst s5  }
0xe: {  	[smem:$0x3FAF] =	sst s6  }
0xf: {  	[smem:$0x3FB0] =	sst s7  }
0x10: {  	[smem:$0x3FB1] =	sst s8  }
0x11: {  	[smem:$0x3FB2] =	sst s9;
	s0 =	simm.s32 @!p0 $0x0  }
0x12: {  	s1 =	sld [smem:$0x3F98];
	s0 =	simm.s32 @p0 $0x1  }
0x13: {  	[smem:$0x3FB3] =	sst s0;
	s0 =	simm.s32 @!p1 $0x0  }
0x14: {  	s2 =	sld [smem:$0x3F97];
	s0 =	simm.s32 @p1 $0x1  }
0x15: {  	[smem:$0x3FB4] =	sst s0;
	s0 =	simm.s32 @!p2 $0x0  }
0x16: {  	s3 =	sld [smem:$0x3FDB];
	s0 =	simm.s32 @p2 $0x1  }
0x17: {  	s4 =	simm.s32 $0x1BF5;
	[smem:$0x3FB6] =	sst s0  }
0x18: {  	s0 =	sld [smem:$0x3F99];
	_ =	swait.ge [sflag:s4], $0x0  }
0x19: {  	s7 =	sld [smem:$0x3F9A]  }
0x1a: {  	s8 =	sadd.s32 $0xFFFFE003, lr  }
0x1b: {  	s9 =	sadd.s32 $0xFFFFFEF7, lr;
	s5 =	simm.s32 $0xFFFFFFFF;
	p2 =	slt.u32 s8, $0xFFFFF086  }
0x1c: {  	p1 =	slt.u32 s9, $0xF7A;
	s5 =	simm.s32 @!p2 $0x0  }
0x1d: {  	s5 =	simm.s32 @p1 $0x1;
	p0 =	seq.s32 s7, s2  }
0x1e: {  	s7 =	smul.u32 @!p0 $0xF7A, s2;
	p2 =	seq.s32 @!p0 s5, $0x0  }
0x1f: {  	s9 =	smul.u32 $0xF7A, s1;
	s8 =	simm.s32 @!p0 $0x1BF5;
	p2 =	por !p2, p0  }
0x20: {  	[sflag:s8] =	ssyncset.s32 @!p0 $0xFFFFF086;
	s6 =	sadd.s32 @!p0 s3, s7;
	s7 =	simm.s32 @!p0 $0x108  }
0x21: {  	s3 =	sadd.s32 s3, s9;
	s6 =	sadd.s32 @!p0 $0x88, s6;
	s7 =	simm.s32 @p2 $0x1082  }
0x22: {  	[simem:s7], [sflag:s8] =	dma.local @!p0 [hbm:s6], $0xF7A  }
0x23: {  	s9 =	sor.u32 $0xD0000000, s2;
	s6 =	simm.s32 $0x108;
	_ =	swait.ge @!p0 [sflag:s8], $0x0  }
0x24: {  	s3 =	sadd.s32 $0x88, s3;
	s6 =	simm.s32 @!p1 $0x1082;
	[sflag:s4] =	ssyncset.s32 $0xFFFFF086  }
0x25: {  	[simem:s6], [sflag:s4] =	dma.local [hbm:s3], $0xF7A  }
0x26: {  	[smem:$0x3F9A] =	sst s1;
	(tag) =	ssettag s2;
	_ =	strace s9  }
0x27: {  	s1 =	sld [smem:$0x3FAA]  }
0x28: {  	s2 =	sld [smem:$0x3FAB]  }
0x29: {  	s4 =	sld [smem:$0x3FAD]  }
0x2a: {  	p0 =	seq.s32 s5, $0x0;
	s5 =	sld [smem:$0x3FAE]  }
0x2b: {  	s6 =	sld [smem:$0x3FAF]  }
0x2c: {  	s7 =	sld [smem:$0x3FB0]  }
0x2d: {  	s3 =	simm.s32 $0x108;
	s8 =	sld [smem:$0x3FB1]  }
0x2e: {  	s3 =	simm.s32 @!p0 $0x1082;
	s9 =	sld [smem:$0x3FB2]  }
0x2f: {  	lr =	sadd.s32 s0, s3;
	s0 =	sld [smem:$0x3FA9]  }
0x30: {  	s3 =	sld [smem:$0x3FAC]  }
0x31: {  	[smem:$0x3FB5] =	sst s10  }
0x32: {  	s10 =	sld [smem:$0x3FB3];
	_ =	sdelay $0x3  }
0x33: {  	p0 =	seq.s32 s10, $0x1;
	s10 =	sld [smem:$0x3FB5];
	_ =	sdelay $0x3  }
0x34: {  	[smem:$0x3FB5] =	sst s10  }
0x35: {  	s10 =	sld [smem:$0x3FB4];
	_ =	sdelay $0x3  }
0x36: {  	p1 =	seq.s32 s10, $0x1;
	s10 =	sld [smem:$0x3FB5];
	_ =	sdelay $0x3  }
0x37: {  	[smem:$0x3FB5] =	sst s10  }
0x38: {  	s10 =	sld [smem:$0x3FB6]  }
0x39: {  	_ = 	snop;
	(pc) =	sbr.ind lr, $3  }
0x3a: {  	_ = 	snop  }
0x3b: {  	_ = 	snop  }
0x3c: {  	p2 =	seq.s32 s10, $0x1;
	s10 =	sld [smem:$0x3FB5]  }
0x3d: {  	_ =	shalt  }
0x3e: {  	_ =	shalt  }
0x3f: {  	_ =	shalt  }
0x40: {  	_ =	shalt  }
0x41: {  	_ =	shalt  }
0x42: {  	_ =	shalt  }
0x43: {  	_ =	shalt  }
0x44: {  	_ =	shalt  }
0x45: {  	_ =	shalt  }
0x46: {  	_ =	shalt  }
0x47: {  	_ =	shalt  }
0x48: {  	_ =	shalt  }
0x49: {  	_ =	shalt  }
0x4a: {  	_ =	shalt  }
0x4b: {  	_ =	shalt  }
0x4c: {  	_ =	shalt  }
0x4d: {  	_ =	shalt  }
0x4e: {  	_ =	shalt  }
0x4f: {  	_ =	shalt  }
0x50: {  	_ =	shalt  }
0x51: {  	_ =	shalt  }
0x52: {  	_ =	shalt  }
0x53: {  	_ =	shalt  }
0x54: {  	_ =	shalt  }
0x55: {  	_ =	shalt  }
0x56: {  	_ =	shalt  }
0x57: {  	_ =	shalt  }
0x58: {  	_ =	shalt  }
0x59: {  	_ =	shalt  }
0x5a: {  	_ =	shalt  }
0x5b: {  	_ =	shalt  }
0x5c: {  	_ =	shalt  }
0x5d: {  	_ =	shalt  }
0x5e: {  	_ =	shalt  }
0x5f: {  	_ =	shalt  }
0x60: {  	_ =	shalt  }
0x61: {  	_ =	shalt  }
0x62: {  	_ =	shalt  }
0x63: {  	_ =	shalt  }
0x64: {  	_ =	shalt  }
0x65: {  	_ =	shalt  }
0x66: {  	_ =	shalt  }
0x67: {  	_ =	shalt  }
0x68: {  	_ =	shalt  }
0x69: {  	_ =	shalt  }
0x6a: {  	_ =	shalt  }
0x6b: {  	_ =	shalt  }
0x6c: {  	_ =	shalt  }
0x6d: {  	_ =	shalt  }
0x6e: {  	_ =	shalt  }
0x6f: {  	_ =	shalt  }
0x70: {  	_ =	shalt  }
0x71: {  	_ =	shalt  }
0x72: {  	_ =	shalt  }
0x73: {  	_ =	shalt  }
0x74: {  	_ =	shalt  }
0x75: {  	_ =	shalt  }
0x76: {  	_ =	shalt  }
0x77: {  	_ =	shalt  }
0x78: {  	_ =	shalt  }
0x79: {  	_ =	shalt  }
0x7a: {  	_ =	shalt  }
0x7b: {  	_ =	shalt  }
0x7c: {  	_ =	shalt  }
0x7d: {  	_ =	shalt  }
0x7e: {  	_ =	shalt  }
0x7f: {  	_ =	shalt  }
0x80: {  	_ =	shalt  }
0x81: {  	_ =	shalt  }
0x82: {  	_ =	shalt  }
0x83: {  	_ =	shalt  }
0x84: {  	_ =	shalt  }
0x85: {  	_ =	shalt  }
0x86: {  	_ =	shalt  }
0x87: {  	_ =	shalt  }
.Lfunc_end0:
.L_simem_size_0:
called_computation_lowered:
.L_overlay_start_0:
0x88: {  	s2 =	sld [smem:$0x3FD9]  }
0x89: {  	s3 =	sld [smem:$0x3FFE];
	_ =	sdelay $0x1  }
0x8a: {  	s1 =	srdreg.scid  }
0x8b: {  	s0 =	sand.u32 $0x1, s1  }
0x8c: {  	s17 =	sshll.u32 s0, $0xA;
	s2 =	sadd.s32 s3, s2  }
0x8d: {  	s2 =	sadd.s32 s2, s17  }
0x8e: {  	[smem:$0x3FC1] =	sst s2  }
0x8f: {  	_ = 	snop  }
0x90: {  	s2 =	sld [smem:$0x3FC9]  }
0x91: {  	s18 =	sld [smem:$0x3FD0];
	(tm) =	ssettm $0x1  }
0x92: {  	s4 =	sld [smem:$0x3FFB];
	_ =	sdelay $0x3  }
0x93: {  	_ =	strace s4  }
0x94: {  	s4 =	sld [smem:$0x3FFC];
	_ =	sdelay $0x3  }
0x95: {  	_ =	strace s4  }
0x96: {  	s4 =	sld [smem:$0x3FFD];
	_ =	sdelay $0x3  }
0x97: {  	_ =	strace s4  }
0x98: {  	_ =	strace $0x8FFFFFFF  }
0x99: {  	s19 =	sld [smem:$0x3FDB];
	_ =	sdelay $0x1  }
0x9a: {  	s5 =	simm.s32 $_scs_section_size  }
0x9b: {  	s6 =	simm.s32 $_size__tile_overlayer_lowered;
	s7 =	simm.s32 $_tile_overlayer_lowered  }
0x9c: {  	s22 =	simm.s32 $0x1BFF;
	s21 =	sshll.u32 s7, $0x1;
	s4 =	sadd.s32 s5, s19  }
0x9d: {  	s8 =	simm.s32 $0x0;
	s20 =	sshll.u32 s6, $0x1;
	s6 =	sadd.s32 s21, s4  }
0x9e: {  	[timem:s8], [sflag:s22] =	dma.local [hbm:s6], s20  }
0x9f: {  	_ =	swait.ge [sflag:s22], s20  }
0xa0: {  	s5 =	ssub.s32 $0x0, s20;
	[sflag:s22] =	ssyncset.done $0x0  }
0xa1: {  	[sflag:s22] =	ssyncadd.s32 s5;
	_ =	sdelay $0x1  }
0xa2: {  	s23 =	simm.s32 $0x1B8B  }
0xa3: {  	_ =	swait.ge [sflag:s23], $0x1  }
0xa4: {  	[sflag:s23] =	ssyncset.done $0x0  }
0xa5: {  	s25 =	simm.s32 $0x1B8E;
	s24 =	sld [smem:$0x3FFE];
	[sflag:s23] =	ssyncadd.s32 $0xFFFFFFFF  }
0xa6: {  	s26 =	simm.s32 $execute0_lowered;
	[smem:$0x3FD2] =	sst s25  }
0xa7: {  	s6 =	sshll.u32 s26, $0x1;
	_ =	strace $0x80000046;
	[dreg:$0x1] =	wrdreg $0xFFFFFFFF  }
0xa8: {  	s28 =	simm.s32 $_size_execute0_lowered;
	s4 =	sadd.s32 s4, s6;
	[dreg:$0x0] =	wrdreg $0x0  }
0xa9: {  	s6 =	sshll.u32 s28, $0x1;
	[dreg:$0x2] =	wrdreg s4  }
0xaa: {  	[dreg:$0x3] =	wrdreg s6  }
0xab: {  	[dreg:$0x4] =	wrdreg $0xC0  }
0xac: {  	_ =	task [dreg:s8], $0x5FFFF  }
0xad: {  	[dreg:$0x1] =	wrdreg $0xFFFFFFFF  }
0xae: {  	[dreg:$0x0] =	wrdreg $0x60  }
0xaf: {  	[dreg:$0x2] =	wrdreg s2  }
0xb0: {  	[dreg:$0x3] =	wrdreg s24  }
0xb1: {  	[dreg:$0x4] =	wrdreg s18  }
0xb2: {  	[dreg:$0x5] =	wrdreg $0x0  }
0xb3: {  	[dreg:$0x6] =	wrdreg $0x9  }
0xb4: {  	_ =	task.clear_ibuf [dreg:s8], $0x7FFFF;
	_ =	strace $0x90000046  }
0xb5: {  	s29 =	simm.s32 $0x9;
	_ =	strace $0x80000048  }
0xb6: {  	_ =	swait.ge [sflag:s29], $0x1  }
0xb7: {  	[sflag:s29] =	ssyncadd.s32 $0xFFFFFFFF  }
0xb8: {  	_ =	strace $0x90000048  }
0xb9: {  	_ =	sfence  }
0xba: {  	s30 =	sld [smem:$0x0];
	_ =	sdelay $0x2  }
0xbb: {  	s31 =	sshll.u32 s1, $0xD;
	s1 =	sshrl.u32 s1, $0x2  }
0xbc: {  	s3 =	sand.u32 $0x4000, s31;
	s1 =	sadd.s32 s1, s30  }
0xbd: {  	s0 =	sor.u32 s3, s0;
	s1 =	sshll.u32 s1, $0x11  }
0xbe: {  	s0 =	sor.u32 s1, s0  }
0xbf: {  	s0 =	sadd.s32 $0x8F2B, s0  }
0xc0: {  	[sflag:s0] =	ssyncadd.remote.s32 $0x1  }
0xc1: {  	_ =	sfence.sel $0xFFFF  }
0xc2: {  	[dreg:$0x0] =	wrdreg $0xFFFFFFFF;
	(pc) =	sbr.abs _section_cstart, $3  }
0xc3: {  	[dreg:$0x1] =	wrdreg $0xFFFFFFFF  }
0xc4: {  	_ =	task.clear_ibuf [dreg:s8], $0x2FFFF;
	_ =	strace $0x9FFFFFFF  }
0xc5: {  	(tm) =	ssettm $0x7FFFFFFF  }
tec
execute0_lowered:
.L_overlay_start_1:
0x0: {  	(tag) =	ssettag $0x1  }
0x1: {  	s0 =	rddreg [dreg:$0x0]  }
0x2: {  	s2 =	rddreg [dreg:$0x1]  }
0x3: {  	s3 =	rddreg [dreg:$0x2]  }
0x4: {  	s1 =	rddreg [dreg:$0x3];
	s4 =	srdreg.scid;
	s6 =	simm.s32 $0x0  }
0x5: {  	s20 =	stileid.u32;
	s13 =	simm.s32 $0x13880;
	s14 =	simm.s32 $0xA  }
0x6: {  	s16 =	simm.s32 $0x40;
	s28 =	simm.s32 $0x19600;
	s29 =	simm.s32 $0x1  }
0x7: {  	s30 =	simm.s32 $0x1A600;
	s31 =	simm.s32 $0x2;
	s15 =	simm.s32 $0x7  }
0x8: {  	s17 =	simm.s32 $0x4;
	s18 =	simm.s32 $0x8;
	s21 =	smul.u32 $0xEE80, s20  }
0x9: {  	s7 =	sand.u32 $0x1, s4;
	[smem:$0x7FF] =	sst s6;
	s8 =	smul.u32 $0x13880, s20  }
0xa: {  	s4 =	sadd.s32 $0x3C800, s2;
	s6 =	sadd.s32 $0xE00, s2;
	s5 =	smul.u32 $0xEE800, s7  }
0xb: {  	_ =	strace $0x80000047;
	s9 =	smul.u32 $0x138800, s7;
	s22 =	ssub.s32 $0x2, s7  }
0xc: {  	s10 =	sshrl.u32 s22, $0x1;
	s24 =	sadd.s32 s8, s1;
	s5 =	sadd.s32 s21, s5  }
0xd: {  	s9 =	sadd.s32 s8, s9;
	s2 =	ssub.s32 s22, s10;
	[dreg:$0x7] =	wrdreg s24  }
0xe: {  	s23 =	sshrl.u32 s5, $0x3;
	s9 =	sshrl.u32 s9, $0x3;
	s26 =	smax.u32 s2, $0x1  }
.Ltmp0:
0xf: {  	s7 =	sadd.s32 s6, s23;
	[dreg:$0xa] =	wrdreg s26;
	(pc) =	sbr.rel .LBB2_1-.Ltmp0, $4  }
0x10: {  	s19 =	simm.s32 $0x1C600;
	s0 =	sadd.s32 s0, s9;
	[dreg:$0x5] =	wrdreg s7  }
0x11: {  	s20 =	simm.s32 $0x5;
	s25 =	sadd.s32 s3, s9;
	[dreg:$0x8] =	wrdreg s0  }
0x12: {  	s21 =	simm.s32 $0x6;
	s7 =	sadd.s32 $0x90, s7;
	[dreg:$0x9] =	wrdreg s25  }
0x13: {  	s22 =	simm.s32 $0x0;
	s0 =	simm.s32 $0x3;
	[dreg:$0x6] =	wrdreg s7  }
.LBB2_16:
0x14: {  	[spmem:s1] =	stream.indirect.scatter.add.f32 [tilespmem:s19], [sflag:$0x8], $0x80, s2, s16, $0xb8;
	[tilespmem:$0x1E600] =	vst v63  }
0x15: {  	_ =	swait.ge [sflag:s15], $0x2000  }
0x16: {  	[sflag:s15] =	ssyncset.done $0x0  }
0x17: {  	[sflag:s15] =	ssyncadd.s32 $0xFFFFE000  }
0x18: {  	_ =	swait.ge [sflag:s18], $0x2000  }
0x19: {  	[sflag:s18] =	ssyncset.done $0x0  }
0x1a: {  	[sflag:s18] =	ssyncadd.s32 $0xFFFFE000  }
0x1b: {  	[bflag:$0x0] =	sbarrier.arrive $0xFFFF  }
0x1c: {  	s25 =	rddreg [dreg:$0x9]  }
0x1d: {  	[hbm:s25], [sflag:s23] =	dma.local [spmem:s24], $0x2710  }
0x1e: {  	_ =	swait.ge [sflag:s14], $0x2710  }
0x1f: {  	s22 =	sadd.s32 $0x1, s22;
	s26 =	rddreg [dreg:$0xa]  }
0x20: {  	p0 =	sne.s32 s22, s26  }
.Ltmp1:
0x21: {  	_ = 	snop;
	(pc) =	sbr.rel @!p0 .LBB2_17-.Ltmp1, $3  }
0x22: {  	_ =	sdelay $0x1  }
0x23: {  	[sflag:s14] =	ssyncset.done $0x0  }
0x24: {  	[sflag:s14] =	ssyncadd.s32 $0xFFFFD8F0  }
.LBB2_1:
0x25: {  	s2 =	simm.s32 $0x0;
	s3 =	rddreg [dreg:$0x5]  }
0x26: {  	[tilespmem:s13], [sflag:$0xA] =	stream.linear.gather [hbm4b:s3+s2], $0x480, $0x38;
	[tilespmem:$0x1E600] =	vst v63  }
0x27: {  	_ =	swait.ge [sflag:s14], $0x480  }
0x28: {  	[sflag:s14] =	ssyncset.done $0x0  }
0x29: {  	s7 =	simm.s32 $0x13D00;
	s23 =	rddreg [dreg:$0x6];
	[sflag:s14] =	ssyncadd.s32 $0xFFFFFB80  }
0x2a: {  	[tilespmem:s7], [sflag:$0x9] =	stream.linear.gather [hbm4b:s23+s2], $0x480, $0x38;
	[tilespmem:$0x1E600] =	vst v63  }
0x2b: {  	s24 =	simm.s32 $0x14600  }
0x2c: {  	[tilespmem:s24], [sflag:$0x1] =	stream.indirect.gather [hbm4b:s4+s16], $0x40, s13, s16, $0xb8;
	[tilespmem:$0x1E600] =	vst v63  }
0x2d: {  	s25 =	simm.s32 $0x138C0;
	s26 =	simm.s32 $0x15600  }
0x2e: {  	[tilespmem:s26], [sflag:$0x2] =	stream.indirect.gather [hbm4b:s4+s16], $0x40, s25, s16, $0xb8;
	[tilespmem:$0x1E600] =	vst v63  }
0x2f: {  	s8 =	simm.s32 $0x16600;
	s7 =	simm.s32 $0x13900  }
0x30: {  	[tilespmem:s8], [sflag:$0x3] =	stream.indirect.gather [hbm4b:s4+s16], $0x40, s7, s16, $0xb8;
	[tilespmem:$0x1E600] =	vst v63  }
0x31: {  	s9 =	simm.s32 $0x13940;
	s10 =	simm.s32 $0x17600  }
0x32: {  	[tilespmem:s10], [sflag:$0x4] =	stream.indirect.gather [hbm4b:s4+s16], $0x40, s9, s16, $0xb8;
	[tilespmem:$0x1E600] =	vst v63  }
0x33: {  	s11 =	simm.s32 $0x13980;
	s12 =	simm.s32 $0x18600;
	s24 =	stileid.u32  }
0x34: {  	[tilespmem:s12], [sflag:$0x5] =	stream.indirect.gather [hbm4b:s4+s16], $0x40, s11, s16, $0xb8;
	[tilespmem:$0x1E600] =	vst v63  }
0x35: {  	s23 =	simm.s32 $0x139C0;
	s2 =	sshll.u32 s24, $0x6;
	s25 =	rddreg [dreg:$0x7]  }
0x36: {  	[tilespmem:s28], [sflag:$0x6] =	stream.indirect.gather [hbm4b:s4+s16], $0x40, s23, s16, $0xb8;
	[tilespmem:$0x1E600] =	vst v63  }
0x37: {  	s26 =	rddreg [dreg:$0x8];
	s24 =	sshrl.u32 s25, $0x3;
	s23 =	sor.u32 $0x1C0A, s2  }
0x38: {  	[spmem:s24], [sflag:s23] =	dma.local [hbm:s26], $0x2710  }
0x39: {  	_ =	swait.ge [sflag:s14], $0x2710  }
0x3a: {  	[sflag:s14] =	ssyncset.done $0x0  }
0x3b: {  	[sflag:s14] =	ssyncadd.s32 $0xFFFFD8F0  }
0x3c: {  	s25 =	simm.s32 $0x0;
	[bflag:$0x0] =	sbarrier.arrive $0xFFFF  }
.LBB2_2:
0x3d: {  	s2 =	smul.u32 $0xAB, s25;
	_ =	sdelay $0x1  }
0x3e: {  	s2 =	sshrl.u32 s2, $0x9  }
0x3f: {  	s2 =	sand.u32 $0x7F, s2  }
0x40: {  	s2 =	smul.u32 $0x3, s2;
	_ =	sdelay $0x1  }
0x41: {  	s2 =	ssub.s32 s25, s2  }
0x42: {  	p0 =	seq.s32 s25, $0x34;
	s26 =	sand.u32 $0xFF, s2  }
0x43: {  	s2 =	simm.s32 @!p0 $0x9;
	v0 =	vmov s26  }
0x44: {  	s3 =	simm.s32 $0x3;
	_ =	swait.ge @!p0 [sflag:s2], $0x480;
	v0 =	vmul.u32 $0x480, v0  }
0x45: {  	v1 =	vmov s3;
	[sflag:s2] =	ssyncset.done @!p0 $0x0  }
0x46: {  	v1 =	vand.u32 $0x3F, v1;
	[sflag:s2] =	ssyncadd.s32 @!p0 $0xFFFFFB80;
	v2 =	vadd.s32 $0x300, v0  }
0x47: {  	_ =	swait.ge [sflag:s29], $0x1000;
	v1 =	vor.u32 v2, v1  }
0x48: {  	p1 =	seq.s32 s25, $0x0;
	s8 =	simm.s32 $0x1;
	[sflag:s29] =	ssyncset.done $0x0;
	v1 =	vbroadcast v1, $0x0  }
0x49: {  	s3 =	simm.s32 @!p1 $0x7;
	v3 =	vmov s8;
	[sflag:s29] =	ssyncadd.s32 $0xFFFFF000  }
0x4a: {  	s9 =	simm.s32 $0x2;
	v3 =	vand.u32 $0x3D, v3;
	_ =	swait.ge @!p1 [sflag:s3], $0x2000  }
0x4b: {  	v4 =	vmov s9;
	v3 =	vor.u32 v2, v3;
	[sflag:s3] =	ssyncset.done @!p1 $0x0  }
0x4c: {  	s10 =	simm.s32 $0x0;
	s11 =	simm.s32 $0x14680;
	v4 =	vand.u32 $0x3E, v4;
	v3 =	vbroadcast v3, $0x0;
	[sflag:s3] =	ssyncadd.s32 @!p1 $0xFFFFE000  }
0x4d: {  	v5 =	vmov s10;
	v4 =	vor.u32 v2, v4;
	v6 =	vld [tilespmem:s11+$0x40]  }
0x4e: {  	v5 =	vand.u32 $0x3C, v5;
	v4 =	vbroadcast v4, $0x0;
	v9 =	vld.idx.msk [tilespmem:v1+s13+$0x0], $0xffff  }
0x4f: {  	v1 =	vor.u32 v2, v5  }
0x50: {  	v1 =	vbroadcast v1, $0x0  }
0x51: {  	v5 =	vld [tilespmem:s11+$0xFFFFFFC0]  }
0x52: {  	v7 =	vld.idx.msk [tilespmem:v3+s13+$0x0], $0xffff;
	v3 =	vunpack.i.l.bf16.f32 v6  }
0x53: {  	v10 =	vld [tilespmem:s11+$0x0];
	v6 =	vunpack.i.u.bf16.f32 v6;
	v3 =	vmul.f32 v9, v3  }
0x54: {  	s2 =	simm.s32 $0x1A700;
	v8 =	vld.idx.msk [tilespmem:v4+s13+$0x0], $0xffff;
	v4 =	vmul.f32 v9, v6  }
0x55: {  	v11 =	vld [tilespmem:s11+$0xFFFFFF80];
	[tilespmem:s2+$0x80] =	vst v3  }
0x56: {  	v6 =	vld.idx.msk [tilespmem:v1+s13+$0x0], $0xffff;
	v1 =	vunpack.i.l.bf16.f32 v5;
	[tilespmem:s2+$0x90] =	vst v4  }
0x57: {  	v3 =	vunpack.i.u.bf16.f32 v5;
	v1 =	vmul.f32 v7, v1;
	v4 =	vld [tilespmem:s11+$0x50]  }
0x58: {  	v5 =	vunpack.i.l.bf16.f32 v10;
	v3 =	vmul.f32 v7, v3  }
0x59: {  	v10 =	vunpack.i.u.bf16.f32 v10;
	v5 =	vmul.f32 v8, v5;
	[tilespmem:s2+$0xFFFFFF80] =	vst v1  }
0x5a: {  	v10 =	vmul.f32 v8, v10;
	v1 =	vunpack.i.l.bf16.f32 v11;
	[tilespmem:s2+$0xFFFFFF90] =	vst v3  }
0x5b: {  	v3 =	vunpack.i.u.bf16.f32 v11;
	[tilespmem:s2+$0x0] =	vst v5;
	v11 =	vld [tilespmem:s11+$0xFFFFFFD0];
	v1 =	vmul.f32 v6, v1  }
0x5c: {  	[tilespmem:s2+$0x10] =	vst v10;
	v3 =	vmul.f32 v6, v3;
	v5 =	vunpack.i.l.bf16.f32 v4  }
0x5d: {  	s8 =	simm.s32 $0x4;
	v4 =	vunpack.i.u.bf16.f32 v4;
	[tilespmem:s2+$0xFFFFFF00] =	vst v1;
	v1 =	vld [tilespmem:s11+$0x10];
	v5 =	vmul.f32 v9, v5  }
0x5e: {  	s12 =	simm.s32 $0x5;
	v10 =	vmov s8;
	[tilespmem:s2+$0xFFFFFF10] =	vst v3;
	v3 =	vmul.f32 v9, v4  }
0x5f: {  	v4 =	vand.u32 $0x3C, v10;
	v10 =	vmov s12;
	v12 =	vld [tilespmem:s11+$0xFFFFFF90];
	[tilespmem:s2+$0xA0] =	vst v5  }
0x60: {  	v4 =	vor.u32 v2, v4;
	v5 =	vand.u32 $0x3D, v10;
	v10 =	vunpack.i.l.bf16.f32 v11;
	[tilespmem:s2+$0xB0] =	vst v3  }
0x61: {  	v3 =	vbroadcast v4, $0x0;
	v4 =	vunpack.i.u.bf16.f32 v11;
	v10 =	vmul.f32 v7, v10;
	v11 =	vld [tilespmem:s11+$0x60]  }
0x62: {  	v5 =	vor.u32 v2, v5;
	v4 =	vmul.f32 v7, v4;
	v13 =	vunpack.i.l.bf16.f32 v1  }
0x63: {  	s7 =	simm.s32 $0x7;
	v5 =	vbroadcast v5, $0x0;
	v1 =	vunpack.i.u.bf16.f32 v1;
	[tilespmem:s2+$0xFFFFFFA0] =	vst v10;
	v10 =	vmul.f32 v8, v13  }
0x64: {  	[tilespmem:s2+$0xFFFFFFB0] =	vst v4;
	v4 =	vmov s7;
	v1 =	vmul.f32 v8, v1;
	v13 =	vunpack.i.l.bf16.f32 v12  }
0x65: {  	v12 =	vunpack.i.u.bf16.f32 v12;
	v14 =	vld [tilespmem:s11+$0xFFFFFFE0];
	v4 =	vand.u32 $0x3F, v4;
	v13 =	vmul.f32 v6, v13;
	[tilespmem:s2+$0x20] =	vst v10  }
0x66: {  	v10 =	vmul.f32 v6, v12;
	[tilespmem:s2+$0x30] =	vst v1;
	v1 =	vor.u32 v2, v4;
	v4 =	vunpack.i.l.bf16.f32 v11  }
0x67: {  	v11 =	vunpack.i.u.bf16.f32 v11;
	[tilespmem:s2+$0xFFFFFF20] =	vst v13;
	v12 =	vld [tilespmem:s11+$0x20];
	v13 =	vbroadcast v1, $0x0;
	v4 =	vmul.f32 v9, v4  }
0x68: {  	s9 =	simm.s32 $0x6;
	v1 =	vld.idx.msk [tilespmem:v3+s13+$0x0], $0xffff;
	v3 =	vmul.f32 v9, v11;
	[tilespmem:s2+$0xFFFFFF30] =	vst v10  }
0x69: {  	v10 =	vmov s9;
	v11 =	vld [tilespmem:s11+$0xFFFFFFA0];
	[tilespmem:s2+$0xC0] =	vst v4  }
0x6a: {  	v10 =	vand.u32 $0x3E, v10;
	v4 =	vld.idx.msk [tilespmem:v5+s13+$0x0], $0xffff;
	v5 =	vunpack.i.l.bf16.f32 v14;
	[tilespmem:s2+$0xD0] =	vst v3  }
0x6b: {  	s8 =	simm.s32 $0x14780;
	v3 =	vor.u32 v2, v10;
	v10 =	vunpack.i.u.bf16.f32 v14;
	v5 =	vmul.f32 v7, v5;
	v14 =	vld [tilespmem:s11+$0x70]  }
0x6c: {  	v16 =	vld [tilespmem:s8+$0x40];
	v10 =	vmul.f32 v7, v10;
	v15 =	vunpack.i.l.bf16.f32 v12  }
0x6d: {  	v3 =	vbroadcast v3, $0x0;
	v12 =	vunpack.i.u.bf16.f32 v12;
	[tilespmem:s2+$0xFFFFFFC0] =	vst v5;
	v15 =	vmul.f32 v8, v15;
	v5 =	vld.idx.msk [tilespmem:v13+s13+$0x0], $0xffff  }
0x6e: {  	v12 =	vmul.f32 v8, v12;
	[tilespmem:s2+$0xFFFFFFD0] =	vst v10;
	v13 =	vunpack.i.l.bf16.f32 v11  }
0x6f: {  	v10 =	vld [tilespmem:s8+$0xFFFFFF80];
	v11 =	vunpack.i.u.bf16.f32 v11;
	v13 =	vmul.f32 v6, v13;
	[tilespmem:s2+$0x40] =	vst v15  }
0x70: {  	v15 =	vld [tilespmem:s8+$0xFFFFFFC0];
	v11 =	vmul.f32 v6, v11;
	[tilespmem:s2+$0x50] =	vst v12;
	v17 =	vunpack.i.u.bf16.f32 v14  }
0x71: {  	v18 =	vunpack.i.l.bf16.f32 v16;
	v12 =	vld [tilespmem:s8+$0x0];
	v17 =	vmul.f32 v9, v17;
	[tilespmem:s2+$0xFFFFFF40] =	vst v13  }
0x72: {  	s9 =	simm.s32 $0x8;
	v13 =	vunpack.i.l.bf16.f32 v14;
	v14 =	vld [tilespmem:s11+$0xFFFFFFF0];
	[tilespmem:s2+$0xFFFFFF50] =	vst v11;
	v11 =	vunpack.i.u.bf16.f32 v16;
	v16 =	vmul.f32 v5, v18  }
0x73: {  	s10 =	simm.s32 $0x9;
	v19 =	vmov s9;
	s9 =	simm.s32 $0x1A900;
	v3 =	vld.idx.msk [tilespmem:v3+s13+$0x0], $0xffff;
	[tilespmem:s2+$0xF0] =	vst v17;
	v11 =	vmul.f32 v5, v11  }
0x74: {  	v22 =	vmov s10;
	v9 =	vmul.f32 v9, v13;
	v18 =	vld [tilespmem:s11+$0x30];
	v17 =	vunpack.i.u.bf16.f32 v10;
	[tilespmem:s9+$0x80] =	vst v16  }
0x75: {  	v13 =	vand.u32 $0x3C, v19;
	v19 =	vld [tilespmem:s11+$0xFFFFFFB0];
	v17 =	vmul.f32 v1, v17;
	v20 =	vunpack.i.l.bf16.f32 v15;
	[tilespmem:s9+$0x90] =	vst v11  }
0x76: {  	v10 =	vunpack.i.l.bf16.f32 v10;
	v15 =	vunpack.i.u.bf16.f32 v15;
	[tilespmem:s2+$0xE0] =	vst v9;
	v20 =	vmul.f32 v4, v20  }
0x77: {  	v10 =	vmul.f32 v1, v10;
	v9 =	vunpack.i.l.bf16.f32 v12;
	v11 =	vmul.f32 v4, v15;
	v15 =	vld [tilespmem:s8+$0x50];
	[tilespmem:s9+$0xFFFFFF10] =	vst v17  }
0x78: {  	s11 =	simm.s32 $0xA;
	v13 =	vor.u32 v2, v13;
	v16 =	vunpack.i.u.bf16.f32 v12;
	v9 =	vmul.f32 v3, v9;
	[tilespmem:s9+$0xFFFFFF80] =	vst v20  }
0x79: {  	v17 =	vmov s11;
	v12 =	vunpack.i.u.bf16.f32 v14;
	v16 =	vmul.f32 v3, v16;
	[tilespmem:s9+$0xFFFFFF90] =	vst v11  }
0x7a: {  	v14 =	vunpack.i.l.bf16.f32 v14;
	v20 =	vunpack.i.u.bf16.f32 v18;
	v11 =	vunpack.i.u.bf16.f32 v19;
	v21 =	vld [tilespmem:s8+$0xFFFFFFD0];
	[tilespmem:s9+$0x0] =	vst v9  }
0x7b: {  	v19 =	vunpack.i.l.bf16.f32 v19;
	v18 =	vunpack.i.l.bf16.f32 v18;
	v14 =	vmul.f32 v7, v14;
	[tilespmem:s9+$0x10] =	vst v16  }
0x7c: {  	[tilespmem:s9+$0xFFFFFF00] =	vst v10;
	v12 =	vmul.f32 v7, v12;
	v9 =	vmul.f32 v8, v18;
	v16 =	vld [tilespmem:s8+$0x10];
	v10 =	vunpack.i.l.bf16.f32 v15  }
0x7d: {  	v7 =	vmul.f32 v6, v19;
	[tilespmem:s2+$0xFFFFFFE0] =	vst v14;
	v15 =	vunpack.i.u.bf16.f32 v15;
	v10 =	vmul.f32 v5, v10  }
0x7e: {  	v6 =	vmul.f32 v6, v11;
	v18 =	vld [tilespmem:s8+$0xFFFFFF90];
	v14 =	vand.u32 $0x3D, v22;
	[tilespmem:s2+$0xFFFFFFF0] =	vst v12;
	v11 =	vmul.f32 v5, v15  }
0x7f: {  	v17 =	vand.u32 $0x3E, v17;
	v12 =	vor.u32 v2, v14;
	v15 =	vunpack.i.l.bf16.f32 v21;
	[tilespmem:s9+$0xA0] =	vst v10  }
0x80: {  	v19 =	vunpack.i.u.bf16.f32 v21;
	[tilespmem:s9+$0xB0] =	vst v11;
	v10 =	vbroadcast v13, $0x0;
	v15 =	vmul.f32 v4, v15  }
0x81: {  	v19 =	vmul.f32 v4, v19;
	v11 =	vunpack.i.l.bf16.f32 v16;
	v13 =	vld [tilespmem:s8+$0x60];
	v14 =	vunpack.i.u.bf16.f32 v16  }
0x82: {  	s12 =	simm.s32 $0xB;
	v16 =	vmul.f32 v3, v14;
	v14 =	vor.u32 v2, v17;
	[tilespmem:s9+$0xFFFFFFA0] =	vst v15;
	v15 =	vmul.f32 v3, v11  }
0x83: {  	v17 =	vmov s12;
	v11 =	vbroadcast v12, $0x0;
	v12 =	vunpack.i.l.bf16.f32 v18;
	[tilespmem:s9+$0xFFFFFFB0] =	vst v19  }
0x84: {  	v19 =	vmul.f32 v1, v12;
	v12 =	vbroadcast v14, $0x0;
	v14 =	vld [tilespmem:s8+$0xFFFFFFE0];
	[tilespmem:s9+$0x20] =	vst v15;
	v15 =	vunpack.i.u.bf16.f32 v18  }
0x85: {  	v17 =	vand.u32 $0x3F, v17;
	[tilespmem:s9+$0x30] =	vst v16;
	v16 =	vmul.f32 v1, v15  }
0x86: {  	s10 =	simm.s32 $0x14780;
	s3 =	simm.s32 $0x1A900;
	s11 =	simm.s32 $0xC;
	v8 =	vmul.f32 v8, v20;
	v17 =	vor.u32 v2, v17;
	[tilespmem:s9+$0xFFFFFF20] =	vst v19;
	v15 =	vld [tilespmem:s8+$0x20];
	v18 =	vunpack.i.l.bf16.f32 v13  }
.LBB2_3:
0x87: {  	p2 =	slt.u32 s11, $0x3C;
	v10 =	vld.idx.msk [tilespmem:v10+s13+$0x0], $0xffff;
	v17 =	vbroadcast v17, $0x0;
	[tilespmem:s9+$0xFFFFFF30] =	vst v16;
	v13 =	vunpack.i.u.bf16.f32 v13;
	v16 =	vmul.f32 v5, v18  }
0x88: {  	v18 =	vld [tilespmem:s8+$0xFFFFFFA0];
	v13 =	vmul.f32 v5, v13;
	[tilespmem:s2+$0x60] =	vst v9  }
0x89: {  	v9 =	vld.idx.msk [tilespmem:v11+s13+$0x0], $0xffff;
	v11 =	vunpack.i.u.bf16.f32 v14;
	v14 =	vunpack.i.l.bf16.f32 v14;
	[tilespmem:s9+$0xC0] =	vst v16  }
0x8a: {  	v12 =	vld.idx.msk [tilespmem:v12+s13+$0x0], $0xffff;
	v14 =	vmul.f32 v4, v14;
	v11 =	vmul.f32 v4, v11;
	[tilespmem:s9+$0xD0] =	vst v13  }
0x8b: {  	s8 =	sadd.s32 $0x100, s8;
	v13 =	vunpack.i.u.bf16.f32 v15;
	v15 =	vunpack.i.l.bf16.f32 v15;
	v16 =	vld [tilespmem:s10+$0x70];
	[tilespmem:s2+$0x70] =	vst v8  }
0x8c: {  	v8 =	vld [tilespmem:s8+$0x40];
	[tilespmem:s9+$0xFFFFFFC0] =	vst v14;
	v14 =	vmul.f32 v3, v15;
	v13 =	vmul.f32 v3, v13  }
0x8d: {  	v15 =	vld.idx.msk [tilespmem:v17+s13+$0x0], $0xffff;
	v17 =	vunpack.i.u.bf16.f32 v18;
	v18 =	vunpack.i.l.bf16.f32 v18;
	[tilespmem:s9+$0xFFFFFFD0] =	vst v11  }
0x8e: {  	v11 =	vld [tilespmem:s8+$0xFFFFFF80];
	v18 =	vmul.f32 v1, v18;
	v17 =	vmul.f32 v1, v17;
	[tilespmem:s9+$0x40] =	vst v14  }
0x8f: {  	v14 =	vld [tilespmem:s8+$0xFFFFFFC0];
	[tilespmem:s9+$0x50] =	vst v13  }
0x90: {  	v13 =	vld [tilespmem:s8+$0x0];
	[tilespmem:s9+$0xFFFFFF40] =	vst v18;
	v18 =	vunpack.i.u.bf16.f32 v16;
	v16 =	vunpack.i.l.bf16.f32 v16  }
0x91: {  	v19 =	vmov s11;
	[tilespmem:s9+$0xFFFFFF50] =	vst v17;
	v17 =	vld [tilespmem:s10+$0xFFFFFFF0];
	v16 =	vmul.f32 v5, v16;
	v22 =	vmul.f32 v5, v18  }
0x92: {  	v18 =	vand.u32 $0x3C, v19;
	v19 =	vunpack.i.l.bf16.f32 v8;
	v20 =	vld [tilespmem:s10+$0x30];
	[tilespmem:s2+$0xFFFFFF60] =	vst v7  }
0x93: {  	v8 =	vunpack.i.u.bf16.f32 v8;
	v19 =	vmul.f32 v15, v19;
	v5 =	vmovc v15;
	v7 =	vunpack.i.u.bf16.f32 v11;
	v21 =	vld [tilespmem:s10+$0xFFFFFFB0];
	[tilespmem:s9+$0xF0] =	vst v22;
	s10 =	smov.u32 s8  }
0x94: {  	v11 =	vunpack.i.l.bf16.f32 v11;
	v8 =	vmul.f32 v5, v8;
	s9 =	sadd.s32 $0x200, s9;
	v15 =	vunpack.i.u.bf16.f32 v14;
	[tilespmem:s3+$0xE0] =	vst v16  }
0x95: {  	v14 =	vunpack.i.l.bf16.f32 v14;
	v16 =	vunpack.i.u.bf16.f32 v13;
	v13 =	vunpack.i.l.bf16.f32 v13;
	[tilespmem:s9+$0x80] =	vst v19  }
0x96: {  	v14 =	vmul.f32 v9, v14;
	v15 =	vmul.f32 v9, v15;
	[tilespmem:s9+$0x90] =	vst v8;
	v8 =	vunpack.i.u.bf16.f32 v17  }
0x97: {  	v13 =	vmul.f32 v12, v13;
	v16 =	vmul.f32 v12, v16;
	v17 =	vunpack.i.l.bf16.f32 v17;
	v19 =	vld [tilespmem:s8+$0x50];
	[tilespmem:s2+$0xFFFFFF70] =	vst v6;
	s2 =	smov.u32 s3;
	s3 =	smov.u32 s9  }
0x98: {  	v6 =	vmul.f32 v10, v11;
	v11 =	vmul.f32 v10, v7;
	v7 =	vunpack.i.u.bf16.f32 v20;
	[tilespmem:s9+$0xFFFFFF80] =	vst v14  }
0x99: {  	s12 =	sadd.s32 $0x1, s11;
	v20 =	vunpack.i.l.bf16.f32 v20;
	v14 =	vunpack.i.u.bf16.f32 v21;
	[tilespmem:s9+$0xFFFFFF90] =	vst v15;
	v15 =	vunpack.i.l.bf16.f32 v21  }
0x9a: {  	v21 =	vmov s12;
	s12 =	sadd.s32 $0x2, s11;
	v22 =	vld [tilespmem:s8+$0xFFFFFFD0];
	[tilespmem:s9+$0x0] =	vst v13;
	v13 =	vmul.f32 v4, v17;
	v17 =	vmul.f32 v4, v8;
	v4 =	vmovc v9  }
0x9b: {  	v23 =	vmov s12;
	v9 =	vmul.f32 v3, v20;
	v8 =	vmul.f32 v3, v7;
	v3 =	vmovc v12;
	[tilespmem:s9+$0x10] =	vst v16  }
0x9c: {  	v7 =	vmul.f32 v1, v15;
	[tilespmem:s9+$0xFFFFFF00] =	vst v6;
	v12 =	vld [tilespmem:s8+$0x10];
	v16 =	vunpack.i.l.bf16.f32 v19;
	v6 =	vmul.f32 v1, v14;
	v1 =	vmovc v10  }
0x9d: {  	v10 =	vor.u32 v2, v18;
	[tilespmem:s9+$0xFFFFFF10] =	vst v11;
	v11 =	vunpack.i.u.bf16.f32 v19;
	v14 =	vmul.f32 v5, v16  }
0x9e: {  	v15 =	vand.u32 $0x3D, v21;
	v16 =	vand.u32 $0x3E, v23;
	v18 =	vld [tilespmem:s8+$0xFFFFFF90];
	v11 =	vmul.f32 v5, v11;
	[tilespmem:s2+$0xFFFFFFE0] =	vst v13  }
0x9f: {  	v10 =	vbroadcast v10, $0x0;
	v13 =	vunpack.i.u.bf16.f32 v22;
	v19 =	vunpack.i.l.bf16.f32 v22;
	[tilespmem:s9+$0xA0] =	vst v14  }
0xa0: {  	v14 =	vor.u32 v2, v15;
	v15 =	vmul.f32 v4, v19;
	v19 =	vmul.f32 v4, v13;
	[tilespmem:s9+$0xB0] =	vst v11  }
0xa1: {  	v11 =	vbroadcast v14, $0x0;
	v14 =	vunpack.i.u.bf16.f32 v12;
	v12 =	vunpack.i.l.bf16.f32 v12;
	v13 =	vld [tilespmem:s8+$0x60];
	[tilespmem:s2+$0xFFFFFFF0] =	vst v17  }
.Ltmp2:
0xa2: {  	v16 =	vor.u32 v2, v16;
	[tilespmem:s9+$0xFFFFFFA0] =	vst v15;
	v15 =	vmul.f32 v3, v12;
	v17 =	vmul.f32 v3, v14;
	(pc) =	sbr.rel @p2 .LBB2_3-.Ltmp2, $4  }
0xa3: {  	s12 =	sadd.s32 $0x3, s11;
	v12 =	vbroadcast v16, $0x0;
	v14 =	vunpack.i.u.bf16.f32 v18;
	v16 =	vunpack.i.l.bf16.f32 v18;
	[tilespmem:s9+$0xFFFFFFB0] =	vst v19  }
0xa4: {  	v18 =	vmov s12;
	v19 =	vmul.f32 v1, v16;
	v16 =	vmul.f32 v1, v14;
	v14 =	vld [tilespmem:s8+$0xFFFFFFE0];
	[tilespmem:s9+$0x20] =	vst v15  }
0xa5: {  	v15 =	vand.u32 $0x3F, v18;
	[tilespmem:s9+$0x30] =	vst v17  }
0xa6: {  	s11 =	sadd.s32 $0x4, s11;
	v17 =	vor.u32 v2, v15;
	[tilespmem:s9+$0xFFFFFF20] =	vst v19;
	v15 =	vld [tilespmem:s8+$0x20];
	v18 =	vunpack.i.l.bf16.f32 v13  }
0xa7: {  	[tilespmem:s9+$0xFFFFFF30] =	vst v16;
	v2 =	vunpack.i.u.bf16.f32 v13;
	v13 =	vmul.f32 v5, v18  }
0xa8: {  	v16 =	vbroadcast v17, $0x0;
	[tilespmem:s2+$0x60] =	vst v9;
	v17 =	vld [tilespmem:s8+$0xFFFFFFA0];
	v2 =	vmul.f32 v5, v2  }
0xa9: {  	v9 =	vunpack.i.l.bf16.f32 v14;
	[tilespmem:s9+$0xC0] =	vst v13  }
0xaa: {  	v13 =	vunpack.i.u.bf16.f32 v14;
	v9 =	vmul.f32 v4, v9;
	[tilespmem:s9+$0xD0] =	vst v2  }
0xab: {  	[tilespmem:s2+$0x70] =	vst v8;
	v2 =	vmul.f32 v4, v13;
	v13 =	vunpack.i.l.bf16.f32 v15;
	v14 =	vld [tilespmem:s10+$0x70]  }
0xac: {  	s12 =	sadd.s32 $0x100, s8;
	v8 =	vunpack.i.u.bf16.f32 v15;
	[tilespmem:s9+$0xFFFFFFC0] =	vst v9;
	v9 =	vmul.f32 v3, v13  }
0xad: {  	v13 =	vld [tilespmem:s12+$0x40];
	v15 =	vmul.f32 v3, v8;
	[tilespmem:s9+$0xFFFFFFD0] =	vst v2;
	v18 =	vunpack.i.l.bf16.f32 v17  }
0xae: {  	v8 =	vld.idx.msk [tilespmem:v16+s13+$0x0], $0xffff;
	v2 =	vunpack.i.u.bf16.f32 v17;
	v16 =	vmul.f32 v1, v18;
	[tilespmem:s9+$0x40] =	vst v9  }
0xaf: {  	v9 =	vmul.f32 v1, v2;
	[tilespmem:s9+$0x50] =	vst v15  }
0xb0: {  	v15 =	vld [tilespmem:s12+$0xFFFFFFC0];
	[tilespmem:s9+$0xFFFFFF40] =	vst v16;
	v16 =	vunpack.i.u.bf16.f32 v14  }
0xb1: {  	v2 =	vld.idx.msk [tilespmem:v11+s13+$0x0], $0xffff;
	v11 =	vunpack.i.l.bf16.f32 v14;
	[tilespmem:s9+$0xFFFFFF50] =	vst v9;
	v9 =	vmul.f32 v5, v16  }
0xb2: {  	[tilespmem:s2+$0xFFFFFF60] =	vst v7;
	v14 =	vld [tilespmem:s12+$0x0];
	v11 =	vmul.f32 v5, v11;
	v16 =	vunpack.i.l.bf16.f32 v13  }
0xb3: {  	v5 =	vld.idx.msk [tilespmem:v12+s13+$0x0], $0xffff;
	v7 =	vunpack.i.u.bf16.f32 v13;
	v12 =	vmul.f32 v8, v16;
	[tilespmem:s9+$0xF0] =	vst v9  }
0xb4: {  	s7 =	sadd.s32 $0x200, s9;
	v13 =	vmul.f32 v8, v7;
	v9 =	vld [tilespmem:s12+$0xFFFFFF80];
	[tilespmem:s3+$0xE0] =	vst v11  }
0xb5: {  	v7 =	vld.idx.msk [tilespmem:v10+s13+$0x0], $0xffff;
	v10 =	vunpack.i.l.bf16.f32 v15;
	[tilespmem:s7+$0x80] =	vst v12  }
0xb6: {  	v11 =	vld [tilespmem:s10+$0xFFFFFFF0];
	v12 =	vunpack.i.u.bf16.f32 v15;
	v10 =	vmul.f32 v2, v10;
	[tilespmem:s7+$0x90] =	vst v13  }
0xb7: {  	[tilespmem:s2+$0xFFFFFF70] =	vst v6;
	v13 =	vunpack.i.l.bf16.f32 v14;
	v12 =	vmul.f32 v2, v12;
	v15 =	vld [tilespmem:s12+$0x50]  }
0xb8: {  	v6 =	vunpack.i.u.bf16.f32 v14;
	v13 =	vmul.f32 v5, v13;
	[tilespmem:s7+$0xFFFFFF80] =	vst v10  }
0xb9: {  	v6 =	vmul.f32 v5, v6;
	[tilespmem:s7+$0xFFFFFF90] =	vst v12;
	v10 =	vunpack.i.l.bf16.f32 v9  }
0xba: {  	v9 =	vunpack.i.u.bf16.f32 v9;
	v12 =	vld [tilespmem:s12+$0xFFFFFFD0];
	[tilespmem:s7+$0x0] =	vst v13;
	v10 =	vmul.f32 v7, v10  }
0xbb: {  	[tilespmem:s7+$0x10] =	vst v6;
	v13 =	vunpack.i.l.bf16.f32 v11;
	v9 =	vmul.f32 v7, v9  }
0xbc: {  	v6 =	vmul.f32 v4, v13;
	v13 =	vunpack.i.l.bf16.f32 v15;
	[tilespmem:s7+$0xFFFFFF00] =	vst v10;
	v10 =	vld [tilespmem:s12+$0x10]  }
0xbd: {  	[tilespmem:s7+$0xFFFFFF10] =	vst v9;
	v9 =	vunpack.i.u.bf16.f32 v15;
	v13 =	vmul.f32 v8, v13  }
0xbe: {  	v11 =	vunpack.i.u.bf16.f32 v11;
	v14 =	vld [tilespmem:s12+$0xFFFFFF90];
	v9 =	vmul.f32 v8, v9;
	[tilespmem:s3+$0xFFFFFFE0] =	vst v6  }
0xbf: {  	v4 =	vmul.f32 v4, v11;
	v6 =	vunpack.i.l.bf16.f32 v12;
	[tilespmem:s7+$0xA0] =	vst v13  }
0xc0: {  	v11 =	vld [tilespmem:s10+$0x30];
	v12 =	vunpack.i.u.bf16.f32 v12;
	v6 =	vmul.f32 v2, v6;
	[tilespmem:s7+$0xB0] =	vst v9  }
0xc1: {  	[tilespmem:s3+$0xFFFFFFF0] =	vst v4;
	v9 =	vmul.f32 v2, v12;
	v13 =	vld [tilespmem:s12+$0x60];
	v12 =	vunpack.i.l.bf16.f32 v10  }
0xc2: {  	v4 =	vunpack.i.u.bf16.f32 v10;
	[tilespmem:s7+$0xFFFFFFA0] =	vst v6;
	v6 =	vmul.f32 v5, v12  }
0xc3: {  	[tilespmem:s7+$0xFFFFFFB0] =	vst v9;
	v4 =	vmul.f32 v5, v4;
	v10 =	vunpack.i.l.bf16.f32 v14  }
0xc4: {  	v9 =	vunpack.i.u.bf16.f32 v14;
	v12 =	vld [tilespmem:s12+$0xFFFFFFE0];
	v10 =	vmul.f32 v7, v10;
	[tilespmem:s7+$0x20] =	vst v6  }
0xc5: {  	v9 =	vmul.f32 v7, v9;
	v6 =	vunpack.i.l.bf16.f32 v11;
	[tilespmem:s7+$0x30] =	vst v4  }
0xc6: {  	v4 =	vmul.f32 v3, v6;
	[tilespmem:s7+$0xFFFFFF20] =	vst v10;
	v6 =	vld [tilespmem:s12+$0x20];
	v10 =	vunpack.i.l.bf16.f32 v13  }
0xc7: {  	[tilespmem:s7+$0xFFFFFF30] =	vst v9;
	v9 =	vunpack.i.u.bf16.f32 v13;
	v10 =	vmul.f32 v8, v10  }
0xc8: {  	v11 =	vunpack.i.u.bf16.f32 v11;
	v13 =	vld [tilespmem:s12+$0xFFFFFFA0];
	v9 =	vmul.f32 v8, v9;
	[tilespmem:s3+$0x60] =	vst v4  }
0xc9: {  	v3 =	vmul.f32 v3, v11;
	v4 =	vunpack.i.l.bf16.f32 v12;
	[tilespmem:s7+$0xC0] =	vst v10  }
0xca: {  	v11 =	vunpack.i.u.bf16.f32 v12;
	v10 =	vld [tilespmem:s10+$0xFFFFFFB0];
	v4 =	vmul.f32 v2, v4;
	[tilespmem:s7+$0xD0] =	vst v9  }
0xcb: {  	[tilespmem:s3+$0x70] =	vst v3;
	v9 =	vmul.f32 v2, v11;
	v12 =	vld [tilespmem:s12+$0x70];
	v11 =	vunpack.i.l.bf16.f32 v6  }
0xcc: {  	v3 =	vunpack.i.u.bf16.f32 v6;
	[tilespmem:s7+$0xFFFFFFC0] =	vst v4;
	v4 =	vmul.f32 v5, v11  }
0xcd: {  	[tilespmem:s7+$0xFFFFFFD0] =	vst v9;
	v3 =	vmul.f32 v5, v3;
	v6 =	vunpack.i.l.bf16.f32 v13  }
0xce: {  	v9 =	vunpack.i.u.bf16.f32 v13;
	v6 =	vmul.f32 v7, v6;
	[tilespmem:s7+$0x40] =	vst v4;
	v4 =	vld [tilespmem:s12+$0xFFFFFFF0]  }
0xcf: {  	v9 =	vmul.f32 v7, v9;
	v11 =	vunpack.i.l.bf16.f32 v10;
	[tilespmem:s7+$0x50] =	vst v3  }
0xd0: {  	v3 =	vmul.f32 v1, v11;
	[tilespmem:s7+$0xFFFFFF40] =	vst v6;
	v6 =	vunpack.i.u.bf16.f32 v12;
	v11 =	vld [tilespmem:s12+$0x30]  }
0xd1: {  	s2 =	sadd.s32 @!p0 $0x1, s25;
	v12 =	vunpack.i.l.bf16.f32 v12;
	[tilespmem:s7+$0xFFFFFF50] =	vst v9;
	v6 =	vmul.f32 v8, v6  }
0xd2: {  	s10 =	smulhi.u32 @!p0 $0xAAAAAAAB, s2;
	v9 =	vunpack.i.u.bf16.f32 v10;
	v8 =	vmul.f32 v8, v12;
	[tilespmem:s3+$0xFFFFFF60] =	vst v3;
	v3 =	vld [tilespmem:s12+$0xFFFFFFB0]  }
0xd3: {  	v1 =	vmul.f32 v1, v9;
	[tilespmem:s7+$0xF0] =	vst v6;
	v6 =	vunpack.i.l.bf16.f32 v4  }
0xd4: {  	s8 =	sshrl.u32 @!p0 s10, $0x1;
	[tilespmem:s7+$0xE0] =	vst v8;
	v4 =	vunpack.i.u.bf16.f32 v4;
	v6 =	vmul.f32 v2, v6  }
0xd5: {  	s8 =	smul.u32 @!p0 $0x3, s8;
	[tilespmem:s3+$0xFFFFFF70] =	vst v1;
	v1 =	vunpack.i.l.bf16.f32 v11;
	v2 =	vmul.f32 v2, v4  }
0xd6: {  	v4 =	vunpack.i.u.bf16.f32 v11;
	v1 =	vmul.f32 v5, v1;
	[tilespmem:s7+$0xFFFFFFE0] =	vst v6  }
0xd7: {  	s11 =	smul.u32 $0x1200, s26;
	s2 =	ssub.s32 @!p0 s2, s8;
	v4 =	vmul.f32 v5, v4;
	v6 =	vunpack.i.l.bf16.f32 v3;
	[tilespmem:s7+$0xFFFFFFF0] =	vst v2  }
0xd8: {  	s2 =	smul.u32 @!p0 $0x1200, s2;
	v2 =	vunpack.i.u.bf16.f32 v3;
	v3 =	vmul.f32 v7, v6;
	[tilespmem:s7+$0x60] =	vst v1  }
0xd9: {  	v1 =	vmul.f32 v7, v2;
	[tilespmem:s7+$0x70] =	vst v4  }
0xda: {  	s26 =	sshrl.u32 s11, $0x2;
	s9 =	simm.s32 @!p0 $0x14600;
	s2 =	sshrl.u32 @!p0 s2, $0x2;
	[tilespmem:s7+$0xFFFFFF60] =	vst v3  }
0xdb: {  	s8 =	simm.s32 @!p0 $0x40;
	s12 =	simm.s32 $0x3;
	s3 =	sadd.s32 @!p0 $0x13880, s2;
	[tilespmem:s7+$0xFFFFFF70] =	vst v1  }
0xdc: {  	[tilespmem:s9], [sflag:$0x1] =	stream.indirect.gather @!p0 [hbm4b:s4+s8], $0x40, s3, s8, $0xb8;
	[tilespmem:$0x1E600] =	vst v63  }
0xdd: {  	s7 =	sadd.s32 $0x13A00, s26;
	v1 =	vmov s12  }
0xde: {  	v2 =	vadd.s32 $0x340, v0;
	v1 =	vand.u32 $0x3F, v1;
	[spmem:s1] =	stream.indirect.scatter.add.f32 [tilespmem:s30], [sflag:$0x7], $0x80, s7, s16, $0xb8;
	[tilespmem:$0x1E600] =	vst v63  }
0xdf: {  	v1 =	vor.u32 v2, v1;
	_ =	swait.ge [sflag:s31], $0x1000  }
0xe0: {  	s9 =	simm.s32 $0x1;
	v1 =	vbroadcast v1, $0x0;
	[sflag:s31] =	ssyncset.done $0x0  }
0xe1: {  	s8 =	simm.s32 @!p1 $0x8;
	v3 =	vmov s9;
	[sflag:s31] =	ssyncadd.s32 $0xFFFFF000  }
0xe2: {  	s10 =	simm.s32 $0x2;
	v3 =	vand.u32 $0x3D, v3;
	_ =	swait.ge @!p1 [sflag:s8], $0x2000  }
0xe3: {  	v4 =	vmov s10;
	v3 =	vor.u32 v2, v3;
	[sflag:s8] =	ssyncset.done @!p1 $0x0  }
0xe4: {  	s11 =	simm.s32 $0x0;
	v4 =	vand.u32 $0x3E, v4;
	v3 =	vbroadcast v3, $0x0;
	[sflag:s8] =	ssyncadd.s32 @!p1 $0xFFFFE000;
	s8 =	simm.s32 $0x15680  }
0xe5: {  	v5 =	vmov s11;
	v4 =	vor.u32 v2, v4;
	v6 =	vld [tilespmem:s8+$0x40]  }
0xe6: {  	v5 =	vand.u32 $0x3C, v5;
	v4 =	vbroadcast v4, $0x0;
	v9 =	vld.idx.msk [tilespmem:v1+s13+$0x0], $0xffff  }
0xe7: {  	v1 =	vor.u32 v2, v5  }
0xe8: {  	v1 =	vbroadcast v1, $0x0  }
0xe9: {  	v5 =	vld [tilespmem:s8+$0xFFFFFFC0]  }
0xea: {  	v7 =	vld.idx.msk [tilespmem:v3+s13+$0x0], $0xffff;
	v3 =	vunpack.i.l.bf16.f32 v6  }
0xeb: {  	v10 =	vld [tilespmem:s8+$0x0];
	v6 =	vunpack.i.u.bf16.f32 v6;
	v3 =	vmul.f32 v9, v3  }
0xec: {  	s3 =	simm.s32 $0x1C700;
	v8 =	vld.idx.msk [tilespmem:v4+s13+$0x0], $0xffff;
	v4 =	vmul.f32 v9, v6  }
0xed: {  	v11 =	vld [tilespmem:s8+$0xFFFFFF80];
	[tilespmem:s3+$0x80] =	vst v3  }
0xee: {  	v6 =	vld.idx.msk [tilespmem:v1+s13+$0x0], $0xffff;
	v1 =	vunpack.i.l.bf16.f32 v5;
	[tilespmem:s3+$0x90] =	vst v4  }
0xef: {  	v3 =	vunpack.i.u.bf16.f32 v5;
	v1 =	vmul.f32 v7, v1;
	v4 =	vld [tilespmem:s8+$0x50]  }
0xf0: {  	v5 =	vunpack.i.l.bf16.f32 v10;
	v3 =	vmul.f32 v7, v3  }
0xf1: {  	v10 =	vunpack.i.u.bf16.f32 v10;
	v5 =	vmul.f32 v8, v5;
	[tilespmem:s3+$0xFFFFFF80] =	vst v1  }
0xf2: {  	v10 =	vmul.f32 v8, v10;
	v1 =	vunpack.i.l.bf16.f32 v11;
	[tilespmem:s3+$0xFFFFFF90] =	vst v3  }
0xf3: {  	v3 =	vunpack.i.u.bf16.f32 v11;
	[tilespmem:s3+$0x0] =	vst v5;
	v1 =	vmul.f32 v6, v1;
	v11 =	vld [tilespmem:s8+$0xFFFFFFD0]  }
0xf4: {  	[tilespmem:s3+$0x10] =	vst v10;
	v3 =	vmul.f32 v6, v3;
	v5 =	vunpack.i.l.bf16.f32 v4  }
0xf5: {  	s12 =	simm.s32 $0x4;
	[tilespmem:s3+$0xFFFFFF00] =	vst v1;
	v1 =	vld [tilespmem:s8+$0x10];
	v4 =	vunpack.i.u.bf16.f32 v4;
	v5 =	vmul.f32 v9, v5  }
0xf6: {  	s7 =	simm.s32 $0x5;
	v10 =	vmov s12;
	[tilespmem:s3+$0xFFFFFF10] =	vst v3;
	v3 =	vmul.f32 v9, v4  }
0xf7: {  	v4 =	vand.u32 $0x3C, v10;
	v10 =	vmov s7;
	v12 =	vld [tilespmem:s8+$0xFFFFFF90];
	[tilespmem:s3+$0xA0] =	vst v5  }
0xf8: {  	v4 =	vor.u32 v2, v4;
	v5 =	vand.u32 $0x3D, v10;
	v10 =	vunpack.i.l.bf16.f32 v11;
	[tilespmem:s3+$0xB0] =	vst v3  }
0xf9: {  	v3 =	vbroadcast v4, $0x0;
	v4 =	vunpack.i.u.bf16.f32 v11;
	v10 =	vmul.f32 v7, v10;
	v11 =	vld [tilespmem:s8+$0x60]  }
0xfa: {  	v5 =	vor.u32 v2, v5;
	v4 =	vmul.f32 v7, v4;
	v13 =	vunpack.i.l.bf16.f32 v1  }
0xfb: {  	s10 =	simm.s32 $0x7;
	v5 =	vbroadcast v5, $0x0;
	v1 =	vunpack.i.u.bf16.f32 v1;
	[tilespmem:s3+$0xFFFFFFA0] =	vst v10;
	v10 =	vmul.f32 v8, v13  }
0xfc: {  	v1 =	vmul.f32 v8, v1;
	v13 =	vunpack.i.l.bf16.f32 v12;
	[tilespmem:s3+$0xFFFFFFB0] =	vst v4;
	v4 =	vmov s10  }
0xfd: {  	v12 =	vunpack.i.u.bf16.f32 v12;
	v13 =	vmul.f32 v6, v13;
	v14 =	vld [tilespmem:s8+$0xFFFFFFE0];
	v4 =	vand.u32 $0x3F, v4;
	[tilespmem:s3+$0x20] =	vst v10  }
0xfe: {  	v10 =	vmul.f32 v6, v12;
	[tilespmem:s3+$0x30] =	vst v1;
	v1 =	vor.u32 v2, v4;
	v4 =	vunpack.i.l.bf16.f32 v11  }
0xff: {  	[tilespmem:s3+$0xFFFFFF20] =	vst v13;
	v12 =	vld [tilespmem:s8+$0x20];
	v13 =	vbroadcast v1, $0x0;
	v11 =	vunpack.i.u.bf16.f32 v11;
	v4 =	vmul.f32 v9, v4  }
0x100: {  	s11 =	simm.s32 $0x6;
	v1 =	vld.idx.msk [tilespmem:v3+s13+$0x0], $0xffff;
	[tilespmem:s3+$0xFFFFFF30] =	vst v10;
	v3 =	vmul.f32 v9, v11  }
0x101: {  	v10 =	vmov s11;
	v11 =	vld [tilespmem:s8+$0xFFFFFFA0];
	[tilespmem:s3+$0xC0] =	vst v4  }
0x102: {  	v10 =	vand.u32 $0x3E, v10;
	v4 =	vld.idx.msk [tilespmem:v5+s13+$0x0], $0xffff;
	v5 =	vunpack.i.l.bf16.f32 v14;
	[tilespmem:s3+$0xD0] =	vst v3  }
0x103: {  	s9 =	simm.s32 $0x15780;
	v3 =	vor.u32 v2, v10;
	v10 =	vunpack.i.u.bf16.f32 v14;
	v5 =	vmul.f32 v7, v5;
	v14 =	vld [tilespmem:s8+$0x70]  }
0x104: {  	v16 =	vld [tilespmem:s9+$0x40];
	v10 =	vmul.f32 v7, v10;
	v15 =	vunpack.i.l.bf16.f32 v12  }
0x105: {  	v3 =	vbroadcast v3, $0x0;
	v12 =	vunpack.i.u.bf16.f32 v12;
	[tilespmem:s3+$0xFFFFFFC0] =	vst v5;
	v15 =	vmul.f32 v8, v15;
	v5 =	vld.idx.msk [tilespmem:v13+s13+$0x0], $0xffff  }
0x106: {  	v12 =	vmul.f32 v8, v12;
	[tilespmem:s3+$0xFFFFFFD0] =	vst v10;
	v13 =	vunpack.i.l.bf16.f32 v11  }
0x107: {  	v10 =	vld [tilespmem:s9+$0xFFFFFF80];
	v11 =	vunpack.i.u.bf16.f32 v11;
	v13 =	vmul.f32 v6, v13;
	[tilespmem:s3+$0x40] =	vst v15  }
0x108: {  	v15 =	vld [tilespmem:s9+$0xFFFFFFC0];
	v11 =	vmul.f32 v6, v11;
	[tilespmem:s3+$0x50] =	vst v12;
	v17 =	vunpack.i.u.bf16.f32 v14  }
0x109: {  	v18 =	vunpack.i.l.bf16.f32 v16;
	v12 =	vld [tilespmem:s9+$0x0];
	[tilespmem:s3+$0xFFFFFF40] =	vst v13;
	v17 =	vmul.f32 v9, v17  }
0x10a: {  	s12 =	simm.s32 $0x8;
	v13 =	vunpack.i.l.bf16.f32 v14;
	v14 =	vld [tilespmem:s8+$0xFFFFFFF0];
	[tilespmem:s3+$0xFFFFFF50] =	vst v11;
	v11 =	vunpack.i.u.bf16.f32 v16;
	v16 =	vmul.f32 v5, v18  }
0x10b: {  	v19 =	vmov s12;
	s7 =	simm.s32 $0x9;
	s10 =	simm.s32 $0x1C900;
	v3 =	vld.idx.msk [tilespmem:v3+s13+$0x0], $0xffff;
	v11 =	vmul.f32 v5, v11;
	[tilespmem:s3+$0xF0] =	vst v17  }
0x10c: {  	v22 =	vmov s7;
	v9 =	vmul.f32 v9, v13;
	v18 =	vld [tilespmem:s8+$0x30];
	v17 =	vunpack.i.u.bf16.f32 v10;
	[tilespmem:s10+$0x80] =	vst v16  }
0x10d: {  	v13 =	vand.u32 $0x3C, v19;
	v19 =	vld [tilespmem:s8+$0xFFFFFFB0];
	v20 =	vunpack.i.l.bf16.f32 v15;
	[tilespmem:s10+$0x90] =	vst v11;
	v17 =	vmul.f32 v1, v17  }
0x10e: {  	v10 =	vunpack.i.l.bf16.f32 v10;
	v15 =	vunpack.i.u.bf16.f32 v15;
	[tilespmem:s3+$0xE0] =	vst v9;
	v20 =	vmul.f32 v4, v20  }
0x10f: {  	v13 =	vor.u32 v2, v13;
	v9 =	vunpack.i.l.bf16.f32 v12;
	v11 =	vmul.f32 v4, v15;
	v15 =	vld [tilespmem:s9+$0x50];
	[tilespmem:s10+$0xFFFFFF10] =	vst v17  }
0x110: {  	v16 =	vunpack.i.u.bf16.f32 v12;
	v10 =	vmul.f32 v1, v10;
	v9 =	vmul.f32 v3, v9;
	[tilespmem:s10+$0xFFFFFF80] =	vst v20  }
0x111: {  	s11 =	simm.s32 $0xA;
	v12 =	vunpack.i.u.bf16.f32 v14;
	v16 =	vmul.f32 v3, v16;
	v14 =	vunpack.i.l.bf16.f32 v14;
	[tilespmem:s10+$0xFFFFFF90] =	vst v11  }
0x112: {  	v17 =	vmov s11;
	v20 =	vunpack.i.u.bf16.f32 v18;
	v11 =	vunpack.i.u.bf16.f32 v19;
	v21 =	vld [tilespmem:s9+$0xFFFFFFD0];
	[tilespmem:s10+$0x0] =	vst v9  }
0x113: {  	v19 =	vunpack.i.l.bf16.f32 v19;
	v18 =	vunpack.i.l.bf16.f32 v18;
	v14 =	vmul.f32 v7, v14;
	[tilespmem:s10+$0x10] =	vst v16  }
0x114: {  	[tilespmem:s10+$0xFFFFFF00] =	vst v10;
	v12 =	vmul.f32 v7, v12;
	v9 =	vmul.f32 v8, v18;
	v16 =	vld [tilespmem:s9+$0x10];
	v10 =	vunpack.i.l.bf16.f32 v15  }
0x115: {  	v7 =	vmul.f32 v6, v19;
	[tilespmem:s3+$0xFFFFFFE0] =	vst v14;
	v15 =	vunpack.i.u.bf16.f32 v15;
	v10 =	vmul.f32 v5, v10  }
0x116: {  	v6 =	vmul.f32 v6, v11;
	v18 =	vld [tilespmem:s9+$0xFFFFFF90];
	v14 =	vand.u32 $0x3D, v22;
	[tilespmem:s3+$0xFFFFFFF0] =	vst v12;
	v11 =	vmul.f32 v5, v15  }
0x117: {  	v17 =	vand.u32 $0x3E, v17;
	v12 =	vor.u32 v2, v14;
	v15 =	vunpack.i.l.bf16.f32 v21;
	[tilespmem:s10+$0xA0] =	vst v10  }
0x118: {  	v19 =	vunpack.i.u.bf16.f32 v21;
	[tilespmem:s10+$0xB0] =	vst v11;
	v10 =	vbroadcast v13, $0x0;
	v15 =	vmul.f32 v4, v15  }
0x119: {  	v19 =	vmul.f32 v4, v19;
	v11 =	vunpack.i.l.bf16.f32 v16;
	v13 =	vld [tilespmem:s9+$0x60];
	v14 =	vunpack.i.u.bf16.f32 v16  }
0x11a: {  	s12 =	simm.s32 $0xB;
	v16 =	vmul.f32 v3, v14;
	v14 =	vor.u32 v2, v17;
	[tilespmem:s10+$0xFFFFFFA0] =	vst v15;
	v15 =	vmul.f32 v3, v11  }
0x11b: {  	v17 =	vmov s12;
	v11 =	vbroadcast v12, $0x0;
	v12 =	vunpack.i.l.bf16.f32 v18;
	[tilespmem:s10+$0xFFFFFFB0] =	vst v19  }
0x11c: {  	v19 =	vmul.f32 v1, v12;
	v12 =	vbroadcast v14, $0x0;
	v14 =	vld [tilespmem:s9+$0xFFFFFFE0];
	[tilespmem:s10+$0x20] =	vst v15;
	v15 =	vunpack.i.u.bf16.f32 v18  }
0x11d: {  	v17 =	vand.u32 $0x3F, v17;
	[tilespmem:s10+$0x30] =	vst v16;
	v16 =	vmul.f32 v1, v15  }
0x11e: {  	s8 =	simm.s32 $0x1C900;
	s11 =	simm.s32 $0x15780;
	v8 =	vmul.f32 v8, v20;
	s12 =	simm.s32 $0xC;
	v17 =	vor.u32 v2, v17;
	[tilespmem:s10+$0xFFFFFF20] =	vst v19;
	v15 =	vld [tilespmem:s9+$0x20];
	v18 =	vunpack.i.l.bf16.f32 v13  }
.LBB2_5:
0x11f: {  	p1 =	slt.u32 s12, $0x3C;
	v10 =	vld.idx.msk [tilespmem:v10+s13+$0x0], $0xffff;
	v17 =	vbroadcast v17, $0x0;
	[tilespmem:s10+$0xFFFFFF30] =	vst v16;
	v13 =	vunpack.i.u.bf16.f32 v13;
	v16 =	vmul.f32 v5, v18  }
0x120: {  	v18 =	vld [tilespmem:s9+$0xFFFFFFA0];
	v13 =	vmul.f32 v5, v13;
	[tilespmem:s3+$0x60] =	vst v9  }
0x121: {  	v9 =	vld.idx.msk [tilespmem:v11+s13+$0x0], $0xffff;
	v11 =	vunpack.i.u.bf16.f32 v14;
	v14 =	vunpack.i.l.bf16.f32 v14;
	[tilespmem:s10+$0xC0] =	vst v16  }
0x122: {  	v12 =	vld.idx.msk [tilespmem:v12+s13+$0x0], $0xffff;
	v14 =	vmul.f32 v4, v14;
	v11 =	vmul.f32 v4, v11;
	[tilespmem:s10+$0xD0] =	vst v13  }
0x123: {  	s9 =	sadd.s32 $0x100, s9;
	v13 =	vunpack.i.u.bf16.f32 v15;
	v15 =	vunpack.i.l.bf16.f32 v15;
	v16 =	vld [tilespmem:s11+$0x70];
	[tilespmem:s3+$0x70] =	vst v8  }
0x124: {  	v8 =	vld [tilespmem:s9+$0x40];
	[tilespmem:s10+$0xFFFFFFC0] =	vst v14;
	v14 =	vmul.f32 v3, v15;
	v13 =	vmul.f32 v3, v13  }
0x125: {  	v15 =	vld.idx.msk [tilespmem:v17+s13+$0x0], $0xffff;
	v17 =	vunpack.i.u.bf16.f32 v18;
	v18 =	vunpack.i.l.bf16.f32 v18;
	[tilespmem:s10+$0xFFFFFFD0] =	vst v11  }
0x126: {  	v11 =	vld [tilespmem:s9+$0xFFFFFF80];
	v18 =	vmul.f32 v1, v18;
	v17 =	vmul.f32 v1, v17;
	[tilespmem:s10+$0x40] =	vst v14  }
0x127: {  	v14 =	vld [tilespmem:s9+$0xFFFFFFC0];
	[tilespmem:s10+$0x50] =	vst v13  }
0x128: {  	v13 =	vld [tilespmem:s9+$0x0];
	[tilespmem:s10+$0xFFFFFF40] =	vst v18;
	v18 =	vunpack.i.u.bf16.f32 v16;
	v16 =	vunpack.i.l.bf16.f32 v16  }
0x129: {  	v19 =	vmov s12;
	[tilespmem:s10+$0xFFFFFF50] =	vst v17;
	v17 =	vld [tilespmem:s11+$0xFFFFFFF0];
	v16 =	vmul.f32 v5, v16;
	v22 =	vmul.f32 v5, v18  }
0x12a: {  	v18 =	vand.u32 $0x3C, v19;
	v19 =	vunpack.i.l.bf16.f32 v8;
	v20 =	vld [tilespmem:s11+$0x30];
	[tilespmem:s3+$0xFFFFFF60] =	vst v7  }
0x12b: {  	v8 =	vunpack.i.u.bf16.f32 v8;
	v19 =	vmul.f32 v15, v19;
	v5 =	vmovc v15;
	v7 =	vunpack.i.u.bf16.f32 v11;
	v21 =	vld [tilespmem:s11+$0xFFFFFFB0];
	[tilespmem:s10+$0xF0] =	vst v22;
	s11 =	smov.u32 s9  }
0x12c: {  	v11 =	vunpack.i.l.bf16.f32 v11;
	v8 =	vmul.f32 v5, v8;
	s10 =	sadd.s32 $0x200, s10;
	v15 =	vunpack.i.u.bf16.f32 v14;
	[tilespmem:s8+$0xE0] =	vst v16  }
0x12d: {  	v14 =	vunpack.i.l.bf16.f32 v14;
	v16 =	vunpack.i.u.bf16.f32 v13;
	v13 =	vunpack.i.l.bf16.f32 v13;
	[tilespmem:s10+$0x80] =	vst v19  }
0x12e: {  	v14 =	vmul.f32 v9, v14;
	v15 =	vmul.f32 v9, v15;
	[tilespmem:s10+$0x90] =	vst v8;
	v8 =	vunpack.i.u.bf16.f32 v17  }
0x12f: {  	v13 =	vmul.f32 v12, v13;
	v16 =	vmul.f32 v12, v16;
	v17 =	vunpack.i.l.bf16.f32 v17;
	v19 =	vld [tilespmem:s9+$0x50];
	[tilespmem:s3+$0xFFFFFF70] =	vst v6;
	s3 =	smov.u32 s8;
	s8 =	smov.u32 s10  }
0x130: {  	v6 =	vmul.f32 v10, v11;
	v11 =	vmul.f32 v10, v7;
	v7 =	vunpack.i.u.bf16.f32 v20;
	[tilespmem:s10+$0xFFFFFF80] =	vst v14  }
0x131: {  	s7 =	sadd.s32 $0x1, s12;
	v20 =	vunpack.i.l.bf16.f32 v20;
	v14 =	vunpack.i.u.bf16.f32 v21;
	[tilespmem:s10+$0xFFFFFF90] =	vst v15;
	v15 =	vunpack.i.l.bf16.f32 v21  }
0x132: {  	v21 =	vmov s7;
	s7 =	sadd.s32 $0x2, s12;
	v22 =	vld [tilespmem:s9+$0xFFFFFFD0];
	[tilespmem:s10+$0x0] =	vst v13;
	v13 =	vmul.f32 v4, v17;
	v17 =	vmul.f32 v4, v8;
	v4 =	vmovc v9  }
0x133: {  	v23 =	vmov s7;
	v9 =	vmul.f32 v3, v20;
	v8 =	vmul.f32 v3, v7;
	v3 =	vmovc v12;
	[tilespmem:s10+$0x10] =	vst v16  }
0x134: {  	v7 =	vmul.f32 v1, v15;
	[tilespmem:s10+$0xFFFFFF00] =	vst v6;
	v12 =	vld [tilespmem:s9+$0x10];
	v16 =	vunpack.i.l.bf16.f32 v19;
	v6 =	vmul.f32 v1, v14;
	v1 =	vmovc v10  }
0x135: {  	v10 =	vor.u32 v2, v18;
	[tilespmem:s10+$0xFFFFFF10] =	vst v11;
	v11 =	vunpack.i.u.bf16.f32 v19;
	v14 =	vmul.f32 v5, v16  }
0x136: {  	v15 =	vand.u32 $0x3D, v21;
	v16 =	vand.u32 $0x3E, v23;
	v18 =	vld [tilespmem:s9+$0xFFFFFF90];
	v11 =	vmul.f32 v5, v11;
	[tilespmem:s3+$0xFFFFFFE0] =	vst v13  }
0x137: {  	v10 =	vbroadcast v10, $0x0;
	v13 =	vunpack.i.u.bf16.f32 v22;
	v19 =	vunpack.i.l.bf16.f32 v22;
	[tilespmem:s10+$0xA0] =	vst v14  }
0x138: {  	v14 =	vor.u32 v2, v15;
	v15 =	vmul.f32 v4, v19;
	v19 =	vmul.f32 v4, v13;
	[tilespmem:s10+$0xB0] =	vst v11  }
0x139: {  	v11 =	vbroadcast v14, $0x0;
	v14 =	vunpack.i.u.bf16.f32 v12;
	v12 =	vunpack.i.l.bf16.f32 v12;
	v13 =	vld [tilespmem:s9+$0x60];
	[tilespmem:s3+$0xFFFFFFF0] =	vst v17  }
.Ltmp3:
0x13a: {  	v16 =	vor.u32 v2, v16;
	[tilespmem:s10+$0xFFFFFFA0] =	vst v15;
	v15 =	vmul.f32 v3, v12;
	v17 =	vmul.f32 v3, v14;
	(pc) =	sbr.rel @p1 .LBB2_5-.Ltmp3, $4  }
0x13b: {  	s7 =	sadd.s32 $0x3, s12;
	v12 =	vbroadcast v16, $0x0;
	v14 =	vunpack.i.u.bf16.f32 v18;
	v16 =	vunpack.i.l.bf16.f32 v18;
	[tilespmem:s10+$0xFFFFFFB0] =	vst v19  }
0x13c: {  	v18 =	vmov s7;
	v19 =	vmul.f32 v1, v16;
	v16 =	vmul.f32 v1, v14;
	v14 =	vld [tilespmem:s9+$0xFFFFFFE0];
	[tilespmem:s10+$0x20] =	vst v15  }
0x13d: {  	v15 =	vand.u32 $0x3F, v18;
	[tilespmem:s10+$0x30] =	vst v17  }
0x13e: {  	s12 =	sadd.s32 $0x4, s12;
	v17 =	vor.u32 v2, v15;
	[tilespmem:s10+$0xFFFFFF20] =	vst v19;
	v15 =	vld [tilespmem:s9+$0x20];
	v18 =	vunpack.i.l.bf16.f32 v13  }
0x13f: {  	[tilespmem:s10+$0xFFFFFF30] =	vst v16;
	v2 =	vunpack.i.u.bf16.f32 v13;
	v13 =	vmul.f32 v5, v18  }
0x140: {  	v16 =	vbroadcast v17, $0x0;
	[tilespmem:s3+$0x60] =	vst v9;
	v17 =	vld [tilespmem:s9+$0xFFFFFFA0];
	v2 =	vmul.f32 v5, v2  }
0x141: {  	v9 =	vunpack.i.l.bf16.f32 v14;
	[tilespmem:s10+$0xC0] =	vst v13  }
0x142: {  	v13 =	vunpack.i.u.bf16.f32 v14;
	v9 =	vmul.f32 v4, v9;
	[tilespmem:s10+$0xD0] =	vst v2  }
0x143: {  	[tilespmem:s3+$0x70] =	vst v8;
	v2 =	vmul.f32 v4, v13;
	v13 =	vunpack.i.l.bf16.f32 v15;
	v14 =	vld [tilespmem:s11+$0x70]  }
0x144: {  	s9 =	sadd.s32 $0x100, s9;
	v8 =	vunpack.i.u.bf16.f32 v15;
	[tilespmem:s10+$0xFFFFFFC0] =	vst v9;
	v9 =	vmul.f32 v3, v13  }
0x145: {  	v13 =	vld [tilespmem:s9+$0x40];
	v15 =	vmul.f32 v3, v8;
	[tilespmem:s10+$0xFFFFFFD0] =	vst v2;
	v18 =	vunpack.i.l.bf16.f32 v17  }
0x146: {  	v8 =	vld.idx.msk [tilespmem:v16+s13+$0x0], $0xffff;
	v2 =	vunpack.i.u.bf16.f32 v17;
	v16 =	vmul.f32 v1, v18;
	[tilespmem:s10+$0x40] =	vst v9  }
0x147: {  	v9 =	vmul.f32 v1, v2;
	[tilespmem:s10+$0x50] =	vst v15  }
0x148: {  	v15 =	vld [tilespmem:s9+$0xFFFFFFC0];
	[tilespmem:s10+$0xFFFFFF40] =	vst v16;
	v16 =	vunpack.i.u.bf16.f32 v14  }
0x149: {  	v2 =	vld.idx.msk [tilespmem:v11+s13+$0x0], $0xffff;
	v11 =	vunpack.i.l.bf16.f32 v14;
	[tilespmem:s10+$0xFFFFFF50] =	vst v9;
	v9 =	vmul.f32 v5, v16  }
0x14a: {  	[tilespmem:s3+$0xFFFFFF60] =	vst v7;
	v14 =	vld [tilespmem:s9+$0x0];
	v11 =	vmul.f32 v5, v11;
	v16 =	vunpack.i.l.bf16.f32 v13  }
0x14b: {  	v5 =	vld.idx.msk [tilespmem:v12+s13+$0x0], $0xffff;
	v7 =	vunpack.i.u.bf16.f32 v13;
	v12 =	vmul.f32 v8, v16;
	[tilespmem:s10+$0xF0] =	vst v9  }
0x14c: {  	s12 =	sadd.s32 $0x200, s10;
	v13 =	vmul.f32 v8, v7;
	v9 =	vld [tilespmem:s9+$0xFFFFFF80];
	[tilespmem:s8+$0xE0] =	vst v11  }
0x14d: {  	v7 =	vld.idx.msk [tilespmem:v10+s13+$0x0], $0xffff;
	v10 =	vunpack.i.l.bf16.f32 v15;
	[tilespmem:s12+$0x80] =	vst v12  }
0x14e: {  	v11 =	vld [tilespmem:s11+$0xFFFFFFF0];
	v12 =	vunpack.i.u.bf16.f32 v15;
	v10 =	vmul.f32 v2, v10;
	[tilespmem:s12+$0x90] =	vst v13  }
0x14f: {  	[tilespmem:s3+$0xFFFFFF70] =	vst v6;
	v13 =	vunpack.i.l.bf16.f32 v14;
	v12 =	vmul.f32 v2, v12;
	v15 =	vld [tilespmem:s9+$0x50]  }
0x150: {  	v6 =	vunpack.i.u.bf16.f32 v14;
	v13 =	vmul.f32 v5, v13;
	[tilespmem:s12+$0xFFFFFF80] =	vst v10  }
0x151: {  	v6 =	vmul.f32 v5, v6;
	[tilespmem:s12+$0xFFFFFF90] =	vst v12;
	v10 =	vunpack.i.l.bf16.f32 v9  }
0x152: {  	v9 =	vunpack.i.u.bf16.f32 v9;
	v12 =	vld [tilespmem:s9+$0xFFFFFFD0];
	[tilespmem:s12+$0x0] =	vst v13;
	v10 =	vmul.f32 v7, v10  }
0x153: {  	[tilespmem:s12+$0x10] =	vst v6;
	v13 =	vunpack.i.l.bf16.f32 v11;
	v9 =	vmul.f32 v7, v9  }
0x154: {  	v6 =	vmul.f32 v4, v13;
	v13 =	vunpack.i.l.bf16.f32 v15;
	[tilespmem:s12+$0xFFFFFF00] =	vst v10;
	v10 =	vld [tilespmem:s9+$0x10]  }
0x155: {  	[tilespmem:s12+$0xFFFFFF10] =	vst v9;
	v9 =	vunpack.i.u.bf16.f32 v15;
	v13 =	vmul.f32 v8, v13  }
0x156: {  	v11 =	vunpack.i.u.bf16.f32 v11;
	v14 =	vld [tilespmem:s9+$0xFFFFFF90];
	v9 =	vmul.f32 v8, v9;
	[tilespmem:s8+$0xFFFFFFE0] =	vst v6  }
0x157: {  	v4 =	vmul.f32 v4, v11;
	v6 =	vunpack.i.l.bf16.f32 v12;
	[tilespmem:s12+$0xA0] =	vst v13  }
0x158: {  	v11 =	vld [tilespmem:s11+$0x30];
	v12 =	vunpack.i.u.bf16.f32 v12;
	v6 =	vmul.f32 v2, v6;
	[tilespmem:s12+$0xB0] =	vst v9  }
0x159: {  	[tilespmem:s8+$0xFFFFFFF0] =	vst v4;
	v9 =	vmul.f32 v2, v12;
	v13 =	vld [tilespmem:s9+$0x60];
	v12 =	vunpack.i.l.bf16.f32 v10  }
0x15a: {  	v4 =	vunpack.i.u.bf16.f32 v10;
	[tilespmem:s12+$0xFFFFFFA0] =	vst v6;
	v6 =	vmul.f32 v5, v12  }
0x15b: {  	[tilespmem:s12+$0xFFFFFFB0] =	vst v9;
	v4 =	vmul.f32 v5, v4;
	v10 =	vunpack.i.l.bf16.f32 v14  }
0x15c: {  	v9 =	vunpack.i.u.bf16.f32 v14;
	v12 =	vld [tilespmem:s9+$0xFFFFFFE0];
	v10 =	vmul.f32 v7, v10;
	[tilespmem:s12+$0x20] =	vst v6  }
0x15d: {  	v9 =	vmul.f32 v7, v9;
	v6 =	vunpack.i.l.bf16.f32 v11;
	[tilespmem:s12+$0x30] =	vst v4  }
0x15e: {  	v4 =	vmul.f32 v3, v6;
	[tilespmem:s12+$0xFFFFFF20] =	vst v10;
	v6 =	vld [tilespmem:s9+$0x20];
	v10 =	vunpack.i.l.bf16.f32 v13  }
0x15f: {  	[tilespmem:s12+$0xFFFFFF30] =	vst v9;
	v9 =	vunpack.i.u.bf16.f32 v13;
	v10 =	vmul.f32 v8, v10  }
0x160: {  	v11 =	vunpack.i.u.bf16.f32 v11;
	v13 =	vld [tilespmem:s9+$0xFFFFFFA0];
	v9 =	vmul.f32 v8, v9;
	[tilespmem:s8+$0x60] =	vst v4  }
0x161: {  	v3 =	vmul.f32 v3, v11;
	v4 =	vunpack.i.l.bf16.f32 v12;
	[tilespmem:s12+$0xC0] =	vst v10  }
0x162: {  	v11 =	vunpack.i.u.bf16.f32 v12;
	v10 =	vld [tilespmem:s11+$0xFFFFFFB0];
	v4 =	vmul.f32 v2, v4;
	[tilespmem:s12+$0xD0] =	vst v9  }
0x163: {  	[tilespmem:s8+$0x70] =	vst v3;
	v9 =	vmul.f32 v2, v11;
	v12 =	vld [tilespmem:s9+$0x70];
	v11 =	vunpack.i.l.bf16.f32 v6  }
0x164: {  	v3 =	vunpack.i.u.bf16.f32 v6;
	[tilespmem:s12+$0xFFFFFFC0] =	vst v4;
	v4 =	vmul.f32 v5, v11  }
0x165: {  	[tilespmem:s12+$0xFFFFFFD0] =	vst v9;
	v3 =	vmul.f32 v5, v3;
	v6 =	vunpack.i.l.bf16.f32 v13  }
0x166: {  	v9 =	vunpack.i.u.bf16.f32 v13;
	v6 =	vmul.f32 v7, v6;
	[tilespmem:s12+$0x40] =	vst v4;
	v4 =	vld [tilespmem:s9+$0xFFFFFFF0]  }
0x167: {  	p1 =	sne.s32 s25, $0x34;
	v9 =	vmul.f32 v7, v9;
	v11 =	vunpack.i.l.bf16.f32 v10;
	[tilespmem:s12+$0x50] =	vst v3  }
0x168: {  	s3 =	sadd.s32 @p1 $0x1, s25;
	v3 =	vmul.f32 v1, v11;
	[tilespmem:s12+$0xFFFFFF40] =	vst v6;
	v6 =	vunpack.i.u.bf16.f32 v12;
	v11 =	vld [tilespmem:s9+$0x30]  }
0x169: {  	s7 =	smulhi.u32 @p1 $0xAAAAAAAB, s3;
	v12 =	vunpack.i.l.bf16.f32 v12;
	[tilespmem:s12+$0xFFFFFF50] =	vst v9;
	v6 =	vmul.f32 v8, v6  }
0x16a: {  	v9 =	vunpack.i.u.bf16.f32 v10;
	v8 =	vmul.f32 v8, v12;
	[tilespmem:s8+$0xFFFFFF60] =	vst v3;
	v3 =	vld [tilespmem:s9+$0xFFFFFFB0]  }
0x16b: {  	s7 =	sshrl.u32 @p1 s7, $0x1;
	v1 =	vmul.f32 v1, v9;
	[tilespmem:s12+$0xF0] =	vst v6;
	v6 =	vunpack.i.l.bf16.f32 v4  }
0x16c: {  	s7 =	smul.u32 @p1 $0x3, s7;
	[tilespmem:s12+$0xE0] =	vst v8;
	v4 =	vunpack.i.u.bf16.f32 v4;
	v6 =	vmul.f32 v2, v6  }
0x16d: {  	[tilespmem:s8+$0xFFFFFF70] =	vst v1;
	v1 =	vunpack.i.l.bf16.f32 v11;
	v2 =	vmul.f32 v2, v4  }
0x16e: {  	s3 =	ssub.s32 @p1 s3, s7;
	v4 =	vunpack.i.u.bf16.f32 v11;
	v1 =	vmul.f32 v5, v1;
	[tilespmem:s12+$0xFFFFFFE0] =	vst v6  }
0x16f: {  	s3 =	smul.u32 @p1 $0x1200, s3;
	v4 =	vmul.f32 v5, v4;
	v6 =	vunpack.i.l.bf16.f32 v3;
	[tilespmem:s12+$0xFFFFFFF0] =	vst v2  }
0x170: {  	p2 =	sgt.u32 @p1 s25, $0x32;
	v2 =	vunpack.i.u.bf16.f32 v3;
	v3 =	vmul.f32 v7, v6;
	[tilespmem:s12+$0x60] =	vst v1  }
0x171: {  	p2 =	por p2, !p1;
	s3 =	sshrl.u32 @p1 s3, $0x2;
	v1 =	vmul.f32 v7, v2;
	[tilespmem:s12+$0x70] =	vst v4  }
0x172: {  	s7 =	sadd.s32 @!p2 $0x2, s25;
	s3 =	sadd.s32 @p1 $0x138C0, s3;
	[tilespmem:s12+$0xFFFFFF60] =	vst v3  }
0x173: {  	s10 =	smul.u32 @!p2 $0xAB, s7;
	s9 =	simm.s32 @p1 $0x15600;
	s8 =	simm.s32 @p1 $0x40;
	[tilespmem:s12+$0xFFFFFF70] =	vst v1  }
0x174: {  	[tilespmem:s9], [sflag:$0x2] =	stream.indirect.gather @p1 [hbm4b:s4+s8], $0x40, s3, s8, $0xb8;
	[tilespmem:$0x1E600] =	vst v63  }
0x175: {  	s3 =	sshrl.u32 @!p2 s10, $0x9  }
0x176: {  	s3 =	sand.u32 @!p2 $0x7F, s3  }
0x177: {  	s9 =	sadd.s32 @p1 $0x13A40, s26;
	s10 =	simm.s32 @p1 $0x1C600;
	s3 =	smul.u32 @!p2 $0x3, s3  }
0x178: {  	[spmem:s1] =	stream.indirect.scatter.add.f32 @p1 [tilespmem:s10], [sflag:$0x8], $0x80, s9, s8, $0xb8;
	[tilespmem:$0x1E600] =	vst v63  }
0x179: {  	s3 =	ssub.s32 @!p2 s7, s3  }
0x17a: {  	s7 =	smul.u32 @!p2 $0x480, s7;
	s3 =	sand.u32 @!p2 $0xFF, s3  }
0x17b: {  	s3 =	smul.u32 @!p2 $0x1200, s3  }
0x17c: {  	s7 =	sadd.s32 @!p2 s5, s7  }
0x17d: {  	s12 =	simm.s32 $0x3;
	s7 =	sshrl.u32 @!p2 s7, $0x3;
	s3 =	sshrl.u32 @!p2 s3, $0x2  }
0x17e: {  	s8 =	simm.s32 @!p2 $0x0;
	s7 =	sadd.s32 @!p2 s6, s7;
	s3 =	sadd.s32 @!p2 $0x13880, s3  }
0x17f: {  	[tilespmem:s3], [sflag:$0x9] =	stream.linear.gather @!p2 [hbm4b:s7+s8], $0x480, $0x38;
	[tilespmem:$0x1E600] =	vst v63  }
0x180: {  	v1 =	vmov s12;
	s9 =	simm.s32 @!p1 $0x1C600;
	s7 =	sadd.s32 @!p1 $0x13A40, s26;
	s8 =	simm.s32 @!p1 $0x40  }
0x181: {  	v2 =	vadd.s32 $0x380, v0;
	v1 =	vand.u32 $0x3F, v1;
	[spmem:s1] =	stream.indirect.scatter.add.f32 @!p1 [tilespmem:s9], [sflag:$0x8], $0x80, s7, s8, $0xb8;
	[tilespmem:$0x1E600] =	vst v63  }
0x182: {  	v1 =	vor.u32 v2, v1;
	_ =	swait.ge [sflag:s0], $0x1000  }
0x183: {  	v1 =	vbroadcast v1, $0x0;
	s9 =	simm.s32 $0x1;
	[sflag:s0] =	ssyncset.done $0x0  }
0x184: {  	v3 =	vmov s9;
	[sflag:s0] =	ssyncadd.s32 $0xFFFFF000  }
0x185: {  	s10 =	simm.s32 $0x2;
	v3 =	vand.u32 $0x3D, v3;
	_ =	swait.ge [sflag:s15], $0x2000  }
0x186: {  	v4 =	vmov s10;
	v3 =	vor.u32 v2, v3;
	[sflag:s15] =	ssyncset.done $0x0  }
0x187: {  	s11 =	simm.s32 $0x0;
	v4 =	vand.u32 $0x3E, v4;
	s8 =	simm.s32 $0x16680;
	v3 =	vbroadcast v3, $0x0;
	[sflag:s15] =	ssyncadd.s32 $0xFFFFE000  }
0x188: {  	v5 =	vmov s11;
	v4 =	vor.u32 v2, v4;
	v6 =	vld [tilespmem:s8+$0x40]  }
0x189: {  	v5 =	vand.u32 $0x3C, v5;
	v4 =	vbroadcast v4, $0x0;
	v9 =	vld.idx.msk [tilespmem:v1+s13+$0x0], $0xffff  }
0x18a: {  	v1 =	vor.u32 v2, v5  }
0x18b: {  	v1 =	vbroadcast v1, $0x0  }
0x18c: {  	v5 =	vld [tilespmem:s8+$0xFFFFFFC0]  }
0x18d: {  	v7 =	vld.idx.msk [tilespmem:v3+s13+$0x0], $0xffff;
	v3 =	vunpack.i.l.bf16.f32 v6  }
0x18e: {  	v10 =	vld [tilespmem:s8+$0x0];
	v6 =	vunpack.i.u.bf16.f32 v6;
	v3 =	vmul.f32 v9, v3  }
0x18f: {  	s3 =	simm.s32 $0x1A700;
	v8 =	vld.idx.msk [tilespmem:v4+s13+$0x0], $0xffff;
	v4 =	vmul.f32 v9, v6  }
0x190: {  	v11 =	vld [tilespmem:s8+$0xFFFFFF80];
	[tilespmem:s3+$0x80] =	vst v3  }
0x191: {  	v6 =	vld.idx.msk [tilespmem:v1+s13+$0x0], $0xffff;
	v1 =	vunpack.i.l.bf16.f32 v5;
	[tilespmem:s3+$0x90] =	vst v4  }
0x192: {  	v3 =	vunpack.i.u.bf16.f32 v5;
	v1 =	vmul.f32 v7, v1;
	v4 =	vld [tilespmem:s8+$0x50]  }
0x193: {  	v5 =	vunpack.i.l.bf16.f32 v10;
	v3 =	vmul.f32 v7, v3  }
0x194: {  	v10 =	vunpack.i.u.bf16.f32 v10;
	v5 =	vmul.f32 v8, v5;
	[tilespmem:s3+$0xFFFFFF80] =	vst v1  }
0x195: {  	v10 =	vmul.f32 v8, v10;
	v1 =	vunpack.i.l.bf16.f32 v11;
	[tilespmem:s3+$0xFFFFFF90] =	vst v3  }
0x196: {  	v3 =	vunpack.i.u.bf16.f32 v11;
	[tilespmem:s3+$0x0] =	vst v5;
	v1 =	vmul.f32 v6, v1;
	v11 =	vld [tilespmem:s8+$0xFFFFFFD0]  }
0x197: {  	[tilespmem:s3+$0x10] =	vst v10;
	v3 =	vmul.f32 v6, v3;
	v5 =	vunpack.i.l.bf16.f32 v4  }
0x198: {  	s12 =	simm.s32 $0x4;
	[tilespmem:s3+$0xFFFFFF00] =	vst v1;
	v1 =	vld [tilespmem:s8+$0x10];
	v4 =	vunpack.i.u.bf16.f32 v4;
	v5 =	vmul.f32 v9, v5  }
0x199: {  	s9 =	simm.s32 $0x5;
	v10 =	vmov s12;
	[tilespmem:s3+$0xFFFFFF10] =	vst v3;
	v3 =	vmul.f32 v9, v4  }
0x19a: {  	v4 =	vand.u32 $0x3C, v10;
	v10 =	vmov s9;
	v12 =	vld [tilespmem:s8+$0xFFFFFF90];
	[tilespmem:s3+$0xA0] =	vst v5  }
0x19b: {  	v4 =	vor.u32 v2, v4;
	v5 =	vand.u32 $0x3D, v10;
	v10 =	vunpack.i.l.bf16.f32 v11;
	[tilespmem:s3+$0xB0] =	vst v3  }
0x19c: {  	v3 =	vbroadcast v4, $0x0;
	v4 =	vunpack.i.u.bf16.f32 v11;
	v10 =	vmul.f32 v7, v10;
	v11 =	vld [tilespmem:s8+$0x60]  }
0x19d: {  	v5 =	vor.u32 v2, v5;
	v4 =	vmul.f32 v7, v4;
	v13 =	vunpack.i.l.bf16.f32 v1  }
0x19e: {  	s10 =	simm.s32 $0x7;
	v5 =	vbroadcast v5, $0x0;
	v1 =	vunpack.i.u.bf16.f32 v1;
	[tilespmem:s3+$0xFFFFFFA0] =	vst v10;
	v10 =	vmul.f32 v8, v13  }
0x19f: {  	v1 =	vmul.f32 v8, v1;
	v13 =	vunpack.i.l.bf16.f32 v12;
	[tilespmem:s3+$0xFFFFFFB0] =	vst v4;
	v4 =	vmov s10  }
0x1a0: {  	v12 =	vunpack.i.u.bf16.f32 v12;
	v13 =	vmul.f32 v6, v13;
	v14 =	vld [tilespmem:s8+$0xFFFFFFE0];
	v4 =	vand.u32 $0x3F, v4;
	[tilespmem:s3+$0x20] =	vst v10  }
0x1a1: {  	v10 =	vmul.f32 v6, v12;
	[tilespmem:s3+$0x30] =	vst v1;
	v1 =	vor.u32 v2, v4;
	v4 =	vunpack.i.l.bf16.f32 v11  }
0x1a2: {  	[tilespmem:s3+$0xFFFFFF20] =	vst v13;
	v12 =	vld [tilespmem:s8+$0x20];
	v13 =	vbroadcast v1, $0x0;
	v11 =	vunpack.i.u.bf16.f32 v11;
	v4 =	vmul.f32 v9, v4  }
0x1a3: {  	s11 =	simm.s32 $0x6;
	v1 =	vld.idx.msk [tilespmem:v3+s13+$0x0], $0xffff;
	[tilespmem:s3+$0xFFFFFF30] =	vst v10;
	v3 =	vmul.f32 v9, v11  }
0x1a4: {  	v10 =	vmov s11;
	v11 =	vld [tilespmem:s8+$0xFFFFFFA0];
	[tilespmem:s3+$0xC0] =	vst v4  }
0x1a5: {  	v10 =	vand.u32 $0x3E, v10;
	v4 =	vld.idx.msk [tilespmem:v5+s13+$0x0], $0xffff;
	v5 =	vunpack.i.l.bf16.f32 v14;
	[tilespmem:s3+$0xD0] =	vst v3  }
0x1a6: {  	s9 =	simm.s32 $0x16780;
	v3 =	vor.u32 v2, v10;
	v10 =	vunpack.i.u.bf16.f32 v14;
	v5 =	vmul.f32 v7, v5;
	v14 =	vld [tilespmem:s8+$0x70]  }
0x1a7: {  	v16 =	vld [tilespmem:s9+$0x40];
	v10 =	vmul.f32 v7, v10;
	v15 =	vunpack.i.l.bf16.f32 v12  }
0x1a8: {  	v3 =	vbroadcast v3, $0x0;
	v12 =	vunpack.i.u.bf16.f32 v12;
	[tilespmem:s3+$0xFFFFFFC0] =	vst v5;
	v15 =	vmul.f32 v8, v15;
	v5 =	vld.idx.msk [tilespmem:v13+s13+$0x0], $0xffff  }
0x1a9: {  	v12 =	vmul.f32 v8, v12;
	[tilespmem:s3+$0xFFFFFFD0] =	vst v10;
	v13 =	vunpack.i.l.bf16.f32 v11  }
0x1aa: {  	v10 =	vld [tilespmem:s9+$0xFFFFFF80];
	v11 =	vunpack.i.u.bf16.f32 v11;
	v13 =	vmul.f32 v6, v13;
	[tilespmem:s3+$0x40] =	vst v15  }
0x1ab: {  	v15 =	vld [tilespmem:s9+$0xFFFFFFC0];
	v11 =	vmul.f32 v6, v11;
	[tilespmem:s3+$0x50] =	vst v12;
	v17 =	vunpack.i.u.bf16.f32 v14  }
0x1ac: {  	v18 =	vunpack.i.l.bf16.f32 v16;
	v12 =	vld [tilespmem:s9+$0x0];
	[tilespmem:s3+$0xFFFFFF40] =	vst v13;
	v17 =	vmul.f32 v9, v17  }
0x1ad: {  	s12 =	simm.s32 $0x8;
	v13 =	vunpack.i.l.bf16.f32 v14;
	v14 =	vld [tilespmem:s8+$0xFFFFFFF0];
	[tilespmem:s3+$0xFFFFFF50] =	vst v11;
	v11 =	vunpack.i.u.bf16.f32 v16;
	v16 =	vmul.f32 v5, v18  }
0x1ae: {  	v19 =	vmov s12;
	s10 =	simm.s32 $0x1A900;
	v3 =	vld.idx.msk [tilespmem:v3+s13+$0x0], $0xffff;
	v11 =	vmul.f32 v5, v11;
	[tilespmem:s3+$0xF0] =	vst v17  }
0x1af: {  	v9 =	vmul.f32 v9, v13;
	v13 =	vand.u32 $0x3C, v19;
	v18 =	vld [tilespmem:s8+$0x30];
	v17 =	vunpack.i.u.bf16.f32 v10;
	[tilespmem:s10+$0x80] =	vst v16  }
0x1b0: {  	v19 =	vld [tilespmem:s8+$0xFFFFFFB0];
	s8 =	simm.s32 $0x9;
	v10 =	vunpack.i.l.bf16.f32 v10;
	v20 =	vunpack.i.l.bf16.f32 v15;
	[tilespmem:s10+$0x90] =	vst v11;
	v17 =	vmul.f32 v1, v17  }
0x1b1: {  	v22 =	vmov s8;
	v15 =	vunpack.i.u.bf16.f32 v15;
	[tilespmem:s3+$0xE0] =	vst v9;
	v20 =	vmul.f32 v4, v20  }
0x1b2: {  	v13 =	vor.u32 v2, v13;
	v9 =	vunpack.i.l.bf16.f32 v12;
	v11 =	vmul.f32 v4, v15;
	v15 =	vld [tilespmem:s9+$0x50];
	[tilespmem:s10+$0xFFFFFF10] =	vst v17  }
0x1b3: {  	v16 =	vunpack.i.u.bf16.f32 v12;
	v10 =	vmul.f32 v1, v10;
	v9 =	vmul.f32 v3, v9;
	[tilespmem:s10+$0xFFFFFF80] =	vst v20  }
0x1b4: {  	s11 =	simm.s32 $0xA;
	v12 =	vunpack.i.u.bf16.f32 v14;
	v16 =	vmul.f32 v3, v16;
	v14 =	vunpack.i.l.bf16.f32 v14;
	[tilespmem:s10+$0xFFFFFF90] =	vst v11  }
0x1b5: {  	v17 =	vmov s11;
	v20 =	vunpack.i.u.bf16.f32 v18;
	v11 =	vunpack.i.u.bf16.f32 v19;
	v21 =	vld [tilespmem:s9+$0xFFFFFFD0];
	[tilespmem:s10+$0x0] =	vst v9  }
0x1b6: {  	v19 =	vunpack.i.l.bf16.f32 v19;
	v18 =	vunpack.i.l.bf16.f32 v18;
	v14 =	vmul.f32 v7, v14;
	[tilespmem:s10+$0x10] =	vst v16  }
0x1b7: {  	[tilespmem:s10+$0xFFFFFF00] =	vst v10;
	v12 =	vmul.f32 v7, v12;
	v9 =	vmul.f32 v8, v18;
	v16 =	vld [tilespmem:s9+$0x10];
	v10 =	vunpack.i.l.bf16.f32 v15  }
0x1b8: {  	v7 =	vmul.f32 v6, v19;
	[tilespmem:s3+$0xFFFFFFE0] =	vst v14;
	v15 =	vunpack.i.u.bf16.f32 v15;
	v10 =	vmul.f32 v5, v10  }
0x1b9: {  	v6 =	vmul.f32 v6, v11;
	v18 =	vld [tilespmem:s9+$0xFFFFFF90];
	v14 =	vand.u32 $0x3D, v22;
	[tilespmem:s3+$0xFFFFFFF0] =	vst v12;
	v11 =	vmul.f32 v5, v15  }
0x1ba: {  	v17 =	vand.u32 $0x3E, v17;
	v12 =	vor.u32 v2, v14;
	v15 =	vunpack.i.l.bf16.f32 v21;
	[tilespmem:s10+$0xA0] =	vst v10  }
0x1bb: {  	v19 =	vunpack.i.u.bf16.f32 v21;
	[tilespmem:s10+$0xB0] =	vst v11;
	v10 =	vbroadcast v13, $0x0;
	v15 =	vmul.f32 v4, v15  }
0x1bc: {  	v19 =	vmul.f32 v4, v19;
	v11 =	vunpack.i.l.bf16.f32 v16;
	v13 =	vld [tilespmem:s9+$0x60];
	v14 =	vunpack.i.u.bf16.f32 v16  }
0x1bd: {  	s12 =	simm.s32 $0xB;
	v16 =	vmul.f32 v3, v14;
	v14 =	vor.u32 v2, v17;
	[tilespmem:s10+$0xFFFFFFA0] =	vst v15;
	v15 =	vmul.f32 v3, v11  }
0x1be: {  	v17 =	vmov s12;
	v11 =	vbroadcast v12, $0x0;
	v12 =	vunpack.i.l.bf16.f32 v18;
	[tilespmem:s10+$0xFFFFFFB0] =	vst v19  }
0x1bf: {  	v19 =	vmul.f32 v1, v12;
	v12 =	vbroadcast v14, $0x0;
	v14 =	vld [tilespmem:s9+$0xFFFFFFE0];
	[tilespmem:s10+$0x20] =	vst v15;
	v15 =	vunpack.i.u.bf16.f32 v18  }
0x1c0: {  	v17 =	vand.u32 $0x3F, v17;
	[tilespmem:s10+$0x30] =	vst v16;
	v16 =	vmul.f32 v1, v15  }
0x1c1: {  	s8 =	simm.s32 $0x1A900;
	s11 =	simm.s32 $0x16780;
	v8 =	vmul.f32 v8, v20;
	s12 =	simm.s32 $0xC;
	v17 =	vor.u32 v2, v17;
	[tilespmem:s10+$0xFFFFFF20] =	vst v19;
	v15 =	vld [tilespmem:s9+$0x20];
	v18 =	vunpack.i.l.bf16.f32 v13  }
.LBB2_7:
0x1c2: {  	p1 =	slt.u32 s12, $0x3C;
	v10 =	vld.idx.msk [tilespmem:v10+s13+$0x0], $0xffff;
	v17 =	vbroadcast v17, $0x0;
	[tilespmem:s10+$0xFFFFFF30] =	vst v16;
	v13 =	vunpack.i.u.bf16.f32 v13;
	v16 =	vmul.f32 v5, v18  }
0x1c3: {  	v18 =	vld [tilespmem:s9+$0xFFFFFFA0];
	v13 =	vmul.f32 v5, v13;
	[tilespmem:s3+$0x60] =	vst v9  }
0x1c4: {  	v9 =	vld.idx.msk [tilespmem:v11+s13+$0x0], $0xffff;
	v11 =	vunpack.i.u.bf16.f32 v14;
	v14 =	vunpack.i.l.bf16.f32 v14;
	[tilespmem:s10+$0xC0] =	vst v16  }
0x1c5: {  	v12 =	vld.idx.msk [tilespmem:v12+s13+$0x0], $0xffff;
	v14 =	vmul.f32 v4, v14;
	v11 =	vmul.f32 v4, v11;
	[tilespmem:s10+$0xD0] =	vst v13  }
0x1c6: {  	s9 =	sadd.s32 $0x100, s9;
	v13 =	vunpack.i.u.bf16.f32 v15;
	v15 =	vunpack.i.l.bf16.f32 v15;
	v16 =	vld [tilespmem:s11+$0x70];
	[tilespmem:s3+$0x70] =	vst v8  }
0x1c7: {  	v8 =	vld [tilespmem:s9+$0x40];
	[tilespmem:s10+$0xFFFFFFC0] =	vst v14;
	v14 =	vmul.f32 v3, v15;
	v13 =	vmul.f32 v3, v13  }
0x1c8: {  	v15 =	vld.idx.msk [tilespmem:v17+s13+$0x0], $0xffff;
	v17 =	vunpack.i.u.bf16.f32 v18;
	v18 =	vunpack.i.l.bf16.f32 v18;
	[tilespmem:s10+$0xFFFFFFD0] =	vst v11  }
0x1c9: {  	v11 =	vld [tilespmem:s9+$0xFFFFFF80];
	v18 =	vmul.f32 v1, v18;
	v17 =	vmul.f32 v1, v17;
	[tilespmem:s10+$0x40] =	vst v14  }
0x1ca: {  	v14 =	vld [tilespmem:s9+$0xFFFFFFC0];
	[tilespmem:s10+$0x50] =	vst v13  }
0x1cb: {  	v13 =	vld [tilespmem:s9+$0x0];
	[tilespmem:s10+$0xFFFFFF40] =	vst v18;
	v18 =	vunpack.i.u.bf16.f32 v16;
	v16 =	vunpack.i.l.bf16.f32 v16  }
0x1cc: {  	v19 =	vmov s12;
	[tilespmem:s10+$0xFFFFFF50] =	vst v17;
	v17 =	vld [tilespmem:s11+$0xFFFFFFF0];
	v16 =	vmul.f32 v5, v16;
	v22 =	vmul.f32 v5, v18  }
0x1cd: {  	v18 =	vand.u32 $0x3C, v19;
	v19 =	vunpack.i.l.bf16.f32 v8;
	v20 =	vld [tilespmem:s11+$0x30];
	[tilespmem:s3+$0xFFFFFF60] =	vst v7  }
0x1ce: {  	v8 =	vunpack.i.u.bf16.f32 v8;
	v19 =	vmul.f32 v15, v19;
	v5 =	vmovc v15;
	v7 =	vunpack.i.u.bf16.f32 v11;
	v21 =	vld [tilespmem:s11+$0xFFFFFFB0];
	[tilespmem:s10+$0xF0] =	vst v22;
	s11 =	smov.u32 s9  }
0x1cf: {  	v11 =	vunpack.i.l.bf16.f32 v11;
	v8 =	vmul.f32 v5, v8;
	s10 =	sadd.s32 $0x200, s10;
	v15 =	vunpack.i.u.bf16.f32 v14;
	[tilespmem:s8+$0xE0] =	vst v16  }
0x1d0: {  	v14 =	vunpack.i.l.bf16.f32 v14;
	v16 =	vunpack.i.u.bf16.f32 v13;
	v13 =	vunpack.i.l.bf16.f32 v13;
	[tilespmem:s10+$0x80] =	vst v19  }
0x1d1: {  	v14 =	vmul.f32 v9, v14;
	v15 =	vmul.f32 v9, v15;
	[tilespmem:s10+$0x90] =	vst v8;
	v8 =	vunpack.i.u.bf16.f32 v17  }
0x1d2: {  	v13 =	vmul.f32 v12, v13;
	v16 =	vmul.f32 v12, v16;
	v17 =	vunpack.i.l.bf16.f32 v17;
	v19 =	vld [tilespmem:s9+$0x50];
	[tilespmem:s3+$0xFFFFFF70] =	vst v6;
	s3 =	smov.u32 s8;
	s8 =	smov.u32 s10  }
0x1d3: {  	v6 =	vmul.f32 v10, v11;
	v11 =	vmul.f32 v10, v7;
	v7 =	vunpack.i.u.bf16.f32 v20;
	[tilespmem:s10+$0xFFFFFF80] =	vst v14  }
0x1d4: {  	s7 =	sadd.s32 $0x1, s12;
	v20 =	vunpack.i.l.bf16.f32 v20;
	v14 =	vunpack.i.u.bf16.f32 v21;
	[tilespmem:s10+$0xFFFFFF90] =	vst v15;
	v15 =	vunpack.i.l.bf16.f32 v21  }
0x1d5: {  	v21 =	vmov s7;
	s7 =	sadd.s32 $0x2, s12;
	v22 =	vld [tilespmem:s9+$0xFFFFFFD0];
	[tilespmem:s10+$0x0] =	vst v13;
	v13 =	vmul.f32 v4, v17;
	v17 =	vmul.f32 v4, v8;
	v4 =	vmovc v9  }
0x1d6: {  	v23 =	vmov s7;
	v9 =	vmul.f32 v3, v20;
	v8 =	vmul.f32 v3, v7;
	v3 =	vmovc v12;
	[tilespmem:s10+$0x10] =	vst v16  }
0x1d7: {  	v7 =	vmul.f32 v1, v15;
	[tilespmem:s10+$0xFFFFFF00] =	vst v6;
	v12 =	vld [tilespmem:s9+$0x10];
	v16 =	vunpack.i.l.bf16.f32 v19;
	v6 =	vmul.f32 v1, v14;
	v1 =	vmovc v10  }
0x1d8: {  	v10 =	vor.u32 v2, v18;
	[tilespmem:s10+$0xFFFFFF10] =	vst v11;
	v11 =	vunpack.i.u.bf16.f32 v19;
	v14 =	vmul.f32 v5, v16  }
0x1d9: {  	v15 =	vand.u32 $0x3D, v21;
	v16 =	vand.u32 $0x3E, v23;
	v18 =	vld [tilespmem:s9+$0xFFFFFF90];
	v11 =	vmul.f32 v5, v11;
	[tilespmem:s3+$0xFFFFFFE0] =	vst v13  }
0x1da: {  	v10 =	vbroadcast v10, $0x0;
	v13 =	vunpack.i.u.bf16.f32 v22;
	v19 =	vunpack.i.l.bf16.f32 v22;
	[tilespmem:s10+$0xA0] =	vst v14  }
0x1db: {  	v14 =	vor.u32 v2, v15;
	v15 =	vmul.f32 v4, v19;
	v19 =	vmul.f32 v4, v13;
	[tilespmem:s10+$0xB0] =	vst v11  }
0x1dc: {  	v11 =	vbroadcast v14, $0x0;
	v14 =	vunpack.i.u.bf16.f32 v12;
	v12 =	vunpack.i.l.bf16.f32 v12;
	v13 =	vld [tilespmem:s9+$0x60];
	[tilespmem:s3+$0xFFFFFFF0] =	vst v17  }
.Ltmp4:
0x1dd: {  	v16 =	vor.u32 v2, v16;
	[tilespmem:s10+$0xFFFFFFA0] =	vst v15;
	v15 =	vmul.f32 v3, v12;
	v17 =	vmul.f32 v3, v14;
	(pc) =	sbr.rel @p1 .LBB2_7-.Ltmp4, $4  }
0x1de: {  	s7 =	sadd.s32 $0x3, s12;
	v12 =	vbroadcast v16, $0x0;
	v14 =	vunpack.i.u.bf16.f32 v18;
	v16 =	vunpack.i.l.bf16.f32 v18;
	[tilespmem:s10+$0xFFFFFFB0] =	vst v19  }
0x1df: {  	v18 =	vmov s7;
	v19 =	vmul.f32 v1, v16;
	v16 =	vmul.f32 v1, v14;
	v14 =	vld [tilespmem:s9+$0xFFFFFFE0];
	[tilespmem:s10+$0x20] =	vst v15  }
0x1e0: {  	v15 =	vand.u32 $0x3F, v18;
	[tilespmem:s10+$0x30] =	vst v17  }
0x1e1: {  	s12 =	sadd.s32 $0x4, s12;
	v17 =	vor.u32 v2, v15;
	[tilespmem:s10+$0xFFFFFF20] =	vst v19;
	v15 =	vld [tilespmem:s9+$0x20];
	v18 =	vunpack.i.l.bf16.f32 v13  }
0x1e2: {  	[tilespmem:s10+$0xFFFFFF30] =	vst v16;
	v2 =	vunpack.i.u.bf16.f32 v13;
	v13 =	vmul.f32 v5, v18  }
0x1e3: {  	v16 =	vbroadcast v17, $0x0;
	[tilespmem:s3+$0x60] =	vst v9;
	v17 =	vld [tilespmem:s9+$0xFFFFFFA0];
	v2 =	vmul.f32 v5, v2  }
0x1e4: {  	v9 =	vunpack.i.l.bf16.f32 v14;
	[tilespmem:s10+$0xC0] =	vst v13  }
0x1e5: {  	v13 =	vunpack.i.u.bf16.f32 v14;
	v9 =	vmul.f32 v4, v9;
	[tilespmem:s10+$0xD0] =	vst v2  }
0x1e6: {  	[tilespmem:s3+$0x70] =	vst v8;
	v2 =	vmul.f32 v4, v13;
	v13 =	vunpack.i.l.bf16.f32 v15;
	v14 =	vld [tilespmem:s11+$0x70]  }
0x1e7: {  	s7 =	sadd.s32 $0x100, s9;
	v8 =	vunpack.i.u.bf16.f32 v15;
	[tilespmem:s10+$0xFFFFFFC0] =	vst v9;
	v9 =	vmul.f32 v3, v13  }
0x1e8: {  	v13 =	vld [tilespmem:s7+$0x40];
	v8 =	vmul.f32 v3, v8;
	[tilespmem:s10+$0xFFFFFFD0] =	vst v2;
	v15 =	vunpack.i.l.bf16.f32 v17  }
0x1e9: {  	v16 =	vld.idx.msk [tilespmem:v16+s13+$0x0], $0xffff;
	v2 =	vunpack.i.u.bf16.f32 v17;
	v15 =	vmul.f32 v1, v15;
	[tilespmem:s10+$0x40] =	vst v9  }
0x1ea: {  	v9 =	vmul.f32 v1, v2;
	[tilespmem:s10+$0x50] =	vst v8  }
0x1eb: {  	v8 =	vld [tilespmem:s7+$0xFFFFFFC0];
	[tilespmem:s10+$0xFFFFFF40] =	vst v15;
	v15 =	vunpack.i.u.bf16.f32 v14  }
0x1ec: {  	v2 =	vld.idx.msk [tilespmem:v11+s13+$0x0], $0xffff;
	v11 =	vunpack.i.l.bf16.f32 v14;
	[tilespmem:s10+$0xFFFFFF50] =	vst v9;
	v9 =	vmul.f32 v5, v15  }
0x1ed: {  	[tilespmem:s3+$0xFFFFFF60] =	vst v7;
	v14 =	vld [tilespmem:s7+$0x0];
	v5 =	vmul.f32 v5, v11;
	v11 =	vunpack.i.l.bf16.f32 v13  }
0x1ee: {  	v7 =	vld.idx.msk [tilespmem:v12+s13+$0x0], $0xffff;
	v12 =	vunpack.i.u.bf16.f32 v13;
	v11 =	vmul.f32 v16, v11;
	[tilespmem:s10+$0xF0] =	vst v9  }
0x1ef: {  	s12 =	sadd.s32 $0x200, s10;
	v12 =	vmul.f32 v16, v12;
	v9 =	vld [tilespmem:s7+$0xFFFFFF80];
	[tilespmem:s8+$0xE0] =	vst v5  }
0x1f0: {  	v5 =	vld.idx.msk [tilespmem:v10+s13+$0x0], $0xffff;
	v10 =	vunpack.i.l.bf16.f32 v8;
	[tilespmem:s12+$0x80] =	vst v11  }
0x1f1: {  	v11 =	vld [tilespmem:s11+$0xFFFFFFF0];
	v8 =	vunpack.i.u.bf16.f32 v8;
	[tilespmem:s12+$0x90] =	vst v12;
	v10 =	vmul.f32 v2, v10  }
0x1f2: {  	[tilespmem:s3+$0xFFFFFF70] =	vst v6;
	v12 =	vunpack.i.l.bf16.f32 v14;
	v8 =	vmul.f32 v2, v8;
	v13 =	vld [tilespmem:s7+$0x50]  }
0x1f3: {  	v6 =	vunpack.i.u.bf16.f32 v14;
	v12 =	vmul.f32 v7, v12;
	[tilespmem:s12+$0xFFFFFF80] =	vst v10  }
0x1f4: {  	v6 =	vmul.f32 v7, v6;
	[tilespmem:s12+$0xFFFFFF90] =	vst v8;
	v10 =	vunpack.i.l.bf16.f32 v9  }
0x1f5: {  	v8 =	vunpack.i.u.bf16.f32 v9;
	[tilespmem:s12+$0x0] =	vst v12;
	v9 =	vmul.f32 v5, v10;
	v10 =	vld [tilespmem:s7+$0xFFFFFFD0]  }
0x1f6: {  	[tilespmem:s12+$0x10] =	vst v6;
	v12 =	vunpack.i.l.bf16.f32 v11;
	v8 =	vmul.f32 v5, v8  }
0x1f7: {  	v6 =	vmul.f32 v4, v12;
	v12 =	vunpack.i.l.bf16.f32 v13;
	[tilespmem:s12+$0xFFFFFF00] =	vst v9;
	v9 =	vld [tilespmem:s7+$0x10]  }
0x1f8: {  	[tilespmem:s12+$0xFFFFFF10] =	vst v8;
	v8 =	vunpack.i.u.bf16.f32 v13;
	v12 =	vmul.f32 v16, v12  }
0x1f9: {  	v11 =	vunpack.i.u.bf16.f32 v11;
	v13 =	vld [tilespmem:s7+$0xFFFFFF90];
	v8 =	vmul.f32 v16, v8;
	[tilespmem:s8+$0xFFFFFFE0] =	vst v6  }
0x1fa: {  	v4 =	vmul.f32 v4, v11;
	[tilespmem:s12+$0xA0] =	vst v12;
	v6 =	vunpack.i.l.bf16.f32 v10  }
0x1fb: {  	v11 =	vld [tilespmem:s11+$0x30];
	v10 =	vunpack.i.u.bf16.f32 v10;
	[tilespmem:s12+$0xB0] =	vst v8;
	v6 =	vmul.f32 v2, v6  }
0x1fc: {  	[tilespmem:s8+$0xFFFFFFF0] =	vst v4;
	v8 =	vmul.f32 v2, v10;
	v12 =	vld [tilespmem:s7+$0x60];
	v10 =	vunpack.i.l.bf16.f32 v9  }
0x1fd: {  	v4 =	vunpack.i.u.bf16.f32 v9;
	[tilespmem:s12+$0xFFFFFFA0] =	vst v6;
	v6 =	vmul.f32 v7, v10  }
0x1fe: {  	v4 =	vmul.f32 v7, v4;
	v9 =	vunpack.i.l.bf16.f32 v13;
	[tilespmem:s12+$0xFFFFFFB0] =	vst v8  }
0x1ff: {  	v8 =	vunpack.i.u.bf16.f32 v13;
	v9 =	vmul.f32 v5, v9;
	v10 =	vld [tilespmem:s7+$0xFFFFFFE0];
	[tilespmem:s12+$0x20] =	vst v6  }
0x200: {  	v8 =	vmul.f32 v5, v8;
	v6 =	vunpack.i.l.bf16.f32 v11;
	[tilespmem:s12+$0x30] =	vst v4  }
0x201: {  	v4 =	vmul.f32 v3, v6;
	[tilespmem:s12+$0xFFFFFF20] =	vst v9;
	v6 =	vld [tilespmem:s7+$0x20];
	v9 =	vunpack.i.l.bf16.f32 v12  }
0x202: {  	[tilespmem:s12+$0xFFFFFF30] =	vst v8;
	v8 =	vunpack.i.u.bf16.f32 v12;
	v9 =	vmul.f32 v16, v9  }
0x203: {  	v11 =	vunpack.i.u.bf16.f32 v11;
	v12 =	vld [tilespmem:s7+$0xFFFFFFA0];
	v8 =	vmul.f32 v16, v8;
	[tilespmem:s8+$0x60] =	vst v4  }
0x204: {  	v3 =	vmul.f32 v3, v11;
	v4 =	vunpack.i.l.bf16.f32 v10;
	[tilespmem:s12+$0xC0] =	vst v9  }
0x205: {  	v9 =	vld [tilespmem:s11+$0xFFFFFFB0];
	v10 =	vunpack.i.u.bf16.f32 v10;
	[tilespmem:s12+$0xD0] =	vst v8;
	v4 =	vmul.f32 v2, v4  }
0x206: {  	[tilespmem:s8+$0x70] =	vst v3;
	v8 =	vmul.f32 v2, v10;
	v11 =	vld [tilespmem:s7+$0x70];
	v10 =	vunpack.i.l.bf16.f32 v6  }
0x207: {  	v3 =	vunpack.i.u.bf16.f32 v6;
	[tilespmem:s12+$0xFFFFFFC0] =	vst v4;
	v4 =	vmul.f32 v7, v10  }
0x208: {  	v3 =	vmul.f32 v7, v3;
	v6 =	vunpack.i.l.bf16.f32 v12;
	[tilespmem:s12+$0xFFFFFFD0] =	vst v8  }
0x209: {  	v8 =	vunpack.i.u.bf16.f32 v12;
	v6 =	vmul.f32 v5, v6;
	[tilespmem:s12+$0x40] =	vst v4;
	v4 =	vld [tilespmem:s7+$0xFFFFFFF0]  }
0x20a: {  	v8 =	vmul.f32 v5, v8;
	v10 =	vunpack.i.l.bf16.f32 v9;
	[tilespmem:s12+$0x50] =	vst v3  }
0x20b: {  	v3 =	vmul.f32 v1, v10;
	[tilespmem:s12+$0xFFFFFF40] =	vst v6;
	v6 =	vunpack.i.u.bf16.f32 v11;
	v10 =	vld [tilespmem:s7+$0x30]  }
0x20c: {  	v11 =	vunpack.i.l.bf16.f32 v11;
	[tilespmem:s12+$0xFFFFFF50] =	vst v8;
	v6 =	vmul.f32 v16, v6  }
0x20d: {  	v8 =	vunpack.i.u.bf16.f32 v9;
	v9 =	vmul.f32 v16, v11;
	[tilespmem:s8+$0xFFFFFF60] =	vst v3;
	v3 =	vld [tilespmem:s7+$0xFFFFFFB0]  }
0x20e: {  	v1 =	vmul.f32 v1, v8;
	[tilespmem:s12+$0xF0] =	vst v6;
	v6 =	vunpack.i.l.bf16.f32 v4  }
0x20f: {  	[tilespmem:s12+$0xE0] =	vst v9;
	v4 =	vunpack.i.u.bf16.f32 v4;
	v6 =	vmul.f32 v2, v6  }
0x210: {  	[tilespmem:s8+$0xFFFFFF70] =	vst v1;
	v1 =	vunpack.i.l.bf16.f32 v10;
	v2 =	vmul.f32 v2, v4  }
0x211: {  	v4 =	vunpack.i.u.bf16.f32 v10;
	v1 =	vmul.f32 v7, v1;
	[tilespmem:s12+$0xFFFFFFE0] =	vst v6  }
0x212: {  	v4 =	vmul.f32 v7, v4;
	v6 =	vunpack.i.l.bf16.f32 v3;
	[tilespmem:s12+$0xFFFFFFF0] =	vst v2  }
0x213: {  	v2 =	vunpack.i.u.bf16.f32 v3;
	v3 =	vmul.f32 v5, v6;
	[tilespmem:s12+$0x60] =	vst v1  }
0x214: {  	v1 =	vmul.f32 v5, v2;
	[tilespmem:s12+$0x70] =	vst v4  }
0x215: {  	[tilespmem:s12+$0xFFFFFF60] =	vst v3  }
0x216: {  	s3 =	sadd.s32 @!p0 $0x13900, s2;
	s7 =	simm.s32 @!p0 $0x40;
	s8 =	simm.s32 @!p0 $0x16600;
	[tilespmem:s12+$0xFFFFFF70] =	vst v1  }
0x217: {  	[tilespmem:s8], [sflag:$0x3] =	stream.indirect.gather @!p0 [hbm4b:s4+s7], $0x40, s3, s7, $0xb8;
	[tilespmem:$0x1E600] =	vst v63  }
0x218: {  	s7 =	simm.s32 $0x3  }
0x219: {  	s8 =	sadd.s32 $0x13A80, s26;
	v1 =	vmov s7  }
0x21a: {  	v2 =	vadd.s32 $0x3C0, v0;
	[spmem:s1] =	stream.indirect.scatter.add.f32 [tilespmem:s30], [sflag:$0x7], $0x80, s8, s16, $0xb8;
	v1 =	vand.u32 $0x3F, v1;
	[tilespmem:$0x1E600] =	vst v63  }
0x21b: {  	_ =	swait.ge [sflag:s17], $0x1000;
	v1 =	vor.u32 v2, v1  }
0x21c: {  	s9 =	simm.s32 $0x1;
	[sflag:s17] =	ssyncset.done $0x0;
	v1 =	vbroadcast v1, $0x0  }
0x21d: {  	v3 =	vmov s9;
	[sflag:s17] =	ssyncadd.s32 $0xFFFFF000  }
0x21e: {  	s10 =	simm.s32 $0x2;
	v3 =	vand.u32 $0x3D, v3;
	_ =	swait.ge [sflag:s18], $0x2000  }
0x21f: {  	v4 =	vmov s10;
	v3 =	vor.u32 v2, v3;
	[sflag:s18] =	ssyncset.done $0x0  }
0x220: {  	s11 =	simm.s32 $0x0;
	v4 =	vand.u32 $0x3E, v4;
	s8 =	simm.s32 $0x17680;
	v3 =	vbroadcast v3, $0x0;
	[sflag:s18] =	ssyncadd.s32 $0xFFFFE000  }
0x221: {  	v5 =	vmov s11;
	v4 =	vor.u32 v2, v4;
	v6 =	vld [tilespmem:s8+$0x40]  }
0x222: {  	v5 =	vand.u32 $0x3C, v5;
	v4 =	vbroadcast v4, $0x0;
	v9 =	vld.idx.msk [tilespmem:v1+s13+$0x0], $0xffff  }
0x223: {  	v1 =	vor.u32 v2, v5  }
0x224: {  	v1 =	vbroadcast v1, $0x0  }
0x225: {  	v5 =	vld [tilespmem:s8+$0xFFFFFFC0]  }
0x226: {  	v7 =	vld.idx.msk [tilespmem:v3+s13+$0x0], $0xffff;
	v3 =	vunpack.i.l.bf16.f32 v6  }
0x227: {  	v10 =	vld [tilespmem:s8+$0x0];
	v6 =	vunpack.i.u.bf16.f32 v6;
	v3 =	vmul.f32 v9, v3  }
0x228: {  	s3 =	simm.s32 $0x1C700;
	v8 =	vld.idx.msk [tilespmem:v4+s13+$0x0], $0xffff;
	v4 =	vmul.f32 v9, v6  }
0x229: {  	v11 =	vld [tilespmem:s8+$0xFFFFFF80];
	[tilespmem:s3+$0x80] =	vst v3  }
0x22a: {  	v6 =	vld.idx.msk [tilespmem:v1+s13+$0x0], $0xffff;
	v1 =	vunpack.i.l.bf16.f32 v5;
	[tilespmem:s3+$0x90] =	vst v4  }
0x22b: {  	v3 =	vunpack.i.u.bf16.f32 v5;
	v1 =	vmul.f32 v7, v1;
	v4 =	vld [tilespmem:s8+$0x50]  }
0x22c: {  	v5 =	vunpack.i.l.bf16.f32 v10;
	v3 =	vmul.f32 v7, v3  }
0x22d: {  	v10 =	vunpack.i.u.bf16.f32 v10;
	v5 =	vmul.f32 v8, v5;
	[tilespmem:s3+$0xFFFFFF80] =	vst v1  }
0x22e: {  	v10 =	vmul.f32 v8, v10;
	v1 =	vunpack.i.l.bf16.f32 v11;
	[tilespmem:s3+$0xFFFFFF90] =	vst v3  }
0x22f: {  	v3 =	vunpack.i.u.bf16.f32 v11;
	[tilespmem:s3+$0x0] =	vst v5;
	v11 =	vld [tilespmem:s8+$0xFFFFFFD0];
	v1 =	vmul.f32 v6, v1  }
0x230: {  	[tilespmem:s3+$0x10] =	vst v10;
	v3 =	vmul.f32 v6, v3;
	v5 =	vunpack.i.l.bf16.f32 v4  }
0x231: {  	s12 =	simm.s32 $0x4;
	v4 =	vunpack.i.u.bf16.f32 v4;
	[tilespmem:s3+$0xFFFFFF00] =	vst v1;
	v1 =	vld [tilespmem:s8+$0x10];
	v5 =	vmul.f32 v9, v5  }
0x232: {  	s9 =	simm.s32 $0x5;
	v10 =	vmov s12;
	[tilespmem:s3+$0xFFFFFF10] =	vst v3;
	v3 =	vmul.f32 v9, v4  }
0x233: {  	v4 =	vand.u32 $0x3C, v10;
	v10 =	vmov s9;
	v12 =	vld [tilespmem:s8+$0xFFFFFF90];
	[tilespmem:s3+$0xA0] =	vst v5  }
0x234: {  	v4 =	vor.u32 v2, v4;
	v5 =	vand.u32 $0x3D, v10;
	v10 =	vunpack.i.l.bf16.f32 v11;
	[tilespmem:s3+$0xB0] =	vst v3  }
0x235: {  	v3 =	vbroadcast v4, $0x0;
	v4 =	vunpack.i.u.bf16.f32 v11;
	v10 =	vmul.f32 v7, v10;
	v11 =	vld [tilespmem:s8+$0x60]  }
0x236: {  	v5 =	vor.u32 v2, v5;
	v4 =	vmul.f32 v7, v4;
	v13 =	vunpack.i.l.bf16.f32 v1  }
0x237: {  	s10 =	simm.s32 $0x7;
	v5 =	vbroadcast v5, $0x0;
	v1 =	vunpack.i.u.bf16.f32 v1;
	[tilespmem:s3+$0xFFFFFFA0] =	vst v10;
	v10 =	vmul.f32 v8, v13  }
0x238: {  	[tilespmem:s3+$0xFFFFFFB0] =	vst v4;
	v4 =	vmov s10;
	v1 =	vmul.f32 v8, v1;
	v13 =	vunpack.i.l.bf16.f32 v12  }
0x239: {  	v12 =	vunpack.i.u.bf16.f32 v12;
	v14 =	vld [tilespmem:s8+$0xFFFFFFE0];
	v4 =	vand.u32 $0x3F, v4;
	v13 =	vmul.f32 v6, v13;
	[tilespmem:s3+$0x20] =	vst v10  }
0x23a: {  	v10 =	vmul.f32 v6, v12;
	[tilespmem:s3+$0x30] =	vst v1;
	v1 =	vor.u32 v2, v4;
	v4 =	vunpack.i.l.bf16.f32 v11  }
0x23b: {  	v11 =	vunpack.i.u.bf16.f32 v11;
	[tilespmem:s3+$0xFFFFFF20] =	vst v13;
	v12 =	vld [tilespmem:s8+$0x20];
	v13 =	vbroadcast v1, $0x0;
	v4 =	vmul.f32 v9, v4  }
0x23c: {  	s11 =	simm.s32 $0x6;
	v1 =	vld.idx.msk [tilespmem:v3+s13+$0x0], $0xffff;
	v3 =	vmul.f32 v9, v11;
	[tilespmem:s3+$0xFFFFFF30] =	vst v10  }
0x23d: {  	v10 =	vmov s11;
	v11 =	vld [tilespmem:s8+$0xFFFFFFA0];
	[tilespmem:s3+$0xC0] =	vst v4  }
0x23e: {  	v10 =	vand.u32 $0x3E, v10;
	v4 =	vld.idx.msk [tilespmem:v5+s13+$0x0], $0xffff;
	v5 =	vunpack.i.l.bf16.f32 v14;
	[tilespmem:s3+$0xD0] =	vst v3  }
0x23f: {  	s9 =	simm.s32 $0x17780;
	v3 =	vor.u32 v2, v10;
	v10 =	vunpack.i.u.bf16.f32 v14;
	v5 =	vmul.f32 v7, v5;
	v14 =	vld [tilespmem:s8+$0x70]  }
0x240: {  	v16 =	vld [tilespmem:s9+$0x40];
	v10 =	vmul.f32 v7, v10;
	v15 =	vunpack.i.l.bf16.f32 v12  }
0x241: {  	v3 =	vbroadcast v3, $0x0;
	v12 =	vunpack.i.u.bf16.f32 v12;
	[tilespmem:s3+$0xFFFFFFC0] =	vst v5;
	v15 =	vmul.f32 v8, v15;
	v5 =	vld.idx.msk [tilespmem:v13+s13+$0x0], $0xffff  }
0x242: {  	v12 =	vmul.f32 v8, v12;
	[tilespmem:s3+$0xFFFFFFD0] =	vst v10;
	v13 =	vunpack.i.l.bf16.f32 v11  }
0x243: {  	v10 =	vld [tilespmem:s9+$0xFFFFFF80];
	v11 =	vunpack.i.u.bf16.f32 v11;
	v13 =	vmul.f32 v6, v13;
	[tilespmem:s3+$0x40] =	vst v15  }
0x244: {  	v15 =	vld [tilespmem:s9+$0xFFFFFFC0];
	v11 =	vmul.f32 v6, v11;
	[tilespmem:s3+$0x50] =	vst v12;
	v17 =	vunpack.i.u.bf16.f32 v14  }
0x245: {  	v18 =	vunpack.i.l.bf16.f32 v16;
	v12 =	vld [tilespmem:s9+$0x0];
	v17 =	vmul.f32 v9, v17;
	[tilespmem:s3+$0xFFFFFF40] =	vst v13  }
0x246: {  	s12 =	simm.s32 $0x8;
	v13 =	vunpack.i.l.bf16.f32 v14;
	v14 =	vld [tilespmem:s8+$0xFFFFFFF0];
	[tilespmem:s3+$0xFFFFFF50] =	vst v11;
	v11 =	vunpack.i.u.bf16.f32 v16;
	v16 =	vmul.f32 v5, v18  }
0x247: {  	v19 =	vmov s12;
	s10 =	simm.s32 $0x1C900;
	v3 =	vld.idx.msk [tilespmem:v3+s13+$0x0], $0xffff;
	[tilespmem:s3+$0xF0] =	vst v17;
	v11 =	vmul.f32 v5, v11  }
0x248: {  	v9 =	vmul.f32 v9, v13;
	v13 =	vand.u32 $0x3C, v19;
	v18 =	vld [tilespmem:s8+$0x30];
	v17 =	vunpack.i.u.bf16.f32 v10;
	[tilespmem:s10+$0x80] =	vst v16  }
0x249: {  	v19 =	vld [tilespmem:s8+$0xFFFFFFB0];
	v10 =	vunpack.i.l.bf16.f32 v10;
	v17 =	vmul.f32 v1, v17;
	v20 =	vunpack.i.l.bf16.f32 v15;
	[tilespmem:s10+$0x90] =	vst v11  }
0x24a: {  	s8 =	simm.s32 $0x9;
	v10 =	vmul.f32 v1, v10;
	v15 =	vunpack.i.u.bf16.f32 v15;
	[tilespmem:s3+$0xE0] =	vst v9;
	v20 =	vmul.f32 v4, v20  }
0x24b: {  	v22 =	vmov s8;
	v9 =	vunpack.i.l.bf16.f32 v12;
	v11 =	vmul.f32 v4, v15;
	v15 =	vld [tilespmem:s9+$0x50];
	[tilespmem:s10+$0xFFFFFF10] =	vst v17  }
0x24c: {  	s11 =	simm.s32 $0xA;
	v13 =	vor.u32 v2, v13;
	v16 =	vunpack.i.u.bf16.f32 v12;
	v9 =	vmul.f32 v3, v9;
	[tilespmem:s10+$0xFFFFFF80] =	vst v20  }
0x24d: {  	v17 =	vmov s11;
	v12 =	vunpack.i.u.bf16.f32 v14;
	v16 =	vmul.f32 v3, v16;
	[tilespmem:s10+$0xFFFFFF90] =	vst v11  }
0x24e: {  	v14 =	vunpack.i.l.bf16.f32 v14;
	v20 =	vunpack.i.u.bf16.f32 v18;
	v11 =	vunpack.i.u.bf16.f32 v19;
	v21 =	vld [tilespmem:s9+$0xFFFFFFD0];
	[tilespmem:s10+$0x0] =	vst v9  }
0x24f: {  	v19 =	vunpack.i.l.bf16.f32 v19;
	v18 =	vunpack.i.l.bf16.f32 v18;
	v14 =	vmul.f32 v7, v14;
	[tilespmem:s10+$0x10] =	vst v16  }
0x250: {  	[tilespmem:s10+$0xFFFFFF00] =	vst v10;
	v12 =	vmul.f32 v7, v12;
	v9 =	vmul.f32 v8, v18;
	v16 =	vld [tilespmem:s9+$0x10];
	v10 =	vunpack.i.l.bf16.f32 v15  }
0x251: {  	v7 =	vmul.f32 v6, v19;
	[tilespmem:s3+$0xFFFFFFE0] =	vst v14;
	v15 =	vunpack.i.u.bf16.f32 v15;
	v10 =	vmul.f32 v5, v10  }
0x252: {  	v6 =	vmul.f32 v6, v11;
	v18 =	vld [tilespmem:s9+$0xFFFFFF90];
	v14 =	vand.u32 $0x3D, v22;
	[tilespmem:s3+$0xFFFFFFF0] =	vst v12;
	v11 =	vmul.f32 v5, v15  }
0x253: {  	v17 =	vand.u32 $0x3E, v17;
	v12 =	vor.u32 v2, v14;
	v15 =	vunpack.i.l.bf16.f32 v21;
	[tilespmem:s10+$0xA0] =	vst v10  }
0x254: {  	v19 =	vunpack.i.u.bf16.f32 v21;
	[tilespmem:s10+$0xB0] =	vst v11;
	v10 =	vbroadcast v13, $0x0;
	v15 =	vmul.f32 v4, v15  }
0x255: {  	v19 =	vmul.f32 v4, v19;
	v11 =	vunpack.i.l.bf16.f32 v16;
	v13 =	vld [tilespmem:s9+$0x60];
	v14 =	vunpack.i.u.bf16.f32 v16  }
0x256: {  	s12 =	simm.s32 $0xB;
	v16 =	vmul.f32 v3, v14;
	v14 =	vor.u32 v2, v17;
	[tilespmem:s10+$0xFFFFFFA0] =	vst v15;
	v15 =	vmul.f32 v3, v11  }
0x257: {  	v17 =	vmov s12;
	v11 =	vbroadcast v12, $0x0;
	v12 =	vunpack.i.l.bf16.f32 v18;
	[tilespmem:s10+$0xFFFFFFB0] =	vst v19  }
0x258: {  	v19 =	vmul.f32 v1, v12;
	v12 =	vbroadcast v14, $0x0;
	v14 =	vld [tilespmem:s9+$0xFFFFFFE0];
	[tilespmem:s10+$0x20] =	vst v15;
	v15 =	vunpack.i.u.bf16.f32 v18  }
0x259: {  	v17 =	vand.u32 $0x3F, v17;
	[tilespmem:s10+$0x30] =	vst v16;
	v16 =	vmul.f32 v1, v15  }
0x25a: {  	s8 =	simm.s32 $0x1C900;
	s11 =	simm.s32 $0x17780;
	v8 =	vmul.f32 v8, v20;
	s12 =	simm.s32 $0xC;
	v17 =	vor.u32 v2, v17;
	[tilespmem:s10+$0xFFFFFF20] =	vst v19;
	v15 =	vld [tilespmem:s9+$0x20];
	v18 =	vunpack.i.l.bf16.f32 v13  }
.LBB2_9:
0x25b: {  	p1 =	slt.u32 s12, $0x3C;
	v10 =	vld.idx.msk [tilespmem:v10+s13+$0x0], $0xffff;
	v17 =	vbroadcast v17, $0x0;
	[tilespmem:s10+$0xFFFFFF30] =	vst v16;
	v13 =	vunpack.i.u.bf16.f32 v13;
	v16 =	vmul.f32 v5, v18  }
0x25c: {  	v18 =	vld [tilespmem:s9+$0xFFFFFFA0];
	v13 =	vmul.f32 v5, v13;
	[tilespmem:s3+$0x60] =	vst v9  }
0x25d: {  	v9 =	vld.idx.msk [tilespmem:v11+s13+$0x0], $0xffff;
	v11 =	vunpack.i.u.bf16.f32 v14;
	v14 =	vunpack.i.l.bf16.f32 v14;
	[tilespmem:s10+$0xC0] =	vst v16  }
0x25e: {  	v12 =	vld.idx.msk [tilespmem:v12+s13+$0x0], $0xffff;
	v14 =	vmul.f32 v4, v14;
	v11 =	vmul.f32 v4, v11;
	[tilespmem:s10+$0xD0] =	vst v13  }
0x25f: {  	s9 =	sadd.s32 $0x100, s9;
	v13 =	vunpack.i.u.bf16.f32 v15;
	v15 =	vunpack.i.l.bf16.f32 v15;
	v16 =	vld [tilespmem:s11+$0x70];
	[tilespmem:s3+$0x70] =	vst v8  }
0x260: {  	v8 =	vld [tilespmem:s9+$0x40];
	[tilespmem:s10+$0xFFFFFFC0] =	vst v14;
	v14 =	vmul.f32 v3, v15;
	v13 =	vmul.f32 v3, v13  }
0x261: {  	v15 =	vld.idx.msk [tilespmem:v17+s13+$0x0], $0xffff;
	v17 =	vunpack.i.u.bf16.f32 v18;
	v18 =	vunpack.i.l.bf16.f32 v18;
	[tilespmem:s10+$0xFFFFFFD0] =	vst v11  }
0x262: {  	v11 =	vld [tilespmem:s9+$0xFFFFFF80];
	v18 =	vmul.f32 v1, v18;
	v17 =	vmul.f32 v1, v17;
	[tilespmem:s10+$0x40] =	vst v14  }
0x263: {  	v14 =	vld [tilespmem:s9+$0xFFFFFFC0];
	[tilespmem:s10+$0x50] =	vst v13  }
0x264: {  	v13 =	vld [tilespmem:s9+$0x0];
	[tilespmem:s10+$0xFFFFFF40] =	vst v18;
	v18 =	vunpack.i.u.bf16.f32 v16;
	v16 =	vunpack.i.l.bf16.f32 v16  }
0x265: {  	v19 =	vmov s12;
	[tilespmem:s10+$0xFFFFFF50] =	vst v17;
	v17 =	vld [tilespmem:s11+$0xFFFFFFF0];
	v16 =	vmul.f32 v5, v16;
	v22 =	vmul.f32 v5, v18  }
0x266: {  	v18 =	vand.u32 $0x3C, v19;
	v19 =	vunpack.i.l.bf16.f32 v8;
	v20 =	vld [tilespmem:s11+$0x30];
	[tilespmem:s3+$0xFFFFFF60] =	vst v7  }
0x267: {  	v8 =	vunpack.i.u.bf16.f32 v8;
	v19 =	vmul.f32 v15, v19;
	v5 =	vmovc v15;
	v7 =	vunpack.i.u.bf16.f32 v11;
	v21 =	vld [tilespmem:s11+$0xFFFFFFB0];
	[tilespmem:s10+$0xF0] =	vst v22;
	s11 =	smov.u32 s9  }
0x268: {  	v11 =	vunpack.i.l.bf16.f32 v11;
	v8 =	vmul.f32 v5, v8;
	s10 =	sadd.s32 $0x200, s10;
	v15 =	vunpack.i.u.bf16.f32 v14;
	[tilespmem:s8+$0xE0] =	vst v16  }
0x269: {  	v14 =	vunpack.i.l.bf16.f32 v14;
	v16 =	vunpack.i.u.bf16.f32 v13;
	v13 =	vunpack.i.l.bf16.f32 v13;
	[tilespmem:s10+$0x80] =	vst v19  }
0x26a: {  	v14 =	vmul.f32 v9, v14;
	v15 =	vmul.f32 v9, v15;
	[tilespmem:s10+$0x90] =	vst v8;
	v8 =	vunpack.i.u.bf16.f32 v17  }
0x26b: {  	v13 =	vmul.f32 v12, v13;
	v16 =	vmul.f32 v12, v16;
	v17 =	vunpack.i.l.bf16.f32 v17;
	v19 =	vld [tilespmem:s9+$0x50];
	[tilespmem:s3+$0xFFFFFF70] =	vst v6;
	s3 =	smov.u32 s8;
	s8 =	smov.u32 s10  }
0x26c: {  	v6 =	vmul.f32 v10, v11;
	v11 =	vmul.f32 v10, v7;
	v7 =	vunpack.i.u.bf16.f32 v20;
	[tilespmem:s10+$0xFFFFFF80] =	vst v14  }
0x26d: {  	s7 =	sadd.s32 $0x1, s12;
	v20 =	vunpack.i.l.bf16.f32 v20;
	v14 =	vunpack.i.u.bf16.f32 v21;
	[tilespmem:s10+$0xFFFFFF90] =	vst v15;
	v15 =	vunpack.i.l.bf16.f32 v21  }
0x26e: {  	v21 =	vmov s7;
	s7 =	sadd.s32 $0x2, s12;
	v22 =	vld [tilespmem:s9+$0xFFFFFFD0];
	[tilespmem:s10+$0x0] =	vst v13;
	v13 =	vmul.f32 v4, v17;
	v17 =	vmul.f32 v4, v8;
	v4 =	vmovc v9  }
0x26f: {  	v23 =	vmov s7;
	v9 =	vmul.f32 v3, v20;
	v8 =	vmul.f32 v3, v7;
	v3 =	vmovc v12;
	[tilespmem:s10+$0x10] =	vst v16  }
0x270: {  	v7 =	vmul.f32 v1, v15;
	[tilespmem:s10+$0xFFFFFF00] =	vst v6;
	v12 =	vld [tilespmem:s9+$0x10];
	v16 =	vunpack.i.l.bf16.f32 v19;
	v6 =	vmul.f32 v1, v14;
	v1 =	vmovc v10  }
0x271: {  	v10 =	vor.u32 v2, v18;
	[tilespmem:s10+$0xFFFFFF10] =	vst v11;
	v11 =	vunpack.i.u.bf16.f32 v19;
	v14 =	vmul.f32 v5, v16  }
0x272: {  	v15 =	vand.u32 $0x3D, v21;
	v16 =	vand.u32 $0x3E, v23;
	v18 =	vld [tilespmem:s9+$0xFFFFFF90];
	v11 =	vmul.f32 v5, v11;
	[tilespmem:s3+$0xFFFFFFE0] =	vst v13  }
0x273: {  	v10 =	vbroadcast v10, $0x0;
	v13 =	vunpack.i.u.bf16.f32 v22;
	v19 =	vunpack.i.l.bf16.f32 v22;
	[tilespmem:s10+$0xA0] =	vst v14  }
0x274: {  	v14 =	vor.u32 v2, v15;
	v15 =	vmul.f32 v4, v19;
	v19 =	vmul.f32 v4, v13;
	[tilespmem:s10+$0xB0] =	vst v11  }
0x275: {  	v11 =	vbroadcast v14, $0x0;
	v14 =	vunpack.i.u.bf16.f32 v12;
	v12 =	vunpack.i.l.bf16.f32 v12;
	v13 =	vld [tilespmem:s9+$0x60];
	[tilespmem:s3+$0xFFFFFFF0] =	vst v17  }
.Ltmp5:
0x276: {  	v16 =	vor.u32 v2, v16;
	[tilespmem:s10+$0xFFFFFFA0] =	vst v15;
	v15 =	vmul.f32 v3, v12;
	v17 =	vmul.f32 v3, v14;
	(pc) =	sbr.rel @p1 .LBB2_9-.Ltmp5, $4  }
0x277: {  	s7 =	sadd.s32 $0x3, s12;
	v12 =	vbroadcast v16, $0x0;
	v14 =	vunpack.i.u.bf16.f32 v18;
	v16 =	vunpack.i.l.bf16.f32 v18;
	[tilespmem:s10+$0xFFFFFFB0] =	vst v19  }
0x278: {  	v18 =	vmov s7;
	v19 =	vmul.f32 v1, v16;
	v16 =	vmul.f32 v1, v14;
	v14 =	vld [tilespmem:s9+$0xFFFFFFE0];
	[tilespmem:s10+$0x20] =	vst v15  }
0x279: {  	v15 =	vand.u32 $0x3F, v18;
	[tilespmem:s10+$0x30] =	vst v17  }
0x27a: {  	s12 =	sadd.s32 $0x4, s12;
	v17 =	vor.u32 v2, v15;
	[tilespmem:s10+$0xFFFFFF20] =	vst v19;
	v15 =	vld [tilespmem:s9+$0x20];
	v18 =	vunpack.i.l.bf16.f32 v13  }
0x27b: {  	[tilespmem:s10+$0xFFFFFF30] =	vst v16;
	v2 =	vunpack.i.u.bf16.f32 v13;
	v13 =	vmul.f32 v5, v18  }
0x27c: {  	v16 =	vbroadcast v17, $0x0;
	[tilespmem:s3+$0x60] =	vst v9;
	v17 =	vld [tilespmem:s9+$0xFFFFFFA0];
	v2 =	vmul.f32 v5, v2  }
0x27d: {  	v9 =	vunpack.i.l.bf16.f32 v14;
	[tilespmem:s10+$0xC0] =	vst v13  }
0x27e: {  	v13 =	vunpack.i.u.bf16.f32 v14;
	v9 =	vmul.f32 v4, v9;
	[tilespmem:s10+$0xD0] =	vst v2  }
0x27f: {  	[tilespmem:s3+$0x70] =	vst v8;
	v2 =	vmul.f32 v4, v13;
	v13 =	vunpack.i.l.bf16.f32 v15;
	v14 =	vld [tilespmem:s11+$0x70]  }
0x280: {  	s7 =	sadd.s32 $0x100, s9;
	v8 =	vunpack.i.u.bf16.f32 v15;
	[tilespmem:s10+$0xFFFFFFC0] =	vst v9;
	v9 =	vmul.f32 v3, v13  }
0x281: {  	v13 =	vld [tilespmem:s7+$0x40];
	v8 =	vmul.f32 v3, v8;
	[tilespmem:s10+$0xFFFFFFD0] =	vst v2;
	v15 =	vunpack.i.l.bf16.f32 v17  }
0x282: {  	v16 =	vld.idx.msk [tilespmem:v16+s13+$0x0], $0xffff;
	v2 =	vunpack.i.u.bf16.f32 v17;
	v15 =	vmul.f32 v1, v15;
	[tilespmem:s10+$0x40] =	vst v9  }
0x283: {  	v9 =	vmul.f32 v1, v2;
	[tilespmem:s10+$0x50] =	vst v8  }
0x284: {  	v8 =	vld [tilespmem:s7+$0xFFFFFFC0];
	[tilespmem:s10+$0xFFFFFF40] =	vst v15;
	v15 =	vunpack.i.u.bf16.f32 v14  }
0x285: {  	v2 =	vld.idx.msk [tilespmem:v11+s13+$0x0], $0xffff;
	v11 =	vunpack.i.l.bf16.f32 v14;
	[tilespmem:s10+$0xFFFFFF50] =	vst v9;
	v9 =	vmul.f32 v5, v15  }
0x286: {  	[tilespmem:s3+$0xFFFFFF60] =	vst v7;
	v14 =	vld [tilespmem:s7+$0x0];
	v5 =	vmul.f32 v5, v11;
	v11 =	vunpack.i.l.bf16.f32 v13  }
0x287: {  	v7 =	vld.idx.msk [tilespmem:v12+s13+$0x0], $0xffff;
	v12 =	vunpack.i.u.bf16.f32 v13;
	v11 =	vmul.f32 v16, v11;
	[tilespmem:s10+$0xF0] =	vst v9  }
0x288: {  	s12 =	sadd.s32 $0x200, s10;
	v12 =	vmul.f32 v16, v12;
	v9 =	vld [tilespmem:s7+$0xFFFFFF80];
	[tilespmem:s8+$0xE0] =	vst v5  }
0x289: {  	v5 =	vld.idx.msk [tilespmem:v10+s13+$0x0], $0xffff;
	v10 =	vunpack.i.l.bf16.f32 v8;
	[tilespmem:s12+$0x80] =	vst v11  }
0x28a: {  	v11 =	vld [tilespmem:s11+$0xFFFFFFF0];
	v8 =	vunpack.i.u.bf16.f32 v8;
	[tilespmem:s12+$0x90] =	vst v12;
	v10 =	vmul.f32 v2, v10  }
0x28b: {  	[tilespmem:s3+$0xFFFFFF70] =	vst v6;
	v12 =	vunpack.i.l.bf16.f32 v14;
	v8 =	vmul.f32 v2, v8;
	v13 =	vld [tilespmem:s7+$0x50]  }
0x28c: {  	v6 =	vunpack.i.u.bf16.f32 v14;
	v12 =	vmul.f32 v7, v12;
	[tilespmem:s12+$0xFFFFFF80] =	vst v10  }
0x28d: {  	v6 =	vmul.f32 v7, v6;
	[tilespmem:s12+$0xFFFFFF90] =	vst v8;
	v10 =	vunpack.i.l.bf16.f32 v9  }
0x28e: {  	v8 =	vunpack.i.u.bf16.f32 v9;
	[tilespmem:s12+$0x0] =	vst v12;
	v9 =	vmul.f32 v5, v10;
	v10 =	vld [tilespmem:s7+$0xFFFFFFD0]  }
0x28f: {  	[tilespmem:s12+$0x10] =	vst v6;
	v12 =	vunpack.i.l.bf16.f32 v11;
	v8 =	vmul.f32 v5, v8  }
0x290: {  	v6 =	vmul.f32 v4, v12;
	v12 =	vunpack.i.l.bf16.f32 v13;
	[tilespmem:s12+$0xFFFFFF00] =	vst v9;
	v9 =	vld [tilespmem:s7+$0x10]  }
0x291: {  	[tilespmem:s12+$0xFFFFFF10] =	vst v8;
	v8 =	vunpack.i.u.bf16.f32 v13;
	v12 =	vmul.f32 v16, v12  }
0x292: {  	v11 =	vunpack.i.u.bf16.f32 v11;
	v13 =	vld [tilespmem:s7+$0xFFFFFF90];
	v8 =	vmul.f32 v16, v8;
	[tilespmem:s8+$0xFFFFFFE0] =	vst v6  }
0x293: {  	v4 =	vmul.f32 v4, v11;
	[tilespmem:s12+$0xA0] =	vst v12;
	v6 =	vunpack.i.l.bf16.f32 v10  }
0x294: {  	v11 =	vld [tilespmem:s11+$0x30];
	v10 =	vunpack.i.u.bf16.f32 v10;
	[tilespmem:s12+$0xB0] =	vst v8;
	v6 =	vmul.f32 v2, v6  }
0x295: {  	[tilespmem:s8+$0xFFFFFFF0] =	vst v4;
	v8 =	vmul.f32 v2, v10;
	v12 =	vld [tilespmem:s7+$0x60];
	v10 =	vunpack.i.l.bf16.f32 v9  }
0x296: {  	v4 =	vunpack.i.u.bf16.f32 v9;
	[tilespmem:s12+$0xFFFFFFA0] =	vst v6;
	v6 =	vmul.f32 v7, v10  }
0x297: {  	v4 =	vmul.f32 v7, v4;
	v9 =	vunpack.i.l.bf16.f32 v13;
	[tilespmem:s12+$0xFFFFFFB0] =	vst v8  }
0x298: {  	v8 =	vunpack.i.u.bf16.f32 v13;
	v9 =	vmul.f32 v5, v9;
	v10 =	vld [tilespmem:s7+$0xFFFFFFE0];
	[tilespmem:s12+$0x20] =	vst v6  }
0x299: {  	v8 =	vmul.f32 v5, v8;
	v6 =	vunpack.i.l.bf16.f32 v11;
	[tilespmem:s12+$0x30] =	vst v4  }
0x29a: {  	v4 =	vmul.f32 v3, v6;
	[tilespmem:s12+$0xFFFFFF20] =	vst v9;
	v6 =	vld [tilespmem:s7+$0x20];
	v9 =	vunpack.i.l.bf16.f32 v12  }
0x29b: {  	[tilespmem:s12+$0xFFFFFF30] =	vst v8;
	v8 =	vunpack.i.u.bf16.f32 v12;
	v9 =	vmul.f32 v16, v9  }
0x29c: {  	v11 =	vunpack.i.u.bf16.f32 v11;
	v12 =	vld [tilespmem:s7+$0xFFFFFFA0];
	v8 =	vmul.f32 v16, v8;
	[tilespmem:s8+$0x60] =	vst v4  }
0x29d: {  	v3 =	vmul.f32 v3, v11;
	v4 =	vunpack.i.l.bf16.f32 v10;
	[tilespmem:s12+$0xC0] =	vst v9  }
0x29e: {  	v9 =	vld [tilespmem:s11+$0xFFFFFFB0];
	v10 =	vunpack.i.u.bf16.f32 v10;
	[tilespmem:s12+$0xD0] =	vst v8;
	v4 =	vmul.f32 v2, v4  }
0x29f: {  	[tilespmem:s8+$0x70] =	vst v3;
	v8 =	vmul.f32 v2, v10;
	v11 =	vld [tilespmem:s7+$0x70];
	v10 =	vunpack.i.l.bf16.f32 v6  }
0x2a0: {  	v3 =	vunpack.i.u.bf16.f32 v6;
	[tilespmem:s12+$0xFFFFFFC0] =	vst v4;
	v4 =	vmul.f32 v7, v10  }
0x2a1: {  	v3 =	vmul.f32 v7, v3;
	v6 =	vunpack.i.l.bf16.f32 v12;
	[tilespmem:s12+$0xFFFFFFD0] =	vst v8  }
0x2a2: {  	v8 =	vunpack.i.u.bf16.f32 v12;
	v6 =	vmul.f32 v5, v6;
	[tilespmem:s12+$0x40] =	vst v4;
	v4 =	vld [tilespmem:s7+$0xFFFFFFF0]  }
0x2a3: {  	v8 =	vmul.f32 v5, v8;
	v10 =	vunpack.i.l.bf16.f32 v9;
	[tilespmem:s12+$0x50] =	vst v3  }
0x2a4: {  	v3 =	vmul.f32 v1, v10;
	[tilespmem:s12+$0xFFFFFF40] =	vst v6;
	v6 =	vunpack.i.u.bf16.f32 v11;
	v10 =	vld [tilespmem:s7+$0x30]  }
0x2a5: {  	v11 =	vunpack.i.l.bf16.f32 v11;
	[tilespmem:s12+$0xFFFFFF50] =	vst v8;
	v6 =	vmul.f32 v16, v6  }
0x2a6: {  	v8 =	vunpack.i.u.bf16.f32 v9;
	v9 =	vmul.f32 v16, v11;
	[tilespmem:s8+$0xFFFFFF60] =	vst v3;
	v3 =	vld [tilespmem:s7+$0xFFFFFFB0]  }
0x2a7: {  	v1 =	vmul.f32 v1, v8;
	[tilespmem:s12+$0xF0] =	vst v6;
	v6 =	vunpack.i.l.bf16.f32 v4  }
0x2a8: {  	[tilespmem:s12+$0xE0] =	vst v9;
	v4 =	vunpack.i.u.bf16.f32 v4;
	v6 =	vmul.f32 v2, v6  }
0x2a9: {  	[tilespmem:s8+$0xFFFFFF70] =	vst v1;
	v1 =	vunpack.i.l.bf16.f32 v10;
	v2 =	vmul.f32 v2, v4  }
0x2aa: {  	v4 =	vunpack.i.u.bf16.f32 v10;
	v1 =	vmul.f32 v7, v1;
	[tilespmem:s12+$0xFFFFFFE0] =	vst v6  }
0x2ab: {  	v4 =	vmul.f32 v7, v4;
	v6 =	vunpack.i.l.bf16.f32 v3;
	[tilespmem:s12+$0xFFFFFFF0] =	vst v2  }
0x2ac: {  	v2 =	vunpack.i.u.bf16.f32 v3;
	v3 =	vmul.f32 v5, v6;
	[tilespmem:s12+$0x60] =	vst v1  }
0x2ad: {  	v1 =	vmul.f32 v5, v2;
	[tilespmem:s12+$0x70] =	vst v4  }
0x2ae: {  	[tilespmem:s12+$0xFFFFFF60] =	vst v3  }
0x2af: {  	s3 =	sadd.s32 @!p0 $0x13940, s2;
	s7 =	simm.s32 @!p0 $0x40;
	s8 =	simm.s32 @!p0 $0x17600;
	[tilespmem:s12+$0xFFFFFF70] =	vst v1  }
0x2b0: {  	[tilespmem:s8], [sflag:$0x4] =	stream.indirect.gather @!p0 [hbm4b:s4+s7], $0x40, s3, s7, $0xb8;
	[tilespmem:$0x1E600] =	vst v63  }
0x2b1: {  	s7 =	simm.s32 $0x3  }
0x2b2: {  	s8 =	sadd.s32 $0x13AC0, s26;
	v1 =	vmov s7  }
0x2b3: {  	v2 =	vadd.s32 $0x400, v0;
	[spmem:s1] =	stream.indirect.scatter.add.f32 [tilespmem:s19], [sflag:$0x8], $0x80, s8, s16, $0xb8;
	v1 =	vand.u32 $0x3F, v1;
	[tilespmem:$0x1E600] =	vst v63  }
0x2b4: {  	_ =	swait.ge [sflag:s20], $0x1000;
	v1 =	vor.u32 v2, v1  }
0x2b5: {  	s9 =	simm.s32 $0x1;
	[sflag:s20] =	ssyncset.done $0x0;
	v1 =	vbroadcast v1, $0x0  }
0x2b6: {  	v3 =	vmov s9;
	[sflag:s20] =	ssyncadd.s32 $0xFFFFF000  }
0x2b7: {  	s10 =	simm.s32 $0x2;
	v3 =	vand.u32 $0x3D, v3;
	_ =	swait.ge [sflag:s15], $0x2000  }
0x2b8: {  	v4 =	vmov s10;
	v3 =	vor.u32 v2, v3;
	[sflag:s15] =	ssyncset.done $0x0  }
0x2b9: {  	s11 =	simm.s32 $0x0;
	v4 =	vand.u32 $0x3E, v4;
	s8 =	simm.s32 $0x18680;
	v3 =	vbroadcast v3, $0x0;
	[sflag:s15] =	ssyncadd.s32 $0xFFFFE000  }
0x2ba: {  	v5 =	vmov s11;
	v4 =	vor.u32 v2, v4;
	v6 =	vld [tilespmem:s8+$0x40]  }
0x2bb: {  	v5 =	vand.u32 $0x3C, v5;
	v4 =	vbroadcast v4, $0x0;
	v9 =	vld.idx.msk [tilespmem:v1+s13+$0x0], $0xffff  }
0x2bc: {  	v1 =	vor.u32 v2, v5  }
0x2bd: {  	v1 =	vbroadcast v1, $0x0  }
0x2be: {  	v5 =	vld [tilespmem:s8+$0xFFFFFFC0]  }
0x2bf: {  	v7 =	vld.idx.msk [tilespmem:v3+s13+$0x0], $0xffff;
	v3 =	vunpack.i.l.bf16.f32 v6  }
0x2c0: {  	v10 =	vld [tilespmem:s8+$0x0];
	v6 =	vunpack.i.u.bf16.f32 v6;
	v3 =	vmul.f32 v9, v3  }
0x2c1: {  	s3 =	simm.s32 $0x1A700;
	v8 =	vld.idx.msk [tilespmem:v4+s13+$0x0], $0xffff;
	v4 =	vmul.f32 v9, v6  }
0x2c2: {  	v11 =	vld [tilespmem:s8+$0xFFFFFF80];
	[tilespmem:s3+$0x80] =	vst v3  }
0x2c3: {  	v6 =	vld.idx.msk [tilespmem:v1+s13+$0x0], $0xffff;
	v1 =	vunpack.i.l.bf16.f32 v5;
	[tilespmem:s3+$0x90] =	vst v4  }
0x2c4: {  	v3 =	vunpack.i.u.bf16.f32 v5;
	v1 =	vmul.f32 v7, v1;
	v4 =	vld [tilespmem:s8+$0x50]  }
0x2c5: {  	v5 =	vunpack.i.l.bf16.f32 v10;
	v3 =	vmul.f32 v7, v3  }
0x2c6: {  	v10 =	vunpack.i.u.bf16.f32 v10;
	v5 =	vmul.f32 v8, v5;
	[tilespmem:s3+$0xFFFFFF80] =	vst v1  }
0x2c7: {  	v10 =	vmul.f32 v8, v10;
	v1 =	vunpack.i.l.bf16.f32 v11;
	[tilespmem:s3+$0xFFFFFF90] =	vst v3  }
0x2c8: {  	v3 =	vunpack.i.u.bf16.f32 v11;
	[tilespmem:s3+$0x0] =	vst v5;
	v11 =	vld [tilespmem:s8+$0xFFFFFFD0];
	v1 =	vmul.f32 v6, v1  }
0x2c9: {  	[tilespmem:s3+$0x10] =	vst v10;
	v3 =	vmul.f32 v6, v3;
	v5 =	vunpack.i.l.bf16.f32 v4  }
0x2ca: {  	s12 =	simm.s32 $0x4;
	v4 =	vunpack.i.u.bf16.f32 v4;
	[tilespmem:s3+$0xFFFFFF00] =	vst v1;
	v1 =	vld [tilespmem:s8+$0x10];
	v5 =	vmul.f32 v9, v5  }
0x2cb: {  	s9 =	simm.s32 $0x5;
	v10 =	vmov s12;
	[tilespmem:s3+$0xFFFFFF10] =	vst v3;
	v3 =	vmul.f32 v9, v4  }
0x2cc: {  	v4 =	vand.u32 $0x3C, v10;
	v10 =	vmov s9;
	v12 =	vld [tilespmem:s8+$0xFFFFFF90];
	[tilespmem:s3+$0xA0] =	vst v5  }
0x2cd: {  	v4 =	vor.u32 v2, v4;
	v5 =	vand.u32 $0x3D, v10;
	v10 =	vunpack.i.l.bf16.f32 v11;
	[tilespmem:s3+$0xB0] =	vst v3  }
0x2ce: {  	v3 =	vbroadcast v4, $0x0;
	v4 =	vunpack.i.u.bf16.f32 v11;
	v10 =	vmul.f32 v7, v10;
	v11 =	vld [tilespmem:s8+$0x60]  }
0x2cf: {  	v5 =	vor.u32 v2, v5;
	v4 =	vmul.f32 v7, v4;
	v13 =	vunpack.i.l.bf16.f32 v1  }
0x2d0: {  	s10 =	simm.s32 $0x7;
	v5 =	vbroadcast v5, $0x0;
	v1 =	vunpack.i.u.bf16.f32 v1;
	[tilespmem:s3+$0xFFFFFFA0] =	vst v10;
	v10 =	vmul.f32 v8, v13  }
0x2d1: {  	[tilespmem:s3+$0xFFFFFFB0] =	vst v4;
	v4 =	vmov s10;
	v1 =	vmul.f32 v8, v1;
	v13 =	vunpack.i.l.bf16.f32 v12  }
0x2d2: {  	v12 =	vunpack.i.u.bf16.f32 v12;
	v14 =	vld [tilespmem:s8+$0xFFFFFFE0];
	v4 =	vand.u32 $0x3F, v4;
	v13 =	vmul.f32 v6, v13;
	[tilespmem:s3+$0x20] =	vst v10  }
0x2d3: {  	v10 =	vmul.f32 v6, v12;
	[tilespmem:s3+$0x30] =	vst v1;
	v1 =	vor.u32 v2, v4;
	v4 =	vunpack.i.l.bf16.f32 v11  }
0x2d4: {  	v11 =	vunpack.i.u.bf16.f32 v11;
	[tilespmem:s3+$0xFFFFFF20] =	vst v13;
	v12 =	vld [tilespmem:s8+$0x20];
	v13 =	vbroadcast v1, $0x0;
	v4 =	vmul.f32 v9, v4  }
0x2d5: {  	s11 =	simm.s32 $0x6;
	v1 =	vld.idx.msk [tilespmem:v3+s13+$0x0], $0xffff;
	v3 =	vmul.f32 v9, v11;
	[tilespmem:s3+$0xFFFFFF30] =	vst v10  }
0x2d6: {  	v10 =	vmov s11;
	v11 =	vld [tilespmem:s8+$0xFFFFFFA0];
	[tilespmem:s3+$0xC0] =	vst v4  }
0x2d7: {  	v10 =	vand.u32 $0x3E, v10;
	v4 =	vld.idx.msk [tilespmem:v5+s13+$0x0], $0xffff;
	v5 =	vunpack.i.l.bf16.f32 v14;
	[tilespmem:s3+$0xD0] =	vst v3  }
0x2d8: {  	s9 =	simm.s32 $0x18780;
	v3 =	vor.u32 v2, v10;
	v10 =	vunpack.i.u.bf16.f32 v14;
	v5 =	vmul.f32 v7, v5;
	v14 =	vld [tilespmem:s8+$0x70]  }
0x2d9: {  	v16 =	vld [tilespmem:s9+$0x40];
	v10 =	vmul.f32 v7, v10;
	v15 =	vunpack.i.l.bf16.f32 v12  }
0x2da: {  	v3 =	vbroadcast v3, $0x0;
	v12 =	vunpack.i.u.bf16.f32 v12;
	[tilespmem:s3+$0xFFFFFFC0] =	vst v5;
	v15 =	vmul.f32 v8, v15;
	v5 =	vld.idx.msk [tilespmem:v13+s13+$0x0], $0xffff  }
0x2db: {  	v12 =	vmul.f32 v8, v12;
	[tilespmem:s3+$0xFFFFFFD0] =	vst v10;
	v13 =	vunpack.i.l.bf16.f32 v11  }
0x2dc: {  	v10 =	vld [tilespmem:s9+$0xFFFFFF80];
	v11 =	vunpack.i.u.bf16.f32 v11;
	v13 =	vmul.f32 v6, v13;
	[tilespmem:s3+$0x40] =	vst v15  }
0x2dd: {  	v15 =	vld [tilespmem:s9+$0xFFFFFFC0];
	v11 =	vmul.f32 v6, v11;
	[tilespmem:s3+$0x50] =	vst v12;
	v17 =	vunpack.i.u.bf16.f32 v14  }
0x2de: {  	v18 =	vunpack.i.l.bf16.f32 v16;
	v12 =	vld [tilespmem:s9+$0x0];
	v17 =	vmul.f32 v9, v17;
	[tilespmem:s3+$0xFFFFFF40] =	vst v13  }
0x2df: {  	s12 =	simm.s32 $0x8;
	v13 =	vunpack.i.l.bf16.f32 v14;
	v14 =	vld [tilespmem:s8+$0xFFFFFFF0];
	[tilespmem:s3+$0xFFFFFF50] =	vst v11;
	v11 =	vunpack.i.u.bf16.f32 v16;
	v16 =	vmul.f32 v5, v18  }
0x2e0: {  	v19 =	vmov s12;
	s10 =	simm.s32 $0x1A900;
	v3 =	vld.idx.msk [tilespmem:v3+s13+$0x0], $0xffff;
	[tilespmem:s3+$0xF0] =	vst v17;
	v11 =	vmul.f32 v5, v11  }
0x2e1: {  	v9 =	vmul.f32 v9, v13;
	v13 =	vand.u32 $0x3C, v19;
	v18 =	vld [tilespmem:s8+$0x30];
	v17 =	vunpack.i.u.bf16.f32 v10;
	[tilespmem:s10+$0x80] =	vst v16  }
0x2e2: {  	v19 =	vld [tilespmem:s8+$0xFFFFFFB0];
	v10 =	vunpack.i.l.bf16.f32 v10;
	v17 =	vmul.f32 v1, v17;
	v20 =	vunpack.i.l.bf16.f32 v15;
	[tilespmem:s10+$0x90] =	vst v11  }
0x2e3: {  	s8 =	simm.s32 $0x9;
	v10 =	vmul.f32 v1, v10;
	v15 =	vunpack.i.u.bf16.f32 v15;
	[tilespmem:s3+$0xE0] =	vst v9;
	v20 =	vmul.f32 v4, v20  }
0x2e4: {  	v22 =	vmov s8;
	v9 =	vunpack.i.l.bf16.f32 v12;
	v11 =	vmul.f32 v4, v15;
	v15 =	vld [tilespmem:s9+$0x50];
	[tilespmem:s10+$0xFFFFFF10] =	vst v17  }
0x2e5: {  	s11 =	simm.s32 $0xA;
	v13 =	vor.u32 v2, v13;
	v16 =	vunpack.i.u.bf16.f32 v12;
	v9 =	vmul.f32 v3, v9;
	[tilespmem:s10+$0xFFFFFF80] =	vst v20  }
0x2e6: {  	v17 =	vmov s11;
	v12 =	vunpack.i.u.bf16.f32 v14;
	v16 =	vmul.f32 v3, v16;
	[tilespmem:s10+$0xFFFFFF90] =	vst v11  }
0x2e7: {  	v14 =	vunpack.i.l.bf16.f32 v14;
	v20 =	vunpack.i.u.bf16.f32 v18;
	v11 =	vunpack.i.u.bf16.f32 v19;
	v21 =	vld [tilespmem:s9+$0xFFFFFFD0];
	[tilespmem:s10+$0x0] =	vst v9  }
0x2e8: {  	v19 =	vunpack.i.l.bf16.f32 v19;
	v18 =	vunpack.i.l.bf16.f32 v18;
	v14 =	vmul.f32 v7, v14;
	[tilespmem:s10+$0x10] =	vst v16  }
0x2e9: {  	[tilespmem:s10+$0xFFFFFF00] =	vst v10;
	v12 =	vmul.f32 v7, v12;
	v9 =	vmul.f32 v8, v18;
	v16 =	vld [tilespmem:s9+$0x10];
	v10 =	vunpack.i.l.bf16.f32 v15  }
0x2ea: {  	v7 =	vmul.f32 v6, v19;
	[tilespmem:s3+$0xFFFFFFE0] =	vst v14;
	v15 =	vunpack.i.u.bf16.f32 v15;
	v10 =	vmul.f32 v5, v10  }
0x2eb: {  	v6 =	vmul.f32 v6, v11;
	v18 =	vld [tilespmem:s9+$0xFFFFFF90];
	v14 =	vand.u32 $0x3D, v22;
	[tilespmem:s3+$0xFFFFFFF0] =	vst v12;
	v11 =	vmul.f32 v5, v15  }
0x2ec: {  	v17 =	vand.u32 $0x3E, v17;
	v12 =	vor.u32 v2, v14;
	v15 =	vunpack.i.l.bf16.f32 v21;
	[tilespmem:s10+$0xA0] =	vst v10  }
0x2ed: {  	v19 =	vunpack.i.u.bf16.f32 v21;
	[tilespmem:s10+$0xB0] =	vst v11;
	v10 =	vbroadcast v13, $0x0;
	v15 =	vmul.f32 v4, v15  }
0x2ee: {  	v19 =	vmul.f32 v4, v19;
	v11 =	vunpack.i.l.bf16.f32 v16;
	v13 =	vld [tilespmem:s9+$0x60];
	v14 =	vunpack.i.u.bf16.f32 v16  }
0x2ef: {  	s12 =	simm.s32 $0xB;
	v16 =	vmul.f32 v3, v14;
	v14 =	vor.u32 v2, v17;
	[tilespmem:s10+$0xFFFFFFA0] =	vst v15;
	v15 =	vmul.f32 v3, v11  }
0x2f0: {  	v17 =	vmov s12;
	v11 =	vbroadcast v12, $0x0;
	v12 =	vunpack.i.l.bf16.f32 v18;
	[tilespmem:s10+$0xFFFFFFB0] =	vst v19  }
0x2f1: {  	v19 =	vmul.f32 v1, v12;
	v12 =	vbroadcast v14, $0x0;
	v14 =	vld [tilespmem:s9+$0xFFFFFFE0];
	[tilespmem:s10+$0x20] =	vst v15;
	v15 =	vunpack.i.u.bf16.f32 v18  }
0x2f2: {  	v17 =	vand.u32 $0x3F, v17;
	[tilespmem:s10+$0x30] =	vst v16;
	v16 =	vmul.f32 v1, v15  }
0x2f3: {  	s8 =	simm.s32 $0x1A900;
	s11 =	simm.s32 $0x18780;
	v8 =	vmul.f32 v8, v20;
	s12 =	simm.s32 $0xC;
	v17 =	vor.u32 v2, v17;
	[tilespmem:s10+$0xFFFFFF20] =	vst v19;
	v15 =	vld [tilespmem:s9+$0x20];
	v18 =	vunpack.i.l.bf16.f32 v13  }
.LBB2_11:
0x2f4: {  	p1 =	slt.u32 s12, $0x3C;
	v10 =	vld.idx.msk [tilespmem:v10+s13+$0x0], $0xffff;
	v17 =	vbroadcast v17, $0x0;
	[tilespmem:s10+$0xFFFFFF30] =	vst v16;
	v13 =	vunpack.i.u.bf16.f32 v13;
	v16 =	vmul.f32 v5, v18  }
0x2f5: {  	v18 =	vld [tilespmem:s9+$0xFFFFFFA0];
	v13 =	vmul.f32 v5, v13;
	[tilespmem:s3+$0x60] =	vst v9  }
0x2f6: {  	v9 =	vld.idx.msk [tilespmem:v11+s13+$0x0], $0xffff;
	v11 =	vunpack.i.u.bf16.f32 v14;
	v14 =	vunpack.i.l.bf16.f32 v14;
	[tilespmem:s10+$0xC0] =	vst v16  }
0x2f7: {  	v12 =	vld.idx.msk [tilespmem:v12+s13+$0x0], $0xffff;
	v14 =	vmul.f32 v4, v14;
	v11 =	vmul.f32 v4, v11;
	[tilespmem:s10+$0xD0] =	vst v13  }
0x2f8: {  	s9 =	sadd.s32 $0x100, s9;
	v13 =	vunpack.i.u.bf16.f32 v15;
	v15 =	vunpack.i.l.bf16.f32 v15;
	v16 =	vld [tilespmem:s11+$0x70];
	[tilespmem:s3+$0x70] =	vst v8  }
0x2f9: {  	v8 =	vld [tilespmem:s9+$0x40];
	[tilespmem:s10+$0xFFFFFFC0] =	vst v14;
	v14 =	vmul.f32 v3, v15;
	v13 =	vmul.f32 v3, v13  }
0x2fa: {  	v15 =	vld.idx.msk [tilespmem:v17+s13+$0x0], $0xffff;
	v17 =	vunpack.i.u.bf16.f32 v18;
	v18 =	vunpack.i.l.bf16.f32 v18;
	[tilespmem:s10+$0xFFFFFFD0] =	vst v11  }
0x2fb: {  	v11 =	vld [tilespmem:s9+$0xFFFFFF80];
	v18 =	vmul.f32 v1, v18;
	v17 =	vmul.f32 v1, v17;
	[tilespmem:s10+$0x40] =	vst v14  }
0x2fc: {  	v14 =	vld [tilespmem:s9+$0xFFFFFFC0];
	[tilespmem:s10+$0x50] =	vst v13  }
0x2fd: {  	v13 =	vld [tilespmem:s9+$0x0];
	[tilespmem:s10+$0xFFFFFF40] =	vst v18;
	v18 =	vunpack.i.u.bf16.f32 v16;
	v16 =	vunpack.i.l.bf16.f32 v16  }
0x2fe: {  	v19 =	vmov s12;
	[tilespmem:s10+$0xFFFFFF50] =	vst v17;
	v17 =	vld [tilespmem:s11+$0xFFFFFFF0];
	v16 =	vmul.f32 v5, v16;
	v22 =	vmul.f32 v5, v18  }
0x2ff: {  	v18 =	vand.u32 $0x3C, v19;
	v19 =	vunpack.i.l.bf16.f32 v8;
	v20 =	vld [tilespmem:s11+$0x30];
	[tilespmem:s3+$0xFFFFFF60] =	vst v7  }
0x300: {  	v8 =	vunpack.i.u.bf16.f32 v8;
	v19 =	vmul.f32 v15, v19;
	v5 =	vmovc v15;
	v7 =	vunpack.i.u.bf16.f32 v11;
	v21 =	vld [tilespmem:s11+$0xFFFFFFB0];
	[tilespmem:s10+$0xF0] =	vst v22;
	s11 =	smov.u32 s9  }
0x301: {  	v11 =	vunpack.i.l.bf16.f32 v11;
	v8 =	vmul.f32 v5, v8;
	s10 =	sadd.s32 $0x200, s10;
	v15 =	vunpack.i.u.bf16.f32 v14;
	[tilespmem:s8+$0xE0] =	vst v16  }
0x302: {  	v14 =	vunpack.i.l.bf16.f32 v14;
	v16 =	vunpack.i.u.bf16.f32 v13;
	v13 =	vunpack.i.l.bf16.f32 v13;
	[tilespmem:s10+$0x80] =	vst v19  }
0x303: {  	v14 =	vmul.f32 v9, v14;
	v15 =	vmul.f32 v9, v15;
	[tilespmem:s10+$0x90] =	vst v8;
	v8 =	vunpack.i.u.bf16.f32 v17  }
0x304: {  	v13 =	vmul.f32 v12, v13;
	v16 =	vmul.f32 v12, v16;
	v17 =	vunpack.i.l.bf16.f32 v17;
	v19 =	vld [tilespmem:s9+$0x50];
	[tilespmem:s3+$0xFFFFFF70] =	vst v6;
	s3 =	smov.u32 s8;
	s8 =	smov.u32 s10  }
0x305: {  	v6 =	vmul.f32 v10, v11;
	v11 =	vmul.f32 v10, v7;
	v7 =	vunpack.i.u.bf16.f32 v20;
	[tilespmem:s10+$0xFFFFFF80] =	vst v14  }
0x306: {  	s7 =	sadd.s32 $0x1, s12;
	v20 =	vunpack.i.l.bf16.f32 v20;
	v14 =	vunpack.i.u.bf16.f32 v21;
	[tilespmem:s10+$0xFFFFFF90] =	vst v15;
	v15 =	vunpack.i.l.bf16.f32 v21  }
0x307: {  	v21 =	vmov s7;
	s7 =	sadd.s32 $0x2, s12;
	v22 =	vld [tilespmem:s9+$0xFFFFFFD0];
	[tilespmem:s10+$0x0] =	vst v13;
	v13 =	vmul.f32 v4, v17;
	v17 =	vmul.f32 v4, v8;
	v4 =	vmovc v9  }
0x308: {  	v23 =	vmov s7;
	v9 =	vmul.f32 v3, v20;
	v8 =	vmul.f32 v3, v7;
	v3 =	vmovc v12;
	[tilespmem:s10+$0x10] =	vst v16  }
0x309: {  	v7 =	vmul.f32 v1, v15;
	[tilespmem:s10+$0xFFFFFF00] =	vst v6;
	v12 =	vld [tilespmem:s9+$0x10];
	v16 =	vunpack.i.l.bf16.f32 v19;
	v6 =	vmul.f32 v1, v14;
	v1 =	vmovc v10  }
0x30a: {  	v10 =	vor.u32 v2, v18;
	[tilespmem:s10+$0xFFFFFF10] =	vst v11;
	v11 =	vunpack.i.u.bf16.f32 v19;
	v14 =	vmul.f32 v5, v16  }
0x30b: {  	v15 =	vand.u32 $0x3D, v21;
	v16 =	vand.u32 $0x3E, v23;
	v18 =	vld [tilespmem:s9+$0xFFFFFF90];
	v11 =	vmul.f32 v5, v11;
	[tilespmem:s3+$0xFFFFFFE0] =	vst v13  }
0x30c: {  	v10 =	vbroadcast v10, $0x0;
	v13 =	vunpack.i.u.bf16.f32 v22;
	v19 =	vunpack.i.l.bf16.f32 v22;
	[tilespmem:s10+$0xA0] =	vst v14  }
0x30d: {  	v14 =	vor.u32 v2, v15;
	v15 =	vmul.f32 v4, v19;
	v19 =	vmul.f32 v4, v13;
	[tilespmem:s10+$0xB0] =	vst v11  }
0x30e: {  	v11 =	vbroadcast v14, $0x0;
	v14 =	vunpack.i.u.bf16.f32 v12;
	v12 =	vunpack.i.l.bf16.f32 v12;
	v13 =	vld [tilespmem:s9+$0x60];
	[tilespmem:s3+$0xFFFFFFF0] =	vst v17  }
.Ltmp6:
0x30f: {  	v16 =	vor.u32 v2, v16;
	[tilespmem:s10+$0xFFFFFFA0] =	vst v15;
	v15 =	vmul.f32 v3, v12;
	v17 =	vmul.f32 v3, v14;
	(pc) =	sbr.rel @p1 .LBB2_11-.Ltmp6, $4  }
0x310: {  	s7 =	sadd.s32 $0x3, s12;
	v12 =	vbroadcast v16, $0x0;
	v14 =	vunpack.i.u.bf16.f32 v18;
	v16 =	vunpack.i.l.bf16.f32 v18;
	[tilespmem:s10+$0xFFFFFFB0] =	vst v19  }
0x311: {  	v18 =	vmov s7;
	v19 =	vmul.f32 v1, v16;
	v16 =	vmul.f32 v1, v14;
	v14 =	vld [tilespmem:s9+$0xFFFFFFE0];
	[tilespmem:s10+$0x20] =	vst v15  }
0x312: {  	v15 =	vand.u32 $0x3F, v18;
	[tilespmem:s10+$0x30] =	vst v17  }
0x313: {  	s12 =	sadd.s32 $0x4, s12;
	v17 =	vor.u32 v2, v15;
	[tilespmem:s10+$0xFFFFFF20] =	vst v19;
	v15 =	vld [tilespmem:s9+$0x20];
	v18 =	vunpack.i.l.bf16.f32 v13  }
0x314: {  	[tilespmem:s10+$0xFFFFFF30] =	vst v16;
	v2 =	vunpack.i.u.bf16.f32 v13;
	v13 =	vmul.f32 v5, v18  }
0x315: {  	v16 =	vbroadcast v17, $0x0;
	[tilespmem:s3+$0x60] =	vst v9;
	v17 =	vld [tilespmem:s9+$0xFFFFFFA0];
	v2 =	vmul.f32 v5, v2  }
0x316: {  	v9 =	vunpack.i.l.bf16.f32 v14;
	[tilespmem:s10+$0xC0] =	vst v13  }
0x317: {  	v13 =	vunpack.i.u.bf16.f32 v14;
	v9 =	vmul.f32 v4, v9;
	[tilespmem:s10+$0xD0] =	vst v2  }
0x318: {  	[tilespmem:s3+$0x70] =	vst v8;
	v2 =	vmul.f32 v4, v13;
	v13 =	vunpack.i.l.bf16.f32 v15;
	v14 =	vld [tilespmem:s11+$0x70]  }
0x319: {  	s12 =	sadd.s32 $0x100, s9;
	v8 =	vunpack.i.u.bf16.f32 v15;
	[tilespmem:s10+$0xFFFFFFC0] =	vst v9;
	v9 =	vmul.f32 v3, v13  }
0x31a: {  	v13 =	vld [tilespmem:s12+$0x40];
	v8 =	vmul.f32 v3, v8;
	[tilespmem:s10+$0xFFFFFFD0] =	vst v2;
	v15 =	vunpack.i.l.bf16.f32 v17  }
0x31b: {  	v16 =	vld.idx.msk [tilespmem:v16+s13+$0x0], $0xffff;
	v2 =	vunpack.i.u.bf16.f32 v17;
	v15 =	vmul.f32 v1, v15;
	[tilespmem:s10+$0x40] =	vst v9  }
0x31c: {  	v9 =	vmul.f32 v1, v2;
	[tilespmem:s10+$0x50] =	vst v8  }
0x31d: {  	v8 =	vld [tilespmem:s12+$0xFFFFFFC0];
	[tilespmem:s10+$0xFFFFFF40] =	vst v15;
	v15 =	vunpack.i.u.bf16.f32 v14  }
0x31e: {  	v2 =	vld.idx.msk [tilespmem:v11+s13+$0x0], $0xffff;
	v11 =	vunpack.i.l.bf16.f32 v14;
	[tilespmem:s10+$0xFFFFFF50] =	vst v9;
	v9 =	vmul.f32 v5, v15  }
0x31f: {  	[tilespmem:s3+$0xFFFFFF60] =	vst v7;
	v14 =	vld [tilespmem:s12+$0x0];
	v5 =	vmul.f32 v5, v11;
	v11 =	vunpack.i.l.bf16.f32 v13  }
0x320: {  	v7 =	vld.idx.msk [tilespmem:v12+s13+$0x0], $0xffff;
	v12 =	vunpack.i.u.bf16.f32 v13;
	v11 =	vmul.f32 v16, v11;
	[tilespmem:s10+$0xF0] =	vst v9  }
0x321: {  	s7 =	sadd.s32 $0x200, s10;
	v12 =	vmul.f32 v16, v12;
	v9 =	vld [tilespmem:s12+$0xFFFFFF80];
	[tilespmem:s8+$0xE0] =	vst v5  }
0x322: {  	v5 =	vld.idx.msk [tilespmem:v10+s13+$0x0], $0xffff;
	v10 =	vunpack.i.l.bf16.f32 v8;
	[tilespmem:s7+$0x80] =	vst v11  }
0x323: {  	v11 =	vld [tilespmem:s11+$0xFFFFFFF0];
	v8 =	vunpack.i.u.bf16.f32 v8;
	[tilespmem:s7+$0x90] =	vst v12;
	v10 =	vmul.f32 v2, v10  }
0x324: {  	[tilespmem:s3+$0xFFFFFF70] =	vst v6;
	v12 =	vunpack.i.l.bf16.f32 v14;
	v8 =	vmul.f32 v2, v8;
	v13 =	vld [tilespmem:s12+$0x50]  }
0x325: {  	v6 =	vunpack.i.u.bf16.f32 v14;
	v12 =	vmul.f32 v7, v12;
	[tilespmem:s7+$0xFFFFFF80] =	vst v10  }
0x326: {  	v6 =	vmul.f32 v7, v6;
	[tilespmem:s7+$0xFFFFFF90] =	vst v8;
	v10 =	vunpack.i.l.bf16.f32 v9  }
0x327: {  	v8 =	vunpack.i.u.bf16.f32 v9;
	[tilespmem:s7+$0x0] =	vst v12;
	v9 =	vmul.f32 v5, v10;
	v10 =	vld [tilespmem:s12+$0xFFFFFFD0]  }
0x328: {  	[tilespmem:s7+$0x10] =	vst v6;
	v12 =	vunpack.i.l.bf16.f32 v11;
	v8 =	vmul.f32 v5, v8  }
0x329: {  	v6 =	vmul.f32 v4, v12;
	v12 =	vunpack.i.l.bf16.f32 v13;
	[tilespmem:s7+$0xFFFFFF00] =	vst v9;
	v9 =	vld [tilespmem:s12+$0x10]  }
0x32a: {  	[tilespmem:s7+$0xFFFFFF10] =	vst v8;
	v8 =	vunpack.i.u.bf16.f32 v13;
	v12 =	vmul.f32 v16, v12  }
0x32b: {  	v11 =	vunpack.i.u.bf16.f32 v11;
	v13 =	vld [tilespmem:s12+$0xFFFFFF90];
	v8 =	vmul.f32 v16, v8;
	[tilespmem:s8+$0xFFFFFFE0] =	vst v6  }
0x32c: {  	v4 =	vmul.f32 v4, v11;
	[tilespmem:s7+$0xA0] =	vst v12;
	v6 =	vunpack.i.l.bf16.f32 v10  }
0x32d: {  	v11 =	vld [tilespmem:s11+$0x30];
	v10 =	vunpack.i.u.bf16.f32 v10;
	[tilespmem:s7+$0xB0] =	vst v8;
	v6 =	vmul.f32 v2, v6  }
0x32e: {  	[tilespmem:s8+$0xFFFFFFF0] =	vst v4;
	v8 =	vmul.f32 v2, v10;
	v12 =	vld [tilespmem:s12+$0x60];
	v10 =	vunpack.i.l.bf16.f32 v9  }
0x32f: {  	v4 =	vunpack.i.u.bf16.f32 v9;
	[tilespmem:s7+$0xFFFFFFA0] =	vst v6;
	v6 =	vmul.f32 v7, v10  }
0x330: {  	v4 =	vmul.f32 v7, v4;
	v9 =	vunpack.i.l.bf16.f32 v13;
	[tilespmem:s7+$0xFFFFFFB0] =	vst v8  }
0x331: {  	v8 =	vunpack.i.u.bf16.f32 v13;
	v9 =	vmul.f32 v5, v9;
	v10 =	vld [tilespmem:s12+$0xFFFFFFE0];
	[tilespmem:s7+$0x20] =	vst v6  }
0x332: {  	v8 =	vmul.f32 v5, v8;
	v6 =	vunpack.i.l.bf16.f32 v11;
	[tilespmem:s7+$0x30] =	vst v4  }
0x333: {  	v4 =	vmul.f32 v3, v6;
	[tilespmem:s7+$0xFFFFFF20] =	vst v9;
	v6 =	vld [tilespmem:s12+$0x20];
	v9 =	vunpack.i.l.bf16.f32 v12  }
0x334: {  	[tilespmem:s7+$0xFFFFFF30] =	vst v8;
	v8 =	vunpack.i.u.bf16.f32 v12;
	v9 =	vmul.f32 v16, v9  }
0x335: {  	v11 =	vunpack.i.u.bf16.f32 v11;
	v12 =	vld [tilespmem:s12+$0xFFFFFFA0];
	v8 =	vmul.f32 v16, v8;
	[tilespmem:s8+$0x60] =	vst v4  }
0x336: {  	v3 =	vmul.f32 v3, v11;
	v4 =	vunpack.i.l.bf16.f32 v10;
	[tilespmem:s7+$0xC0] =	vst v9  }
0x337: {  	v9 =	vld [tilespmem:s11+$0xFFFFFFB0];
	v10 =	vunpack.i.u.bf16.f32 v10;
	[tilespmem:s7+$0xD0] =	vst v8;
	v4 =	vmul.f32 v2, v4  }
0x338: {  	[tilespmem:s8+$0x70] =	vst v3;
	v8 =	vmul.f32 v2, v10;
	v11 =	vld [tilespmem:s12+$0x70];
	v10 =	vunpack.i.l.bf16.f32 v6  }
0x339: {  	v3 =	vunpack.i.u.bf16.f32 v6;
	[tilespmem:s7+$0xFFFFFFC0] =	vst v4;
	v4 =	vmul.f32 v7, v10  }
0x33a: {  	v3 =	vmul.f32 v7, v3;
	v6 =	vunpack.i.l.bf16.f32 v12;
	[tilespmem:s7+$0xFFFFFFD0] =	vst v8  }
0x33b: {  	v8 =	vunpack.i.u.bf16.f32 v12;
	v6 =	vmul.f32 v5, v6;
	[tilespmem:s7+$0x40] =	vst v4;
	v4 =	vld [tilespmem:s12+$0xFFFFFFF0]  }
0x33c: {  	v8 =	vmul.f32 v5, v8;
	v10 =	vunpack.i.l.bf16.f32 v9;
	[tilespmem:s7+$0x50] =	vst v3  }
0x33d: {  	v3 =	vmul.f32 v1, v10;
	[tilespmem:s7+$0xFFFFFF40] =	vst v6;
	v6 =	vunpack.i.u.bf16.f32 v11;
	v10 =	vld [tilespmem:s12+$0x30]  }
0x33e: {  	v11 =	vunpack.i.l.bf16.f32 v11;
	[tilespmem:s7+$0xFFFFFF50] =	vst v8;
	v6 =	vmul.f32 v16, v6  }
0x33f: {  	v8 =	vunpack.i.u.bf16.f32 v9;
	v9 =	vmul.f32 v16, v11;
	[tilespmem:s8+$0xFFFFFF60] =	vst v3;
	v3 =	vld [tilespmem:s12+$0xFFFFFFB0]  }
0x340: {  	v1 =	vmul.f32 v1, v8;
	[tilespmem:s7+$0xF0] =	vst v6;
	v6 =	vunpack.i.l.bf16.f32 v4  }
0x341: {  	[tilespmem:s7+$0xE0] =	vst v9;
	v4 =	vunpack.i.u.bf16.f32 v4;
	v6 =	vmul.f32 v2, v6  }
0x342: {  	[tilespmem:s8+$0xFFFFFF70] =	vst v1;
	v1 =	vunpack.i.l.bf16.f32 v10;
	v2 =	vmul.f32 v2, v4  }
0x343: {  	v4 =	vunpack.i.u.bf16.f32 v10;
	v1 =	vmul.f32 v7, v1;
	[tilespmem:s7+$0xFFFFFFE0] =	vst v6  }
0x344: {  	v4 =	vmul.f32 v7, v4;
	v6 =	vunpack.i.l.bf16.f32 v3;
	[tilespmem:s7+$0xFFFFFFF0] =	vst v2  }
0x345: {  	v2 =	vunpack.i.u.bf16.f32 v3;
	v3 =	vmul.f32 v5, v6;
	[tilespmem:s7+$0x60] =	vst v1  }
0x346: {  	v1 =	vmul.f32 v5, v2;
	[tilespmem:s7+$0x70] =	vst v4  }
0x347: {  	s2 =	sadd.s32 @!p0 $0x13980, s2;
	[tilespmem:s7+$0xFFFFFF60] =	vst v3  }
0x348: {  	s3 =	simm.s32 @!p0 $0x40;
	s11 =	simm.s32 $0x3;
	[tilespmem:s7+$0xFFFFFF70] =	vst v1;
	s7 =	simm.s32 @!p0 $0x18600  }
0x349: {  	[tilespmem:s7], [sflag:$0x5] =	stream.indirect.gather @!p0 [hbm4b:s4+s3], $0x40, s2, s3, $0xb8;
	[tilespmem:$0x1E600] =	vst v63  }
0x34a: {  	s12 =	sadd.s32 $0x13B00, s26;
	v2 =	vmov s11  }
0x34b: {  	v1 =	vadd.s32 $0x440, v0;
	v0 =	vand.u32 $0x3F, v2;
	[spmem:s1] =	stream.indirect.scatter.add.f32 [tilespmem:s30], [sflag:$0x7], $0x80, s12, s16, $0xb8;
	[tilespmem:$0x1E600] =	vst v63  }
0x34c: {  	v0 =	vor.u32 v1, v0;
	_ =	swait.ge [sflag:s21], $0x1000  }
0x34d: {  	s7 =	simm.s32 $0x1;
	v0 =	vbroadcast v0, $0x0;
	[sflag:s21] =	ssyncset.done $0x0  }
0x34e: {  	v2 =	vmov s7;
	[sflag:s21] =	ssyncadd.s32 $0xFFFFF000  }
0x34f: {  	s8 =	simm.s32 $0x2;
	v2 =	vand.u32 $0x3D, v2;
	_ =	swait.ge [sflag:s18], $0x2000  }
0x350: {  	v3 =	vmov s8;
	v2 =	vor.u32 v1, v2;
	[sflag:s18] =	ssyncset.done $0x0  }
0x351: {  	s9 =	simm.s32 $0x0;
	s3 =	simm.s32 $0x19680;
	v3 =	vand.u32 $0x3E, v3;
	v2 =	vbroadcast v2, $0x0;
	[sflag:s18] =	ssyncadd.s32 $0xFFFFE000  }
0x352: {  	v4 =	vmov s9;
	v3 =	vor.u32 v1, v3;
	v5 =	vld [tilespmem:s3+$0x40]  }
0x353: {  	v4 =	vand.u32 $0x3C, v4;
	v3 =	vbroadcast v3, $0x0;
	v8 =	vld.idx.msk [tilespmem:v0+s13+$0x0], $0xffff  }
0x354: {  	v0 =	vor.u32 v1, v4  }
0x355: {  	v0 =	vbroadcast v0, $0x0  }
0x356: {  	v4 =	vld [tilespmem:s3+$0xFFFFFFC0]  }
0x357: {  	v6 =	vld.idx.msk [tilespmem:v2+s13+$0x0], $0xffff;
	v2 =	vunpack.i.l.bf16.f32 v5  }
0x358: {  	v9 =	vld [tilespmem:s3+$0x0];
	v5 =	vunpack.i.u.bf16.f32 v5;
	v2 =	vmul.f32 v8, v2  }
0x359: {  	s2 =	simm.s32 $0x1C700;
	v7 =	vld.idx.msk [tilespmem:v3+s13+$0x0], $0xffff;
	v3 =	vmul.f32 v8, v5  }
0x35a: {  	v10 =	vld [tilespmem:s3+$0xFFFFFF80];
	[tilespmem:s2+$0x80] =	vst v2  }
0x35b: {  	v5 =	vld.idx.msk [tilespmem:v0+s13+$0x0], $0xffff;
	v0 =	vunpack.i.l.bf16.f32 v4;
	[tilespmem:s2+$0x90] =	vst v3  }
0x35c: {  	v2 =	vunpack.i.u.bf16.f32 v4;
	v0 =	vmul.f32 v6, v0;
	v3 =	vld [tilespmem:s3+$0x50]  }
0x35d: {  	v4 =	vunpack.i.l.bf16.f32 v9;
	v2 =	vmul.f32 v6, v2  }
0x35e: {  	v9 =	vunpack.i.u.bf16.f32 v9;
	v4 =	vmul.f32 v7, v4;
	[tilespmem:s2+$0xFFFFFF80] =	vst v0  }
0x35f: {  	v9 =	vmul.f32 v7, v9;
	v0 =	vunpack.i.l.bf16.f32 v10;
	[tilespmem:s2+$0xFFFFFF90] =	vst v2  }
0x360: {  	v2 =	vunpack.i.u.bf16.f32 v10;
	[tilespmem:s2+$0x0] =	vst v4;
	v0 =	vmul.f32 v5, v0;
	v10 =	vld [tilespmem:s3+$0xFFFFFFD0]  }
0x361: {  	[tilespmem:s2+$0x10] =	vst v9;
	v2 =	vmul.f32 v5, v2;
	v4 =	vunpack.i.l.bf16.f32 v3  }
0x362: {  	s10 =	simm.s32 $0x4;
	[tilespmem:s2+$0xFFFFFF00] =	vst v0;
	v0 =	vld [tilespmem:s3+$0x10];
	v3 =	vunpack.i.u.bf16.f32 v3;
	v4 =	vmul.f32 v8, v4  }
0x363: {  	s11 =	simm.s32 $0x5;
	v9 =	vmov s10;
	[tilespmem:s2+$0xFFFFFF10] =	vst v2;
	v2 =	vmul.f32 v8, v3  }
0x364: {  	v3 =	vand.u32 $0x3C, v9;
	v9 =	vmov s11;
	v11 =	vld [tilespmem:s3+$0xFFFFFF90];
	[tilespmem:s2+$0xA0] =	vst v4  }
0x365: {  	v3 =	vor.u32 v1, v3;
	v4 =	vand.u32 $0x3D, v9;
	v9 =	vunpack.i.l.bf16.f32 v10;
	[tilespmem:s2+$0xB0] =	vst v2  }
0x366: {  	v2 =	vbroadcast v3, $0x0;
	v3 =	vunpack.i.u.bf16.f32 v10;
	v9 =	vmul.f32 v6, v9;
	v10 =	vld [tilespmem:s3+$0x60]  }
0x367: {  	v4 =	vor.u32 v1, v4;
	v3 =	vmul.f32 v6, v3;
	v12 =	vunpack.i.l.bf16.f32 v0  }
0x368: {  	s12 =	simm.s32 $0x7;
	v4 =	vbroadcast v4, $0x0;
	v0 =	vunpack.i.u.bf16.f32 v0;
	[tilespmem:s2+$0xFFFFFFA0] =	vst v9;
	v9 =	vmul.f32 v7, v12  }
0x369: {  	v0 =	vmul.f32 v7, v0;
	v12 =	vunpack.i.l.bf16.f32 v11;
	[tilespmem:s2+$0xFFFFFFB0] =	vst v3;
	v3 =	vmov s12  }
0x36a: {  	v11 =	vunpack.i.u.bf16.f32 v11;
	v12 =	vmul.f32 v5, v12;
	v13 =	vld [tilespmem:s3+$0xFFFFFFE0];
	v3 =	vand.u32 $0x3F, v3;
	[tilespmem:s2+$0x20] =	vst v9  }
0x36b: {  	v9 =	vmul.f32 v5, v11;
	[tilespmem:s2+$0x30] =	vst v0;
	v0 =	vor.u32 v1, v3;
	v3 =	vunpack.i.l.bf16.f32 v10  }
0x36c: {  	[tilespmem:s2+$0xFFFFFF20] =	vst v12;
	v11 =	vld [tilespmem:s3+$0x20];
	v12 =	vbroadcast v0, $0x0;
	v10 =	vunpack.i.u.bf16.f32 v10;
	v3 =	vmul.f32 v8, v3  }
0x36d: {  	s8 =	simm.s32 $0x6;
	v0 =	vld.idx.msk [tilespmem:v2+s13+$0x0], $0xffff;
	[tilespmem:s2+$0xFFFFFF30] =	vst v9;
	v2 =	vmul.f32 v8, v10  }
0x36e: {  	v9 =	vmov s8;
	v10 =	vld [tilespmem:s3+$0xFFFFFFA0];
	[tilespmem:s2+$0xC0] =	vst v3  }
0x36f: {  	v9 =	vand.u32 $0x3E, v9;
	v3 =	vld.idx.msk [tilespmem:v4+s13+$0x0], $0xffff;
	v4 =	vunpack.i.l.bf16.f32 v13;
	[tilespmem:s2+$0xD0] =	vst v2  }
0x370: {  	s8 =	simm.s32 $0x19780;
	v2 =	vor.u32 v1, v9;
	v9 =	vunpack.i.u.bf16.f32 v13;
	v4 =	vmul.f32 v6, v4;
	v13 =	vld [tilespmem:s3+$0x70]  }
0x371: {  	v15 =	vld [tilespmem:s8+$0x40];
	v9 =	vmul.f32 v6, v9;
	v14 =	vunpack.i.l.bf16.f32 v11  }
0x372: {  	v2 =	vbroadcast v2, $0x0;
	v11 =	vunpack.i.u.bf16.f32 v11;
	[tilespmem:s2+$0xFFFFFFC0] =	vst v4;
	v14 =	vmul.f32 v7, v14;
	v4 =	vld.idx.msk [tilespmem:v12+s13+$0x0], $0xffff  }
0x373: {  	v11 =	vmul.f32 v7, v11;
	[tilespmem:s2+$0xFFFFFFD0] =	vst v9;
	v12 =	vunpack.i.l.bf16.f32 v10  }
0x374: {  	v9 =	vld [tilespmem:s8+$0xFFFFFF80];
	v10 =	vunpack.i.u.bf16.f32 v10;
	v12 =	vmul.f32 v5, v12;
	[tilespmem:s2+$0x40] =	vst v14  }
0x375: {  	v14 =	vld [tilespmem:s8+$0xFFFFFFC0];
	v10 =	vmul.f32 v5, v10;
	[tilespmem:s2+$0x50] =	vst v11;
	v16 =	vunpack.i.u.bf16.f32 v13  }
0x376: {  	v17 =	vunpack.i.l.bf16.f32 v15;
	v11 =	vld [tilespmem:s8+$0x0];
	[tilespmem:s2+$0xFFFFFF40] =	vst v12;
	v16 =	vmul.f32 v8, v16  }
0x377: {  	s9 =	simm.s32 $0x8;
	v12 =	vunpack.i.l.bf16.f32 v13;
	v13 =	vld [tilespmem:s3+$0xFFFFFFF0];
	[tilespmem:s2+$0xFFFFFF50] =	vst v10;
	v10 =	vunpack.i.u.bf16.f32 v15;
	v15 =	vmul.f32 v4, v17  }
0x378: {  	v18 =	vmov s9;
	s9 =	simm.s32 $0x1C900;
	s10 =	simm.s32 $0x9;
	v2 =	vld.idx.msk [tilespmem:v2+s13+$0x0], $0xffff;
	v10 =	vmul.f32 v4, v10;
	[tilespmem:s2+$0xF0] =	vst v16  }
0x379: {  	v21 =	vmov s10;
	v8 =	vmul.f32 v8, v12;
	v17 =	vld [tilespmem:s3+$0x30];
	v16 =	vunpack.i.u.bf16.f32 v9;
	[tilespmem:s9+$0x80] =	vst v15  }
0x37a: {  	v12 =	vand.u32 $0x3C, v18;
	v18 =	vld [tilespmem:s3+$0xFFFFFFB0];
	v19 =	vunpack.i.l.bf16.f32 v14;
	[tilespmem:s9+$0x90] =	vst v10;
	v16 =	vmul.f32 v0, v16  }
0x37b: {  	v9 =	vunpack.i.l.bf16.f32 v9;
	v14 =	vunpack.i.u.bf16.f32 v14;
	[tilespmem:s2+$0xE0] =	vst v8;
	v19 =	vmul.f32 v3, v19  }
0x37c: {  	v12 =	vor.u32 v1, v12;
	v8 =	vunpack.i.l.bf16.f32 v11;
	v10 =	vmul.f32 v3, v14;
	v14 =	vld [tilespmem:s8+$0x50];
	[tilespmem:s9+$0xFFFFFF10] =	vst v16  }
0x37d: {  	v15 =	vunpack.i.u.bf16.f32 v11;
	v9 =	vmul.f32 v0, v9;
	v8 =	vmul.f32 v2, v8;
	[tilespmem:s9+$0xFFFFFF80] =	vst v19  }
0x37e: {  	s11 =	simm.s32 $0xA;
	v11 =	vunpack.i.u.bf16.f32 v13;
	v15 =	vmul.f32 v2, v15;
	v13 =	vunpack.i.l.bf16.f32 v13;
	[tilespmem:s9+$0xFFFFFF90] =	vst v10  }
0x37f: {  	v16 =	vmov s11;
	v19 =	vunpack.i.u.bf16.f32 v17;
	v10 =	vunpack.i.u.bf16.f32 v18;
	v20 =	vld [tilespmem:s8+$0xFFFFFFD0];
	[tilespmem:s9+$0x0] =	vst v8  }
0x380: {  	v18 =	vunpack.i.l.bf16.f32 v18;
	v17 =	vunpack.i.l.bf16.f32 v17;
	v13 =	vmul.f32 v6, v13;
	[tilespmem:s9+$0x10] =	vst v15  }
0x381: {  	[tilespmem:s9+$0xFFFFFF00] =	vst v9;
	v11 =	vmul.f32 v6, v11;
	v8 =	vmul.f32 v7, v17;
	v15 =	vld [tilespmem:s8+$0x10];
	v9 =	vunpack.i.l.bf16.f32 v14  }
0x382: {  	v6 =	vmul.f32 v5, v18;
	[tilespmem:s2+$0xFFFFFFE0] =	vst v13;
	v14 =	vunpack.i.u.bf16.f32 v14;
	v9 =	vmul.f32 v4, v9  }
0x383: {  	v5 =	vmul.f32 v5, v10;
	v17 =	vld [tilespmem:s8+$0xFFFFFF90];
	v13 =	vand.u32 $0x3D, v21;
	[tilespmem:s2+$0xFFFFFFF0] =	vst v11;
	v10 =	vmul.f32 v4, v14  }
0x384: {  	v16 =	vand.u32 $0x3E, v16;
	v11 =	vor.u32 v1, v13;
	v14 =	vunpack.i.l.bf16.f32 v20;
	[tilespmem:s9+$0xA0] =	vst v9  }
0x385: {  	v18 =	vunpack.i.u.bf16.f32 v20;
	[tilespmem:s9+$0xB0] =	vst v10;
	v9 =	vbroadcast v12, $0x0;
	v14 =	vmul.f32 v3, v14  }
0x386: {  	v18 =	vmul.f32 v3, v18;
	v10 =	vunpack.i.l.bf16.f32 v15;
	v12 =	vld [tilespmem:s8+$0x60];
	v13 =	vunpack.i.u.bf16.f32 v15  }
0x387: {  	s12 =	simm.s32 $0xB;
	v15 =	vmul.f32 v2, v13;
	v13 =	vor.u32 v1, v16;
	[tilespmem:s9+$0xFFFFFFA0] =	vst v14;
	v14 =	vmul.f32 v2, v10  }
0x388: {  	v16 =	vmov s12;
	v10 =	vbroadcast v11, $0x0;
	v11 =	vunpack.i.l.bf16.f32 v17;
	[tilespmem:s9+$0xFFFFFFB0] =	vst v18  }
0x389: {  	v18 =	vmul.f32 v0, v11;
	v11 =	vbroadcast v13, $0x0;
	v13 =	vld [tilespmem:s8+$0xFFFFFFE0];
	[tilespmem:s9+$0x20] =	vst v14;
	v14 =	vunpack.i.u.bf16.f32 v17  }
0x38a: {  	v16 =	vand.u32 $0x3F, v16;
	[tilespmem:s9+$0x30] =	vst v15;
	v15 =	vmul.f32 v0, v14  }
0x38b: {  	s10 =	simm.s32 $0x19780;
	s3 =	simm.s32 $0x1C900;
	s11 =	simm.s32 $0xC;
	v7 =	vmul.f32 v7, v19;
	v16 =	vor.u32 v1, v16;
	[tilespmem:s9+$0xFFFFFF20] =	vst v18;
	v14 =	vld [tilespmem:s8+$0x20];
	v17 =	vunpack.i.l.bf16.f32 v12  }
.LBB2_13:
0x38c: {  	p1 =	slt.u32 s11, $0x3C;
	v9 =	vld.idx.msk [tilespmem:v9+s13+$0x0], $0xffff;
	v16 =	vbroadcast v16, $0x0;
	[tilespmem:s9+$0xFFFFFF30] =	vst v15;
	v12 =	vunpack.i.u.bf16.f32 v12;
	v15 =	vmul.f32 v4, v17  }
0x38d: {  	v17 =	vld [tilespmem:s8+$0xFFFFFFA0];
	v12 =	vmul.f32 v4, v12;
	[tilespmem:s2+$0x60] =	vst v8  }
0x38e: {  	v8 =	vld.idx.msk [tilespmem:v10+s13+$0x0], $0xffff;
	v10 =	vunpack.i.u.bf16.f32 v13;
	v13 =	vunpack.i.l.bf16.f32 v13;
	[tilespmem:s9+$0xC0] =	vst v15  }
0x38f: {  	v11 =	vld.idx.msk [tilespmem:v11+s13+$0x0], $0xffff;
	v13 =	vmul.f32 v3, v13;
	v10 =	vmul.f32 v3, v10;
	[tilespmem:s9+$0xD0] =	vst v12  }
0x390: {  	s8 =	sadd.s32 $0x100, s8;
	v12 =	vunpack.i.u.bf16.f32 v14;
	v14 =	vunpack.i.l.bf16.f32 v14;
	v15 =	vld [tilespmem:s10+$0x70];
	[tilespmem:s2+$0x70] =	vst v7  }
0x391: {  	v7 =	vld [tilespmem:s8+$0x40];
	[tilespmem:s9+$0xFFFFFFC0] =	vst v13;
	v13 =	vmul.f32 v2, v14;
	v12 =	vmul.f32 v2, v12  }
0x392: {  	v14 =	vld.idx.msk [tilespmem:v16+s13+$0x0], $0xffff;
	v16 =	vunpack.i.u.bf16.f32 v17;
	v17 =	vunpack.i.l.bf16.f32 v17;
	[tilespmem:s9+$0xFFFFFFD0] =	vst v10  }
0x393: {  	v10 =	vld [tilespmem:s8+$0xFFFFFF80];
	v17 =	vmul.f32 v0, v17;
	v16 =	vmul.f32 v0, v16;
	[tilespmem:s9+$0x40] =	vst v13  }
0x394: {  	v13 =	vld [tilespmem:s8+$0xFFFFFFC0];
	[tilespmem:s9+$0x50] =	vst v12  }
0x395: {  	v12 =	vld [tilespmem:s8+$0x0];
	[tilespmem:s9+$0xFFFFFF40] =	vst v17;
	v17 =	vunpack.i.u.bf16.f32 v15;
	v15 =	vunpack.i.l.bf16.f32 v15  }
0x396: {  	v18 =	vmov s11;
	[tilespmem:s9+$0xFFFFFF50] =	vst v16;
	v16 =	vld [tilespmem:s10+$0xFFFFFFF0];
	v15 =	vmul.f32 v4, v15;
	v21 =	vmul.f32 v4, v17  }
0x397: {  	v17 =	vand.u32 $0x3C, v18;
	v18 =	vunpack.i.l.bf16.f32 v7;
	v19 =	vld [tilespmem:s10+$0x30];
	[tilespmem:s2+$0xFFFFFF60] =	vst v6  }
0x398: {  	v7 =	vunpack.i.u.bf16.f32 v7;
	v18 =	vmul.f32 v14, v18;
	v4 =	vmovc v14;
	v6 =	vunpack.i.u.bf16.f32 v10;
	v20 =	vld [tilespmem:s10+$0xFFFFFFB0];
	[tilespmem:s9+$0xF0] =	vst v21;
	s10 =	smov.u32 s8  }
0x399: {  	v10 =	vunpack.i.l.bf16.f32 v10;
	v7 =	vmul.f32 v4, v7;
	s9 =	sadd.s32 $0x200, s9;
	v14 =	vunpack.i.u.bf16.f32 v13;
	[tilespmem:s3+$0xE0] =	vst v15  }
0x39a: {  	v13 =	vunpack.i.l.bf16.f32 v13;
	v15 =	vunpack.i.u.bf16.f32 v12;
	v12 =	vunpack.i.l.bf16.f32 v12;
	[tilespmem:s9+$0x80] =	vst v18  }
0x39b: {  	v13 =	vmul.f32 v8, v13;
	v14 =	vmul.f32 v8, v14;
	[tilespmem:s9+$0x90] =	vst v7;
	v7 =	vunpack.i.u.bf16.f32 v16  }
0x39c: {  	v12 =	vmul.f32 v11, v12;
	v15 =	vmul.f32 v11, v15;
	v16 =	vunpack.i.l.bf16.f32 v16;
	v18 =	vld [tilespmem:s8+$0x50];
	[tilespmem:s2+$0xFFFFFF70] =	vst v5;
	s2 =	smov.u32 s3;
	s3 =	smov.u32 s9  }
0x39d: {  	v5 =	vmul.f32 v9, v10;
	v10 =	vmul.f32 v9, v6;
	v6 =	vunpack.i.u.bf16.f32 v19;
	[tilespmem:s9+$0xFFFFFF80] =	vst v13  }
0x39e: {  	s7 =	sadd.s32 $0x1, s11;
	v19 =	vunpack.i.l.bf16.f32 v19;
	v13 =	vunpack.i.u.bf16.f32 v20;
	[tilespmem:s9+$0xFFFFFF90] =	vst v14;
	v14 =	vunpack.i.l.bf16.f32 v20  }
0x39f: {  	v20 =	vmov s7;
	s7 =	sadd.s32 $0x2, s11;
	v21 =	vld [tilespmem:s8+$0xFFFFFFD0];
	[tilespmem:s9+$0x0] =	vst v12;
	v12 =	vmul.f32 v3, v16;
	v16 =	vmul.f32 v3, v7;
	v3 =	vmovc v8  }
0x3a0: {  	v22 =	vmov s7;
	v8 =	vmul.f32 v2, v19;
	v7 =	vmul.f32 v2, v6;
	v2 =	vmovc v11;
	[tilespmem:s9+$0x10] =	vst v15  }
0x3a1: {  	v6 =	vmul.f32 v0, v14;
	[tilespmem:s9+$0xFFFFFF00] =	vst v5;
	v11 =	vld [tilespmem:s8+$0x10];
	v15 =	vunpack.i.l.bf16.f32 v18;
	v5 =	vmul.f32 v0, v13;
	v0 =	vmovc v9  }
0x3a2: {  	v9 =	vor.u32 v1, v17;
	[tilespmem:s9+$0xFFFFFF10] =	vst v10;
	v10 =	vunpack.i.u.bf16.f32 v18;
	v13 =	vmul.f32 v4, v15  }
0x3a3: {  	v14 =	vand.u32 $0x3D, v20;
	v15 =	vand.u32 $0x3E, v22;
	v17 =	vld [tilespmem:s8+$0xFFFFFF90];
	v10 =	vmul.f32 v4, v10;
	[tilespmem:s2+$0xFFFFFFE0] =	vst v12  }
0x3a4: {  	v9 =	vbroadcast v9, $0x0;
	v12 =	vunpack.i.u.bf16.f32 v21;
	v18 =	vunpack.i.l.bf16.f32 v21;
	[tilespmem:s9+$0xA0] =	vst v13  }
0x3a5: {  	v13 =	vor.u32 v1, v14;
	v14 =	vmul.f32 v3, v18;
	v18 =	vmul.f32 v3, v12;
	[tilespmem:s9+$0xB0] =	vst v10  }
0x3a6: {  	v10 =	vbroadcast v13, $0x0;
	v13 =	vunpack.i.u.bf16.f32 v11;
	v11 =	vunpack.i.l.bf16.f32 v11;
	v12 =	vld [tilespmem:s8+$0x60];
	[tilespmem:s2+$0xFFFFFFF0] =	vst v16  }
.Ltmp7:
0x3a7: {  	v15 =	vor.u32 v1, v15;
	[tilespmem:s9+$0xFFFFFFA0] =	vst v14;
	v14 =	vmul.f32 v2, v11;
	v16 =	vmul.f32 v2, v13;
	(pc) =	sbr.rel @p1 .LBB2_13-.Ltmp7, $4  }
0x3a8: {  	s7 =	sadd.s32 $0x3, s11;
	v11 =	vbroadcast v15, $0x0;
	v13 =	vunpack.i.u.bf16.f32 v17;
	v15 =	vunpack.i.l.bf16.f32 v17;
	[tilespmem:s9+$0xFFFFFFB0] =	vst v18  }
0x3a9: {  	v17 =	vmov s7;
	v18 =	vmul.f32 v0, v15;
	v15 =	vmul.f32 v0, v13;
	v13 =	vld [tilespmem:s8+$0xFFFFFFE0];
	[tilespmem:s9+$0x20] =	vst v14  }
0x3aa: {  	v14 =	vand.u32 $0x3F, v17;
	[tilespmem:s9+$0x30] =	vst v16  }
0x3ab: {  	s11 =	sadd.s32 $0x4, s11;
	v16 =	vor.u32 v1, v14;
	[tilespmem:s9+$0xFFFFFF20] =	vst v18;
	v14 =	vld [tilespmem:s8+$0x20];
	v17 =	vunpack.i.l.bf16.f32 v12  }
0x3ac: {  	_ =	sdelay $0x2  }
0x3ad: {  	[tilespmem:s9+$0xFFFFFF30] =	vst v15  }
0x3ae: {  	[tilespmem:s2+$0xFFFFFF60] =	vst v6;
	v6 =	vld.idx.msk [tilespmem:v11+s13+$0x0], $0xffff  }
0x3af: {  	v33 =	vbroadcast v16, $0x0;
	[tilespmem:s2+$0x60] =	vst v8;
	s11 =	sadd.s32 $0x100, s8;
	v34 =	vld [tilespmem:s8+$0xFFFFFFA0]  }
0x3b0: {  	v1 =	vunpack.i.u.bf16.f32 v12;
	v32 =	vmul.f32 v4, v17;
	[tilespmem:s2+$0x70] =	vst v7;
	v42 =	vld [tilespmem:s11+$0x40]  }
0x3b1: {  	[tilespmem:s2+$0xFFFFFF70] =	vst v5;
	v1 =	vmul.f32 v4, v1;
	v46 =	vld [tilespmem:s11+$0xFFFFFFC0];
	v35 =	vunpack.i.l.bf16.f32 v13  }
0x3b2: {  	v50 =	vld [tilespmem:s11+$0x0];
	[tilespmem:s9+$0xC0] =	vst v32;
	v36 =	vunpack.i.u.bf16.f32 v13;
	v8 =	vmul.f32 v3, v35  }
0x3b3: {  	[tilespmem:s9+$0xD0] =	vst v1;
	v37 =	vmul.f32 v3, v36;
	v1 =	vld.idx.msk [tilespmem:v10+s13+$0x0], $0xffff;
	v38 =	vunpack.i.l.bf16.f32 v14  }
0x3b4: {  	v39 =	vld [tilespmem:s10+$0x70];
	v40 =	vunpack.i.u.bf16.f32 v14;
	[tilespmem:s9+$0xFFFFFFC0] =	vst v8;
	v41 =	vmul.f32 v2, v38  }
0x3b5: {  	v7 =	vmul.f32 v2, v40;
	[tilespmem:s9+$0xFFFFFFD0] =	vst v37;
	v43 =	vunpack.i.l.bf16.f32 v34;
	v15 =	vld.idx.msk [tilespmem:v33+s13+$0x0], $0xffff  }
0x3b6: {  	v44 =	vunpack.i.u.bf16.f32 v34;
	v14 =	vmul.f32 v0, v43;
	[tilespmem:s9+$0x40] =	vst v41  }
0x3b7: {  	v59 =	vunpack.i.u.bf16.f32 v50;
	v45 =	vmul.f32 v0, v44;
	[tilespmem:s9+$0x50] =	vst v7  }
0x3b8: {  	v52 =	vunpack.i.l.bf16.f32 v42;
	v7 =	vunpack.i.u.bf16.f32 v46;
	v5 =	vmul.f32 v6, v59;
	[tilespmem:s9+$0xFFFFFF40] =	vst v14  }
0x3b9: {  	s12 =	sadd.s32 $0x200, s9;
	v53 =	vunpack.i.u.bf16.f32 v42;
	v7 =	vmul.f32 v1, v7;
	v47 =	vunpack.i.u.bf16.f32 v39;
	[tilespmem:s9+$0xFFFFFF50] =	vst v45  }
0x3ba: {  	v54 =	vld [tilespmem:s11+$0xFFFFFF80];
	v48 =	vunpack.i.l.bf16.f32 v39;
	[tilespmem:s12+$0x10] =	vst v5;
	v49 =	vmul.f32 v4, v47;
	v10 =	vmul.f32 v15, v52  }
0x3bb: {  	v51 =	vmul.f32 v4, v48;
	v4 =	vld.idx.msk [tilespmem:v9+s13+$0x0], $0xffff;
	[tilespmem:s12+$0xFFFFFF90] =	vst v7;
	v11 =	vmul.f32 v15, v53  }
0x3bc: {  	v55 =	vunpack.i.l.bf16.f32 v46;
	v56 =	vld [tilespmem:s10+$0xFFFFFFF0];
	[tilespmem:s12+$0x80] =	vst v10  }
0x3bd: {  	v9 =	vmul.f32 v1, v55;
	[tilespmem:s12+$0x90] =	vst v11  }
0x3be: {  	v57 =	vunpack.i.l.bf16.f32 v50;
	[tilespmem:s9+$0xF0] =	vst v49;
	v58 =	vld [tilespmem:s11+$0x50]  }
0x3bf: {  	v60 =	vunpack.i.l.bf16.f32 v54;
	[tilespmem:s12+$0xFFFFFF80] =	vst v9;
	v11 =	vmul.f32 v6, v57  }
0x3c0: {  	v61 =	vunpack.i.u.bf16.f32 v54;
	[tilespmem:s3+$0xE0] =	vst v51;
	v63 =	vld [tilespmem:s11+$0xFFFFFFD0];
	v62 =	vmul.f32 v4, v60  }
0x3c1: {  	v16 =	vunpack.i.l.bf16.f32 v56;
	[tilespmem:s12+$0x0] =	vst v11;
	v7 =	vmul.f32 v4, v61  }
0x3c2: {  	v17 =	vmul.f32 v3, v16;
	v10 =	vunpack.i.u.bf16.f32 v56;
	v18 =	vld [tilespmem:s11+$0x10];
	[tilespmem:s12+$0xFFFFFF00] =	vst v62  }
0x3c3: {  	v22 =	vmul.f32 v3, v10;
	[tilespmem:s12+$0xFFFFFF10] =	vst v7;
	v19 =	vunpack.i.l.bf16.f32 v58  }
0x3c4: {  	[tilespmem:s3+$0xFFFFFFE0] =	vst v17;
	v21 =	vld [tilespmem:s11+$0xFFFFFF90];
	v20 =	vunpack.i.u.bf16.f32 v58;
	v11 =	vmul.f32 v15, v19  }
0x3c5: {  	[tilespmem:s3+$0xFFFFFFF0] =	vst v22;
	v23 =	vunpack.i.l.bf16.f32 v63;
	v7 =	vmul.f32 v15, v20  }
0x3c6: {  	v24 =	vld [tilespmem:s10+$0x30];
	v9 =	vunpack.i.u.bf16.f32 v63;
	v5 =	vmul.f32 v1, v23;
	[tilespmem:s12+$0xA0] =	vst v11  }
0x3c7: {  	v25 =	vmul.f32 v1, v9;
	v26 =	vunpack.i.l.bf16.f32 v18;
	[tilespmem:s12+$0xB0] =	vst v7  }
0x3c8: {  	v27 =	vunpack.i.u.bf16.f32 v18;
	[tilespmem:s12+$0xFFFFFFA0] =	vst v5;
	v28 =	vmul.f32 v6, v26;
	v11 =	vld [tilespmem:s11+$0x60]  }
0x3c9: {  	[tilespmem:s12+$0xFFFFFFB0] =	vst v25;
	v3 =	vmul.f32 v6, v27;
	v29 =	vunpack.i.l.bf16.f32 v21  }
0x3ca: {  	v31 =	vld [tilespmem:s11+$0xFFFFFFE0];
	v30 =	vunpack.i.u.bf16.f32 v21;
	v8 =	vmul.f32 v4, v29;
	[tilespmem:s12+$0x20] =	vst v28  }
0x3cb: {  	v32 =	vunpack.i.l.bf16.f32 v24;
	v7 =	vmul.f32 v4, v30;
	[tilespmem:s12+$0x30] =	vst v3  }
0x3cc: {  	v33 =	vmul.f32 v2, v32;
	v10 =	vunpack.i.u.bf16.f32 v24;
	v34 =	vld [tilespmem:s11+$0x20];
	[tilespmem:s12+$0xFFFFFF20] =	vst v8  }
0x3cd: {  	v38 =	vmul.f32 v2, v10;
	[tilespmem:s12+$0xFFFFFF30] =	vst v7;
	v35 =	vunpack.i.l.bf16.f32 v11  }
0x3ce: {  	[tilespmem:s3+$0x60] =	vst v33;
	v37 =	vld [tilespmem:s11+$0xFFFFFFA0];
	v36 =	vunpack.i.u.bf16.f32 v11;
	v8 =	vmul.f32 v15, v35  }
0x3cf: {  	[tilespmem:s3+$0x70] =	vst v38;
	v39 =	vunpack.i.l.bf16.f32 v31;
	v7 =	vmul.f32 v15, v36  }
0x3d0: {  	v40 =	vld [tilespmem:s10+$0xFFFFFFB0];
	v9 =	vunpack.i.u.bf16.f32 v31;
	v3 =	vmul.f32 v1, v39;
	[tilespmem:s12+$0xC0] =	vst v8  }
0x3d1: {  	v41 =	vmul.f32 v1, v9;
	v42 =	vunpack.i.l.bf16.f32 v34;
	[tilespmem:s12+$0xD0] =	vst v7  }
0x3d2: {  	v44 =	vunpack.i.u.bf16.f32 v34;
	[tilespmem:s12+$0xFFFFFFC0] =	vst v3;
	v45 =	vmul.f32 v6, v42;
	v43 =	vld [tilespmem:s11+$0x70]  }
0x3d3: {  	[tilespmem:s12+$0xFFFFFFD0] =	vst v41;
	v2 =	vmul.f32 v6, v44;
	v46 =	vunpack.i.l.bf16.f32 v37  }
0x3d4: {  	v48 =	vld [tilespmem:s11+$0xFFFFFFF0];
	v47 =	vunpack.i.u.bf16.f32 v37;
	v5 =	vmul.f32 v4, v46;
	[tilespmem:s12+$0x40] =	vst v45  }
0x3d5: {  	v49 =	vunpack.i.l.bf16.f32 v40;
	v7 =	vmul.f32 v4, v47;
	[tilespmem:s12+$0x50] =	vst v2  }
0x3d6: {  	v53 =	vunpack.i.u.bf16.f32 v40;
	v50 =	vmul.f32 v0, v49;
	v52 =	vld [tilespmem:s11+$0x30];
	[tilespmem:s12+$0xFFFFFF40] =	vst v5  }
0x3d7: {  	v56 =	vmul.f32 v0, v53;
	[tilespmem:s12+$0xFFFFFF50] =	vst v7;
	v51 =	vunpack.i.u.bf16.f32 v43  }
0x3d8: {  	[tilespmem:s3+$0xFFFFFF60] =	vst v50;
	v55 =	vld [tilespmem:s11+$0xFFFFFFB0];
	v10 =	vunpack.i.l.bf16.f32 v43;
	v5 =	vmul.f32 v15, v51  }
0x3d9: {  	[tilespmem:s3+$0xFFFFFF70] =	vst v56;
	v57 =	vunpack.i.l.bf16.f32 v48;
	v54 =	vmul.f32 v15, v10  }
0x3da: {  	v3 =	vunpack.i.u.bf16.f32 v48;
	[tilespmem:s12+$0xF0] =	vst v5;
	v5 =	vmul.f32 v1, v57  }
0x3db: {  	v58 =	vunpack.i.l.bf16.f32 v52;
	[tilespmem:s12+$0xE0] =	vst v54;
	v1 =	vmul.f32 v1, v3  }
0x3dc: {  	v59 =	vunpack.i.u.bf16.f32 v52;
	v0 =	vmul.f32 v6, v58;
	[tilespmem:s12+$0xFFFFFFE0] =	vst v5  }
.Ltmp8:
0x3dd: {  	v3 =	vmul.f32 v6, v59;
	v60 =	vunpack.i.l.bf16.f32 v55;
	[tilespmem:s12+$0xFFFFFFF0] =	vst v1;
	(pc) =	sbr.rel @p0 .LBB2_16-.Ltmp8, $4  }
0x3de: {  	v61 =	vunpack.i.u.bf16.f32 v55;
	v62 =	vmul.f32 v4, v60;
	[tilespmem:s12+$0x60] =	vst v0  }
0x3df: {  	v63 =	vmul.f32 v4, v61;
	[tilespmem:s12+$0x70] =	vst v3  }
0x3e0: {  	[tilespmem:s12+$0xFFFFFF60] =	vst v62  }
0x3e1: {  	s2 =	sadd.s32 $0x13B40, s26;
	[tilespmem:s12+$0xFFFFFF70] =	vst v63  }
0x3e2: {  	s25 =	sadd.s32 $0x1, s25  }
0x3e3: {  	s3 =	smulhi.u32 $0xAAAAAAAB, s25;
	_ =	sdelay $0x1  }
0x3e4: {  	s3 =	sshrl.u32 s3, $0x1  }
0x3e5: {  	s3 =	smul.u32 $0x3, s3;
	_ =	sdelay $0x1  }
0x3e6: {  	s3 =	ssub.s32 s25, s3  }
0x3e7: {  	s3 =	smul.u32 $0x1200, s3;
	_ =	sdelay $0x1  }
.Ltmp9:
0x3e8: {  	s3 =	sshrl.u32 s3, $0x2;
	(pc) =	sbr.rel .LBB2_2-.Ltmp9, $4  }
0x3e9: {  	s3 =	sadd.s32 $0x139C0, s3  }
0x3ea: {  	[tilespmem:s28], [sflag:$0x6] =	stream.indirect.gather [hbm4b:s4+s16], $0x40, s3, s16, $0xb8;
	[tilespmem:$0x1E600] =	vst v63  }
0x3eb: {  	_ = 	snop  }
0x3ec: {  	[spmem:s1] =	stream.indirect.scatter.add.f32 [tilespmem:s19], [sflag:$0x8], $0x80, s2, s16, $0xb8;
	[tilespmem:$0x1E600] =	vst v63  }
.LBB2_17:
0x3ed: {  	_ =	sfence.sel $0x180000  }
0x3ee: {  	[bflag:$0x0] =	sbarrier.arrive $0xFFFF  }
0x3ef: {  	_ =	strace $0x90000047  }
0x3f0: {  	s0 =	stileid.u32;
	[bflag:$0x2] =	sbarrier.arrive $0xFFFF  }
0x3f1: {  	p0 =	sne.s32 s0, $0x0;
	s0 =	rddreg [dreg:$0x4]  }
0x3f2: {  	s0 =	sadd.s32 @!p0 $0x100000, s0  }
0x3f3: {  	[sflag:s0] =	ssyncadd.tile.s32 @!p0 $0x1;
	_ =	shalt  }
.Lfunc_end2:
_tile_overlayer_lowered:
.L_overlay_start_2:
0x3f4: {  	(tag) =	ssettag $0x2  }
0x3f5: {  	s0 =	rddreg [dreg:$0x0];
	s2 =	stileid.u32  }
0x3f6: {  	s1 =	rddreg [dreg:$0x1];
	p0 =	sne.s32 s2, $0x0  }
0x3f7: {  	s3 =	rddreg [dreg:$0x2];
	[bflag:$0x3] =	sbarrier.arrive $0xFFFF;
	s2 =	simm.s32 @!p0 $0x1C0A  }
0x3f8: {  	[timem:s3], [sflag:s2] =	dma.local @!p0 [hbm:s0], s1  }
0x3f9: {  	s0 =	simm.s32 @!p0 $0xA  }
0x3fa: {  	_ =	swait.ge @!p0 [sflag:s0], s1  }
0x3fb: {  	s1 =	ssub.s32 @!p0 $0x0, s1;
	[sflag:s0] =	ssyncset.done @!p0 $0x0  }
0x3fc: {  	[sflag:s0] =	ssyncadd.s32 @!p0 s1  }
0x3fd: {  	[bflag:$0x3] =	sbarrier.arrive $0xFFFF  }
0x3fe: {  	_ =	shalt  }

</sc_bundles>
